<compile_context>
chip_gen: v7x
topology: tpu7x:2x2x1
jax: 0.10.2.dev20260603
libtpu: 0.0.44.dev20260713+nightly
codegen_flags: <defaults>
</compile_context>

<pallas_src>
import functools

import jax
import jax.numpy as jnp
from jax import lax
from jax.experimental import pallas as pl
from jax.experimental.pallas import tpu as pltpu
from jax.experimental.pallas import tpu_sc as plsc

_B, _N, _C, _H, _K = 8, 1024, 256, 64, 16
_BN = _B * _N
_KBN = _K * _BN
_HBN = _BN // 2
_HKBN = _K * _HBN
_F32 = jnp.float32
_NEG = -3.0e38

_HI = lax.Precision.HIGHEST


def _proj_body(ft, xt, w1a, w1b, w1c, wva, wvb, b1, bv, a_o, cc_o, vp_o,
               vc_o):
    f = ft[...]
    x = xt[...]
    xc1 = lax.dot(x, w1c[...], precision=_HI)
    xcv = lax.dot(x, wvb[...], precision=_HI)
    a = lax.dot(f, w1b[...], precision=_HI) + xc1
    a_o[...] = jnp.concatenate([a, jnp.zeros(a.shape, _F32)], axis=1)
    cc_o[...] = lax.dot(f, w1a[...], precision=_HI) - xc1 + b1[...]
    vn = lax.dot(f, wva[...], precision=_HI) + xcv
    lo = lax.bitcast_convert_type(
        vn[:, :128].astype(jnp.bfloat16), jnp.uint16).astype(jnp.int32)
    hi = lax.bitcast_convert_type(
        vn[:, 128:].astype(jnp.bfloat16), jnp.uint16).astype(jnp.int32)
    vp_o[...] = jnp.left_shift(hi, 16) | lo
    vc_o[...] = bv[...] - xcv


def _projections(ft, xt, w1a, w1b, w1c, wva, wvb, b1, bv):
    rp = 512
    grid = (_BN // rp,)
    full = lambda a: pl.BlockSpec(a.shape, lambda t: (0,) * a.ndim)
    row = lambda d: pl.BlockSpec((rp, d), lambda t: (t, 0))
    return pl.pallas_call(
        _proj_body,
        grid=grid,
        in_specs=[row(_C), row(3), full(w1a), full(w1b), full(w1c),
                  full(wva), full(wvb), full(b1), full(bv)],
        out_specs=[row(2 * _H), row(_H), row(2 * _H), row(_C)],
        out_shape=[
            jax.ShapeDtypeStruct((_BN, 2 * _H), _F32),
            jax.ShapeDtypeStruct((_BN, _H), _F32),
            jax.ShapeDtypeStruct((_BN, 2 * _H), jnp.int32),
            jax.ShapeDtypeStruct((_BN, _C), _F32),
        ],
    )(ft, xt, w1a, w1b, w1c, wva, wvb, b1, bv)


def _knn_body(xb, xt, idx_o, b0):
    b = b0 + pl.program_id(0)
    x_b = xb[0]
    x_f = xt[...]
    g = lax.dot(x_f, x_b, precision=_HI)
    sqc = jnp.sum(x_f * x_f, axis=1, keepdims=True)
    sqr = jnp.sum(x_b * x_b, axis=0, keepdims=True)
    s = -((-2.0 * g + sqr) + sqc)
    iota = lax.broadcasted_iota(jnp.int32, s.shape, 0)
    rows = []
    for _ in range(_K):
        j = jnp.argmax(s, axis=0).astype(jnp.int32)[None, :]
        rows.append(j)
        s = jnp.where(iota == j, _NEG, s)
    idx_o[...] = jnp.concatenate(rows, axis=0) + b * _N


def _knn(xyz, xt, h):
    rt = 256
    tpb = _N // rt
    hb = _B // 2
    b0 = h * hb

    def body(xb, xtr, idx_o):
        _knn_body(xb, xtr, idx_o, b0)

    return pl.pallas_call(
        body,
        grid=(hb, tpb),
        in_specs=[
            pl.BlockSpec((1, 3, rt), lambda b, t: (b0 + b, 0, t)),
            pl.BlockSpec((_N, 3), lambda b, t: (b0 + b, 0)),
        ],
        out_specs=pl.BlockSpec((_K, rt), lambda b, t: (0, b * tpb + t)),
        out_shape=jax.ShapeDtypeStruct((_K, _HBN), jnp.int32),
    )(xyz, xt)


def _sc_gather(idx2, a_tab, vp_tab):
    info = plsc.get_sparse_core_info()
    nc, ns = info.num_cores, info.num_subcores
    nw = nc * ns
    ch = 128
    nrow = idx2.shape[0] * ch
    per_w = nrow // nw
    nch = per_w // ch
    mesh = plsc.VectorSubcoreMesh(core_axis_name="c", subcore_axis_name="s")
    d = 2 * _H

    @functools.partial(
        pl.kernel,
        mesh=mesh,
        out_type=(
            jax.ShapeDtypeStruct((nrow, d), _F32),
            jax.ShapeDtypeStruct((nrow, d), jnp.int32),
        ),
        scratch_types=[
            pltpu.VMEM((nch, ch), jnp.int32),
            pltpu.VMEM((2, ch, d), _F32),
            pltpu.VMEM((2, ch, d), jnp.int32),
            pltpu.SemaphoreType.DMA,
            pltpu.SemaphoreType.DMA,
            pltpu.SemaphoreType.DMA,
            pltpu.SemaphoreType.DMA,
        ],
    )
    def gathk(idx_hbm, a_hbm, vp_hbm, ag_hbm, vpg_hbm,
              idx_all, av, pv, g0, g1, w0, w1):
        wid = lax.axis_index("s") * nc + lax.axis_index("c")
        gsem = (g0, g1)
        wsem = (w0, w1)
        base0 = wid * per_w

        def prime(b, cc):
            ix = idx_all.at[cc]
            pltpu.make_async_copy(a_hbm.at[ix], av.at[b], gsem[b]).start()
            pltpu.make_async_copy(vp_hbm.at[ix], pv.at[b], gsem[b]).start()

        def gwait(b, cc):
            ix = idx_all.at[cc]
            pltpu.make_async_copy(a_hbm.at[ix], av.at[b], gsem[b]).wait()
            pltpu.make_async_copy(vp_hbm.at[ix], pv.at[b], gsem[b]).wait()

        def wstart(b, cc):
            base = base0 + cc * ch
            pltpu.make_async_copy(av.at[b], ag_hbm.at[pl.ds(base, ch)], wsem[b]).start()
            pltpu.make_async_copy(pv.at[b], vpg_hbm.at[pl.ds(base, ch)], wsem[b]).start()

        def wwait(b, cc):
            base = base0 + cc * ch
            pltpu.make_async_copy(av.at[b], ag_hbm.at[pl.ds(base, ch)], wsem[b]).wait()
            pltpu.make_async_copy(pv.at[b], vpg_hbm.at[pl.ds(base, ch)], wsem[b]).wait()

        pltpu.sync_copy(idx_hbm.at[pl.ds(wid * nch, nch)], idx_all)
        prime(0, 0)
        gwait(0, 0)
        wstart(0, 0)
        prime(1, 1)

        @pl.loop(1, nch - 1, step=2)
        def _pair(c):
            for b2 in range(2):
                cc = c + b2
                buf = (1 + b2) % 2
                oth = 1 - buf
                gwait(buf, cc)
                wstart(buf, cc)
                wwait(oth, cc - 1)
                prime(oth, cc + 1)

        gwait(1, nch - 1)
        wstart(1, nch - 1)
        wwait(0, nch - 2)
        wwait(1, nch - 1)

    return gathk(idx2, a_tab, vp_tab)


def _unpack_v(w):
    vlo = lax.bitcast_convert_type(jnp.left_shift(w, 16), _F32)
    vhi = lax.bitcast_convert_type(jnp.bitwise_and(w, jnp.int32(-65536)), _F32)
    return jnp.concatenate([vlo, vhi], axis=1)


def _stats_body(*refs):
    ag = refs[:_K]
    vp = refs[_K:2 * _K]
    cc, vc, o1, ov = refs[2 * _K:]

    @pl.when(pl.program_id(0) == 0)
    def _():
        o1[...] = jnp.zeros_like(o1)
        ov[...] = jnp.zeros_like(ov)

    c = cc[...]
    v = vc[...]
    su1 = jnp.zeros((1, _H), _F32)
    sq1 = jnp.zeros((1, _H), _F32)
    suv = jnp.zeros((1, _C), _F32)
    sqv = jnp.zeros((1, _C), _F32)
    for k in range(_K):
        x1 = ag[k][:, :_H] + c
        su1 += jnp.sum(x1, axis=0, keepdims=True)
        sq1 += jnp.sum(x1 * x1, axis=0, keepdims=True)
        v1 = _unpack_v(vp[k][...]) + v
        suv += jnp.sum(v1, axis=0, keepdims=True)
        sqv += jnp.sum(v1 * v1, axis=0, keepdims=True)
    z1 = jnp.zeros((6, _H), _F32)
    zv = jnp.zeros((6, _C), _F32)
    o1[...] += jnp.concatenate([su1, sq1, z1], axis=0)
    ov[...] += jnp.concatenate([suv, sqv, zv], axis=0)


def _kspecs(rows, d):
    tpk = _HBN // rows
    return [pl.BlockSpec((rows, d), lambda t, kk=k: (kk * tpk + t, 0))
            for k in range(_K)]


def _stats(agf, vpgf, cc, vc, h):
    rs = 512
    grid = (_HBN // rs,)
    off = h * (_HBN // rs)
    return pl.pallas_call(
        _stats_body,
        grid=grid,
        in_specs=(_kspecs(rs, 2 * _H) + _kspecs(rs, 2 * _H) + [
            pl.BlockSpec((rs, _H), lambda t: (off + t, 0)),
            pl.BlockSpec((rs, _C), lambda t: (off + t, 0)),
        ]),
        out_specs=[
            pl.BlockSpec((8, _H), lambda t: (0, 0)),
            pl.BlockSpec((8, _C), lambda t: (0, 0)),
        ],
        out_shape=[
            jax.ShapeDtypeStruct((8, _H), _F32),
            jax.ShapeDtypeStruct((8, _C), _F32),
        ],
    )(*([agf] * _K + [vpgf] * _K + [cc, vc]))


def _main_body(*refs):
    ag = refs[:_K]
    vp = refs[_K:2 * _K]
    cc, vc, sc1, sh1, scv, shv, w2, wo, bo, z_o, zs_o = refs[2 * _K:]
    c = cc[...]
    v = vc[...]
    a1 = sc1[...]
    b1 = sh1[...]
    av = scv[...]
    bv = shv[...]
    w2r = w2[...]
    logits = []
    for k in range(_K):
        h = jnp.maximum((ag[k][:, :_H] + c) * a1 + b1, 0.0)
        logits.append(jnp.sum(h * w2r, axis=1, keepdims=True))
    lg = jnp.concatenate(logits, axis=1)
    mx = jnp.max(lg, axis=1, keepdims=True)
    e = jnp.exp(lg - mx)
    attn = e / jnp.sum(e, axis=1, keepdims=True)
    out = jnp.zeros(v.shape, _F32)
    for k in range(_K):
        v1 = _unpack_v(vp[k][...]) + v
        vals = jnp.maximum(v1 * av + bv, 0.0)
        out += attn[:, k:k + 1] * vals
    z = lax.dot(out, wo[...], precision=_HI) + bo[...]
    z_o[...] = z

    @pl.when(pl.program_id(0) == 0)
    def _():
        zs_o[...] = jnp.zeros_like(zs_o)

    zs_o[...] += jnp.concatenate(
        [jnp.sum(z, axis=0, keepdims=True),
         jnp.sum(z * z, axis=0, keepdims=True),
         jnp.zeros((6, _C), _F32)], axis=0)


def _main(agf, vpgf, cc, vc, sc1, sh1, scv, shv, w2, wo, bo, h):
    rm = 256
    grid = (_HBN // rm,)
    off = h * (_HBN // rm)
    full = lambda a: pl.BlockSpec(a.shape, lambda t: (0,) * a.ndim)
    return pl.pallas_call(
        _main_body,
        grid=grid,
        in_specs=(_kspecs(rm, 2 * _H) + _kspecs(rm, 2 * _H) + [
            pl.BlockSpec((rm, _H), lambda t: (off + t, 0)),
            pl.BlockSpec((rm, _C), lambda t: (off + t, 0)),
            full(sc1), full(sh1), full(scv), full(shv), full(w2),
            full(wo), full(bo),
        ]),
        out_specs=[
            pl.BlockSpec((rm, _C), lambda t: (t, 0)),
            pl.BlockSpec((8, _C), lambda t: (0, 0)),
        ],
        out_shape=[
            jax.ShapeDtypeStruct((_HBN, _C), _F32),
            jax.ShapeDtypeStruct((8, _C), _F32),
        ],
    )(*([agf] * _K + [vpgf] * _K +
        [cc, vc, sc1, sh1, scv, shv, w2, wo, bo]))


def _epi_body(z, ft, sco, sho, o_o):
    o_o[...] = jnp.maximum(z[...] * sco[...] + sho[...], 0.0) + ft[...]


def _epilogue(z, ft, sco, sho):
    re = 512
    full = lambda a: pl.BlockSpec(a.shape, lambda t: (0,) * a.ndim)
    return pl.pallas_call(
        _epi_body,
        grid=(_BN // re,),
        in_specs=[
            pl.BlockSpec((re, _C), lambda t: (t, 0)),
            pl.BlockSpec((re, _C), lambda t: (t, 0)),
            full(sco), full(sho),
        ],
        out_specs=pl.BlockSpec((re, _C), lambda t: (t, 0)),
        out_shape=jax.ShapeDtypeStruct((_BN, _C), _F32),
    )(z, ft, sco, sho)


def _bn_coef(s, q, m, g, be):
    mean = s / m
    var = q / m - mean * mean
    sc = g / jnp.sqrt(var + 1e-5)
    return sc, be - mean * sc


def kernel(xyz, feats, W1, b1, g1, be1, W2, b2, Wv, bv, gv, bev, Wo, bo, go, beo):
    ft = jnp.transpose(feats, (0, 2, 1)).reshape(_BN, _C)
    xt = jnp.transpose(xyz, (0, 2, 1)).reshape(_BN, 3)

    w1a = jnp.transpose(W1[:, :_C])
    w1b = jnp.transpose(W1[:, _C:2 * _C])
    w1c = jnp.transpose(W1[:, 2 * _C:])
    wva = jnp.transpose(Wv[:, :_C])
    wvb = jnp.transpose(Wv[:, _C:])

    a_tab, cc_tab, vp_tab, vc_tab = _projections(
        ft, xt, w1a, w1b, w1c, wva, wvb,
        b1.reshape(1, _H), bv.reshape(1, _C))

    idx0 = _knn(xyz, xt, 0)
    ga = _sc_gather(idx0.reshape(_HKBN // 128, 128), a_tab, vp_tab)
    idx1 = _knn(xyz, xt, 1)
    gb = _sc_gather(idx1.reshape(_HKBN // 128, 128), a_tab, vp_tab)

    s0 = _stats(*ga, cc_tab, vc_tab, 0)
    s1 = _stats(*gb, cc_tab, vc_tab, 1)
    o1 = s0[0] + s1[0]
    ov = s0[1] + s1[1]
    m1 = float(_KBN)
    sc1, sh1 = _bn_coef(o1[0:1], o1[1:2], m1, g1.reshape(1, _H), be1.reshape(1, _H))
    scv, shv = _bn_coef(ov[0:1], ov[1:2], m1, gv.reshape(1, _C), bev.reshape(1, _C))

    w2r = W2.reshape(1, _H)
    wot = jnp.transpose(Wo)
    bor = bo.reshape(1, _C)
    z0, zs0 = _main(*ga, cc_tab, vc_tab, sc1, sh1, scv, shv, w2r, wot, bor, 0)
    z1, zs1 = _main(*gb, cc_tab, vc_tab, sc1, sh1, scv, shv, w2r, wot, bor, 1)
    z = jnp.concatenate([z0, z1], axis=0)
    zs = zs0 + zs1
    sco, sho = _bn_coef(zs[0:1], zs[1:2], float(_BN),
                        go.reshape(1, _C), beo.reshape(1, _C))

    o = _epilogue(z, ft, sco, sho)
    return jnp.transpose(o.reshape(_B, _N, _C), (0, 2, 1))

# --- scband reference (transcript-rebuilt; emitter-appended) ---
"""Pipeline reference for scband-attention-topology-module-26405458936159 (READ-ONLY COPY).

The authoritative reference and input builder live on the scoring server;
editing this copy changes nothing except your own understanding.
"""

import jax, jax.numpy as jnp
import numpy as np

B, N, C, H, K = 8, 1024, 256, 64, 16

def _bn(x, g, b):
    ax = tuple(range(x.ndim - 1))
    m = x.mean(ax, keepdims=True)
    v = x.var(ax, keepdims=True)
    return (x - m) / jnp.sqrt(v + 1e-5) * g + b

def setup_inputs(seed: int = 0) -> dict:
    key = jax.random.key(seed)
    ks = jax.random.split(key, 16)
    inp = {}
    inp['xyz'] = jax.random.normal(ks[0], (B, 3, N), dtype=jnp.float32)
    inp['feats'] = jax.random.normal(ks[1], (B, C, N), dtype=jnp.float32)
    s1 = 1.0 / np.sqrt(2 * C + 3)
    inp['W1'] = jax.random.uniform(ks[2], (H, 2 * C + 3), minval=-s1, maxval=s1, dtype=jnp.float32)
    inp['b1'] = jax.random.uniform(ks[3], (H,), minval=-s1, maxval=s1, dtype=jnp.float32)
    inp['g1'] = jnp.ones((H,), jnp.float32)
    inp['be1'] = jnp.zeros((H,), jnp.float32)
    s2 = 1.0 / np.sqrt(H)
    inp['W2'] = jax.random.uniform(ks[4], (1, H), minval=-s2, maxval=s2, dtype=jnp.float32)
    inp['b2'] = jax.random.uniform(ks[5], (1,), minval=-s2, maxval=s2, dtype=jnp.float32)
    sv = 1.0 / np.sqrt(C + 3)
    inp['Wv'] = jax.random.uniform(ks[6], (C, C + 3), minval=-sv, maxval=sv, dtype=jnp.float32)
    inp['bv'] = jax.random.uniform(ks[7], (C,), minval=-sv, maxval=sv, dtype=jnp.float32)
    inp['gv'] = jnp.ones((C,), jnp.float32)
    inp['bev'] = jnp.zeros((C,), jnp.float32)
    so = 1.0 / np.sqrt(C)
    inp['Wo'] = jax.random.uniform(ks[8], (C, C), minval=-so, maxval=so, dtype=jnp.float32)
    inp['bo'] = jax.random.uniform(ks[9], (C,), minval=-so, maxval=so, dtype=jnp.float32)
    inp['go'] = jnp.ones((C,), jnp.float32)
    inp['beo'] = jnp.zeros((C,), jnp.float32)
    return inp

def reference(xyz, feats, W1, b1, g1, be1, W2, b2, Wv, bv, gv, bev, Wo, bo, go, beo):
    xyz_t = jnp.transpose(xyz, (0, 2, 1))
    feats_t = jnp.transpose(feats, (0, 2, 1))
    d = -2.0 * jnp.matmul(xyz_t, jnp.transpose(xyz_t, (0, 2, 1)))
    sq = jnp.sum(xyz_t ** 2, axis=-1)
    d = d + sq[:, :, None] + sq[:, None, :]
    idx = jax.lax.top_k(-d, K)[1]
    gather = jax.vmap(lambda p, i: p[i])
    nxyz = gather(xyz_t, idx)
    rel = nxyz - xyz_t[:, :, None, :]
    nfeat = gather(feats_t, idx)
    cfeat = jnp.broadcast_to(feats_t[:, :, None, :], nfeat.shape)
    ai = jnp.concatenate([cfeat, nfeat, rel], axis=-1)
    h = jax.nn.relu(_bn(ai @ W1.T + b1, g1, be1))
    logits = h @ W2.T + b2
    attn = jax.nn.softmax(logits, axis=2)
    vi = jnp.concatenate([nfeat, rel], axis=-1)
    vals = jax.nn.relu(_bn(vi @ Wv.T + bv, gv, bev))
    out = jnp.sum(attn * vals, axis=2)
    o = jax.nn.relu(_bn(out @ Wo.T + bo, go, beo))
    o = o + feats_t
    return jnp.transpose(o, (0, 2, 1))

if __name__ == "__main__":
    import jax
    _d = setup_inputs()
    print(jax.jit(kernel)(*tuple(_d.values())))

</pallas_src>

<mosaic_0001>
#map = affine_map<(d0, d1) -> (0, 0)>
module attributes {stable_mosaic.version = 14 : i64} {
  func.func @gathk(%arg0: i32, %arg1: i32, %arg2: memref<512x128xi32, #tpu.memory_space<hbm>>, %arg3: memref<8192x128xf32, #tpu.memory_space<hbm>>, %arg4: memref<8192x128xi32, #tpu.memory_space<hbm>>, %arg5: memref<65536x128xf32, #tpu.memory_space<hbm>>, %arg6: memref<65536x128xi32, #tpu.memory_space<hbm>>, %arg7: memref<16x128xi32, #tpu.memory_space<vmem>>, %arg8: memref<2x128x128xf32, #tpu.memory_space<vmem>>, %arg9: memref<2x128x128xi32, #tpu.memory_space<vmem>>, %arg10: memref<!tpu.dma_semaphore, #tpu.memory_space<semaphore_mem>>, %arg11: memref<!tpu.dma_semaphore, #tpu.memory_space<semaphore_mem>>, %arg12: memref<!tpu.dma_semaphore, #tpu.memory_space<semaphore_mem>>, %arg13: memref<!tpu.dma_semaphore, #tpu.memory_space<semaphore_mem>>) attributes {dimension_semantics = [#tpu.dimension_semantics<core_parallel>, #tpu.dimension_semantics<subcore_parallel>], iteration_bounds = array<i64: 2, 16>, scalar_prefetch = 0 : i64, scratch_operands = 7 : i64, tpu.core_type = #tpu.core_type<sc_vector_subcore>, window_params = [{transform_indices = #map}, {transform_indices = #map}, {transform_indices = #map}, {transform_indices = #map}, {transform_indices = #map}]} {
    %mul3A = arith.constant 2 : i32
    %mul3A_0 = arith.muli %arg1, %mul3A : i32
    %add3A = arith.addi %mul3A_0, %arg0 : i32
    %mul3A_1 = arith.constant 2048 : i32
    %mul3A_2 = arith.muli %add3A, %mul3A_1 : i32
    %mul3A_3 = arith.constant 16 : i32
    %mul3A_4 = arith.muli %add3A, %mul3A_3 : i32
    "tpu.region"() ({
      %run_scoped3A = tpu.sem_alloc : memref<!tpu.dma_semaphore, #tpu.memory_space<semaphore_mem>>
      %dma_start3A_215 = arith.constant 0 : i32
      %dma_start3A_216 = tpu.memref_slice %arg2[%mul3A_4, %dma_start3A_215] : memref<512x128xi32, #tpu.memory_space<hbm>> -> memref<16x128xi32, #tpu.memory_space<hbm>>
      %dma_start3A_217 = arith.constant 0 : i32
      %dma_start3A_218 = tpu.memref_slice %arg2[%mul3A_4, %dma_start3A_217] : memref<512x128xi32, #tpu.memory_space<hbm>> -> memref<16x128xi32, #tpu.memory_space<hbm>>
      tpu.enqueue_dma source(%dma_start3A_218 : memref<16x128xi32, #tpu.memory_space<hbm>>) target(%arg7 : memref<16x128xi32, #tpu.memory_space<vmem>>) target_semaphore(%run_scoped3A : memref<!tpu.dma_semaphore, #tpu.memory_space<semaphore_mem>>)
      %dma_wait3A_219 = arith.constant 0 : i32
      %dma_wait3A_220 = tpu.memref_slice %arg2[%mul3A_4, %dma_wait3A_219] : memref<512x128xi32, #tpu.memory_space<hbm>> -> memref<16x128xi32, #tpu.memory_space<hbm>>
      %dma_wait3A_221 = arith.constant 0 : i32
      %dma_wait3A_222 = tpu.memref_slice %arg2[%mul3A_4, %dma_wait3A_221] : memref<512x128xi32, #tpu.memory_space<hbm>> -> memref<16x128xi32, #tpu.memory_space<hbm>>
      tpu.wait_dma2 semaphore(%run_scoped3A : memref<!tpu.dma_semaphore, #tpu.memory_space<semaphore_mem>>) src(%dma_wait3A_222 : memref<16x128xi32, #tpu.memory_space<hbm>>) dst(%arg7 : memref<16x128xi32, #tpu.memory_space<vmem>>)
      tpu.yield
    }) : () -> ()
    %dma_start3A = arith.constant 0 : i32
    %dma_start3A_5 = arith.constant 0 : i32
    %dma_start3A_6 = arith.constant 0 : i32
    %dma_start3A_7 = arith.constant 0 : i32
    %dma_start3A_8 = tpu.memref_slice %arg8[%dma_start3A_5, %dma_start3A_6, %dma_start3A_7] : memref<2x128x128xf32, #tpu.memory_space<vmem>> -> memref<1x128x128xf32, #tpu.memory_space<vmem>>
    %dma_start3A_9 = tpu.memref_squeeze %dma_start3A_8 : memref<1x128x128xf32, #tpu.memory_space<vmem>> -> memref<128x128xf32, #tpu.memory_space<vmem>>
    %dma_start3A_10 = arith.constant 0 : i32
    %dma_start3A_11 = tpu.memref_slice %arg7[%dma_start3A, %dma_start3A_10] : memref<16x128xi32, #tpu.memory_space<vmem>> -> memref<1x128xi32, #tpu.memory_space<vmem>>
    %dma_start3A_12 = tpu.memref_squeeze %dma_start3A_11 : memref<1x128xi32, #tpu.memory_space<vmem>> -> memref<128xi32, #tpu.memory_space<vmem>>
    %dma_start3A_13 = arith.constant 0 : i32
    %dma_start3A_14 = arith.constant 0 : i32
    %dma_start3A_15 = tpu.memref_slice %arg3[%dma_start3A_13, %dma_start3A_14] : memref<8192x128xf32, #tpu.memory_space<hbm>> -> memref<8192x128xf32, #tpu.memory_space<hbm>>
    tpu.enqueue_indirect_dma source(%dma_start3A_15 : memref<8192x128xf32, #tpu.memory_space<hbm>>) target(%dma_start3A_9 : memref<128x128xf32, #tpu.memory_space<vmem>>) offsets(%dma_start3A_12 : memref<128xi32, #tpu.memory_space<vmem>>) semaphore(%arg10 : memref<!tpu.dma_semaphore, #tpu.memory_space<semaphore_mem>>)
    %dma_start3A_16 = arith.constant 0 : i32
    %dma_start3A_17 = arith.constant 0 : i32
    %dma_start3A_18 = arith.constant 0 : i32
    %dma_start3A_19 = arith.constant 0 : i32
    %dma_start3A_20 = tpu.memref_slice %arg9[%dma_start3A_17, %dma_start3A_18, %dma_start3A_19] : memref<2x128x128xi32, #tpu.memory_space<vmem>> -> memref<1x128x128xi32, #tpu.memory_space<vmem>>
    %dma_start3A_21 = tpu.memref_squeeze %dma_start3A_20 : memref<1x128x128xi32, #tpu.memory_space<vmem>> -> memref<128x128xi32, #tpu.memory_space<vmem>>
    %dma_start3A_22 = arith.constant 0 : i32
    %dma_start3A_23 = tpu.memref_slice %arg7[%dma_start3A_16, %dma_start3A_22] : memref<16x128xi32, #tpu.memory_space<vmem>> -> memref<1x128xi32, #tpu.memory_space<vmem>>
    %dma_start3A_24 = tpu.memref_squeeze %dma_start3A_23 : memref<1x128xi32, #tpu.memory_space<vmem>> -> memref<128xi32, #tpu.memory_space<vmem>>
    %dma_start3A_25 = arith.constant 0 : i32
    %dma_start3A_26 = arith.constant 0 : i32
    %dma_start3A_27 = tpu.memref_slice %arg4[%dma_start3A_25, %dma_start3A_26] : memref<8192x128xi32, #tpu.memory_space<hbm>> -> memref<8192x128xi32, #tpu.memory_space<hbm>>
    tpu.enqueue_indirect_dma source(%dma_start3A_27 : memref<8192x128xi32, #tpu.memory_space<hbm>>) target(%dma_start3A_21 : memref<128x128xi32, #tpu.memory_space<vmem>>) offsets(%dma_start3A_24 : memref<128xi32, #tpu.memory_space<vmem>>) semaphore(%arg10 : memref<!tpu.dma_semaphore, #tpu.memory_space<semaphore_mem>>)
    %dma_wait3A = arith.constant 0 : i32
    %dma_wait3A_28 = arith.constant 0 : i32
    %dma_wait3A_29 = arith.constant 0 : i32
    %dma_wait3A_30 = arith.constant 0 : i32
    %dma_wait3A_31 = tpu.memref_slice %arg8[%dma_wait3A_28, %dma_wait3A_29, %dma_wait3A_30] : memref<2x128x128xf32, #tpu.memory_space<vmem>> -> memref<1x128x128xf32, #tpu.memory_space<vmem>>
    %dma_wait3A_32 = tpu.memref_squeeze %dma_wait3A_31 : memref<1x128x128xf32, #tpu.memory_space<vmem>> -> memref<128x128xf32, #tpu.memory_space<vmem>>
    %dma_wait3A_33 = arith.constant 0 : i32
    %dma_wait3A_34 = tpu.memref_slice %arg7[%dma_wait3A, %dma_wait3A_33] : memref<16x128xi32, #tpu.memory_space<vmem>> -> memref<1x128xi32, #tpu.memory_space<vmem>>
    %dma_wait3A_35 = tpu.memref_squeeze %dma_wait3A_34 : memref<1x128xi32, #tpu.memory_space<vmem>> -> memref<128xi32, #tpu.memory_space<vmem>>
    %dma_wait3A_36 = arith.constant 0 : i32
    %dma_wait3A_37 = arith.constant 0 : i32
    %dma_wait3A_38 = tpu.memref_slice %arg3[%dma_wait3A_36, %dma_wait3A_37] : memref<8192x128xf32, #tpu.memory_space<hbm>> -> memref<8192x128xf32, #tpu.memory_space<hbm>>
    tpu.wait_indirect_dma semaphore(%arg10 : memref<!tpu.dma_semaphore, #tpu.memory_space<semaphore_mem>>) src(%dma_wait3A_38 : memref<8192x128xf32, #tpu.memory_space<hbm>>) dst(%dma_wait3A_32 : memref<128x128xf32, #tpu.memory_space<vmem>>)
    %dma_wait3A_39 = arith.constant 0 : i32
    %dma_wait3A_40 = arith.constant 0 : i32
    %dma_wait3A_41 = arith.constant 0 : i32
    %dma_wait3A_42 = arith.constant 0 : i32
    %dma_wait3A_43 = tpu.memref_slice %arg9[%dma_wait3A_40, %dma_wait3A_41, %dma_wait3A_42] : memref<2x128x128xi32, #tpu.memory_space<vmem>> -> memref<1x128x128xi32, #tpu.memory_space<vmem>>
    %dma_wait3A_44 = tpu.memref_squeeze %dma_wait3A_43 : memref<1x128x128xi32, #tpu.memory_space<vmem>> -> memref<128x128xi32, #tpu.memory_space<vmem>>
    %dma_wait3A_45 = arith.constant 0 : i32
    %dma_wait3A_46 = tpu.memref_slice %arg7[%dma_wait3A_39, %dma_wait3A_45] : memref<16x128xi32, #tpu.memory_space<vmem>> -> memref<1x128xi32, #tpu.memory_space<vmem>>
    %dma_wait3A_47 = tpu.memref_squeeze %dma_wait3A_46 : memref<1x128xi32, #tpu.memory_space<vmem>> -> memref<128xi32, #tpu.memory_space<vmem>>
    %dma_wait3A_48 = arith.constant 0 : i32
    %dma_wait3A_49 = arith.constant 0 : i32
    %dma_wait3A_50 = tpu.memref_slice %arg4[%dma_wait3A_48, %dma_wait3A_49] : memref<8192x128xi32, #tpu.memory_space<hbm>> -> memref<8192x128xi32, #tpu.memory_space<hbm>>
    tpu.wait_indirect_dma semaphore(%arg10 : memref<!tpu.dma_semaphore, #tpu.memory_space<semaphore_mem>>) src(%dma_wait3A_50 : memref<8192x128xi32, #tpu.memory_space<hbm>>) dst(%dma_wait3A_44 : memref<128x128xi32, #tpu.memory_space<vmem>>)
    %add3A_51 = arith.constant 0 : i32
    %add3A_52 = arith.addi %mul3A_2, %add3A_51 : i32
    %dma_start3A_53 = arith.constant 0 : i32
    %dma_start3A_54 = arith.constant 0 : i32
    %dma_start3A_55 = arith.constant 0 : i32
    %dma_start3A_56 = tpu.memref_slice %arg8[%dma_start3A_53, %dma_start3A_54, %dma_start3A_55] : memref<2x128x128xf32, #tpu.memory_space<vmem>> -> memref<1x128x128xf32, #tpu.memory_space<vmem>>
    %dma_start3A_57 = tpu.memref_squeeze %dma_start3A_56 : memref<1x128x128xf32, #tpu.memory_space<vmem>> -> memref<128x128xf32, #tpu.memory_space<vmem>>
    %dma_start3A_58 = arith.constant 0 : i32
    %dma_start3A_59 = tpu.memref_slice %arg5[%add3A_52, %dma_start3A_58] : memref<65536x128xf32, #tpu.memory_space<hbm>> -> memref<128x128xf32, #tpu.memory_space<hbm>>
    %dma_start3A_60 = arith.constant 0 : i32
    %dma_start3A_61 = tpu.memref_slice %arg5[%add3A_52, %dma_start3A_60] : memref<65536x128xf32, #tpu.memory_space<hbm>> -> memref<128x128xf32, #tpu.memory_space<hbm>>
    %dma_start3A_62 = arith.constant 0 : i32
    %dma_start3A_63 = arith.constant 0 : i32
    %dma_start3A_64 = tpu.memref_slice %arg8[%dma_start3A_53, %dma_start3A_62, %dma_start3A_63] : memref<2x128x128xf32, #tpu.memory_space<vmem>> -> memref<1x128x128xf32, #tpu.memory_space<vmem>>
    %dma_start3A_65 = tpu.memref_squeeze %dma_start3A_64 : memref<1x128x128xf32, #tpu.memory_space<vmem>> -> memref<128x128xf32, #tpu.memory_space<vmem>>
    tpu.enqueue_dma source(%dma_start3A_65 : memref<128x128xf32, #tpu.memory_space<vmem>>) target(%dma_start3A_61 : memref<128x128xf32, #tpu.memory_space<hbm>>) target_semaphore(%arg12 : memref<!tpu.dma_semaphore, #tpu.memory_space<semaphore_mem>>)
    %dma_start3A_66 = arith.constant 0 : i32
    %dma_start3A_67 = arith.constant 0 : i32
    %dma_start3A_68 = arith.constant 0 : i32
    %dma_start3A_69 = tpu.memref_slice %arg9[%dma_start3A_66, %dma_start3A_67, %dma_start3A_68] : memref<2x128x128xi32, #tpu.memory_space<vmem>> -> memref<1x128x128xi32, #tpu.memory_space<vmem>>
    %dma_start3A_70 = tpu.memref_squeeze %dma_start3A_69 : memref<1x128x128xi32, #tpu.memory_space<vmem>> -> memref<128x128xi32, #tpu.memory_space<vmem>>
    %dma_start3A_71 = arith.constant 0 : i32
    %dma_start3A_72 = tpu.memref_slice %arg6[%add3A_52, %dma_start3A_71] : memref<65536x128xi32, #tpu.memory_space<hbm>> -> memref<128x128xi32, #tpu.memory_space<hbm>>
    %dma_start3A_73 = arith.constant 0 : i32
    %dma_start3A_74 = tpu.memref_slice %arg6[%add3A_52, %dma_start3A_73] : memref<65536x128xi32, #tpu.memory_space<hbm>> -> memref<128x128xi32, #tpu.memory_space<hbm>>
    %dma_start3A_75 = arith.constant 0 : i32
    %dma_start3A_76 = arith.constant 0 : i32
    %dma_start3A_77 = tpu.memref_slice %arg9[%dma_start3A_66, %dma_start3A_75, %dma_start3A_76] : memref<2x128x128xi32, #tpu.memory_space<vmem>> -> memref<1x128x128xi32, #tpu.memory_space<vmem>>
    %dma_start3A_78 = tpu.memref_squeeze %dma_start3A_77 : memref<1x128x128xi32, #tpu.memory_space<vmem>> -> memref<128x128xi32, #tpu.memory_space<vmem>>
    tpu.enqueue_dma source(%dma_start3A_78 : memref<128x128xi32, #tpu.memory_space<vmem>>) target(%dma_start3A_74 : memref<128x128xi32, #tpu.memory_space<hbm>>) target_semaphore(%arg12 : memref<!tpu.dma_semaphore, #tpu.memory_space<semaphore_mem>>)
    %dma_start3A_79 = arith.constant 1 : i32
    %dma_start3A_80 = arith.constant 1 : i32
    %dma_start3A_81 = arith.constant 0 : i32
    %dma_start3A_82 = arith.constant 0 : i32
    %dma_start3A_83 = tpu.memref_slice %arg8[%dma_start3A_80, %dma_start3A_81, %dma_start3A_82] : memref<2x128x128xf32, #tpu.memory_space<vmem>> -> memref<1x128x128xf32, #tpu.memory_space<vmem>>
    %dma_start3A_84 = tpu.memref_squeeze %dma_start3A_83 : memref<1x128x128xf32, #tpu.memory_space<vmem>> -> memref<128x128xf32, #tpu.memory_space<vmem>>
    %dma_start3A_85 = arith.constant 0 : i32
    %dma_start3A_86 = tpu.memref_slice %arg7[%dma_start3A_79, %dma_start3A_85] : memref<16x128xi32, #tpu.memory_space<vmem>> -> memref<1x128xi32, #tpu.memory_space<vmem>>
    %dma_start3A_87 = tpu.memref_squeeze %dma_start3A_86 : memref<1x128xi32, #tpu.memory_space<vmem>> -> memref<128xi32, #tpu.memory_space<vmem>>
    %dma_start3A_88 = arith.constant 0 : i32
    %dma_start3A_89 = arith.constant 0 : i32
    %dma_start3A_90 = tpu.memref_slice %arg3[%dma_start3A_88, %dma_start3A_89] : memref<8192x128xf32, #tpu.memory_space<hbm>> -> memref<8192x128xf32, #tpu.memory_space<hbm>>
    tpu.enqueue_indirect_dma source(%dma_start3A_90 : memref<8192x128xf32, #tpu.memory_space<hbm>>) target(%dma_start3A_84 : memref<128x128xf32, #tpu.memory_space<vmem>>) offsets(%dma_start3A_87 : memref<128xi32, #tpu.memory_space<vmem>>) semaphore(%arg11 : memref<!tpu.dma_semaphore, #tpu.memory_space<semaphore_mem>>)
    %dma_start3A_91 = arith.constant 1 : i32
    %dma_start3A_92 = arith.constant 1 : i32
    %dma_start3A_93 = arith.constant 0 : i32
    %dma_start3A_94 = arith.constant 0 : i32
    %dma_start3A_95 = tpu.memref_slice %arg9[%dma_start3A_92, %dma_start3A_93, %dma_start3A_94] : memref<2x128x128xi32, #tpu.memory_space<vmem>> -> memref<1x128x128xi32, #tpu.memory_space<vmem>>
    %dma_start3A_96 = tpu.memref_squeeze %dma_start3A_95 : memref<1x128x128xi32, #tpu.memory_space<vmem>> -> memref<128x128xi32, #tpu.memory_space<vmem>>
    %dma_start3A_97 = arith.constant 0 : i32
    %dma_start3A_98 = tpu.memref_slice %arg7[%dma_start3A_91, %dma_start3A_97] : memref<16x128xi32, #tpu.memory_space<vmem>> -> memref<1x128xi32, #tpu.memory_space<vmem>>
    %dma_start3A_99 = tpu.memref_squeeze %dma_start3A_98 : memref<1x128xi32, #tpu.memory_space<vmem>> -> memref<128xi32, #tpu.memory_space<vmem>>
    %dma_start3A_100 = arith.constant 0 : i32
    %dma_start3A_101 = arith.constant 0 : i32
    %dma_start3A_102 = tpu.memref_slice %arg4[%dma_start3A_100, %dma_start3A_101] : memref<8192x128xi32, #tpu.memory_space<hbm>> -> memref<8192x128xi32, #tpu.memory_space<hbm>>
    tpu.enqueue_indirect_dma source(%dma_start3A_102 : memref<8192x128xi32, #tpu.memory_space<hbm>>) target(%dma_start3A_96 : memref<128x128xi32, #tpu.memory_space<vmem>>) offsets(%dma_start3A_99 : memref<128xi32, #tpu.memory_space<vmem>>) semaphore(%arg11 : memref<!tpu.dma_semaphore, #tpu.memory_space<semaphore_mem>>)
    %scan3A = arith.constant 0 : i32
    %scan3A_103 = arith.constant 7 : i32
    %scan3A_104 = arith.addi %scan3A, %scan3A_103 : i32
    %scan3A_105 = arith.constant 1 : i32
    scf.for %scan3A_215 = %scan3A to %scan3A_104 step %scan3A_105  : i32 {
      %mul3A_216 = arith.constant 2 : i32
      %mul3A_217 = arith.muli %scan3A_215, %mul3A_216 : i32
      %add3A_218 = arith.constant 1 : i32
      %add3A_219 = arith.addi %add3A_218, %mul3A_217 : i32
      %add3A_220 = arith.constant 0 : i32
      %add3A_221 = arith.addi %add3A_219, %add3A_220 : i32
      %dma_wait3A_222 = arith.constant 1 : i32
      %dma_wait3A_223 = arith.constant 0 : i32
      %dma_wait3A_224 = arith.constant 0 : i32
      %dma_wait3A_225 = tpu.memref_slice %arg8[%dma_wait3A_222, %dma_wait3A_223, %dma_wait3A_224] : memref<2x128x128xf32, #tpu.memory_space<vmem>> -> memref<1x128x128xf32, #tpu.memory_space<vmem>>
      %dma_wait3A_226 = tpu.memref_squeeze %dma_wait3A_225 : memref<1x128x128xf32, #tpu.memory_space<vmem>> -> memref<128x128xf32, #tpu.memory_space<vmem>>
      %dma_wait3A_227 = arith.constant 0 : i32
      %dma_wait3A_228 = tpu.memref_slice %arg7[%add3A_221, %dma_wait3A_227] : memref<16x128xi32, #tpu.memory_space<vmem>> -> memref<1x128xi32, #tpu.memory_space<vmem>>
      %dma_wait3A_229 = tpu.memref_squeeze %dma_wait3A_228 : memref<1x128xi32, #tpu.memory_space<vmem>> -> memref<128xi32, #tpu.memory_space<vmem>>
      %dma_wait3A_230 = arith.constant 0 : i32
      %dma_wait3A_231 = arith.constant 0 : i32
      %dma_wait3A_232 = tpu.memref_slice %arg3[%dma_wait3A_230, %dma_wait3A_231] : memref<8192x128xf32, #tpu.memory_space<hbm>> -> memref<8192x128xf32, #tpu.memory_space<hbm>>
      tpu.wait_indirect_dma semaphore(%arg11 : memref<!tpu.dma_semaphore, #tpu.memory_space<semaphore_mem>>) src(%dma_wait3A_232 : memref<8192x128xf32, #tpu.memory_space<hbm>>) dst(%dma_wait3A_226 : memref<128x128xf32, #tpu.memory_space<vmem>>)
      %dma_wait3A_233 = arith.constant 1 : i32
      %dma_wait3A_234 = arith.constant 0 : i32
      %dma_wait3A_235 = arith.constant 0 : i32
      %dma_wait3A_236 = tpu.memref_slice %arg9[%dma_wait3A_233, %dma_wait3A_234, %dma_wait3A_235] : memref<2x128x128xi32, #tpu.memory_space<vmem>> -> memref<1x128x128xi32, #tpu.memory_space<vmem>>
      %dma_wait3A_237 = tpu.memref_squeeze %dma_wait3A_236 : memref<1x128x128xi32, #tpu.memory_space<vmem>> -> memref<128x128xi32, #tpu.memory_space<vmem>>
      %dma_wait3A_238 = arith.constant 0 : i32
      %dma_wait3A_239 = tpu.memref_slice %arg7[%add3A_221, %dma_wait3A_238] : memref<16x128xi32, #tpu.memory_space<vmem>> -> memref<1x128xi32, #tpu.memory_space<vmem>>
      %dma_wait3A_240 = tpu.memref_squeeze %dma_wait3A_239 : memref<1x128xi32, #tpu.memory_space<vmem>> -> memref<128xi32, #tpu.memory_space<vmem>>
      %dma_wait3A_241 = arith.constant 0 : i32
      %dma_wait3A_242 = arith.constant 0 : i32
      %dma_wait3A_243 = tpu.memref_slice %arg4[%dma_wait3A_241, %dma_wait3A_242] : memref<8192x128xi32, #tpu.memory_space<hbm>> -> memref<8192x128xi32, #tpu.memory_space<hbm>>
      tpu.wait_indirect_dma semaphore(%arg11 : memref<!tpu.dma_semaphore, #tpu.memory_space<semaphore_mem>>) src(%dma_wait3A_243 : memref<8192x128xi32, #tpu.memory_space<hbm>>) dst(%dma_wait3A_237 : memref<128x128xi32, #tpu.memory_space<vmem>>)
      %mul3A_244 = arith.constant 128 : i32
      %mul3A_245 = arith.muli %add3A_221, %mul3A_244 : i32
      %add3A_246 = arith.addi %mul3A_2, %mul3A_245 : i32
      %dma_start3A_247 = arith.constant 1 : i32
      %dma_start3A_248 = arith.constant 0 : i32
      %dma_start3A_249 = arith.constant 0 : i32
      %dma_start3A_250 = tpu.memref_slice %arg8[%dma_start3A_247, %dma_start3A_248, %dma_start3A_249] : memref<2x128x128xf32, #tpu.memory_space<vmem>> -> memref<1x128x128xf32, #tpu.memory_space<vmem>>
      %dma_start3A_251 = tpu.memref_squeeze %dma_start3A_250 : memref<1x128x128xf32, #tpu.memory_space<vmem>> -> memref<128x128xf32, #tpu.memory_space<vmem>>
      %dma_start3A_252 = arith.constant 0 : i32
      %dma_start3A_253 = tpu.memref_slice %arg5[%add3A_246, %dma_start3A_252] : memref<65536x128xf32, #tpu.memory_space<hbm>> -> memref<128x128xf32, #tpu.memory_space<hbm>>
      %dma_start3A_254 = arith.constant 0 : i32
      %dma_start3A_255 = tpu.memref_slice %arg5[%add3A_246, %dma_start3A_254] : memref<65536x128xf32, #tpu.memory_space<hbm>> -> memref<128x128xf32, #tpu.memory_space<hbm>>
      %dma_start3A_256 = arith.constant 0 : i32
      %dma_start3A_257 = arith.constant 0 : i32
      %dma_start3A_258 = tpu.memref_slice %arg8[%dma_start3A_247, %dma_start3A_256, %dma_start3A_257] : memref<2x128x128xf32, #tpu.memory_space<vmem>> -> memref<1x128x128xf32, #tpu.memory_space<vmem>>
      %dma_start3A_259 = tpu.memref_squeeze %dma_start3A_258 : memref<1x128x128xf32, #tpu.memory_space<vmem>> -> memref<128x128xf32, #tpu.memory_space<vmem>>
      tpu.enqueue_dma source(%dma_start3A_259 : memref<128x128xf32, #tpu.memory_space<vmem>>) target(%dma_start3A_255 : memref<128x128xf32, #tpu.memory_space<hbm>>) target_semaphore(%arg13 : memref<!tpu.dma_semaphore, #tpu.memory_space<semaphore_mem>>)
      %dma_start3A_260 = arith.constant 1 : i32
      %dma_start3A_261 = arith.constant 0 : i32
      %dma_start3A_262 = arith.constant 0 : i32
      %dma_start3A_263 = tpu.memref_slice %arg9[%dma_start3A_260, %dma_start3A_261, %dma_start3A_262] : memref<2x128x128xi32, #tpu.memory_space<vmem>> -> memref<1x128x128xi32, #tpu.memory_space<vmem>>
      %dma_start3A_264 = tpu.memref_squeeze %dma_start3A_263 : memref<1x128x128xi32, #tpu.memory_space<vmem>> -> memref<128x128xi32, #tpu.memory_space<vmem>>
      %dma_start3A_265 = arith.constant 0 : i32
      %dma_start3A_266 = tpu.memref_slice %arg6[%add3A_246, %dma_start3A_265] : memref<65536x128xi32, #tpu.memory_space<hbm>> -> memref<128x128xi32, #tpu.memory_space<hbm>>
      %dma_start3A_267 = arith.constant 0 : i32
      %dma_start3A_268 = tpu.memref_slice %arg6[%add3A_246, %dma_start3A_267] : memref<65536x128xi32, #tpu.memory_space<hbm>> -> memref<128x128xi32, #tpu.memory_space<hbm>>
      %dma_start3A_269 = arith.constant 0 : i32
      %dma_start3A_270 = arith.constant 0 : i32
      %dma_start3A_271 = tpu.memref_slice %arg9[%dma_start3A_260, %dma_start3A_269, %dma_start3A_270] : memref<2x128x128xi32, #tpu.memory_space<vmem>> -> memref<1x128x128xi32, #tpu.memory_space<vmem>>
      %dma_start3A_272 = tpu.memref_squeeze %dma_start3A_271 : memref<1x128x128xi32, #tpu.memory_space<vmem>> -> memref<128x128xi32, #tpu.memory_space<vmem>>
      tpu.enqueue_dma source(%dma_start3A_272 : memref<128x128xi32, #tpu.memory_space<vmem>>) target(%dma_start3A_268 : memref<128x128xi32, #tpu.memory_space<hbm>>) target_semaphore(%arg13 : memref<!tpu.dma_semaphore, #tpu.memory_space<semaphore_mem>>)
      %sub3A = arith.constant 1 : i32
      %sub3A_273 = arith.subi %add3A_221, %sub3A : i32
      %mul3A_274 = arith.constant 128 : i32
      %mul3A_275 = arith.muli %sub3A_273, %mul3A_274 : i32
      %add3A_276 = arith.addi %mul3A_2, %mul3A_275 : i32
      %dma_wait3A_277 = arith.constant 0 : i32
      %dma_wait3A_278 = arith.constant 0 : i32
      %dma_wait3A_279 = arith.constant 0 : i32
      %dma_wait3A_280 = tpu.memref_slice %arg8[%dma_wait3A_277, %dma_wait3A_278, %dma_wait3A_279] : memref<2x128x128xf32, #tpu.memory_space<vmem>> -> memref<1x128x128xf32, #tpu.memory_space<vmem>>
      %dma_wait3A_281 = tpu.memref_squeeze %dma_wait3A_280 : memref<1x128x128xf32, #tpu.memory_space<vmem>> -> memref<128x128xf32, #tpu.memory_space<vmem>>
      %dma_wait3A_282 = arith.constant 0 : i32
      %dma_wait3A_283 = tpu.memref_slice %arg5[%add3A_276, %dma_wait3A_282] : memref<65536x128xf32, #tpu.memory_space<hbm>> -> memref<128x128xf32, #tpu.memory_space<hbm>>
      %dma_wait3A_284 = arith.constant 0 : i32
      %dma_wait3A_285 = tpu.memref_slice %arg5[%add3A_276, %dma_wait3A_284] : memref<65536x128xf32, #tpu.memory_space<hbm>> -> memref<128x128xf32, #tpu.memory_space<hbm>>
      %dma_wait3A_286 = arith.constant 0 : i32
      %dma_wait3A_287 = arith.constant 0 : i32
      %dma_wait3A_288 = tpu.memref_slice %arg8[%dma_wait3A_277, %dma_wait3A_286, %dma_wait3A_287] : memref<2x128x128xf32, #tpu.memory_space<vmem>> -> memref<1x128x128xf32, #tpu.memory_space<vmem>>
      %dma_wait3A_289 = tpu.memref_squeeze %dma_wait3A_288 : memref<1x128x128xf32, #tpu.memory_space<vmem>> -> memref<128x128xf32, #tpu.memory_space<vmem>>
      tpu.wait_dma2 semaphore(%arg12 : memref<!tpu.dma_semaphore, #tpu.memory_space<semaphore_mem>>) src(%dma_wait3A_289 : memref<128x128xf32, #tpu.memory_space<vmem>>) dst(%dma_wait3A_285 : memref<128x128xf32, #tpu.memory_space<hbm>>)
      %dma_wait3A_290 = arith.constant 0 : i32
      %dma_wait3A_291 = arith.constant 0 : i32
      %dma_wait3A_292 = arith.constant 0 : i32
      %dma_wait3A_293 = tpu.memref_slice %arg9[%dma_wait3A_290, %dma_wait3A_291, %dma_wait3A_292] : memref<2x128x128xi32, #tpu.memory_space<vmem>> -> memref<1x128x128xi32, #tpu.memory_space<vmem>>
      %dma_wait3A_294 = tpu.memref_squeeze %dma_wait3A_293 : memref<1x128x128xi32, #tpu.memory_space<vmem>> -> memref<128x128xi32, #tpu.memory_space<vmem>>
      %dma_wait3A_295 = arith.constant 0 : i32
      %dma_wait3A_296 = tpu.memref_slice %arg6[%add3A_276, %dma_wait3A_295] : memref<65536x128xi32, #tpu.memory_space<hbm>> -> memref<128x128xi32, #tpu.memory_space<hbm>>
      %dma_wait3A_297 = arith.constant 0 : i32
      %dma_wait3A_298 = tpu.memref_slice %arg6[%add3A_276, %dma_wait3A_297] : memref<65536x128xi32, #tpu.memory_space<hbm>> -> memref<128x128xi32, #tpu.memory_space<hbm>>
      %dma_wait3A_299 = arith.constant 0 : i32
      %dma_wait3A_300 = arith.constant 0 : i32
      %dma_wait3A_301 = tpu.memref_slice %arg9[%dma_wait3A_290, %dma_wait3A_299, %dma_wait3A_300] : memref<2x128x128xi32, #tpu.memory_space<vmem>> -> memref<1x128x128xi32, #tpu.memory_space<vmem>>
      %dma_wait3A_302 = tpu.memref_squeeze %dma_wait3A_301 : memref<1x128x128xi32, #tpu.memory_space<vmem>> -> memref<128x128xi32, #tpu.memory_space<vmem>>
      tpu.wait_dma2 semaphore(%arg12 : memref<!tpu.dma_semaphore, #tpu.memory_space<semaphore_mem>>) src(%dma_wait3A_302 : memref<128x128xi32, #tpu.memory_space<vmem>>) dst(%dma_wait3A_298 : memref<128x128xi32, #tpu.memory_space<hbm>>)
      %add3A_303 = arith.constant 1 : i32
      %add3A_304 = arith.addi %add3A_221, %add3A_303 : i32
      %dma_start3A_305 = arith.constant 0 : i32
      %dma_start3A_306 = arith.constant 0 : i32
      %dma_start3A_307 = arith.constant 0 : i32
      %dma_start3A_308 = tpu.memref_slice %arg8[%dma_start3A_305, %dma_start3A_306, %dma_start3A_307] : memref<2x128x128xf32, #tpu.memory_space<vmem>> -> memref<1x128x128xf32, #tpu.memory_space<vmem>>
      %dma_start3A_309 = tpu.memref_squeeze %dma_start3A_308 : memref<1x128x128xf32, #tpu.memory_space<vmem>> -> memref<128x128xf32, #tpu.memory_space<vmem>>
      %dma_start3A_310 = arith.constant 0 : i32
      %dma_start3A_311 = tpu.memref_slice %arg7[%add3A_304, %dma_start3A_310] : memref<16x128xi32, #tpu.memory_space<vmem>> -> memref<1x128xi32, #tpu.memory_space<vmem>>
      %dma_start3A_312 = tpu.memref_squeeze %dma_start3A_311 : memref<1x128xi32, #tpu.memory_space<vmem>> -> memref<128xi32, #tpu.memory_space<vmem>>
      %dma_start3A_313 = arith.constant 0 : i32
      %dma_start3A_314 = arith.constant 0 : i32
      %dma_start3A_315 = tpu.memref_slice %arg3[%dma_start3A_313, %dma_start3A_314] : memref<8192x128xf32, #tpu.memory_space<hbm>> -> memref<8192x128xf32, #tpu.memory_space<hbm>>
      tpu.enqueue_indirect_dma source(%dma_start3A_315 : memref<8192x128xf32, #tpu.memory_space<hbm>>) target(%dma_start3A_309 : memref<128x128xf32, #tpu.memory_space<vmem>>) offsets(%dma_start3A_312 : memref<128xi32, #tpu.memory_space<vmem>>) semaphore(%arg10 : memref<!tpu.dma_semaphore, #tpu.memory_space<semaphore_mem>>)
      %dma_start3A_316 = arith.constant 0 : i32
      %dma_start3A_317 = arith.constant 0 : i32
      %dma_start3A_318 = arith.constant 0 : i32
      %dma_start3A_319 = tpu.memref_slice %arg9[%dma_start3A_316, %dma_start3A_317, %dma_start3A_318] : memref<2x128x128xi32, #tpu.memory_space<vmem>> -> memref<1x128x128xi32, #tpu.memory_space<vmem>>
      %dma_start3A_320 = tpu.memref_squeeze %dma_start3A_319 : memref<1x128x128xi32, #tpu.memory_space<vmem>> -> memref<128x128xi32, #tpu.memory_space<vmem>>
      %dma_start3A_321 = arith.constant 0 : i32
      %dma_start3A_322 = tpu.memref_slice %arg7[%add3A_304, %dma_start3A_321] : memref<16x128xi32, #tpu.memory_space<vmem>> -> memref<1x128xi32, #tpu.memory_space<vmem>>
      %dma_start3A_323 = tpu.memref_squeeze %dma_start3A_322 : memref<1x128xi32, #tpu.memory_space<vmem>> -> memref<128xi32, #tpu.memory_space<vmem>>
      %dma_start3A_324 = arith.constant 0 : i32
      %dma_start3A_325 = arith.constant 0 : i32
      %dma_start3A_326 = tpu.memref_slice %arg4[%dma_start3A_324, %dma_start3A_325] : memref<8192x128xi32, #tpu.memory_space<hbm>> -> memref<8192x128xi32, #tpu.memory_space<hbm>>
      tpu.enqueue_indirect_dma source(%dma_start3A_326 : memref<8192x128xi32, #tpu.memory_space<hbm>>) target(%dma_start3A_320 : memref<128x128xi32, #tpu.memory_space<vmem>>) offsets(%dma_start3A_323 : memref<128xi32, #tpu.memory_space<vmem>>) semaphore(%arg10 : memref<!tpu.dma_semaphore, #tpu.memory_space<semaphore_mem>>)
      %add3A_327 = arith.constant 1 : i32
      %add3A_328 = arith.addi %add3A_219, %add3A_327 : i32
      %dma_wait3A_329 = arith.constant 0 : i32
      %dma_wait3A_330 = arith.constant 0 : i32
      %dma_wait3A_331 = arith.constant 0 : i32
      %dma_wait3A_332 = tpu.memref_slice %arg8[%dma_wait3A_329, %dma_wait3A_330, %dma_wait3A_331] : memref<2x128x128xf32, #tpu.memory_space<vmem>> -> memref<1x128x128xf32, #tpu.memory_space<vmem>>
      %dma_wait3A_333 = tpu.memref_squeeze %dma_wait3A_332 : memref<1x128x128xf32, #tpu.memory_space<vmem>> -> memref<128x128xf32, #tpu.memory_space<vmem>>
      %dma_wait3A_334 = arith.constant 0 : i32
      %dma_wait3A_335 = tpu.memref_slice %arg7[%add3A_328, %dma_wait3A_334] : memref<16x128xi32, #tpu.memory_space<vmem>> -> memref<1x128xi32, #tpu.memory_space<vmem>>
      %dma_wait3A_336 = tpu.memref_squeeze %dma_wait3A_335 : memref<1x128xi32, #tpu.memory_space<vmem>> -> memref<128xi32, #tpu.memory_space<vmem>>
      %dma_wait3A_337 = arith.constant 0 : i32
      %dma_wait3A_338 = arith.constant 0 : i32
      %dma_wait3A_339 = tpu.memref_slice %arg3[%dma_wait3A_337, %dma_wait3A_338] : memref<8192x128xf32, #tpu.memory_space<hbm>> -> memref<8192x128xf32, #tpu.memory_space<hbm>>
      tpu.wait_indirect_dma semaphore(%arg10 : memref<!tpu.dma_semaphore, #tpu.memory_space<semaphore_mem>>) src(%dma_wait3A_339 : memref<8192x128xf32, #tpu.memory_space<hbm>>) dst(%dma_wait3A_333 : memref<128x128xf32, #tpu.memory_space<vmem>>)
      %dma_wait3A_340 = arith.constant 0 : i32
      %dma_wait3A_341 = arith.constant 0 : i32
      %dma_wait3A_342 = arith.constant 0 : i32
      %dma_wait3A_343 = tpu.memref_slice %arg9[%dma_wait3A_340, %dma_wait3A_341, %dma_wait3A_342] : memref<2x128x128xi32, #tpu.memory_space<vmem>> -> memref<1x128x128xi32, #tpu.memory_space<vmem>>
      %dma_wait3A_344 = tpu.memref_squeeze %dma_wait3A_343 : memref<1x128x128xi32, #tpu.memory_space<vmem>> -> memref<128x128xi32, #tpu.memory_space<vmem>>
      %dma_wait3A_345 = arith.constant 0 : i32
      %dma_wait3A_346 = tpu.memref_slice %arg7[%add3A_328, %dma_wait3A_345] : memref<16x128xi32, #tpu.memory_space<vmem>> -> memref<1x128xi32, #tpu.memory_space<vmem>>
      %dma_wait3A_347 = tpu.memref_squeeze %dma_wait3A_346 : memref<1x128xi32, #tpu.memory_space<vmem>> -> memref<128xi32, #tpu.memory_space<vmem>>
      %dma_wait3A_348 = arith.constant 0 : i32
      %dma_wait3A_349 = arith.constant 0 : i32
      %dma_wait3A_350 = tpu.memref_slice %arg4[%dma_wait3A_348, %dma_wait3A_349] : memref<8192x128xi32, #tpu.memory_space<hbm>> -> memref<8192x128xi32, #tpu.memory_space<hbm>>
      tpu.wait_indirect_dma semaphore(%arg10 : memref<!tpu.dma_semaphore, #tpu.memory_space<semaphore_mem>>) src(%dma_wait3A_350 : memref<8192x128xi32, #tpu.memory_space<hbm>>) dst(%dma_wait3A_344 : memref<128x128xi32, #tpu.memory_space<vmem>>)
      %mul3A_351 = arith.constant 128 : i32
      %mul3A_352 = arith.muli %add3A_328, %mul3A_351 : i32
      %add3A_353 = arith.addi %mul3A_2, %mul3A_352 : i32
      %dma_start3A_354 = arith.constant 0 : i32
      %dma_start3A_355 = arith.constant 0 : i32
      %dma_start3A_356 = arith.constant 0 : i32
      %dma_start3A_357 = tpu.memref_slice %arg8[%dma_start3A_354, %dma_start3A_355, %dma_start3A_356] : memref<2x128x128xf32, #tpu.memory_space<vmem>> -> memref<1x128x128xf32, #tpu.memory_space<vmem>>
      %dma_start3A_358 = tpu.memref_squeeze %dma_start3A_357 : memref<1x128x128xf32, #tpu.memory_space<vmem>> -> memref<128x128xf32, #tpu.memory_space<vmem>>
      %dma_start3A_359 = arith.constant 0 : i32
      %dma_start3A_360 = tpu.memref_slice %arg5[%add3A_353, %dma_start3A_359] : memref<65536x128xf32, #tpu.memory_space<hbm>> -> memref<128x128xf32, #tpu.memory_space<hbm>>
      %dma_start3A_361 = arith.constant 0 : i32
      %dma_start3A_362 = tpu.memref_slice %arg5[%add3A_353, %dma_start3A_361] : memref<65536x128xf32, #tpu.memory_space<hbm>> -> memref<128x128xf32, #tpu.memory_space<hbm>>
      %dma_start3A_363 = arith.constant 0 : i32
      %dma_start3A_364 = arith.constant 0 : i32
      %dma_start3A_365 = tpu.memref_slice %arg8[%dma_start3A_354, %dma_start3A_363, %dma_start3A_364] : memref<2x128x128xf32, #tpu.memory_space<vmem>> -> memref<1x128x128xf32, #tpu.memory_space<vmem>>
      %dma_start3A_366 = tpu.memref_squeeze %dma_start3A_365 : memref<1x128x128xf32, #tpu.memory_space<vmem>> -> memref<128x128xf32, #tpu.memory_space<vmem>>
      tpu.enqueue_dma source(%dma_start3A_366 : memref<128x128xf32, #tpu.memory_space<vmem>>) target(%dma_start3A_362 : memref<128x128xf32, #tpu.memory_space<hbm>>) target_semaphore(%arg12 : memref<!tpu.dma_semaphore, #tpu.memory_space<semaphore_mem>>)
      %dma_start3A_367 = arith.constant 0 : i32
      %dma_start3A_368 = arith.constant 0 : i32
      %dma_start3A_369 = arith.constant 0 : i32
      %dma_start3A_370 = tpu.memref_slice %arg9[%dma_start3A_367, %dma_start3A_368, %dma_start3A_369] : memref<2x128x128xi32, #tpu.memory_space<vmem>> -> memref<1x128x128xi32, #tpu.memory_space<vmem>>
      %dma_start3A_371 = tpu.memref_squeeze %dma_start3A_370 : memref<1x128x128xi32, #tpu.memory_space<vmem>> -> memref<128x128xi32, #tpu.memory_space<vmem>>
      %dma_start3A_372 = arith.constant 0 : i32
      %dma_start3A_373 = tpu.memref_slice %arg6[%add3A_353, %dma_start3A_372] : memref<65536x128xi32, #tpu.memory_space<hbm>> -> memref<128x128xi32, #tpu.memory_space<hbm>>
      %dma_start3A_374 = arith.constant 0 : i32
      %dma_start3A_375 = tpu.memref_slice %arg6[%add3A_353, %dma_start3A_374] : memref<65536x128xi32, #tpu.memory_space<hbm>> -> memref<128x128xi32, #tpu.memory_space<hbm>>
      %dma_start3A_376 = arith.constant 0 : i32
      %dma_start3A_377 = arith.constant 0 : i32
      %dma_start3A_378 = tpu.memref_slice %arg9[%dma_start3A_367, %dma_start3A_376, %dma_start3A_377] : memref<2x128x128xi32, #tpu.memory_space<vmem>> -> memref<1x128x128xi32, #tpu.memory_space<vmem>>
      %dma_start3A_379 = tpu.memref_squeeze %dma_start3A_378 : memref<1x128x128xi32, #tpu.memory_space<vmem>> -> memref<128x128xi32, #tpu.memory_space<vmem>>
      tpu.enqueue_dma source(%dma_start3A_379 : memref<128x128xi32, #tpu.memory_space<vmem>>) target(%dma_start3A_375 : memref<128x128xi32, #tpu.memory_space<hbm>>) target_semaphore(%arg12 : memref<!tpu.dma_semaphore, #tpu.memory_space<semaphore_mem>>)
      %sub3A_380 = arith.constant 1 : i32
      %sub3A_381 = arith.subi %add3A_328, %sub3A_380 : i32
      %mul3A_382 = arith.constant 128 : i32
      %mul3A_383 = arith.muli %sub3A_381, %mul3A_382 : i32
      %add3A_384 = arith.addi %mul3A_2, %mul3A_383 : i32
      %dma_wait3A_385 = arith.constant 1 : i32
      %dma_wait3A_386 = arith.constant 0 : i32
      %dma_wait3A_387 = arith.constant 0 : i32
      %dma_wait3A_388 = tpu.memref_slice %arg8[%dma_wait3A_385, %dma_wait3A_386, %dma_wait3A_387] : memref<2x128x128xf32, #tpu.memory_space<vmem>> -> memref<1x128x128xf32, #tpu.memory_space<vmem>>
      %dma_wait3A_389 = tpu.memref_squeeze %dma_wait3A_388 : memref<1x128x128xf32, #tpu.memory_space<vmem>> -> memref<128x128xf32, #tpu.memory_space<vmem>>
      %dma_wait3A_390 = arith.constant 0 : i32
      %dma_wait3A_391 = tpu.memref_slice %arg5[%add3A_384, %dma_wait3A_390] : memref<65536x128xf32, #tpu.memory_space<hbm>> -> memref<128x128xf32, #tpu.memory_space<hbm>>
      %dma_wait3A_392 = arith.constant 0 : i32
      %dma_wait3A_393 = tpu.memref_slice %arg5[%add3A_384, %dma_wait3A_392] : memref<65536x128xf32, #tpu.memory_space<hbm>> -> memref<128x128xf32, #tpu.memory_space<hbm>>
      %dma_wait3A_394 = arith.constant 0 : i32
      %dma_wait3A_395 = arith.constant 0 : i32
      %dma_wait3A_396 = tpu.memref_slice %arg8[%dma_wait3A_385, %dma_wait3A_394, %dma_wait3A_395] : memref<2x128x128xf32, #tpu.memory_space<vmem>> -> memref<1x128x128xf32, #tpu.memory_space<vmem>>
      %dma_wait3A_397 = tpu.memref_squeeze %dma_wait3A_396 : memref<1x128x128xf32, #tpu.memory_space<vmem>> -> memref<128x128xf32, #tpu.memory_space<vmem>>
      tpu.wait_dma2 semaphore(%arg13 : memref<!tpu.dma_semaphore, #tpu.memory_space<semaphore_mem>>) src(%dma_wait3A_397 : memref<128x128xf32, #tpu.memory_space<vmem>>) dst(%dma_wait3A_393 : memref<128x128xf32, #tpu.memory_space<hbm>>)
      %dma_wait3A_398 = arith.constant 1 : i32
      %dma_wait3A_399 = arith.constant 0 : i32
      %dma_wait3A_400 = arith.constant 0 : i32
      %dma_wait3A_401 = tpu.memref_slice %arg9[%dma_wait3A_398, %dma_wait3A_399, %dma_wait3A_400] : memref<2x128x128xi32, #tpu.memory_space<vmem>> -> memref<1x128x128xi32, #tpu.memory_space<vmem>>
      %dma_wait3A_402 = tpu.memref_squeeze %dma_wait3A_401 : memref<1x128x128xi32, #tpu.memory_space<vmem>> -> memref<128x128xi32, #tpu.memory_space<vmem>>
      %dma_wait3A_403 = arith.constant 0 : i32
      %dma_wait3A_404 = tpu.memref_slice %arg6[%add3A_384, %dma_wait3A_403] : memref<65536x128xi32, #tpu.memory_space<hbm>> -> memref<128x128xi32, #tpu.memory_space<hbm>>
      %dma_wait3A_405 = arith.constant 0 : i32
      %dma_wait3A_406 = tpu.memref_slice %arg6[%add3A_384, %dma_wait3A_405] : memref<65536x128xi32, #tpu.memory_space<hbm>> -> memref<128x128xi32, #tpu.memory_space<hbm>>
      %dma_wait3A_407 = arith.constant 0 : i32
      %dma_wait3A_408 = arith.constant 0 : i32
      %dma_wait3A_409 = tpu.memref_slice %arg9[%dma_wait3A_398, %dma_wait3A_407, %dma_wait3A_408] : memref<2x128x128xi32, #tpu.memory_space<vmem>> -> memref<1x128x128xi32, #tpu.memory_space<vmem>>
      %dma_wait3A_410 = tpu.memref_squeeze %dma_wait3A_409 : memref<1x128x128xi32, #tpu.memory_space<vmem>> -> memref<128x128xi32, #tpu.memory_space<vmem>>
      tpu.wait_dma2 semaphore(%arg13 : memref<!tpu.dma_semaphore, #tpu.memory_space<semaphore_mem>>) src(%dma_wait3A_410 : memref<128x128xi32, #tpu.memory_space<vmem>>) dst(%dma_wait3A_406 : memref<128x128xi32, #tpu.memory_space<hbm>>)
      %add3A_411 = arith.constant 1 : i32
      %add3A_412 = arith.addi %add3A_328, %add3A_411 : i32
      %dma_start3A_413 = arith.constant 1 : i32
      %dma_start3A_414 = arith.constant 0 : i32
      %dma_start3A_415 = arith.constant 0 : i32
      %dma_start3A_416 = tpu.memref_slice %arg8[%dma_start3A_413, %dma_start3A_414, %dma_start3A_415] : memref<2x128x128xf32, #tpu.memory_space<vmem>> -> memref<1x128x128xf32, #tpu.memory_space<vmem>>
      %dma_start3A_417 = tpu.memref_squeeze %dma_start3A_416 : memref<1x128x128xf32, #tpu.memory_space<vmem>> -> memref<128x128xf32, #tpu.memory_space<vmem>>
      %dma_start3A_418 = arith.constant 0 : i32
      %dma_start3A_419 = tpu.memref_slice %arg7[%add3A_412, %dma_start3A_418] : memref<16x128xi32, #tpu.memory_space<vmem>> -> memref<1x128xi32, #tpu.memory_space<vmem>>
      %dma_start3A_420 = tpu.memref_squeeze %dma_start3A_419 : memref<1x128xi32, #tpu.memory_space<vmem>> -> memref<128xi32, #tpu.memory_space<vmem>>
      %dma_start3A_421 = arith.constant 0 : i32
      %dma_start3A_422 = arith.constant 0 : i32
      %dma_start3A_423 = tpu.memref_slice %arg3[%dma_start3A_421, %dma_start3A_422] : memref<8192x128xf32, #tpu.memory_space<hbm>> -> memref<8192x128xf32, #tpu.memory_space<hbm>>
      tpu.enqueue_indirect_dma source(%dma_start3A_423 : memref<8192x128xf32, #tpu.memory_space<hbm>>) target(%dma_start3A_417 : memref<128x128xf32, #tpu.memory_space<vmem>>) offsets(%dma_start3A_420 : memref<128xi32, #tpu.memory_space<vmem>>) semaphore(%arg11 : memref<!tpu.dma_semaphore, #tpu.memory_space<semaphore_mem>>)
      %dma_start3A_424 = arith.constant 1 : i32
      %dma_start3A_425 = arith.constant 0 : i32
      %dma_start3A_426 = arith.constant 0 : i32
      %dma_start3A_427 = tpu.memref_slice %arg9[%dma_start3A_424, %dma_start3A_425, %dma_start3A_426] : memref<2x128x128xi32, #tpu.memory_space<vmem>> -> memref<1x128x128xi32, #tpu.memory_space<vmem>>
      %dma_start3A_428 = tpu.memref_squeeze %dma_start3A_427 : memref<1x128x128xi32, #tpu.memory_space<vmem>> -> memref<128x128xi32, #tpu.memory_space<vmem>>
      %dma_start3A_429 = arith.constant 0 : i32
      %dma_start3A_430 = tpu.memref_slice %arg7[%add3A_412, %dma_start3A_429] : memref<16x128xi32, #tpu.memory_space<vmem>> -> memref<1x128xi32, #tpu.memory_space<vmem>>
      %dma_start3A_431 = tpu.memref_squeeze %dma_start3A_430 : memref<1x128xi32, #tpu.memory_space<vmem>> -> memref<128xi32, #tpu.memory_space<vmem>>
      %dma_start3A_432 = arith.constant 0 : i32
      %dma_start3A_433 = arith.constant 0 : i32
      %dma_start3A_434 = tpu.memref_slice %arg4[%dma_start3A_432, %dma_start3A_433] : memref<8192x128xi32, #tpu.memory_space<hbm>> -> memref<8192x128xi32, #tpu.memory_space<hbm>>
      tpu.enqueue_indirect_dma source(%dma_start3A_434 : memref<8192x128xi32, #tpu.memory_space<hbm>>) target(%dma_start3A_428 : memref<128x128xi32, #tpu.memory_space<vmem>>) offsets(%dma_start3A_431 : memref<128xi32, #tpu.memory_space<vmem>>) semaphore(%arg11 : memref<!tpu.dma_semaphore, #tpu.memory_space<semaphore_mem>>)
    }
    %scan3A_106 = arith.constant 7 : i32
    %dma_wait3A_107 = arith.constant 15 : i32
    %dma_wait3A_108 = arith.constant 1 : i32
    %dma_wait3A_109 = arith.constant 0 : i32
    %dma_wait3A_110 = arith.constant 0 : i32
    %dma_wait3A_111 = tpu.memref_slice %arg8[%dma_wait3A_108, %dma_wait3A_109, %dma_wait3A_110] : memref<2x128x128xf32, #tpu.memory_space<vmem>> -> memref<1x128x128xf32, #tpu.memory_space<vmem>>
    %dma_wait3A_112 = tpu.memref_squeeze %dma_wait3A_111 : memref<1x128x128xf32, #tpu.memory_space<vmem>> -> memref<128x128xf32, #tpu.memory_space<vmem>>
    %dma_wait3A_113 = arith.constant 0 : i32
    %dma_wait3A_114 = tpu.memref_slice %arg7[%dma_wait3A_107, %dma_wait3A_113] : memref<16x128xi32, #tpu.memory_space<vmem>> -> memref<1x128xi32, #tpu.memory_space<vmem>>
    %dma_wait3A_115 = tpu.memref_squeeze %dma_wait3A_114 : memref<1x128xi32, #tpu.memory_space<vmem>> -> memref<128xi32, #tpu.memory_space<vmem>>
    %dma_wait3A_116 = arith.constant 0 : i32
    %dma_wait3A_117 = arith.constant 0 : i32
    %dma_wait3A_118 = tpu.memref_slice %arg3[%dma_wait3A_116, %dma_wait3A_117] : memref<8192x128xf32, #tpu.memory_space<hbm>> -> memref<8192x128xf32, #tpu.memory_space<hbm>>
    tpu.wait_indirect_dma semaphore(%arg11 : memref<!tpu.dma_semaphore, #tpu.memory_space<semaphore_mem>>) src(%dma_wait3A_118 : memref<8192x128xf32, #tpu.memory_space<hbm>>) dst(%dma_wait3A_112 : memref<128x128xf32, #tpu.memory_space<vmem>>)
    %dma_wait3A_119 = arith.constant 15 : i32
    %dma_wait3A_120 = arith.constant 1 : i32
    %dma_wait3A_121 = arith.constant 0 : i32
    %dma_wait3A_122 = arith.constant 0 : i32
    %dma_wait3A_123 = tpu.memref_slice %arg9[%dma_wait3A_120, %dma_wait3A_121, %dma_wait3A_122] : memref<2x128x128xi32, #tpu.memory_space<vmem>> -> memref<1x128x128xi32, #tpu.memory_space<vmem>>
    %dma_wait3A_124 = tpu.memref_squeeze %dma_wait3A_123 : memref<1x128x128xi32, #tpu.memory_space<vmem>> -> memref<128x128xi32, #tpu.memory_space<vmem>>
    %dma_wait3A_125 = arith.constant 0 : i32
    %dma_wait3A_126 = tpu.memref_slice %arg7[%dma_wait3A_119, %dma_wait3A_125] : memref<16x128xi32, #tpu.memory_space<vmem>> -> memref<1x128xi32, #tpu.memory_space<vmem>>
    %dma_wait3A_127 = tpu.memref_squeeze %dma_wait3A_126 : memref<1x128xi32, #tpu.memory_space<vmem>> -> memref<128xi32, #tpu.memory_space<vmem>>
    %dma_wait3A_128 = arith.constant 0 : i32
    %dma_wait3A_129 = arith.constant 0 : i32
    %dma_wait3A_130 = tpu.memref_slice %arg4[%dma_wait3A_128, %dma_wait3A_129] : memref<8192x128xi32, #tpu.memory_space<hbm>> -> memref<8192x128xi32, #tpu.memory_space<hbm>>
    tpu.wait_indirect_dma semaphore(%arg11 : memref<!tpu.dma_semaphore, #tpu.memory_space<semaphore_mem>>) src(%dma_wait3A_130 : memref<8192x128xi32, #tpu.memory_space<hbm>>) dst(%dma_wait3A_124 : memref<128x128xi32, #tpu.memory_space<vmem>>)
    %add3A_131 = arith.constant 1920 : i32
    %add3A_132 = arith.addi %mul3A_2, %add3A_131 : i32
    %dma_start3A_133 = arith.constant 1 : i32
    %dma_start3A_134 = arith.constant 0 : i32
    %dma_start3A_135 = arith.constant 0 : i32
    %dma_start3A_136 = tpu.memref_slice %arg8[%dma_start3A_133, %dma_start3A_134, %dma_start3A_135] : memref<2x128x128xf32, #tpu.memory_space<vmem>> -> memref<1x128x128xf32, #tpu.memory_space<vmem>>
    %dma_start3A_137 = tpu.memref_squeeze %dma_start3A_136 : memref<1x128x128xf32, #tpu.memory_space<vmem>> -> memref<128x128xf32, #tpu.memory_space<vmem>>
    %dma_start3A_138 = arith.constant 0 : i32
    %dma_start3A_139 = tpu.memref_slice %arg5[%add3A_132, %dma_start3A_138] : memref<65536x128xf32, #tpu.memory_space<hbm>> -> memref<128x128xf32, #tpu.memory_space<hbm>>
    %dma_start3A_140 = arith.constant 0 : i32
    %dma_start3A_141 = tpu.memref_slice %arg5[%add3A_132, %dma_start3A_140] : memref<65536x128xf32, #tpu.memory_space<hbm>> -> memref<128x128xf32, #tpu.memory_space<hbm>>
    %dma_start3A_142 = arith.constant 0 : i32
    %dma_start3A_143 = arith.constant 0 : i32
    %dma_start3A_144 = tpu.memref_slice %arg8[%dma_start3A_133, %dma_start3A_142, %dma_start3A_143] : memref<2x128x128xf32, #tpu.memory_space<vmem>> -> memref<1x128x128xf32, #tpu.memory_space<vmem>>
    %dma_start3A_145 = tpu.memref_squeeze %dma_start3A_144 : memref<1x128x128xf32, #tpu.memory_space<vmem>> -> memref<128x128xf32, #tpu.memory_space<vmem>>
    tpu.enqueue_dma source(%dma_start3A_145 : memref<128x128xf32, #tpu.memory_space<vmem>>) target(%dma_start3A_141 : memref<128x128xf32, #tpu.memory_space<hbm>>) target_semaphore(%arg13 : memref<!tpu.dma_semaphore, #tpu.memory_space<semaphore_mem>>)
    %dma_start3A_146 = arith.constant 1 : i32
    %dma_start3A_147 = arith.constant 0 : i32
    %dma_start3A_148 = arith.constant 0 : i32
    %dma_start3A_149 = tpu.memref_slice %arg9[%dma_start3A_146, %dma_start3A_147, %dma_start3A_148] : memref<2x128x128xi32, #tpu.memory_space<vmem>> -> memref<1x128x128xi32, #tpu.memory_space<vmem>>
    %dma_start3A_150 = tpu.memref_squeeze %dma_start3A_149 : memref<1x128x128xi32, #tpu.memory_space<vmem>> -> memref<128x128xi32, #tpu.memory_space<vmem>>
    %dma_start3A_151 = arith.constant 0 : i32
    %dma_start3A_152 = tpu.memref_slice %arg6[%add3A_132, %dma_start3A_151] : memref<65536x128xi32, #tpu.memory_space<hbm>> -> memref<128x128xi32, #tpu.memory_space<hbm>>
    %dma_start3A_153 = arith.constant 0 : i32
    %dma_start3A_154 = tpu.memref_slice %arg6[%add3A_132, %dma_start3A_153] : memref<65536x128xi32, #tpu.memory_space<hbm>> -> memref<128x128xi32, #tpu.memory_space<hbm>>
    %dma_start3A_155 = arith.constant 0 : i32
    %dma_start3A_156 = arith.constant 0 : i32
    %dma_start3A_157 = tpu.memref_slice %arg9[%dma_start3A_146, %dma_start3A_155, %dma_start3A_156] : memref<2x128x128xi32, #tpu.memory_space<vmem>> -> memref<1x128x128xi32, #tpu.memory_space<vmem>>
    %dma_start3A_158 = tpu.memref_squeeze %dma_start3A_157 : memref<1x128x128xi32, #tpu.memory_space<vmem>> -> memref<128x128xi32, #tpu.memory_space<vmem>>
    tpu.enqueue_dma source(%dma_start3A_158 : memref<128x128xi32, #tpu.memory_space<vmem>>) target(%dma_start3A_154 : memref<128x128xi32, #tpu.memory_space<hbm>>) target_semaphore(%arg13 : memref<!tpu.dma_semaphore, #tpu.memory_space<semaphore_mem>>)
    %add3A_159 = arith.constant 1792 : i32
    %add3A_160 = arith.addi %mul3A_2, %add3A_159 : i32
    %dma_wait3A_161 = arith.constant 0 : i32
    %dma_wait3A_162 = arith.constant 0 : i32
    %dma_wait3A_163 = arith.constant 0 : i32
    %dma_wait3A_164 = tpu.memref_slice %arg8[%dma_wait3A_161, %dma_wait3A_162, %dma_wait3A_163] : memref<2x128x128xf32, #tpu.memory_space<vmem>> -> memref<1x128x128xf32, #tpu.memory_space<vmem>>
    %dma_wait3A_165 = tpu.memref_squeeze %dma_wait3A_164 : memref<1x128x128xf32, #tpu.memory_space<vmem>> -> memref<128x128xf32, #tpu.memory_space<vmem>>
    %dma_wait3A_166 = arith.constant 0 : i32
    %dma_wait3A_167 = tpu.memref_slice %arg5[%add3A_160, %dma_wait3A_166] : memref<65536x128xf32, #tpu.memory_space<hbm>> -> memref<128x128xf32, #tpu.memory_space<hbm>>
    %dma_wait3A_168 = arith.constant 0 : i32
    %dma_wait3A_169 = tpu.memref_slice %arg5[%add3A_160, %dma_wait3A_168] : memref<65536x128xf32, #tpu.memory_space<hbm>> -> memref<128x128xf32, #tpu.memory_space<hbm>>
    %dma_wait3A_170 = arith.constant 0 : i32
    %dma_wait3A_171 = arith.constant 0 : i32
    %dma_wait3A_172 = tpu.memref_slice %arg8[%dma_wait3A_161, %dma_wait3A_170, %dma_wait3A_171] : memref<2x128x128xf32, #tpu.memory_space<vmem>> -> memref<1x128x128xf32, #tpu.memory_space<vmem>>
    %dma_wait3A_173 = tpu.memref_squeeze %dma_wait3A_172 : memref<1x128x128xf32, #tpu.memory_space<vmem>> -> memref<128x128xf32, #tpu.memory_space<vmem>>
    tpu.wait_dma2 semaphore(%arg12 : memref<!tpu.dma_semaphore, #tpu.memory_space<semaphore_mem>>) src(%dma_wait3A_173 : memref<128x128xf32, #tpu.memory_space<vmem>>) dst(%dma_wait3A_169 : memref<128x128xf32, #tpu.memory_space<hbm>>)
    %dma_wait3A_174 = arith.constant 0 : i32
    %dma_wait3A_175 = arith.constant 0 : i32
    %dma_wait3A_176 = arith.constant 0 : i32
    %dma_wait3A_177 = tpu.memref_slice %arg9[%dma_wait3A_174, %dma_wait3A_175, %dma_wait3A_176] : memref<2x128x128xi32, #tpu.memory_space<vmem>> -> memref<1x128x128xi32, #tpu.memory_space<vmem>>
    %dma_wait3A_178 = tpu.memref_squeeze %dma_wait3A_177 : memref<1x128x128xi32, #tpu.memory_space<vmem>> -> memref<128x128xi32, #tpu.memory_space<vmem>>
    %dma_wait3A_179 = arith.constant 0 : i32
    %dma_wait3A_180 = tpu.memref_slice %arg6[%add3A_160, %dma_wait3A_179] : memref<65536x128xi32, #tpu.memory_space<hbm>> -> memref<128x128xi32, #tpu.memory_space<hbm>>
    %dma_wait3A_181 = arith.constant 0 : i32
    %dma_wait3A_182 = tpu.memref_slice %arg6[%add3A_160, %dma_wait3A_181] : memref<65536x128xi32, #tpu.memory_space<hbm>> -> memref<128x128xi32, #tpu.memory_space<hbm>>
    %dma_wait3A_183 = arith.constant 0 : i32
    %dma_wait3A_184 = arith.constant 0 : i32
    %dma_wait3A_185 = tpu.memref_slice %arg9[%dma_wait3A_174, %dma_wait3A_183, %dma_wait3A_184] : memref<2x128x128xi32, #tpu.memory_space<vmem>> -> memref<1x128x128xi32, #tpu.memory_space<vmem>>
    %dma_wait3A_186 = tpu.memref_squeeze %dma_wait3A_185 : memref<1x128x128xi32, #tpu.memory_space<vmem>> -> memref<128x128xi32, #tpu.memory_space<vmem>>
    tpu.wait_dma2 semaphore(%arg12 : memref<!tpu.dma_semaphore, #tpu.memory_space<semaphore_mem>>) src(%dma_wait3A_186 : memref<128x128xi32, #tpu.memory_space<vmem>>) dst(%dma_wait3A_182 : memref<128x128xi32, #tpu.memory_space<hbm>>)
    %add3A_187 = arith.constant 1920 : i32
    %add3A_188 = arith.addi %mul3A_2, %add3A_187 : i32
    %dma_wait3A_189 = arith.constant 1 : i32
    %dma_wait3A_190 = arith.constant 0 : i32
    %dma_wait3A_191 = arith.constant 0 : i32
    %dma_wait3A_192 = tpu.memref_slice %arg8[%dma_wait3A_189, %dma_wait3A_190, %dma_wait3A_191] : memref<2x128x128xf32, #tpu.memory_space<vmem>> -> memref<1x128x128xf32, #tpu.memory_space<vmem>>
    %dma_wait3A_193 = tpu.memref_squeeze %dma_wait3A_192 : memref<1x128x128xf32, #tpu.memory_space<vmem>> -> memref<128x128xf32, #tpu.memory_space<vmem>>
    %dma_wait3A_194 = arith.constant 0 : i32
    %dma_wait3A_195 = tpu.memref_slice %arg5[%add3A_188, %dma_wait3A_194] : memref<65536x128xf32, #tpu.memory_space<hbm>> -> memref<128x128xf32, #tpu.memory_space<hbm>>
    %dma_wait3A_196 = arith.constant 0 : i32
    %dma_wait3A_197 = tpu.memref_slice %arg5[%add3A_188, %dma_wait3A_196] : memref<65536x128xf32, #tpu.memory_space<hbm>> -> memref<128x128xf32, #tpu.memory_space<hbm>>
    %dma_wait3A_198 = arith.constant 0 : i32
    %dma_wait3A_199 = arith.constant 0 : i32
    %dma_wait3A_200 = tpu.memref_slice %arg8[%dma_wait3A_189, %dma_wait3A_198, %dma_wait3A_199] : memref<2x128x128xf32, #tpu.memory_space<vmem>> -> memref<1x128x128xf32, #tpu.memory_space<vmem>>
    %dma_wait3A_201 = tpu.memref_squeeze %dma_wait3A_200 : memref<1x128x128xf32, #tpu.memory_space<vmem>> -> memref<128x128xf32, #tpu.memory_space<vmem>>
    tpu.wait_dma2 semaphore(%arg13 : memref<!tpu.dma_semaphore, #tpu.memory_space<semaphore_mem>>) src(%dma_wait3A_201 : memref<128x128xf32, #tpu.memory_space<vmem>>) dst(%dma_wait3A_197 : memref<128x128xf32, #tpu.memory_space<hbm>>)
    %dma_wait3A_202 = arith.constant 1 : i32
    %dma_wait3A_203 = arith.constant 0 : i32
    %dma_wait3A_204 = arith.constant 0 : i32
    %dma_wait3A_205 = tpu.memref_slice %arg9[%dma_wait3A_202, %dma_wait3A_203, %dma_wait3A_204] : memref<2x128x128xi32, #tpu.memory_space<vmem>> -> memref<1x128x128xi32, #tpu.memory_space<vmem>>
    %dma_wait3A_206 = tpu.memref_squeeze %dma_wait3A_205 : memref<1x128x128xi32, #tpu.memory_space<vmem>> -> memref<128x128xi32, #tpu.memory_space<vmem>>
    %dma_wait3A_207 = arith.constant 0 : i32
    %dma_wait3A_208 = tpu.memref_slice %arg6[%add3A_188, %dma_wait3A_207] : memref<65536x128xi32, #tpu.memory_space<hbm>> -> memref<128x128xi32, #tpu.memory_space<hbm>>
    %dma_wait3A_209 = arith.constant 0 : i32
    %dma_wait3A_210 = tpu.memref_slice %arg6[%add3A_188, %dma_wait3A_209] : memref<65536x128xi32, #tpu.memory_space<hbm>> -> memref<128x128xi32, #tpu.memory_space<hbm>>
    %dma_wait3A_211 = arith.constant 0 : i32
    %dma_wait3A_212 = arith.constant 0 : i32
    %dma_wait3A_213 = tpu.memref_slice %arg9[%dma_wait3A_202, %dma_wait3A_211, %dma_wait3A_212] : memref<2x128x128xi32, #tpu.memory_space<vmem>> -> memref<1x128x128xi32, #tpu.memory_space<vmem>>
    %dma_wait3A_214 = tpu.memref_squeeze %dma_wait3A_213 : memref<1x128x128xi32, #tpu.memory_space<vmem>> -> memref<128x128xi32, #tpu.memory_space<vmem>>
    tpu.wait_dma2 semaphore(%arg13 : memref<!tpu.dma_semaphore, #tpu.memory_space<semaphore_mem>>) src(%dma_wait3A_214 : memref<128x128xi32, #tpu.memory_space<vmem>>) dst(%dma_wait3A_210 : memref<128x128xi32, #tpu.memory_space<hbm>>)
    return
  }
}

#map = affine_map<(d0, d1) -> (0, 0)>
module attributes {stable_mosaic.version = 14 : i64} {
  func.func @gathk(%arg0: i32, %arg1: i32, %arg2: memref<512x128xi32, #tpu.memory_space<hbm>>, %arg3: memref<8192x128xf32, #tpu.memory_space<hbm>>, %arg4: memref<8192x128xi32, #tpu.memory_space<hbm>>, %arg5: memref<65536x128xf32, #tpu.memory_space<hbm>>, %arg6: memref<65536x128xi32, #tpu.memory_space<hbm>>, %arg7: memref<16x128xi32, #tpu.memory_space<vmem>>, %arg8: memref<2x128x128xf32, #tpu.memory_space<vmem>>, %arg9: memref<2x128x128xi32, #tpu.memory_space<vmem>>, %arg10: memref<!tpu.dma_semaphore, #tpu.memory_space<semaphore_mem>>, %arg11: memref<!tpu.dma_semaphore, #tpu.memory_space<semaphore_mem>>, %arg12: memref<!tpu.dma_semaphore, #tpu.memory_space<semaphore_mem>>, %arg13: memref<!tpu.dma_semaphore, #tpu.memory_space<semaphore_mem>>) attributes {dimension_semantics = [#tpu.dimension_semantics<core_parallel>, #tpu.dimension_semantics<subcore_parallel>], iteration_bounds = array<i64: 2, 16>, scalar_prefetch = 0 : i64, scratch_operands = 7 : i64, tpu.core_type = #tpu.core_type<sc_vector_subcore>, window_params = [{transform_indices = #map}, {transform_indices = #map}, {transform_indices = #map}, {transform_indices = #map}, {transform_indices = #map}]} {
    %mul3A = arith.constant 2 : i32
    %mul3A_0 = arith.muli %arg1, %mul3A : i32
    %add3A = arith.addi %mul3A_0, %arg0 : i32
    %mul3A_1 = arith.constant 2048 : i32
    %mul3A_2 = arith.muli %add3A, %mul3A_1 : i32
    %mul3A_3 = arith.constant 16 : i32
    %mul3A_4 = arith.muli %add3A, %mul3A_3 : i32
    "tpu.region"() ({
      %run_scoped3A = tpu.sem_alloc : memref<!tpu.dma_semaphore, #tpu.memory_space<semaphore_mem>>
      %dma_start3A_215 = arith.constant 0 : i32
      %dma_start3A_216 = tpu.memref_slice %arg2[%mul3A_4, %dma_start3A_215] : memref<512x128xi32, #tpu.memory_space<hbm>> -> memref<16x128xi32, #tpu.memory_space<hbm>>
      %dma_start3A_217 = arith.constant 0 : i32
      %dma_start3A_218 = tpu.memref_slice %arg2[%mul3A_4, %dma_start3A_217] : memref<512x128xi32, #tpu.memory_space<hbm>> -> memref<16x128xi32, #tpu.memory_space<hbm>>
      tpu.enqueue_dma source(%dma_start3A_218 : memref<16x128xi32, #tpu.memory_space<hbm>>) target(%arg7 : memref<16x128xi32, #tpu.memory_space<vmem>>) target_semaphore(%run_scoped3A : memref<!tpu.dma_semaphore, #tpu.memory_space<semaphore_mem>>)
      %dma_wait3A_219 = arith.constant 0 : i32
      %dma_wait3A_220 = tpu.memref_slice %arg2[%mul3A_4, %dma_wait3A_219] : memref<512x128xi32, #tpu.memory_space<hbm>> -> memref<16x128xi32, #tpu.memory_space<hbm>>
      %dma_wait3A_221 = arith.constant 0 : i32
      %dma_wait3A_222 = tpu.memref_slice %arg2[%mul3A_4, %dma_wait3A_221] : memref<512x128xi32, #tpu.memory_space<hbm>> -> memref<16x128xi32, #tpu.memory_space<hbm>>
      tpu.wait_dma2 semaphore(%run_scoped3A : memref<!tpu.dma_semaphore, #tpu.memory_space<semaphore_mem>>) src(%dma_wait3A_222 : memref<16x128xi32, #tpu.memory_space<hbm>>) dst(%arg7 : memref<16x128xi32, #tpu.memory_space<vmem>>)
      tpu.yield
    }) : () -> ()
    %dma_start3A = arith.constant 0 : i32
    %dma_start3A_5 = arith.constant 0 : i32
    %dma_start3A_6 = arith.constant 0 : i32
    %dma_start3A_7 = arith.constant 0 : i32
    %dma_start3A_8 = tpu.memref_slice %arg8[%dma_start3A_5, %dma_start3A_6, %dma_start3A_7] : memref<2x128x128xf32, #tpu.memory_space<vmem>> -> memref<1x128x128xf32, #tpu.memory_space<vmem>>
    %dma_start3A_9 = tpu.memref_squeeze %dma_start3A_8 : memref<1x128x128xf32, #tpu.memory_space<vmem>> -> memref<128x128xf32, #tpu.memory_space<vmem>>
    %dma_start3A_10 = arith.constant 0 : i32
    %dma_start3A_11 = tpu.memref_slice %arg7[%dma_start3A, %dma_start3A_10] : memref<16x128xi32, #tpu.memory_space<vmem>> -> memref<1x128xi32, #tpu.memory_space<vmem>>
    %dma_start3A_12 = tpu.memref_squeeze %dma_start3A_11 : memref<1x128xi32, #tpu.memory_space<vmem>> -> memref<128xi32, #tpu.memory_space<vmem>>
    %dma_start3A_13 = arith.constant 0 : i32
    %dma_start3A_14 = arith.constant 0 : i32
    %dma_start3A_15 = tpu.memref_slice %arg3[%dma_start3A_13, %dma_start3A_14] : memref<8192x128xf32, #tpu.memory_space<hbm>> -> memref<8192x128xf32, #tpu.memory_space<hbm>>
    tpu.enqueue_indirect_dma source(%dma_start3A_15 : memref<8192x128xf32, #tpu.memory_space<hbm>>) target(%dma_start3A_9 : memref<128x128xf32, #tpu.memory_space<vmem>>) offsets(%dma_start3A_12 : memref<128xi32, #tpu.memory_space<vmem>>) semaphore(%arg10 : memref<!tpu.dma_semaphore, #tpu.memory_space<semaphore_mem>>)
    %dma_start3A_16 = arith.constant 0 : i32
    %dma_start3A_17 = arith.constant 0 : i32
    %dma_start3A_18 = arith.constant 0 : i32
    %dma_start3A_19 = arith.constant 0 : i32
    %dma_start3A_20 = tpu.memref_slice %arg9[%dma_start3A_17, %dma_start3A_18, %dma_start3A_19] : memref<2x128x128xi32, #tpu.memory_space<vmem>> -> memref<1x128x128xi32, #tpu.memory_space<vmem>>
    %dma_start3A_21 = tpu.memref_squeeze %dma_start3A_20 : memref<1x128x128xi32, #tpu.memory_space<vmem>> -> memref<128x128xi32, #tpu.memory_space<vmem>>
    %dma_start3A_22 = arith.constant 0 : i32
    %dma_start3A_23 = tpu.memref_slice %arg7[%dma_start3A_16, %dma_start3A_22] : memref<16x128xi32, #tpu.memory_space<vmem>> -> memref<1x128xi32, #tpu.memory_space<vmem>>
    %dma_start3A_24 = tpu.memref_squeeze %dma_start3A_23 : memref<1x128xi32, #tpu.memory_space<vmem>> -> memref<128xi32, #tpu.memory_space<vmem>>
    %dma_start3A_25 = arith.constant 0 : i32
    %dma_start3A_26 = arith.constant 0 : i32
    %dma_start3A_27 = tpu.memref_slice %arg4[%dma_start3A_25, %dma_start3A_26] : memref<8192x128xi32, #tpu.memory_space<hbm>> -> memref<8192x128xi32, #tpu.memory_space<hbm>>
    tpu.enqueue_indirect_dma source(%dma_start3A_27 : memref<8192x128xi32, #tpu.memory_space<hbm>>) target(%dma_start3A_21 : memref<128x128xi32, #tpu.memory_space<vmem>>) offsets(%dma_start3A_24 : memref<128xi32, #tpu.memory_space<vmem>>) semaphore(%arg10 : memref<!tpu.dma_semaphore, #tpu.memory_space<semaphore_mem>>)
    %dma_wait3A = arith.constant 0 : i32
    %dma_wait3A_28 = arith.constant 0 : i32
    %dma_wait3A_29 = arith.constant 0 : i32
    %dma_wait3A_30 = arith.constant 0 : i32
    %dma_wait3A_31 = tpu.memref_slice %arg8[%dma_wait3A_28, %dma_wait3A_29, %dma_wait3A_30] : memref<2x128x128xf32, #tpu.memory_space<vmem>> -> memref<1x128x128xf32, #tpu.memory_space<vmem>>
    %dma_wait3A_32 = tpu.memref_squeeze %dma_wait3A_31 : memref<1x128x128xf32, #tpu.memory_space<vmem>> -> memref<128x128xf32, #tpu.memory_space<vmem>>
    %dma_wait3A_33 = arith.constant 0 : i32
    %dma_wait3A_34 = tpu.memref_slice %arg7[%dma_wait3A, %dma_wait3A_33] : memref<16x128xi32, #tpu.memory_space<vmem>> -> memref<1x128xi32, #tpu.memory_space<vmem>>
    %dma_wait3A_35 = tpu.memref_squeeze %dma_wait3A_34 : memref<1x128xi32, #tpu.memory_space<vmem>> -> memref<128xi32, #tpu.memory_space<vmem>>
    %dma_wait3A_36 = arith.constant 0 : i32
    %dma_wait3A_37 = arith.constant 0 : i32
    %dma_wait3A_38 = tpu.memref_slice %arg3[%dma_wait3A_36, %dma_wait3A_37] : memref<8192x128xf32, #tpu.memory_space<hbm>> -> memref<8192x128xf32, #tpu.memory_space<hbm>>
    tpu.wait_indirect_dma semaphore(%arg10 : memref<!tpu.dma_semaphore, #tpu.memory_space<semaphore_mem>>) src(%dma_wait3A_38 : memref<8192x128xf32, #tpu.memory_space<hbm>>) dst(%dma_wait3A_32 : memref<128x128xf32, #tpu.memory_space<vmem>>)
    %dma_wait3A_39 = arith.constant 0 : i32
    %dma_wait3A_40 = arith.constant 0 : i32
    %dma_wait3A_41 = arith.constant 0 : i32
    %dma_wait3A_42 = arith.constant 0 : i32
    %dma_wait3A_43 = tpu.memref_slice %arg9[%dma_wait3A_40, %dma_wait3A_41, %dma_wait3A_42] : memref<2x128x128xi32, #tpu.memory_space<vmem>> -> memref<1x128x128xi32, #tpu.memory_space<vmem>>
    %dma_wait3A_44 = tpu.memref_squeeze %dma_wait3A_43 : memref<1x128x128xi32, #tpu.memory_space<vmem>> -> memref<128x128xi32, #tpu.memory_space<vmem>>
    %dma_wait3A_45 = arith.constant 0 : i32
    %dma_wait3A_46 = tpu.memref_slice %arg7[%dma_wait3A_39, %dma_wait3A_45] : memref<16x128xi32, #tpu.memory_space<vmem>> -> memref<1x128xi32, #tpu.memory_space<vmem>>
    %dma_wait3A_47 = tpu.memref_squeeze %dma_wait3A_46 : memref<1x128xi32, #tpu.memory_space<vmem>> -> memref<128xi32, #tpu.memory_space<vmem>>
    %dma_wait3A_48 = arith.constant 0 : i32
    %dma_wait3A_49 = arith.constant 0 : i32
    %dma_wait3A_50 = tpu.memref_slice %arg4[%dma_wait3A_48, %dma_wait3A_49] : memref<8192x128xi32, #tpu.memory_space<hbm>> -> memref<8192x128xi32, #tpu.memory_space<hbm>>
    tpu.wait_indirect_dma semaphore(%arg10 : memref<!tpu.dma_semaphore, #tpu.memory_space<semaphore_mem>>) src(%dma_wait3A_50 : memref<8192x128xi32, #tpu.memory_space<hbm>>) dst(%dma_wait3A_44 : memref<128x128xi32, #tpu.memory_space<vmem>>)
    %add3A_51 = arith.constant 0 : i32
    %add3A_52 = arith.addi %mul3A_2, %add3A_51 : i32
    %dma_start3A_53 = arith.constant 0 : i32
    %dma_start3A_54 = arith.constant 0 : i32
    %dma_start3A_55 = arith.constant 0 : i32
    %dma_start3A_56 = tpu.memref_slice %arg8[%dma_start3A_53, %dma_start3A_54, %dma_start3A_55] : memref<2x128x128xf32, #tpu.memory_space<vmem>> -> memref<1x128x128xf32, #tpu.memory_space<vmem>>
    %dma_start3A_57 = tpu.memref_squeeze %dma_start3A_56 : memref<1x128x128xf32, #tpu.memory_space<vmem>> -> memref<128x128xf32, #tpu.memory_space<vmem>>
    %dma_start3A_58 = arith.constant 0 : i32
    %dma_start3A_59 = tpu.memref_slice %arg5[%add3A_52, %dma_start3A_58] : memref<65536x128xf32, #tpu.memory_space<hbm>> -> memref<128x128xf32, #tpu.memory_space<hbm>>
    %dma_start3A_60 = arith.constant 0 : i32
    %dma_start3A_61 = tpu.memref_slice %arg5[%add3A_52, %dma_start3A_60] : memref<65536x128xf32, #tpu.memory_space<hbm>> -> memref<128x128xf32, #tpu.memory_space<hbm>>
    %dma_start3A_62 = arith.constant 0 : i32
    %dma_start3A_63 = arith.constant 0 : i32
    %dma_start3A_64 = tpu.memref_slice %arg8[%dma_start3A_53, %dma_start3A_62, %dma_start3A_63] : memref<2x128x128xf32, #tpu.memory_space<vmem>> -> memref<1x128x128xf32, #tpu.memory_space<vmem>>
    %dma_start3A_65 = tpu.memref_squeeze %dma_start3A_64 : memref<1x128x128xf32, #tpu.memory_space<vmem>> -> memref<128x128xf32, #tpu.memory_space<vmem>>
    tpu.enqueue_dma source(%dma_start3A_65 : memref<128x128xf32, #tpu.memory_space<vmem>>) target(%dma_start3A_61 : memref<128x128xf32, #tpu.memory_space<hbm>>) target_semaphore(%arg12 : memref<!tpu.dma_semaphore, #tpu.memory_space<semaphore_mem>>)
    %dma_start3A_66 = arith.constant 0 : i32
    %dma_start3A_67 = arith.constant 0 : i32
    %dma_start3A_68 = arith.constant 0 : i32
    %dma_start3A_69 = tpu.memref_slice %arg9[%dma_start3A_66, %dma_start3A_67, %dma_start3A_68] : memref<2x128x128xi32, #tpu.memory_space<vmem>> -> memref<1x128x128xi32, #tpu.memory_space<vmem>>
    %dma_start3A_70 = tpu.memref_squeeze %dma_start3A_69 : memref<1x128x128xi32, #tpu.memory_space<vmem>> -> memref<128x128xi32, #tpu.memory_space<vmem>>
    %dma_start3A_71 = arith.constant 0 : i32
    %dma_start3A_72 = tpu.memref_slice %arg6[%add3A_52, %dma_start3A_71] : memref<65536x128xi32, #tpu.memory_space<hbm>> -> memref<128x128xi32, #tpu.memory_space<hbm>>
    %dma_start3A_73 = arith.constant 0 : i32
    %dma_start3A_74 = tpu.memref_slice %arg6[%add3A_52, %dma_start3A_73] : memref<65536x128xi32, #tpu.memory_space<hbm>> -> memref<128x128xi32, #tpu.memory_space<hbm>>
    %dma_start3A_75 = arith.constant 0 : i32
    %dma_start3A_76 = arith.constant 0 : i32
    %dma_start3A_77 = tpu.memref_slice %arg9[%dma_start3A_66, %dma_start3A_75, %dma_start3A_76] : memref<2x128x128xi32, #tpu.memory_space<vmem>> -> memref<1x128x128xi32, #tpu.memory_space<vmem>>
    %dma_start3A_78 = tpu.memref_squeeze %dma_start3A_77 : memref<1x128x128xi32, #tpu.memory_space<vmem>> -> memref<128x128xi32, #tpu.memory_space<vmem>>
    tpu.enqueue_dma source(%dma_start3A_78 : memref<128x128xi32, #tpu.memory_space<vmem>>) target(%dma_start3A_74 : memref<128x128xi32, #tpu.memory_space<hbm>>) target_semaphore(%arg12 : memref<!tpu.dma_semaphore, #tpu.memory_space<semaphore_mem>>)
    %dma_start3A_79 = arith.constant 1 : i32
    %dma_start3A_80 = arith.constant 1 : i32
    %dma_start3A_81 = arith.constant 0 : i32
    %dma_start3A_82 = arith.constant 0 : i32
    %dma_start3A_83 = tpu.memref_slice %arg8[%dma_start3A_80, %dma_start3A_81, %dma_start3A_82] : memref<2x128x128xf32, #tpu.memory_space<vmem>> -> memref<1x128x128xf32, #tpu.memory_space<vmem>>
    %dma_start3A_84 = tpu.memref_squeeze %dma_start3A_83 : memref<1x128x128xf32, #tpu.memory_space<vmem>> -> memref<128x128xf32, #tpu.memory_space<vmem>>
    %dma_start3A_85 = arith.constant 0 : i32
    %dma_start3A_86 = tpu.memref_slice %arg7[%dma_start3A_79, %dma_start3A_85] : memref<16x128xi32, #tpu.memory_space<vmem>> -> memref<1x128xi32, #tpu.memory_space<vmem>>
    %dma_start3A_87 = tpu.memref_squeeze %dma_start3A_86 : memref<1x128xi32, #tpu.memory_space<vmem>> -> memref<128xi32, #tpu.memory_space<vmem>>
    %dma_start3A_88 = arith.constant 0 : i32
    %dma_start3A_89 = arith.constant 0 : i32
    %dma_start3A_90 = tpu.memref_slice %arg3[%dma_start3A_88, %dma_start3A_89] : memref<8192x128xf32, #tpu.memory_space<hbm>> -> memref<8192x128xf32, #tpu.memory_space<hbm>>
    tpu.enqueue_indirect_dma source(%dma_start3A_90 : memref<8192x128xf32, #tpu.memory_space<hbm>>) target(%dma_start3A_84 : memref<128x128xf32, #tpu.memory_space<vmem>>) offsets(%dma_start3A_87 : memref<128xi32, #tpu.memory_space<vmem>>) semaphore(%arg11 : memref<!tpu.dma_semaphore, #tpu.memory_space<semaphore_mem>>)
    %dma_start3A_91 = arith.constant 1 : i32
    %dma_start3A_92 = arith.constant 1 : i32
    %dma_start3A_93 = arith.constant 0 : i32
    %dma_start3A_94 = arith.constant 0 : i32
    %dma_start3A_95 = tpu.memref_slice %arg9[%dma_start3A_92, %dma_start3A_93, %dma_start3A_94] : memref<2x128x128xi32, #tpu.memory_space<vmem>> -> memref<1x128x128xi32, #tpu.memory_space<vmem>>
    %dma_start3A_96 = tpu.memref_squeeze %dma_start3A_95 : memref<1x128x128xi32, #tpu.memory_space<vmem>> -> memref<128x128xi32, #tpu.memory_space<vmem>>
    %dma_start3A_97 = arith.constant 0 : i32
    %dma_start3A_98 = tpu.memref_slice %arg7[%dma_start3A_91, %dma_start3A_97] : memref<16x128xi32, #tpu.memory_space<vmem>> -> memref<1x128xi32, #tpu.memory_space<vmem>>
    %dma_start3A_99 = tpu.memref_squeeze %dma_start3A_98 : memref<1x128xi32, #tpu.memory_space<vmem>> -> memref<128xi32, #tpu.memory_space<vmem>>
    %dma_start3A_100 = arith.constant 0 : i32
    %dma_start3A_101 = arith.constant 0 : i32
    %dma_start3A_102 = tpu.memref_slice %arg4[%dma_start3A_100, %dma_start3A_101] : memref<8192x128xi32, #tpu.memory_space<hbm>> -> memref<8192x128xi32, #tpu.memory_space<hbm>>
    tpu.enqueue_indirect_dma source(%dma_start3A_102 : memref<8192x128xi32, #tpu.memory_space<hbm>>) target(%dma_start3A_96 : memref<128x128xi32, #tpu.memory_space<vmem>>) offsets(%dma_start3A_99 : memref<128xi32, #tpu.memory_space<vmem>>) semaphore(%arg11 : memref<!tpu.dma_semaphore, #tpu.memory_space<semaphore_mem>>)
    %scan3A = arith.constant 0 : i32
    %scan3A_103 = arith.constant 7 : i32
    %scan3A_104 = arith.addi %scan3A, %scan3A_103 : i32
    %scan3A_105 = arith.constant 1 : i32
    scf.for %scan3A_215 = %scan3A to %scan3A_104 step %scan3A_105  : i32 {
      %mul3A_216 = arith.constant 2 : i32
      %mul3A_217 = arith.muli %scan3A_215, %mul3A_216 : i32
      %add3A_218 = arith.constant 1 : i32
      %add3A_219 = arith.addi %add3A_218, %mul3A_217 : i32
      %add3A_220 = arith.constant 0 : i32
      %add3A_221 = arith.addi %add3A_219, %add3A_220 : i32
      %dma_wait3A_222 = arith.constant 1 : i32
      %dma_wait3A_223 = arith.constant 0 : i32
      %dma_wait3A_224 = arith.constant 0 : i32
      %dma_wait3A_225 = tpu.memref_slice %arg8[%dma_wait3A_222, %dma_wait3A_223, %dma_wait3A_224] : memref<2x128x128xf32, #tpu.memory_space<vmem>> -> memref<1x128x128xf32, #tpu.memory_space<vmem>>
      %dma_wait3A_226 = tpu.memref_squeeze %dma_wait3A_225 : memref<1x128x128xf32, #tpu.memory_space<vmem>> -> memref<128x128xf32, #tpu.memory_space<vmem>>
      %dma_wait3A_227 = arith.constant 0 : i32
      %dma_wait3A_228 = tpu.memref_slice %arg7[%add3A_221, %dma_wait3A_227] : memref<16x128xi32, #tpu.memory_space<vmem>> -> memref<1x128xi32, #tpu.memory_space<vmem>>
      %dma_wait3A_229 = tpu.memref_squeeze %dma_wait3A_228 : memref<1x128xi32, #tpu.memory_space<vmem>> -> memref<128xi32, #tpu.memory_space<vmem>>
      %dma_wait3A_230 = arith.constant 0 : i32
      %dma_wait3A_231 = arith.constant 0 : i32
      %dma_wait3A_232 = tpu.memref_slice %arg3[%dma_wait3A_230, %dma_wait3A_231] : memref<8192x128xf32, #tpu.memory_space<hbm>> -> memref<8192x128xf32, #tpu.memory_space<hbm>>
      tpu.wait_indirect_dma semaphore(%arg11 : memref<!tpu.dma_semaphore, #tpu.memory_space<semaphore_mem>>) src(%dma_wait3A_232 : memref<8192x128xf32, #tpu.memory_space<hbm>>) dst(%dma_wait3A_226 : memref<128x128xf32, #tpu.memory_space<vmem>>)
      %dma_wait3A_233 = arith.constant 1 : i32
      %dma_wait3A_234 = arith.constant 0 : i32
      %dma_wait3A_235 = arith.constant 0 : i32
      %dma_wait3A_236 = tpu.memref_slice %arg9[%dma_wait3A_233, %dma_wait3A_234, %dma_wait3A_235] : memref<2x128x128xi32, #tpu.memory_space<vmem>> -> memref<1x128x128xi32, #tpu.memory_space<vmem>>
      %dma_wait3A_237 = tpu.memref_squeeze %dma_wait3A_236 : memref<1x128x128xi32, #tpu.memory_space<vmem>> -> memref<128x128xi32, #tpu.memory_space<vmem>>
      %dma_wait3A_238 = arith.constant 0 : i32
      %dma_wait3A_239 = tpu.memref_slice %arg7[%add3A_221, %dma_wait3A_238] : memref<16x128xi32, #tpu.memory_space<vmem>> -> memref<1x128xi32, #tpu.memory_space<vmem>>
      %dma_wait3A_240 = tpu.memref_squeeze %dma_wait3A_239 : memref<1x128xi32, #tpu.memory_space<vmem>> -> memref<128xi32, #tpu.memory_space<vmem>>
      %dma_wait3A_241 = arith.constant 0 : i32
      %dma_wait3A_242 = arith.constant 0 : i32
      %dma_wait3A_243 = tpu.memref_slice %arg4[%dma_wait3A_241, %dma_wait3A_242] : memref<8192x128xi32, #tpu.memory_space<hbm>> -> memref<8192x128xi32, #tpu.memory_space<hbm>>
      tpu.wait_indirect_dma semaphore(%arg11 : memref<!tpu.dma_semaphore, #tpu.memory_space<semaphore_mem>>) src(%dma_wait3A_243 : memref<8192x128xi32, #tpu.memory_space<hbm>>) dst(%dma_wait3A_237 : memref<128x128xi32, #tpu.memory_space<vmem>>)
      %mul3A_244 = arith.constant 128 : i32
      %mul3A_245 = arith.muli %add3A_221, %mul3A_244 : i32
      %add3A_246 = arith.addi %mul3A_2, %mul3A_245 : i32
      %dma_start3A_247 = arith.constant 1 : i32
      %dma_start3A_248 = arith.constant 0 : i32
      %dma_start3A_249 = arith.constant 0 : i32
      %dma_start3A_250 = tpu.memref_slice %arg8[%dma_start3A_247, %dma_start3A_248, %dma_start3A_249] : memref<2x128x128xf32, #tpu.memory_space<vmem>> -> memref<1x128x128xf32, #tpu.memory_space<vmem>>
      %dma_start3A_251 = tpu.memref_squeeze %dma_start3A_250 : memref<1x128x128xf32, #tpu.memory_space<vmem>> -> memref<128x128xf32, #tpu.memory_space<vmem>>
      %dma_start3A_252 = arith.constant 0 : i32
      %dma_start3A_253 = tpu.memref_slice %arg5[%add3A_246, %dma_start3A_252] : memref<65536x128xf32, #tpu.memory_space<hbm>> -> memref<128x128xf32, #tpu.memory_space<hbm>>
      %dma_start3A_254 = arith.constant 0 : i32
      %dma_start3A_255 = tpu.memref_slice %arg5[%add3A_246, %dma_start3A_254] : memref<65536x128xf32, #tpu.memory_space<hbm>> -> memref<128x128xf32, #tpu.memory_space<hbm>>
      %dma_start3A_256 = arith.constant 0 : i32
      %dma_start3A_257 = arith.constant 0 : i32
      %dma_start3A_258 = tpu.memref_slice %arg8[%dma_start3A_247, %dma_start3A_256, %dma_start3A_257] : memref<2x128x128xf32, #tpu.memory_space<vmem>> -> memref<1x128x128xf32, #tpu.memory_space<vmem>>
      %dma_start3A_259 = tpu.memref_squeeze %dma_start3A_258 : memref<1x128x128xf32, #tpu.memory_space<vmem>> -> memref<128x128xf32, #tpu.memory_space<vmem>>
      tpu.enqueue_dma source(%dma_start3A_259 : memref<128x128xf32, #tpu.memory_space<vmem>>) target(%dma_start3A_255 : memref<128x128xf32, #tpu.memory_space<hbm>>) target_semaphore(%arg13 : memref<!tpu.dma_semaphore, #tpu.memory_space<semaphore_mem>>)
      %dma_start3A_260 = arith.constant 1 : i32
      %dma_start3A_261 = arith.constant 0 : i32
      %dma_start3A_262 = arith.constant 0 : i32
      %dma_start3A_263 = tpu.memref_slice %arg9[%dma_start3A_260, %dma_start3A_261, %dma_start3A_262] : memref<2x128x128xi32, #tpu.memory_space<vmem>> -> memref<1x128x128xi32, #tpu.memory_space<vmem>>
      %dma_start3A_264 = tpu.memref_squeeze %dma_start3A_263 : memref<1x128x128xi32, #tpu.memory_space<vmem>> -> memref<128x128xi32, #tpu.memory_space<vmem>>
      %dma_start3A_265 = arith.constant 0 : i32
      %dma_start3A_266 = tpu.memref_slice %arg6[%add3A_246, %dma_start3A_265] : memref<65536x128xi32, #tpu.memory_space<hbm>> -> memref<128x128xi32, #tpu.memory_space<hbm>>
      %dma_start3A_267 = arith.constant 0 : i32
      %dma_start3A_268 = tpu.memref_slice %arg6[%add3A_246, %dma_start3A_267] : memref<65536x128xi32, #tpu.memory_space<hbm>> -> memref<128x128xi32, #tpu.memory_space<hbm>>
      %dma_start3A_269 = arith.constant 0 : i32
      %dma_start3A_270 = arith.constant 0 : i32
      %dma_start3A_271 = tpu.memref_slice %arg9[%dma_start3A_260, %dma_start3A_269, %dma_start3A_270] : memref<2x128x128xi32, #tpu.memory_space<vmem>> -> memref<1x128x128xi32, #tpu.memory_space<vmem>>
      %dma_start3A_272 = tpu.memref_squeeze %dma_start3A_271 : memref<1x128x128xi32, #tpu.memory_space<vmem>> -> memref<128x128xi32, #tpu.memory_space<vmem>>
      tpu.enqueue_dma source(%dma_start3A_272 : memref<128x128xi32, #tpu.memory_space<vmem>>) target(%dma_start3A_268 : memref<128x128xi32, #tpu.memory_space<hbm>>) target_semaphore(%arg13 : memref<!tpu.dma_semaphore, #tpu.memory_space<semaphore_mem>>)
      %sub3A = arith.constant 1 : i32
      %sub3A_273 = arith.subi %add3A_221, %sub3A : i32
      %mul3A_274 = arith.constant 128 : i32
      %mul3A_275 = arith.muli %sub3A_273, %mul3A_274 : i32
      %add3A_276 = arith.addi %mul3A_2, %mul3A_275 : i32
      %dma_wait3A_277 = arith.constant 0 : i32
      %dma_wait3A_278 = arith.constant 0 : i32
      %dma_wait3A_279 = arith.constant 0 : i32
      %dma_wait3A_280 = tpu.memref_slice %arg8[%dma_wait3A_277, %dma_wait3A_278, %dma_wait3A_279] : memref<2x128x128xf32, #tpu.memory_space<vmem>> -> memref<1x128x128xf32, #tpu.memory_space<vmem>>
      %dma_wait3A_281 = tpu.memref_squeeze %dma_wait3A_280 : memref<1x128x128xf32, #tpu.memory_space<vmem>> -> memref<128x128xf32, #tpu.memory_space<vmem>>
      %dma_wait3A_282 = arith.constant 0 : i32
      %dma_wait3A_283 = tpu.memref_slice %arg5[%add3A_276, %dma_wait3A_282] : memref<65536x128xf32, #tpu.memory_space<hbm>> -> memref<128x128xf32, #tpu.memory_space<hbm>>
      %dma_wait3A_284 = arith.constant 0 : i32
      %dma_wait3A_285 = tpu.memref_slice %arg5[%add3A_276, %dma_wait3A_284] : memref<65536x128xf32, #tpu.memory_space<hbm>> -> memref<128x128xf32, #tpu.memory_space<hbm>>
      %dma_wait3A_286 = arith.constant 0 : i32
      %dma_wait3A_287 = arith.constant 0 : i32
      %dma_wait3A_288 = tpu.memref_slice %arg8[%dma_wait3A_277, %dma_wait3A_286, %dma_wait3A_287] : memref<2x128x128xf32, #tpu.memory_space<vmem>> -> memref<1x128x128xf32, #tpu.memory_space<vmem>>
      %dma_wait3A_289 = tpu.memref_squeeze %dma_wait3A_288 : memref<1x128x128xf32, #tpu.memory_space<vmem>> -> memref<128x128xf32, #tpu.memory_space<vmem>>
      tpu.wait_dma2 semaphore(%arg12 : memref<!tpu.dma_semaphore, #tpu.memory_space<semaphore_mem>>) src(%dma_wait3A_289 : memref<128x128xf32, #tpu.memory_space<vmem>>) dst(%dma_wait3A_285 : memref<128x128xf32, #tpu.memory_space<hbm>>)
      %dma_wait3A_290 = arith.constant 0 : i32
      %dma_wait3A_291 = arith.constant 0 : i32
      %dma_wait3A_292 = arith.constant 0 : i32
      %dma_wait3A_293 = tpu.memref_slice %arg9[%dma_wait3A_290, %dma_wait3A_291, %dma_wait3A_292] : memref<2x128x128xi32, #tpu.memory_space<vmem>> -> memref<1x128x128xi32, #tpu.memory_space<vmem>>
      %dma_wait3A_294 = tpu.memref_squeeze %dma_wait3A_293 : memref<1x128x128xi32, #tpu.memory_space<vmem>> -> memref<128x128xi32, #tpu.memory_space<vmem>>
      %dma_wait3A_295 = arith.constant 0 : i32
      %dma_wait3A_296 = tpu.memref_slice %arg6[%add3A_276, %dma_wait3A_295] : memref<65536x128xi32, #tpu.memory_space<hbm>> -> memref<128x128xi32, #tpu.memory_space<hbm>>
      %dma_wait3A_297 = arith.constant 0 : i32
      %dma_wait3A_298 = tpu.memref_slice %arg6[%add3A_276, %dma_wait3A_297] : memref<65536x128xi32, #tpu.memory_space<hbm>> -> memref<128x128xi32, #tpu.memory_space<hbm>>
      %dma_wait3A_299 = arith.constant 0 : i32
      %dma_wait3A_300 = arith.constant 0 : i32
      %dma_wait3A_301 = tpu.memref_slice %arg9[%dma_wait3A_290, %dma_wait3A_299, %dma_wait3A_300] : memref<2x128x128xi32, #tpu.memory_space<vmem>> -> memref<1x128x128xi32, #tpu.memory_space<vmem>>
      %dma_wait3A_302 = tpu.memref_squeeze %dma_wait3A_301 : memref<1x128x128xi32, #tpu.memory_space<vmem>> -> memref<128x128xi32, #tpu.memory_space<vmem>>
      tpu.wait_dma2 semaphore(%arg12 : memref<!tpu.dma_semaphore, #tpu.memory_space<semaphore_mem>>) src(%dma_wait3A_302 : memref<128x128xi32, #tpu.memory_space<vmem>>) dst(%dma_wait3A_298 : memref<128x128xi32, #tpu.memory_space<hbm>>)
      %add3A_303 = arith.constant 1 : i32
      %add3A_304 = arith.addi %add3A_221, %add3A_303 : i32
      %dma_start3A_305 = arith.constant 0 : i32
      %dma_start3A_306 = arith.constant 0 : i32
      %dma_start3A_307 = arith.constant 0 : i32
      %dma_start3A_308 = tpu.memref_slice %arg8[%dma_start3A_305, %dma_start3A_306, %dma_start3A_307] : memref<2x128x128xf32, #tpu.memory_space<vmem>> -> memref<1x128x128xf32, #tpu.memory_space<vmem>>
      %dma_start3A_309 = tpu.memref_squeeze %dma_start3A_308 : memref<1x128x128xf32, #tpu.memory_space<vmem>> -> memref<128x128xf32, #tpu.memory_space<vmem>>
      %dma_start3A_310 = arith.constant 0 : i32
      %dma_start3A_311 = tpu.memref_slice %arg7[%add3A_304, %dma_start3A_310] : memref<16x128xi32, #tpu.memory_space<vmem>> -> memref<1x128xi32, #tpu.memory_space<vmem>>
      %dma_start3A_312 = tpu.memref_squeeze %dma_start3A_311 : memref<1x128xi32, #tpu.memory_space<vmem>> -> memref<128xi32, #tpu.memory_space<vmem>>
      %dma_start3A_313 = arith.constant 0 : i32
      %dma_start3A_314 = arith.constant 0 : i32
      %dma_start3A_315 = tpu.memref_slice %arg3[%dma_start3A_313, %dma_start3A_314] : memref<8192x128xf32, #tpu.memory_space<hbm>> -> memref<8192x128xf32, #tpu.memory_space<hbm>>
      tpu.enqueue_indirect_dma source(%dma_start3A_315 : memref<8192x128xf32, #tpu.memory_space<hbm>>) target(%dma_start3A_309 : memref<128x128xf32, #tpu.memory_space<vmem>>) offsets(%dma_start3A_312 : memref<128xi32, #tpu.memory_space<vmem>>) semaphore(%arg10 : memref<!tpu.dma_semaphore, #tpu.memory_space<semaphore_mem>>)
      %dma_start3A_316 = arith.constant 0 : i32
      %dma_start3A_317 = arith.constant 0 : i32
      %dma_start3A_318 = arith.constant 0 : i32
      %dma_start3A_319 = tpu.memref_slice %arg9[%dma_start3A_316, %dma_start3A_317, %dma_start3A_318] : memref<2x128x128xi32, #tpu.memory_space<vmem>> -> memref<1x128x128xi32, #tpu.memory_space<vmem>>
      %dma_start3A_320 = tpu.memref_squeeze %dma_start3A_319 : memref<1x128x128xi32, #tpu.memory_space<vmem>> -> memref<128x128xi32, #tpu.memory_space<vmem>>
      %dma_start3A_321 = arith.constant 0 : i32
      %dma_start3A_322 = tpu.memref_slice %arg7[%add3A_304, %dma_start3A_321] : memref<16x128xi32, #tpu.memory_space<vmem>> -> memref<1x128xi32, #tpu.memory_space<vmem>>
      %dma_start3A_323 = tpu.memref_squeeze %dma_start3A_322 : memref<1x128xi32, #tpu.memory_space<vmem>> -> memref<128xi32, #tpu.memory_space<vmem>>
      %dma_start3A_324 = arith.constant 0 : i32
      %dma_start3A_325 = arith.constant 0 : i32
      %dma_start3A_326 = tpu.memref_slice %arg4[%dma_start3A_324, %dma_start3A_325] : memref<8192x128xi32, #tpu.memory_space<hbm>> -> memref<8192x128xi32, #tpu.memory_space<hbm>>
      tpu.enqueue_indirect_dma source(%dma_start3A_326 : memref<8192x128xi32, #tpu.memory_space<hbm>>) target(%dma_start3A_320 : memref<128x128xi32, #tpu.memory_space<vmem>>) offsets(%dma_start3A_323 : memref<128xi32, #tpu.memory_space<vmem>>) semaphore(%arg10 : memref<!tpu.dma_semaphore, #tpu.memory_space<semaphore_mem>>)
      %add3A_327 = arith.constant 1 : i32
      %add3A_328 = arith.addi %add3A_219, %add3A_327 : i32
      %dma_wait3A_329 = arith.constant 0 : i32
      %dma_wait3A_330 = arith.constant 0 : i32
      %dma_wait3A_331 = arith.constant 0 : i32
      %dma_wait3A_332 = tpu.memref_slice %arg8[%dma_wait3A_329, %dma_wait3A_330, %dma_wait3A_331] : memref<2x128x128xf32, #tpu.memory_space<vmem>> -> memref<1x128x128xf32, #tpu.memory_space<vmem>>
      %dma_wait3A_333 = tpu.memref_squeeze %dma_wait3A_332 : memref<1x128x128xf32, #tpu.memory_space<vmem>> -> memref<128x128xf32, #tpu.memory_space<vmem>>
      %dma_wait3A_334 = arith.constant 0 : i32
      %dma_wait3A_335 = tpu.memref_slice %arg7[%add3A_328, %dma_wait3A_334] : memref<16x128xi32, #tpu.memory_space<vmem>> -> memref<1x128xi32, #tpu.memory_space<vmem>>
      %dma_wait3A_336 = tpu.memref_squeeze %dma_wait3A_335 : memref<1x128xi32, #tpu.memory_space<vmem>> -> memref<128xi32, #tpu.memory_space<vmem>>
      %dma_wait3A_337 = arith.constant 0 : i32
      %dma_wait3A_338 = arith.constant 0 : i32
      %dma_wait3A_339 = tpu.memref_slice %arg3[%dma_wait3A_337, %dma_wait3A_338] : memref<8192x128xf32, #tpu.memory_space<hbm>> -> memref<8192x128xf32, #tpu.memory_space<hbm>>
      tpu.wait_indirect_dma semaphore(%arg10 : memref<!tpu.dma_semaphore, #tpu.memory_space<semaphore_mem>>) src(%dma_wait3A_339 : memref<8192x128xf32, #tpu.memory_space<hbm>>) dst(%dma_wait3A_333 : memref<128x128xf32, #tpu.memory_space<vmem>>)
      %dma_wait3A_340 = arith.constant 0 : i32
      %dma_wait3A_341 = arith.constant 0 : i32
      %dma_wait3A_342 = arith.constant 0 : i32
      %dma_wait3A_343 = tpu.memref_slice %arg9[%dma_wait3A_340, %dma_wait3A_341, %dma_wait3A_342] : memref<2x128x128xi32, #tpu.memory_space<vmem>> -> memref<1x128x128xi32, #tpu.memory_space<vmem>>
      %dma_wait3A_344 = tpu.memref_squeeze %dma_wait3A_343 : memref<1x128x128xi32, #tpu.memory_space<vmem>> -> memref<128x128xi32, #tpu.memory_space<vmem>>
      %dma_wait3A_345 = arith.constant 0 : i32
      %dma_wait3A_346 = tpu.memref_slice %arg7[%add3A_328, %dma_wait3A_345] : memref<16x128xi32, #tpu.memory_space<vmem>> -> memref<1x128xi32, #tpu.memory_space<vmem>>
      %dma_wait3A_347 = tpu.memref_squeeze %dma_wait3A_346 : memref<1x128xi32, #tpu.memory_space<vmem>> -> memref<128xi32, #tpu.memory_space<vmem>>
      %dma_wait3A_348 = arith.constant 0 : i32
      %dma_wait3A_349 = arith.constant 0 : i32
      %dma_wait3A_350 = tpu.memref_slice %arg4[%dma_wait3A_348, %dma_wait3A_349] : memref<8192x128xi32, #tpu.memory_space<hbm>> -> memref<8192x128xi32, #tpu.memory_space<hbm>>
      tpu.wait_indirect_dma semaphore(%arg10 : memref<!tpu.dma_semaphore, #tpu.memory_space<semaphore_mem>>) src(%dma_wait3A_350 : memref<8192x128xi32, #tpu.memory_space<hbm>>) dst(%dma_wait3A_344 : memref<128x128xi32, #tpu.memory_space<vmem>>)
      %mul3A_351 = arith.constant 128 : i32
      %mul3A_352 = arith.muli %add3A_328, %mul3A_351 : i32
      %add3A_353 = arith.addi %mul3A_2, %mul3A_352 : i32
      %dma_start3A_354 = arith.constant 0 : i32
      %dma_start3A_355 = arith.constant 0 : i32
      %dma_start3A_356 = arith.constant 0 : i32
      %dma_start3A_357 = tpu.memref_slice %arg8[%dma_start3A_354, %dma_start3A_355, %dma_start3A_356] : memref<2x128x128xf32, #tpu.memory_space<vmem>> -> memref<1x128x128xf32, #tpu.memory_space<vmem>>
      %dma_start3A_358 = tpu.memref_squeeze %dma_start3A_357 : memref<1x128x128xf32, #tpu.memory_space<vmem>> -> memref<128x128xf32, #tpu.memory_space<vmem>>
      %dma_start3A_359 = arith.constant 0 : i32
      %dma_start3A_360 = tpu.memref_slice %arg5[%add3A_353, %dma_start3A_359] : memref<65536x128xf32, #tpu.memory_space<hbm>> -> memref<128x128xf32, #tpu.memory_space<hbm>>
      %dma_start3A_361 = arith.constant 0 : i32
      %dma_start3A_362 = tpu.memref_slice %arg5[%add3A_353, %dma_start3A_361] : memref<65536x128xf32, #tpu.memory_space<hbm>> -> memref<128x128xf32, #tpu.memory_space<hbm>>
      %dma_start3A_363 = arith.constant 0 : i32
      %dma_start3A_364 = arith.constant 0 : i32
      %dma_start3A_365 = tpu.memref_slice %arg8[%dma_start3A_354, %dma_start3A_363, %dma_start3A_364] : memref<2x128x128xf32, #tpu.memory_space<vmem>> -> memref<1x128x128xf32, #tpu.memory_space<vmem>>
      %dma_start3A_366 = tpu.memref_squeeze %dma_start3A_365 : memref<1x128x128xf32, #tpu.memory_space<vmem>> -> memref<128x128xf32, #tpu.memory_space<vmem>>
      tpu.enqueue_dma source(%dma_start3A_366 : memref<128x128xf32, #tpu.memory_space<vmem>>) target(%dma_start3A_362 : memref<128x128xf32, #tpu.memory_space<hbm>>) target_semaphore(%arg12 : memref<!tpu.dma_semaphore, #tpu.memory_space<semaphore_mem>>)
      %dma_start3A_367 = arith.constant 0 : i32
      %dma_start3A_368 = arith.constant 0 : i32
      %dma_start3A_369 = arith.constant 0 : i32
      %dma_start3A_370 = tpu.memref_slice %arg9[%dma_start3A_367, %dma_start3A_368, %dma_start3A_369] : memref<2x128x128xi32, #tpu.memory_space<vmem>> -> memref<1x128x128xi32, #tpu.memory_space<vmem>>
      %dma_start3A_371 = tpu.memref_squeeze %dma_start3A_370 : memref<1x128x128xi32, #tpu.memory_space<vmem>> -> memref<128x128xi32, #tpu.memory_space<vmem>>
      %dma_start3A_372 = arith.constant 0 : i32
      %dma_start3A_373 = tpu.memref_slice %arg6[%add3A_353, %dma_start3A_372] : memref<65536x128xi32, #tpu.memory_space<hbm>> -> memref<128x128xi32, #tpu.memory_space<hbm>>
      %dma_start3A_374 = arith.constant 0 : i32
      %dma_start3A_375 = tpu.memref_slice %arg6[%add3A_353, %dma_start3A_374] : memref<65536x128xi32, #tpu.memory_space<hbm>> -> memref<128x128xi32, #tpu.memory_space<hbm>>
      %dma_start3A_376 = arith.constant 0 : i32
      %dma_start3A_377 = arith.constant 0 : i32
      %dma_start3A_378 = tpu.memref_slice %arg9[%dma_start3A_367, %dma_start3A_376, %dma_start3A_377] : memref<2x128x128xi32, #tpu.memory_space<vmem>> -> memref<1x128x128xi32, #tpu.memory_space<vmem>>
      %dma_start3A_379 = tpu.memref_squeeze %dma_start3A_378 : memref<1x128x128xi32, #tpu.memory_space<vmem>> -> memref<128x128xi32, #tpu.memory_space<vmem>>
      tpu.enqueue_dma source(%dma_start3A_379 : memref<128x128xi32, #tpu.memory_space<vmem>>) target(%dma_start3A_375 : memref<128x128xi32, #tpu.memory_space<hbm>>) target_semaphore(%arg12 : memref<!tpu.dma_semaphore, #tpu.memory_space<semaphore_mem>>)
      %sub3A_380 = arith.constant 1 : i32
      %sub3A_381 = arith.subi %add3A_328, %sub3A_380 : i32
      %mul3A_382 = arith.constant 128 : i32
      %mul3A_383 = arith.muli %sub3A_381, %mul3A_382 : i32
      %add3A_384 = arith.addi %mul3A_2, %mul3A_383 : i32
      %dma_wait3A_385 = arith.constant 1 : i32
      %dma_wait3A_386 = arith.constant 0 : i32
      %dma_wait3A_387 = arith.constant 0 : i32
      %dma_wait3A_388 = tpu.memref_slice %arg8[%dma_wait3A_385, %dma_wait3A_386, %dma_wait3A_387] : memref<2x128x128xf32, #tpu.memory_space<vmem>> -> memref<1x128x128xf32, #tpu.memory_space<vmem>>
      %dma_wait3A_389 = tpu.memref_squeeze %dma_wait3A_388 : memref<1x128x128xf32, #tpu.memory_space<vmem>> -> memref<128x128xf32, #tpu.memory_space<vmem>>
      %dma_wait3A_390 = arith.constant 0 : i32
      %dma_wait3A_391 = tpu.memref_slice %arg5[%add3A_384, %dma_wait3A_390] : memref<65536x128xf32, #tpu.memory_space<hbm>> -> memref<128x128xf32, #tpu.memory_space<hbm>>
      %dma_wait3A_392 = arith.constant 0 : i32
      %dma_wait3A_393 = tpu.memref_slice %arg5[%add3A_384, %dma_wait3A_392] : memref<65536x128xf32, #tpu.memory_space<hbm>> -> memref<128x128xf32, #tpu.memory_space<hbm>>
      %dma_wait3A_394 = arith.constant 0 : i32
      %dma_wait3A_395 = arith.constant 0 : i32
      %dma_wait3A_396 = tpu.memref_slice %arg8[%dma_wait3A_385, %dma_wait3A_394, %dma_wait3A_395] : memref<2x128x128xf32, #tpu.memory_space<vmem>> -> memref<1x128x128xf32, #tpu.memory_space<vmem>>
      %dma_wait3A_397 = tpu.memref_squeeze %dma_wait3A_396 : memref<1x128x128xf32, #tpu.memory_space<vmem>> -> memref<128x128xf32, #tpu.memory_space<vmem>>
      tpu.wait_dma2 semaphore(%arg13 : memref<!tpu.dma_semaphore, #tpu.memory_space<semaphore_mem>>) src(%dma_wait3A_397 : memref<128x128xf32, #tpu.memory_space<vmem>>) dst(%dma_wait3A_393 : memref<128x128xf32, #tpu.memory_space<hbm>>)
      %dma_wait3A_398 = arith.constant 1 : i32
      %dma_wait3A_399 = arith.constant 0 : i32
      %dma_wait3A_400 = arith.constant 0 : i32
      %dma_wait3A_401 = tpu.memref_slice %arg9[%dma_wait3A_398, %dma_wait3A_399, %dma_wait3A_400] : memref<2x128x128xi32, #tpu.memory_space<vmem>> -> memref<1x128x128xi32, #tpu.memory_space<vmem>>
      %dma_wait3A_402 = tpu.memref_squeeze %dma_wait3A_401 : memref<1x128x128xi32, #tpu.memory_space<vmem>> -> memref<128x128xi32, #tpu.memory_space<vmem>>
      %dma_wait3A_403 = arith.constant 0 : i32
      %dma_wait3A_404 = tpu.memref_slice %arg6[%add3A_384, %dma_wait3A_403] : memref<65536x128xi32, #tpu.memory_space<hbm>> -> memref<128x128xi32, #tpu.memory_space<hbm>>
      %dma_wait3A_405 = arith.constant 0 : i32
      %dma_wait3A_406 = tpu.memref_slice %arg6[%add3A_384, %dma_wait3A_405] : memref<65536x128xi32, #tpu.memory_space<hbm>> -> memref<128x128xi32, #tpu.memory_space<hbm>>
      %dma_wait3A_407 = arith.constant 0 : i32
      %dma_wait3A_408 = arith.constant 0 : i32
      %dma_wait3A_409 = tpu.memref_slice %arg9[%dma_wait3A_398, %dma_wait3A_407, %dma_wait3A_408] : memref<2x128x128xi32, #tpu.memory_space<vmem>> -> memref<1x128x128xi32, #tpu.memory_space<vmem>>
      %dma_wait3A_410 = tpu.memref_squeeze %dma_wait3A_409 : memref<1x128x128xi32, #tpu.memory_space<vmem>> -> memref<128x128xi32, #tpu.memory_space<vmem>>
      tpu.wait_dma2 semaphore(%arg13 : memref<!tpu.dma_semaphore, #tpu.memory_space<semaphore_mem>>) src(%dma_wait3A_410 : memref<128x128xi32, #tpu.memory_space<vmem>>) dst(%dma_wait3A_406 : memref<128x128xi32, #tpu.memory_space<hbm>>)
      %add3A_411 = arith.constant 1 : i32
      %add3A_412 = arith.addi %add3A_328, %add3A_411 : i32
      %dma_start3A_413 = arith.constant 1 : i32
      %dma_start3A_414 = arith.constant 0 : i32
      %dma_start3A_415 = arith.constant 0 : i32
      %dma_start3A_416 = tpu.memref_slice %arg8[%dma_start3A_413, %dma_start3A_414, %dma_start3A_415] : memref<2x128x128xf32, #tpu.memory_space<vmem>> -> memref<1x128x128xf32, #tpu.memory_space<vmem>>
      %dma_start3A_417 = tpu.memref_squeeze %dma_start3A_416 : memref<1x128x128xf32, #tpu.memory_space<vmem>> -> memref<128x128xf32, #tpu.memory_space<vmem>>
      %dma_start3A_418 = arith.constant 0 : i32
      %dma_start3A_419 = tpu.memref_slice %arg7[%add3A_412, %dma_start3A_418] : memref<16x128xi32, #tpu.memory_space<vmem>> -> memref<1x128xi32, #tpu.memory_space<vmem>>
      %dma_start3A_420 = tpu.memref_squeeze %dma_start3A_419 : memref<1x128xi32, #tpu.memory_space<vmem>> -> memref<128xi32, #tpu.memory_space<vmem>>
      %dma_start3A_421 = arith.constant 0 : i32
      %dma_start3A_422 = arith.constant 0 : i32
      %dma_start3A_423 = tpu.memref_slice %arg3[%dma_start3A_421, %dma_start3A_422] : memref<8192x128xf32, #tpu.memory_space<hbm>> -> memref<8192x128xf32, #tpu.memory_space<hbm>>
      tpu.enqueue_indirect_dma source(%dma_start3A_423 : memref<8192x128xf32, #tpu.memory_space<hbm>>) target(%dma_start3A_417 : memref<128x128xf32, #tpu.memory_space<vmem>>) offsets(%dma_start3A_420 : memref<128xi32, #tpu.memory_space<vmem>>) semaphore(%arg11 : memref<!tpu.dma_semaphore, #tpu.memory_space<semaphore_mem>>)
      %dma_start3A_424 = arith.constant 1 : i32
      %dma_start3A_425 = arith.constant 0 : i32
      %dma_start3A_426 = arith.constant 0 : i32
      %dma_start3A_427 = tpu.memref_slice %arg9[%dma_start3A_424, %dma_start3A_425, %dma_start3A_426] : memref<2x128x128xi32, #tpu.memory_space<vmem>> -> memref<1x128x128xi32, #tpu.memory_space<vmem>>
      %dma_start3A_428 = tpu.memref_squeeze %dma_start3A_427 : memref<1x128x128xi32, #tpu.memory_space<vmem>> -> memref<128x128xi32, #tpu.memory_space<vmem>>
      %dma_start3A_429 = arith.constant 0 : i32
      %dma_start3A_430 = tpu.memref_slice %arg7[%add3A_412, %dma_start3A_429] : memref<16x128xi32, #tpu.memory_space<vmem>> -> memref<1x128xi32, #tpu.memory_space<vmem>>
      %dma_start3A_431 = tpu.memref_squeeze %dma_start3A_430 : memref<1x128xi32, #tpu.memory_space<vmem>> -> memref<128xi32, #tpu.memory_space<vmem>>
      %dma_start3A_432 = arith.constant 0 : i32
      %dma_start3A_433 = arith.constant 0 : i32
      %dma_start3A_434 = tpu.memref_slice %arg4[%dma_start3A_432, %dma_start3A_433] : memref<8192x128xi32, #tpu.memory_space<hbm>> -> memref<8192x128xi32, #tpu.memory_space<hbm>>
      tpu.enqueue_indirect_dma source(%dma_start3A_434 : memref<8192x128xi32, #tpu.memory_space<hbm>>) target(%dma_start3A_428 : memref<128x128xi32, #tpu.memory_space<vmem>>) offsets(%dma_start3A_431 : memref<128xi32, #tpu.memory_space<vmem>>) semaphore(%arg11 : memref<!tpu.dma_semaphore, #tpu.memory_space<semaphore_mem>>)
    }
    %scan3A_106 = arith.constant 7 : i32
    %dma_wait3A_107 = arith.constant 15 : i32
    %dma_wait3A_108 = arith.constant 1 : i32
    %dma_wait3A_109 = arith.constant 0 : i32
    %dma_wait3A_110 = arith.constant 0 : i32
    %dma_wait3A_111 = tpu.memref_slice %arg8[%dma_wait3A_108, %dma_wait3A_109, %dma_wait3A_110] : memref<2x128x128xf32, #tpu.memory_space<vmem>> -> memref<1x128x128xf32, #tpu.memory_space<vmem>>
    %dma_wait3A_112 = tpu.memref_squeeze %dma_wait3A_111 : memref<1x128x128xf32, #tpu.memory_space<vmem>> -> memref<128x128xf32, #tpu.memory_space<vmem>>
    %dma_wait3A_113 = arith.constant 0 : i32
    %dma_wait3A_114 = tpu.memref_slice %arg7[%dma_wait3A_107, %dma_wait3A_113] : memref<16x128xi32, #tpu.memory_space<vmem>> -> memref<1x128xi32, #tpu.memory_space<vmem>>
    %dma_wait3A_115 = tpu.memref_squeeze %dma_wait3A_114 : memref<1x128xi32, #tpu.memory_space<vmem>> -> memref<128xi32, #tpu.memory_space<vmem>>
    %dma_wait3A_116 = arith.constant 0 : i32
    %dma_wait3A_117 = arith.constant 0 : i32
    %dma_wait3A_118 = tpu.memref_slice %arg3[%dma_wait3A_116, %dma_wait3A_117] : memref<8192x128xf32, #tpu.memory_space<hbm>> -> memref<8192x128xf32, #tpu.memory_space<hbm>>
    tpu.wait_indirect_dma semaphore(%arg11 : memref<!tpu.dma_semaphore, #tpu.memory_space<semaphore_mem>>) src(%dma_wait3A_118 : memref<8192x128xf32, #tpu.memory_space<hbm>>) dst(%dma_wait3A_112 : memref<128x128xf32, #tpu.memory_space<vmem>>)
    %dma_wait3A_119 = arith.constant 15 : i32
    %dma_wait3A_120 = arith.constant 1 : i32
    %dma_wait3A_121 = arith.constant 0 : i32
    %dma_wait3A_122 = arith.constant 0 : i32
    %dma_wait3A_123 = tpu.memref_slice %arg9[%dma_wait3A_120, %dma_wait3A_121, %dma_wait3A_122] : memref<2x128x128xi32, #tpu.memory_space<vmem>> -> memref<1x128x128xi32, #tpu.memory_space<vmem>>
    %dma_wait3A_124 = tpu.memref_squeeze %dma_wait3A_123 : memref<1x128x128xi32, #tpu.memory_space<vmem>> -> memref<128x128xi32, #tpu.memory_space<vmem>>
    %dma_wait3A_125 = arith.constant 0 : i32
    %dma_wait3A_126 = tpu.memref_slice %arg7[%dma_wait3A_119, %dma_wait3A_125] : memref<16x128xi32, #tpu.memory_space<vmem>> -> memref<1x128xi32, #tpu.memory_space<vmem>>
    %dma_wait3A_127 = tpu.memref_squeeze %dma_wait3A_126 : memref<1x128xi32, #tpu.memory_space<vmem>> -> memref<128xi32, #tpu.memory_space<vmem>>
    %dma_wait3A_128 = arith.constant 0 : i32
    %dma_wait3A_129 = arith.constant 0 : i32
    %dma_wait3A_130 = tpu.memref_slice %arg4[%dma_wait3A_128, %dma_wait3A_129] : memref<8192x128xi32, #tpu.memory_space<hbm>> -> memref<8192x128xi32, #tpu.memory_space<hbm>>
    tpu.wait_indirect_dma semaphore(%arg11 : memref<!tpu.dma_semaphore, #tpu.memory_space<semaphore_mem>>) src(%dma_wait3A_130 : memref<8192x128xi32, #tpu.memory_space<hbm>>) dst(%dma_wait3A_124 : memref<128x128xi32, #tpu.memory_space<vmem>>)
    %add3A_131 = arith.constant 1920 : i32
    %add3A_132 = arith.addi %mul3A_2, %add3A_131 : i32
    %dma_start3A_133 = arith.constant 1 : i32
    %dma_start3A_134 = arith.constant 0 : i32
    %dma_start3A_135 = arith.constant 0 : i32
    %dma_start3A_136 = tpu.memref_slice %arg8[%dma_start3A_133, %dma_start3A_134, %dma_start3A_135] : memref<2x128x128xf32, #tpu.memory_space<vmem>> -> memref<1x128x128xf32, #tpu.memory_space<vmem>>
    %dma_start3A_137 = tpu.memref_squeeze %dma_start3A_136 : memref<1x128x128xf32, #tpu.memory_space<vmem>> -> memref<128x128xf32, #tpu.memory_space<vmem>>
    %dma_start3A_138 = arith.constant 0 : i32
    %dma_start3A_139 = tpu.memref_slice %arg5[%add3A_132, %dma_start3A_138] : memref<65536x128xf32, #tpu.memory_space<hbm>> -> memref<128x128xf32, #tpu.memory_space<hbm>>
    %dma_start3A_140 = arith.constant 0 : i32
    %dma_start3A_141 = tpu.memref_slice %arg5[%add3A_132, %dma_start3A_140] : memref<65536x128xf32, #tpu.memory_space<hbm>> -> memref<128x128xf32, #tpu.memory_space<hbm>>
    %dma_start3A_142 = arith.constant 0 : i32
    %dma_start3A_143 = arith.constant 0 : i32
    %dma_start3A_144 = tpu.memref_slice %arg8[%dma_start3A_133, %dma_start3A_142, %dma_start3A_143] : memref<2x128x128xf32, #tpu.memory_space<vmem>> -> memref<1x128x128xf32, #tpu.memory_space<vmem>>
    %dma_start3A_145 = tpu.memref_squeeze %dma_start3A_144 : memref<1x128x128xf32, #tpu.memory_space<vmem>> -> memref<128x128xf32, #tpu.memory_space<vmem>>
    tpu.enqueue_dma source(%dma_start3A_145 : memref<128x128xf32, #tpu.memory_space<vmem>>) target(%dma_start3A_141 : memref<128x128xf32, #tpu.memory_space<hbm>>) target_semaphore(%arg13 : memref<!tpu.dma_semaphore, #tpu.memory_space<semaphore_mem>>)
    %dma_start3A_146 = arith.constant 1 : i32
    %dma_start3A_147 = arith.constant 0 : i32
    %dma_start3A_148 = arith.constant 0 : i32
    %dma_start3A_149 = tpu.memref_slice %arg9[%dma_start3A_146, %dma_start3A_147, %dma_start3A_148] : memref<2x128x128xi32, #tpu.memory_space<vmem>> -> memref<1x128x128xi32, #tpu.memory_space<vmem>>
    %dma_start3A_150 = tpu.memref_squeeze %dma_start3A_149 : memref<1x128x128xi32, #tpu.memory_space<vmem>> -> memref<128x128xi32, #tpu.memory_space<vmem>>
    %dma_start3A_151 = arith.constant 0 : i32
    %dma_start3A_152 = tpu.memref_slice %arg6[%add3A_132, %dma_start3A_151] : memref<65536x128xi32, #tpu.memory_space<hbm>> -> memref<128x128xi32, #tpu.memory_space<hbm>>
    %dma_start3A_153 = arith.constant 0 : i32
    %dma_start3A_154 = tpu.memref_slice %arg6[%add3A_132, %dma_start3A_153] : memref<65536x128xi32, #tpu.memory_space<hbm>> -> memref<128x128xi32, #tpu.memory_space<hbm>>
    %dma_start3A_155 = arith.constant 0 : i32
    %dma_start3A_156 = arith.constant 0 : i32
    %dma_start3A_157 = tpu.memref_slice %arg9[%dma_start3A_146, %dma_start3A_155, %dma_start3A_156] : memref<2x128x128xi32, #tpu.memory_space<vmem>> -> memref<1x128x128xi32, #tpu.memory_space<vmem>>
    %dma_start3A_158 = tpu.memref_squeeze %dma_start3A_157 : memref<1x128x128xi32, #tpu.memory_space<vmem>> -> memref<128x128xi32, #tpu.memory_space<vmem>>
    tpu.enqueue_dma source(%dma_start3A_158 : memref<128x128xi32, #tpu.memory_space<vmem>>) target(%dma_start3A_154 : memref<128x128xi32, #tpu.memory_space<hbm>>) target_semaphore(%arg13 : memref<!tpu.dma_semaphore, #tpu.memory_space<semaphore_mem>>)
    %add3A_159 = arith.constant 1792 : i32
    %add3A_160 = arith.addi %mul3A_2, %add3A_159 : i32
    %dma_wait3A_161 = arith.constant 0 : i32
    %dma_wait3A_162 = arith.constant 0 : i32
    %dma_wait3A_163 = arith.constant 0 : i32
    %dma_wait3A_164 = tpu.memref_slice %arg8[%dma_wait3A_161, %dma_wait3A_162, %dma_wait3A_163] : memref<2x128x128xf32, #tpu.memory_space<vmem>> -> memref<1x128x128xf32, #tpu.memory_space<vmem>>
    %dma_wait3A_165 = tpu.memref_squeeze %dma_wait3A_164 : memref<1x128x128xf32, #tpu.memory_space<vmem>> -> memref<128x128xf32, #tpu.memory_space<vmem>>
    %dma_wait3A_166 = arith.constant 0 : i32
    %dma_wait3A_167 = tpu.memref_slice %arg5[%add3A_160, %dma_wait3A_166] : memref<65536x128xf32, #tpu.memory_space<hbm>> -> memref<128x128xf32, #tpu.memory_space<hbm>>
    %dma_wait3A_168 = arith.constant 0 : i32
    %dma_wait3A_169 = tpu.memref_slice %arg5[%add3A_160, %dma_wait3A_168] : memref<65536x128xf32, #tpu.memory_space<hbm>> -> memref<128x128xf32, #tpu.memory_space<hbm>>
    %dma_wait3A_170 = arith.constant 0 : i32
    %dma_wait3A_171 = arith.constant 0 : i32
    %dma_wait3A_172 = tpu.memref_slice %arg8[%dma_wait3A_161, %dma_wait3A_170, %dma_wait3A_171] : memref<2x128x128xf32, #tpu.memory_space<vmem>> -> memref<1x128x128xf32, #tpu.memory_space<vmem>>
    %dma_wait3A_173 = tpu.memref_squeeze %dma_wait3A_172 : memref<1x128x128xf32, #tpu.memory_space<vmem>> -> memref<128x128xf32, #tpu.memory_space<vmem>>
    tpu.wait_dma2 semaphore(%arg12 : memref<!tpu.dma_semaphore, #tpu.memory_space<semaphore_mem>>) src(%dma_wait3A_173 : memref<128x128xf32, #tpu.memory_space<vmem>>) dst(%dma_wait3A_169 : memref<128x128xf32, #tpu.memory_space<hbm>>)
    %dma_wait3A_174 = arith.constant 0 : i32
    %dma_wait3A_175 = arith.constant 0 : i32
    %dma_wait3A_176 = arith.constant 0 : i32
    %dma_wait3A_177 = tpu.memref_slice %arg9[%dma_wait3A_174, %dma_wait3A_175, %dma_wait3A_176] : memref<2x128x128xi32, #tpu.memory_space<vmem>> -> memref<1x128x128xi32, #tpu.memory_space<vmem>>
    %dma_wait3A_178 = tpu.memref_squeeze %dma_wait3A_177 : memref<1x128x128xi32, #tpu.memory_space<vmem>> -> memref<128x128xi32, #tpu.memory_space<vmem>>
    %dma_wait3A_179 = arith.constant 0 : i32
    %dma_wait3A_180 = tpu.memref_slice %arg6[%add3A_160, %dma_wait3A_179] : memref<65536x128xi32, #tpu.memory_space<hbm>> -> memref<128x128xi32, #tpu.memory_space<hbm>>
    %dma_wait3A_181 = arith.constant 0 : i32
    %dma_wait3A_182 = tpu.memref_slice %arg6[%add3A_160, %dma_wait3A_181] : memref<65536x128xi32, #tpu.memory_space<hbm>> -> memref<128x128xi32, #tpu.memory_space<hbm>>
    %dma_wait3A_183 = arith.constant 0 : i32
    %dma_wait3A_184 = arith.constant 0 : i32
    %dma_wait3A_185 = tpu.memref_slice %arg9[%dma_wait3A_174, %dma_wait3A_183, %dma_wait3A_184] : memref<2x128x128xi32, #tpu.memory_space<vmem>> -> memref<1x128x128xi32, #tpu.memory_space<vmem>>
    %dma_wait3A_186 = tpu.memref_squeeze %dma_wait3A_185 : memref<1x128x128xi32, #tpu.memory_space<vmem>> -> memref<128x128xi32, #tpu.memory_space<vmem>>
    tpu.wait_dma2 semaphore(%arg12 : memref<!tpu.dma_semaphore, #tpu.memory_space<semaphore_mem>>) src(%dma_wait3A_186 : memref<128x128xi32, #tpu.memory_space<vmem>>) dst(%dma_wait3A_182 : memref<128x128xi32, #tpu.memory_space<hbm>>)
    %add3A_187 = arith.constant 1920 : i32
    %add3A_188 = arith.addi %mul3A_2, %add3A_187 : i32
    %dma_wait3A_189 = arith.constant 1 : i32
    %dma_wait3A_190 = arith.constant 0 : i32
    %dma_wait3A_191 = arith.constant 0 : i32
    %dma_wait3A_192 = tpu.memref_slice %arg8[%dma_wait3A_189, %dma_wait3A_190, %dma_wait3A_191] : memref<2x128x128xf32, #tpu.memory_space<vmem>> -> memref<1x128x128xf32, #tpu.memory_space<vmem>>
    %dma_wait3A_193 = tpu.memref_squeeze %dma_wait3A_192 : memref<1x128x128xf32, #tpu.memory_space<vmem>> -> memref<128x128xf32, #tpu.memory_space<vmem>>
    %dma_wait3A_194 = arith.constant 0 : i32
    %dma_wait3A_195 = tpu.memref_slice %arg5[%add3A_188, %dma_wait3A_194] : memref<65536x128xf32, #tpu.memory_space<hbm>> -> memref<128x128xf32, #tpu.memory_space<hbm>>
    %dma_wait3A_196 = arith.constant 0 : i32
    %dma_wait3A_197 = tpu.memref_slice %arg5[%add3A_188, %dma_wait3A_196] : memref<65536x128xf32, #tpu.memory_space<hbm>> -> memref<128x128xf32, #tpu.memory_space<hbm>>
    %dma_wait3A_198 = arith.constant 0 : i32
    %dma_wait3A_199 = arith.constant 0 : i32
    %dma_wait3A_200 = tpu.memref_slice %arg8[%dma_wait3A_189, %dma_wait3A_198, %dma_wait3A_199] : memref<2x128x128xf32, #tpu.memory_space<vmem>> -> memref<1x128x128xf32, #tpu.memory_space<vmem>>
    %dma_wait3A_201 = tpu.memref_squeeze %dma_wait3A_200 : memref<1x128x128xf32, #tpu.memory_space<vmem>> -> memref<128x128xf32, #tpu.memory_space<vmem>>
    tpu.wait_dma2 semaphore(%arg13 : memref<!tpu.dma_semaphore, #tpu.memory_space<semaphore_mem>>) src(%dma_wait3A_201 : memref<128x128xf32, #tpu.memory_space<vmem>>) dst(%dma_wait3A_197 : memref<128x128xf32, #tpu.memory_space<hbm>>)
    %dma_wait3A_202 = arith.constant 1 : i32
    %dma_wait3A_203 = arith.constant 0 : i32
    %dma_wait3A_204 = arith.constant 0 : i32
    %dma_wait3A_205 = tpu.memref_slice %arg9[%dma_wait3A_202, %dma_wait3A_203, %dma_wait3A_204] : memref<2x128x128xi32, #tpu.memory_space<vmem>> -> memref<1x128x128xi32, #tpu.memory_space<vmem>>
    %dma_wait3A_206 = tpu.memref_squeeze %dma_wait3A_205 : memref<1x128x128xi32, #tpu.memory_space<vmem>> -> memref<128x128xi32, #tpu.memory_space<vmem>>
    %dma_wait3A_207 = arith.constant 0 : i32
    %dma_wait3A_208 = tpu.memref_slice %arg6[%add3A_188, %dma_wait3A_207] : memref<65536x128xi32, #tpu.memory_space<hbm>> -> memref<128x128xi32, #tpu.memory_space<hbm>>
    %dma_wait3A_209 = arith.constant 0 : i32
    %dma_wait3A_210 = tpu.memref_slice %arg6[%add3A_188, %dma_wait3A_209] : memref<65536x128xi32, #tpu.memory_space<hbm>> -> memref<128x128xi32, #tpu.memory_space<hbm>>
    %dma_wait3A_211 = arith.constant 0 : i32
    %dma_wait3A_212 = arith.constant 0 : i32
    %dma_wait3A_213 = tpu.memref_slice %arg9[%dma_wait3A_202, %dma_wait3A_211, %dma_wait3A_212] : memref<2x128x128xi32, #tpu.memory_space<vmem>> -> memref<1x128x128xi32, #tpu.memory_space<vmem>>
    %dma_wait3A_214 = tpu.memref_squeeze %dma_wait3A_213 : memref<1x128x128xi32, #tpu.memory_space<vmem>> -> memref<128x128xi32, #tpu.memory_space<vmem>>
    tpu.wait_dma2 semaphore(%arg13 : memref<!tpu.dma_semaphore, #tpu.memory_space<semaphore_mem>>) src(%dma_wait3A_214 : memref<128x128xi32, #tpu.memory_space<vmem>>) dst(%dma_wait3A_210 : memref<128x128xi32, #tpu.memory_space<hbm>>)
    return
  }
}

module attributes {stable_mosaic.version = 14 : i64} {
  func.func @body(%arg0: i32, %arg1: i32, %arg2: memref<1x3x256xf32, #tpu.memory_space<vmem>>, %arg3: memref<1024x3xf32, #tpu.memory_space<vmem>>, %arg4: memref<16x256xi32, #tpu.memory_space<vmem>>) attributes {dimension_semantics = [#tpu.dimension_semantics<arbitrary>, #tpu.dimension_semantics<arbitrary>], iteration_bounds = array<i64: 4, 4>, scalar_prefetch = 0 : i64, scratch_operands = 0 : i64, tpu.core_type = #tpu.core_type<tc>, window_params = [{transform_indices = @transform_0, window_bounds = array<i64: 1, 3, 256>}, {transform_indices = @transform_1, window_bounds = array<i64: 1024, 3>}, {transform_indices = @transform_2, window_bounds = array<i64: 16, 256>}]} {
    %add3A = arith.constant 0 : i32
    %add3A_0 = arith.addi %add3A, %arg0 : i32
    %get3A = arith.constant 0 : index
    %get3A_1 = arith.constant 0 : index
    %get3A_2 = arith.constant 0 : index
    %get3A_3 = vector.load %arg2[%get3A, %get3A_1, %get3A_2] : memref<1x3x256xf32, #tpu.memory_space<vmem>>, vector<1x3x256xf32>
    %get3A_4 = vector.shape_cast %get3A_3 : vector<1x3x256xf32> to vector<3x256xf32>
    %get3A_5 = arith.constant 0 : index
    %get3A_6 = arith.constant 0 : index
    %get3A_7 = vector.load %arg3[%get3A_5, %get3A_6] : memref<1024x3xf32, #tpu.memory_space<vmem>>, vector<1024x3xf32>
    %dot_general3A = arith.constant dense<0.000000e+00> : vector<1024x256xf32>
    %dot_general3A_8 = tpu.matmul %get3A_7, %get3A_4, %dot_general3A {dimension_numbers = #tpu.dot_dimension_numbers<[1], [0], [0], [1], [0, 0, 1, 1], [], []>, precision = #tpu.contract_precision<fp32>, transpose_lhs_hint = false} : vector<1024x3xf32>, vector<3x256xf32>, vector<1024x256xf32> -> vector<1024x256xf32>
    %mul3A = arith.mulf %get3A_7, %get3A_7 : vector<1024x3xf32>
    %reduce_sum3A = arith.constant dense<0.000000e+00> : vector<1024xf32>
    %reduce_sum3A_9 = vector.multi_reduction <add>, %mul3A, %reduce_sum3A [1] : vector<1024x3xf32> to vector<1024xf32>
    %broadcast_in_dim3A = vector.shape_cast %reduce_sum3A_9 : vector<1024xf32> to vector<1024x1xf32>
    %mul3A_10 = arith.mulf %get3A_4, %get3A_4 : vector<3x256xf32>
    %reduce_sum3A_11 = arith.constant dense<0.000000e+00> : vector<256xf32>
    %reduce_sum3A_12 = vector.multi_reduction <add>, %mul3A_10, %reduce_sum3A_11 [0] : vector<3x256xf32> to vector<256xf32>
    %broadcast_in_dim3A_13 = vector.shape_cast %reduce_sum3A_12 : vector<256xf32> to vector<1x256xf32>
    %mul3A_14 = arith.constant -2.000000e+00 : f32
    %mul3A_15 = vector.broadcast %mul3A_14 : f32 to vector<1024x256xf32>
    %mul3A_16 = arith.mulf %mul3A_15, %dot_general3A_8 : vector<1024x256xf32>
    %add3A_17 = vector.broadcast %broadcast_in_dim3A_13 : vector<1x256xf32> to vector<1024x256xf32>
    %add3A_18 = arith.addf %mul3A_16, %add3A_17 : vector<1024x256xf32>
    %add3A_19 = vector.broadcast %broadcast_in_dim3A : vector<1024x1xf32> to vector<1024x256xf32>
    %add3A_20 = arith.addf %add3A_18, %add3A_19 : vector<1024x256xf32>
    %neg3A = arith.constant 0.000000e+00 : f32
    %neg3A_21 = vector.broadcast %neg3A : f32 to vector<1024x256xf32>
    %neg3A_22 = arith.subf %neg3A_21, %add3A_20 : vector<1024x256xf32>
    %iota3A = tpu.iota {dimensions = array<i32: 0>} : vector<1024x256xi32>
    %argmax3A = tpu.reduce_index %neg3A_22 {axis = 0 : i32, kind = #tpu.reduction_kind<arg_max>} : vector<1024x256xf32> -> vector<256xi32>
    %broadcast_in_dim3A_23 = vector.shape_cast %argmax3A : vector<256xi32> to vector<1x256xi32>
    %eq3A = vector.broadcast %broadcast_in_dim3A_23 : vector<1x256xi32> to vector<1024x256xi32>
    %eq3A_24 = arith.cmpi eq, %iota3A, %eq3A : vector<1024x256xi32>
    %jit3A = arith.constant -3.000000e+38 : f32
    %broadcast_in_dim3A_25 = vector.broadcast %jit3A : f32 to vector<1024x256xf32>
    %select_n3A = arith.select %eq3A_24, %broadcast_in_dim3A_25, %neg3A_22 : vector<1024x256xi1>, vector<1024x256xf32>
    %argmax3A_26 = tpu.reduce_index %select_n3A {axis = 0 : i32, kind = #tpu.reduction_kind<arg_max>} : vector<1024x256xf32> -> vector<256xi32>
    %broadcast_in_dim3A_27 = vector.shape_cast %argmax3A_26 : vector<256xi32> to vector<1x256xi32>
    %eq3A_28 = vector.broadcast %broadcast_in_dim3A_27 : vector<1x256xi32> to vector<1024x256xi32>
    %eq3A_29 = arith.cmpi eq, %iota3A, %eq3A_28 : vector<1024x256xi32>
    %jit3A_30 = arith.constant -3.000000e+38 : f32
    %broadcast_in_dim3A_31 = vector.broadcast %jit3A_30 : f32 to vector<1024x256xf32>
    %select_n3A_32 = arith.select %eq3A_29, %broadcast_in_dim3A_31, %select_n3A : vector<1024x256xi1>, vector<1024x256xf32>
    %argmax3A_33 = tpu.reduce_index %select_n3A_32 {axis = 0 : i32, kind = #tpu.reduction_kind<arg_max>} : vector<1024x256xf32> -> vector<256xi32>
    %broadcast_in_dim3A_34 = vector.shape_cast %argmax3A_33 : vector<256xi32> to vector<1x256xi32>
    %eq3A_35 = vector.broadcast %broadcast_in_dim3A_34 : vector<1x256xi32> to vector<1024x256xi32>
    %eq3A_36 = arith.cmpi eq, %iota3A, %eq3A_35 : vector<1024x256xi32>
    %jit3A_37 = arith.constant -3.000000e+38 : f32
    %broadcast_in_dim3A_38 = vector.broadcast %jit3A_37 : f32 to vector<1024x256xf32>
    %select_n3A_39 = arith.select %eq3A_36, %broadcast_in_dim3A_38, %select_n3A_32 : vector<1024x256xi1>, vector<1024x256xf32>
    %argmax3A_40 = tpu.reduce_index %select_n3A_39 {axis = 0 : i32, kind = #tpu.reduction_kind<arg_max>} : vector<1024x256xf32> -> vector<256xi32>
    %broadcast_in_dim3A_41 = vector.shape_cast %argmax3A_40 : vector<256xi32> to vector<1x256xi32>
    %eq3A_42 = vector.broadcast %broadcast_in_dim3A_41 : vector<1x256xi32> to vector<1024x256xi32>
    %eq3A_43 = arith.cmpi eq, %iota3A, %eq3A_42 : vector<1024x256xi32>
    %jit3A_44 = arith.constant -3.000000e+38 : f32
    %broadcast_in_dim3A_45 = vector.broadcast %jit3A_44 : f32 to vector<1024x256xf32>
    %select_n3A_46 = arith.select %eq3A_43, %broadcast_in_dim3A_45, %select_n3A_39 : vector<1024x256xi1>, vector<1024x256xf32>
    %argmax3A_47 = tpu.reduce_index %select_n3A_46 {axis = 0 : i32, kind = #tpu.reduction_kind<arg_max>} : vector<1024x256xf32> -> vector<256xi32>
    %broadcast_in_dim3A_48 = vector.shape_cast %argmax3A_47 : vector<256xi32> to vector<1x256xi32>
    %eq3A_49 = vector.broadcast %broadcast_in_dim3A_48 : vector<1x256xi32> to vector<1024x256xi32>
    %eq3A_50 = arith.cmpi eq, %iota3A, %eq3A_49 : vector<1024x256xi32>
    %jit3A_51 = arith.constant -3.000000e+38 : f32
    %broadcast_in_dim3A_52 = vector.broadcast %jit3A_51 : f32 to vector<1024x256xf32>
    %select_n3A_53 = arith.select %eq3A_50, %broadcast_in_dim3A_52, %select_n3A_46 : vector<1024x256xi1>, vector<1024x256xf32>
    %argmax3A_54 = tpu.reduce_index %select_n3A_53 {axis = 0 : i32, kind = #tpu.reduction_kind<arg_max>} : vector<1024x256xf32> -> vector<256xi32>
    %broadcast_in_dim3A_55 = vector.shape_cast %argmax3A_54 : vector<256xi32> to vector<1x256xi32>
    %eq3A_56 = vector.broadcast %broadcast_in_dim3A_55 : vector<1x256xi32> to vector<1024x256xi32>
    %eq3A_57 = arith.cmpi eq, %iota3A, %eq3A_56 : vector<1024x256xi32>
    %jit3A_58 = arith.constant -3.000000e+38 : f32
    %broadcast_in_dim3A_59 = vector.broadcast %jit3A_58 : f32 to vector<1024x256xf32>
    %select_n3A_60 = arith.select %eq3A_57, %broadcast_in_dim3A_59, %select_n3A_53 : vector<1024x256xi1>, vector<1024x256xf32>
    %argmax3A_61 = tpu.reduce_index %select_n3A_60 {axis = 0 : i32, kind = #tpu.reduction_kind<arg_max>} : vector<1024x256xf32> -> vector<256xi32>
    %broadcast_in_dim3A_62 = vector.shape_cast %argmax3A_61 : vector<256xi32> to vector<1x256xi32>
    %eq3A_63 = vector.broadcast %broadcast_in_dim3A_62 : vector<1x256xi32> to vector<1024x256xi32>
    %eq3A_64 = arith.cmpi eq, %iota3A, %eq3A_63 : vector<1024x256xi32>
    %jit3A_65 = arith.constant -3.000000e+38 : f32
    %broadcast_in_dim3A_66 = vector.broadcast %jit3A_65 : f32 to vector<1024x256xf32>
    %select_n3A_67 = arith.select %eq3A_64, %broadcast_in_dim3A_66, %select_n3A_60 : vector<1024x256xi1>, vector<1024x256xf32>
    %argmax3A_68 = tpu.reduce_index %select_n3A_67 {axis = 0 : i32, kind = #tpu.reduction_kind<arg_max>} : vector<1024x256xf32> -> vector<256xi32>
    %broadcast_in_dim3A_69 = vector.shape_cast %argmax3A_68 : vector<256xi32> to vector<1x256xi32>
    %eq3A_70 = vector.broadcast %broadcast_in_dim3A_69 : vector<1x256xi32> to vector<1024x256xi32>
    %eq3A_71 = arith.cmpi eq, %iota3A, %eq3A_70 : vector<1024x256xi32>
    %jit3A_72 = arith.constant -3.000000e+38 : f32
    %broadcast_in_dim3A_73 = vector.broadcast %jit3A_72 : f32 to vector<1024x256xf32>
    %select_n3A_74 = arith.select %eq3A_71, %broadcast_in_dim3A_73, %select_n3A_67 : vector<1024x256xi1>, vector<1024x256xf32>
    %argmax3A_75 = tpu.reduce_index %select_n3A_74 {axis = 0 : i32, kind = #tpu.reduction_kind<arg_max>} : vector<1024x256xf32> -> vector<256xi32>
    %broadcast_in_dim3A_76 = vector.shape_cast %argmax3A_75 : vector<256xi32> to vector<1x256xi32>
    %eq3A_77 = vector.broadcast %broadcast_in_dim3A_76 : vector<1x256xi32> to vector<1024x256xi32>
    %eq3A_78 = arith.cmpi eq, %iota3A, %eq3A_77 : vector<1024x256xi32>
    %jit3A_79 = arith.constant -3.000000e+38 : f32
    %broadcast_in_dim3A_80 = vector.broadcast %jit3A_79 : f32 to vector<1024x256xf32>
    %select_n3A_81 = arith.select %eq3A_78, %broadcast_in_dim3A_80, %select_n3A_74 : vector<1024x256xi1>, vector<1024x256xf32>
    %argmax3A_82 = tpu.reduce_index %select_n3A_81 {axis = 0 : i32, kind = #tpu.reduction_kind<arg_max>} : vector<1024x256xf32> -> vector<256xi32>
    %broadcast_in_dim3A_83 = vector.shape_cast %argmax3A_82 : vector<256xi32> to vector<1x256xi32>
    %eq3A_84 = vector.broadcast %broadcast_in_dim3A_83 : vector<1x256xi32> to vector<1024x256xi32>
    %eq3A_85 = arith.cmpi eq, %iota3A, %eq3A_84 : vector<1024x256xi32>
    %jit3A_86 = arith.constant -3.000000e+38 : f32
    %broadcast_in_dim3A_87 = vector.broadcast %jit3A_86 : f32 to vector<1024x256xf32>
    %select_n3A_88 = arith.select %eq3A_85, %broadcast_in_dim3A_87, %select_n3A_81 : vector<1024x256xi1>, vector<1024x256xf32>
    %argmax3A_89 = tpu.reduce_index %select_n3A_88 {axis = 0 : i32, kind = #tpu.reduction_kind<arg_max>} : vector<1024x256xf32> -> vector<256xi32>
    %broadcast_in_dim3A_90 = vector.shape_cast %argmax3A_89 : vector<256xi32> to vector<1x256xi32>
    %eq3A_91 = vector.broadcast %broadcast_in_dim3A_90 : vector<1x256xi32> to vector<1024x256xi32>
    %eq3A_92 = arith.cmpi eq, %iota3A, %eq3A_91 : vector<1024x256xi32>
    %jit3A_93 = arith.constant -3.000000e+38 : f32
    %broadcast_in_dim3A_94 = vector.broadcast %jit3A_93 : f32 to vector<1024x256xf32>
    %select_n3A_95 = arith.select %eq3A_92, %broadcast_in_dim3A_94, %select_n3A_88 : vector<1024x256xi1>, vector<1024x256xf32>
    %argmax3A_96 = tpu.reduce_index %select_n3A_95 {axis = 0 : i32, kind = #tpu.reduction_kind<arg_max>} : vector<1024x256xf32> -> vector<256xi32>
    %broadcast_in_dim3A_97 = vector.shape_cast %argmax3A_96 : vector<256xi32> to vector<1x256xi32>
    %eq3A_98 = vector.broadcast %broadcast_in_dim3A_97 : vector<1x256xi32> to vector<1024x256xi32>
    %eq3A_99 = arith.cmpi eq, %iota3A, %eq3A_98 : vector<1024x256xi32>
    %jit3A_100 = arith.constant -3.000000e+38 : f32
    %broadcast_in_dim3A_101 = vector.broadcast %jit3A_100 : f32 to vector<1024x256xf32>
    %select_n3A_102 = arith.select %eq3A_99, %broadcast_in_dim3A_101, %select_n3A_95 : vector<1024x256xi1>, vector<1024x256xf32>
    %argmax3A_103 = tpu.reduce_index %select_n3A_102 {axis = 0 : i32, kind = #tpu.reduction_kind<arg_max>} : vector<1024x256xf32> -> vector<256xi32>
    %broadcast_in_dim3A_104 = vector.shape_cast %argmax3A_103 : vector<256xi32> to vector<1x256xi32>
    %eq3A_105 = vector.broadcast %broadcast_in_dim3A_104 : vector<1x256xi32> to vector<1024x256xi32>
    %eq3A_106 = arith.cmpi eq, %iota3A, %eq3A_105 : vector<1024x256xi32>
    %jit3A_107 = arith.constant -3.000000e+38 : f32
    %broadcast_in_dim3A_108 = vector.broadcast %jit3A_107 : f32 to vector<1024x256xf32>
    %select_n3A_109 = arith.select %eq3A_106, %broadcast_in_dim3A_108, %select_n3A_102 : vector<1024x256xi1>, vector<1024x256xf32>
    %argmax3A_110 = tpu.reduce_index %select_n3A_109 {axis = 0 : i32, kind = #tpu.reduction_kind<arg_max>} : vector<1024x256xf32> -> vector<256xi32>
    %broadcast_in_dim3A_111 = vector.shape_cast %argmax3A_110 : vector<256xi32> to vector<1x256xi32>
    %eq3A_112 = vector.broadcast %broadcast_in_dim3A_111 : vector<1x256xi32> to vector<1024x256xi32>
    %eq3A_113 = arith.cmpi eq, %iota3A, %eq3A_112 : vector<1024x256xi32>
    %jit3A_114 = arith.constant -3.000000e+38 : f32
    %broadcast_in_dim3A_115 = vector.broadcast %jit3A_114 : f32 to vector<1024x256xf32>
    %select_n3A_116 = arith.select %eq3A_113, %broadcast_in_dim3A_115, %select_n3A_109 : vector<1024x256xi1>, vector<1024x256xf32>
    %argmax3A_117 = tpu.reduce_index %select_n3A_116 {axis = 0 : i32, kind = #tpu.reduction_kind<arg_max>} : vector<1024x256xf32> -> vector<256xi32>
    %broadcast_in_dim3A_118 = vector.shape_cast %argmax3A_117 : vector<256xi32> to vector<1x256xi32>
    %eq3A_119 = vector.broadcast %broadcast_in_dim3A_118 : vector<1x256xi32> to vector<1024x256xi32>
    %eq3A_120 = arith.cmpi eq, %iota3A, %eq3A_119 : vector<1024x256xi32>
    %jit3A_121 = arith.constant -3.000000e+38 : f32
    %broadcast_in_dim3A_122 = vector.broadcast %jit3A_121 : f32 to vector<1024x256xf32>
    %select_n3A_123 = arith.select %eq3A_120, %broadcast_in_dim3A_122, %select_n3A_116 : vector<1024x256xi1>, vector<1024x256xf32>
    %argmax3A_124 = tpu.reduce_index %select_n3A_123 {axis = 0 : i32, kind = #tpu.reduction_kind<arg_max>} : vector<1024x256xf32> -> vector<256xi32>
    %broadcast_in_dim3A_125 = vector.shape_cast %argmax3A_124 : vector<256xi32> to vector<1x256xi32>
    %concatenate3A = tpu.concatenate %broadcast_in_dim3A_23, %broadcast_in_dim3A_27, %broadcast_in_dim3A_34, %broadcast_in_dim3A_41, %broadcast_in_dim3A_48, %broadcast_in_dim3A_55, %broadcast_in_dim3A_62, %broadcast_in_dim3A_69, %broadcast_in_dim3A_76, %broadcast_in_dim3A_83, %broadcast_in_dim3A_90, %broadcast_in_dim3A_97, %broadcast_in_dim3A_104, %broadcast_in_dim3A_111, %broadcast_in_dim3A_118, %broadcast_in_dim3A_125 in 0 : vector<1x256xi32>, vector<1x256xi32>, vector<1x256xi32>, vector<1x256xi32>, vector<1x256xi32>, vector<1x256xi32>, vector<1x256xi32>, vector<1x256xi32>, vector<1x256xi32>, vector<1x256xi32>, vector<1x256xi32>, vector<1x256xi32>, vector<1x256xi32>, vector<1x256xi32>, vector<1x256xi32>, vector<1x256xi32> -> vector<16x256xi32>
    %mul3A_126 = arith.constant 1024 : i32
    %mul3A_127 = arith.muli %add3A_0, %mul3A_126 : i32
    %add3A_128 = vector.broadcast %mul3A_127 : i32 to vector<16x256xi32>
    %add3A_129 = arith.addi %concatenate3A, %add3A_128 : vector<16x256xi32>
    %swap3A = arith.constant 0 : index
    %swap3A_130 = arith.constant 0 : index
    %swap3A_131 = vector.load %arg4[%swap3A, %swap3A_130] : memref<16x256xi32, #tpu.memory_space<vmem>>, vector<16x256xi32>
    tpu.vector_store %arg4[%swap3A, %swap3A_130], %add3A_129 {strides = array<i32>} : memref<16x256xi32, #tpu.memory_space<vmem>>, vector<16x256xi32>,
    return
  }
  func.func @transform_0(%arg0: i32, %arg1: i32) -> (i32, i32, i32) {
    %add3A = arith.constant 0 : i32
    %add3A_0 = arith.addi %add3A, %arg0 : i32
    %c0_i32 = arith.constant 0 : i32
    %c0_i32_1 = arith.constant 0 : i32
    return %add3A_0, %c0_i32, %arg1 : i32, i32, i32
  }
  func.func @transform_1(%arg0: i32, %arg1: i32) -> (i32, i32) {
    %add3A = arith.constant 0 : i32
    %add3A_0 = arith.addi %add3A, %arg0 : i32
    %c0_i32 = arith.constant 0 : i32
    %c0_i32_1 = arith.constant 0 : i32
    return %add3A_0, %c0_i32 : i32, i32
  }
  func.func @transform_2(%arg0: i32, %arg1: i32) -> (i32, i32) {
    %mul3A = arith.constant 4 : i32
    %mul3A_0 = arith.muli %arg0, %mul3A : i32
    %add3A = arith.addi %mul3A_0, %arg1 : i32
    %c0_i32 = arith.constant 0 : i32
    %c0_i32_1 = arith.constant 0 : i32
    return %c0_i32, %add3A : i32, i32
  }
}

module attributes {stable_mosaic.version = 14 : i64} {
  func.func @_proj_body(%arg0: i32, %arg1: memref<512x256xf32, #tpu.memory_space<vmem>>, %arg2: memref<512x3xf32, #tpu.memory_space<vmem>>, %arg3: memref<256x64xf32, #tpu.memory_space<vmem>>, %arg4: memref<256x64xf32, #tpu.memory_space<vmem>>, %arg5: memref<3x64xf32, #tpu.memory_space<vmem>>, %arg6: memref<256x256xf32, #tpu.memory_space<vmem>>, %arg7: memref<3x256xf32, #tpu.memory_space<vmem>>, %arg8: memref<1x64xf32, #tpu.memory_space<vmem>>, %arg9: memref<1x256xf32, #tpu.memory_space<vmem>>, %arg10: memref<512x128xf32, #tpu.memory_space<vmem>>, %arg11: memref<512x64xf32, #tpu.memory_space<vmem>>, %arg12: memref<512x128xi32, #tpu.memory_space<vmem>>, %arg13: memref<512x256xf32, #tpu.memory_space<vmem>>) attributes {dimension_semantics = [#tpu.dimension_semantics<arbitrary>], iteration_bounds = array<i64: 16>, scalar_prefetch = 0 : i64, scratch_operands = 0 : i64, tpu.core_type = #tpu.core_type<tc>, window_params = [{transform_indices = @transform_0, window_bounds = array<i64: 512, 256>}, {transform_indices = @transform_1, window_bounds = array<i64: 512, 3>}, {pipeline_mode = #tpu.pipeline_mode<synchronous>, transform_indices = @transform_2, window_bounds = array<i64: 256, 64>}, {pipeline_mode = #tpu.pipeline_mode<synchronous>, transform_indices = @transform_3, window_bounds = array<i64: 256, 64>}, {pipeline_mode = #tpu.pipeline_mode<synchronous>, transform_indices = @transform_4, window_bounds = array<i64: 3, 64>}, {pipeline_mode = #tpu.pipeline_mode<synchronous>, transform_indices = @transform_5, window_bounds = array<i64: 256, 256>}, {pipeline_mode = #tpu.pipeline_mode<synchronous>, transform_indices = @transform_6, window_bounds = array<i64: 3, 256>}, {pipeline_mode = #tpu.pipeline_mode<synchronous>, transform_indices = @transform_7, window_bounds = array<i64: 1, 64>}, {pipeline_mode = #tpu.pipeline_mode<synchronous>, transform_indices = @transform_8, window_bounds = array<i64: 1, 256>}, {transform_indices = @transform_9, window_bounds = array<i64: 512, 128>}, {transform_indices = @transform_10, window_bounds = array<i64: 512, 64>}, {transform_indices = @transform_11, window_bounds = array<i64: 512, 128>}, {transform_indices = @transform_12, window_bounds = array<i64: 512, 256>}]} {
    %get3A = arith.constant 0 : index
    %get3A_0 = arith.constant 0 : index
    %get3A_1 = vector.load %arg1[%get3A, %get3A_0] : memref<512x256xf32, #tpu.memory_space<vmem>>, vector<512x256xf32>
    %get3A_2 = arith.constant 0 : index
    %get3A_3 = arith.constant 0 : index
    %get3A_4 = vector.load %arg2[%get3A_2, %get3A_3] : memref<512x3xf32, #tpu.memory_space<vmem>>, vector<512x3xf32>
    %get3A_5 = arith.constant 0 : index
    %get3A_6 = arith.constant 0 : index
    %get3A_7 = vector.load %arg5[%get3A_5, %get3A_6] : memref<3x64xf32, #tpu.memory_space<vmem>>, vector<3x64xf32>
    %dot_general3A = arith.constant dense<0.000000e+00> : vector<512x64xf32>
    %dot_general3A_8 = tpu.matmul %get3A_4, %get3A_7, %dot_general3A {dimension_numbers = #tpu.dot_dimension_numbers<[1], [0], [0], [1], [0, 0, 1, 1], [], []>, precision = #tpu.contract_precision<fp32>, transpose_lhs_hint = false} : vector<512x3xf32>, vector<3x64xf32>, vector<512x64xf32> -> vector<512x64xf32>
    %get3A_9 = arith.constant 0 : index
    %get3A_10 = arith.constant 0 : index
    %get3A_11 = vector.load %arg7[%get3A_9, %get3A_10] : memref<3x256xf32, #tpu.memory_space<vmem>>, vector<3x256xf32>
    %dot_general3A_12 = arith.constant dense<0.000000e+00> : vector<512x256xf32>
    %dot_general3A_13 = tpu.matmul %get3A_4, %get3A_11, %dot_general3A_12 {dimension_numbers = #tpu.dot_dimension_numbers<[1], [0], [0], [1], [0, 0, 1, 1], [], []>, precision = #tpu.contract_precision<fp32>, transpose_lhs_hint = false} : vector<512x3xf32>, vector<3x256xf32>, vector<512x256xf32> -> vector<512x256xf32>
    %get3A_14 = arith.constant 0 : index
    %get3A_15 = arith.constant 0 : index
    %get3A_16 = vector.load %arg4[%get3A_14, %get3A_15] : memref<256x64xf32, #tpu.memory_space<vmem>>, vector<256x64xf32>
    %dot_general3A_17 = arith.constant dense<0.000000e+00> : vector<512x64xf32>
    %dot_general3A_18 = tpu.matmul %get3A_1, %get3A_16, %dot_general3A_17 {dimension_numbers = #tpu.dot_dimension_numbers<[1], [0], [0], [1], [0, 0, 1, 1], [], []>, precision = #tpu.contract_precision<fp32>, transpose_lhs_hint = false} : vector<512x256xf32>, vector<256x64xf32>, vector<512x64xf32> -> vector<512x64xf32>
    %add3A = arith.addf %dot_general3A_18, %dot_general3A_8 : vector<512x64xf32>
    %broadcast_in_dim3A = arith.constant 0.000000e+00 : f32
    %broadcast_in_dim3A_19 = vector.broadcast %broadcast_in_dim3A : f32 to vector<512x64xf32>
    %concatenate3A = tpu.concatenate %add3A, %broadcast_in_dim3A_19 in 1 : vector<512x64xf32>, vector<512x64xf32> -> vector<512x128xf32>
    %swap3A = arith.constant 0 : index
    %swap3A_20 = arith.constant 0 : index
    %swap3A_21 = vector.load %arg10[%swap3A, %swap3A_20] : memref<512x128xf32, #tpu.memory_space<vmem>>, vector<512x128xf32>
    tpu.vector_store %arg10[%swap3A, %swap3A_20], %concatenate3A {strides = array<i32>} : memref<512x128xf32, #tpu.memory_space<vmem>>, vector<512x128xf32>,
    %get3A_22 = arith.constant 0 : index
    %get3A_23 = arith.constant 0 : index
    %get3A_24 = vector.load %arg3[%get3A_22, %get3A_23] : memref<256x64xf32, #tpu.memory_space<vmem>>, vector<256x64xf32>
    %dot_general3A_25 = arith.constant dense<0.000000e+00> : vector<512x64xf32>
    %dot_general3A_26 = tpu.matmul %get3A_1, %get3A_24, %dot_general3A_25 {dimension_numbers = #tpu.dot_dimension_numbers<[1], [0], [0], [1], [0, 0, 1, 1], [], []>, precision = #tpu.contract_precision<fp32>, transpose_lhs_hint = false} : vector<512x256xf32>, vector<256x64xf32>, vector<512x64xf32> -> vector<512x64xf32>
    %sub3A = arith.subf %dot_general3A_26, %dot_general3A_8 : vector<512x64xf32>
    %get3A_27 = arith.constant 0 : index
    %get3A_28 = arith.constant 0 : index
    %get3A_29 = vector.load %arg8[%get3A_27, %get3A_28] : memref<1x64xf32, #tpu.memory_space<vmem>>, vector<1x64xf32>
    %add3A_30 = vector.broadcast %get3A_29 : vector<1x64xf32> to vector<512x64xf32>
    %add3A_31 = arith.addf %sub3A, %add3A_30 : vector<512x64xf32>
    %swap3A_32 = arith.constant 0 : index
    %swap3A_33 = arith.constant 0 : index
    %swap3A_34 = vector.load %arg11[%swap3A_32, %swap3A_33] : memref<512x64xf32, #tpu.memory_space<vmem>>, vector<512x64xf32>
    tpu.vector_store %arg11[%swap3A_32, %swap3A_33], %add3A_31 {strides = array<i32>} : memref<512x64xf32, #tpu.memory_space<vmem>>, vector<512x64xf32>,
    %get3A_35 = arith.constant 0 : index
    %get3A_36 = arith.constant 0 : index
    %get3A_37 = vector.load %arg6[%get3A_35, %get3A_36] : memref<256x256xf32, #tpu.memory_space<vmem>>, vector<256x256xf32>
    %dot_general3A_38 = arith.constant dense<0.000000e+00> : vector<512x256xf32>
    %dot_general3A_39 = tpu.matmul %get3A_1, %get3A_37, %dot_general3A_38 {dimension_numbers = #tpu.dot_dimension_numbers<[1], [0], [0], [1], [0, 0, 1, 1], [], []>, precision = #tpu.contract_precision<fp32>, transpose_lhs_hint = false} : vector<512x256xf32>, vector<256x256xf32>, vector<512x256xf32> -> vector<512x256xf32>
    %add3A_40 = arith.addf %dot_general3A_39, %dot_general3A_13 : vector<512x256xf32>
    %slice3A = vector.extract_strided_slice %add3A_40 {offsets = [0, 0], sizes = [512, 128], strides = [1, 1]} : vector<512x256xf32> to vector<512x128xf32>
    %convert_element_type3A = arith.truncf %slice3A : vector<512x128xf32> to vector<512x128xbf16>
    %bitcast_convert_type3A = tpu.bitcast %convert_element_type3A : vector<512x128xbf16> -> vector<512x128xi16>
    %convert_element_type3A_41 = arith.extui %bitcast_convert_type3A : vector<512x128xi16> to vector<512x128xi32>
    %slice3A_42 = vector.extract_strided_slice %add3A_40 {offsets = [0, 128], sizes = [512, 128], strides = [1, 1]} : vector<512x256xf32> to vector<512x128xf32>
    %convert_element_type3A_43 = arith.truncf %slice3A_42 : vector<512x128xf32> to vector<512x128xbf16>
    %bitcast_convert_type3A_44 = tpu.bitcast %convert_element_type3A_43 : vector<512x128xbf16> -> vector<512x128xi16>
    %convert_element_type3A_45 = arith.extui %bitcast_convert_type3A_44 : vector<512x128xi16> to vector<512x128xi32>
    %shift_left3A = arith.constant 16 : i32
    %shift_left3A_46 = vector.broadcast %shift_left3A : i32 to vector<512x128xi32>
    %shift_left3A_47 = arith.shli %convert_element_type3A_45, %shift_left3A_46 : vector<512x128xi32>
    %or3A = arith.ori %shift_left3A_47, %convert_element_type3A_41 : vector<512x128xi32>
    %swap3A_48 = arith.constant 0 : index
    %swap3A_49 = arith.constant 0 : index
    %swap3A_50 = vector.load %arg12[%swap3A_48, %swap3A_49] : memref<512x128xi32, #tpu.memory_space<vmem>>, vector<512x128xi32>
    tpu.vector_store %arg12[%swap3A_48, %swap3A_49], %or3A {strides = array<i32>} : memref<512x128xi32, #tpu.memory_space<vmem>>, vector<512x128xi32>,
    %get3A_51 = arith.constant 0 : index
    %get3A_52 = arith.constant 0 : index
    %get3A_53 = vector.load %arg9[%get3A_51, %get3A_52] : memref<1x256xf32, #tpu.memory_space<vmem>>, vector<1x256xf32>
    %sub3A_54 = vector.broadcast %get3A_53 : vector<1x256xf32> to vector<512x256xf32>
    %sub3A_55 = arith.subf %sub3A_54, %dot_general3A_13 : vector<512x256xf32>
    %swap3A_56 = arith.constant 0 : index
    %swap3A_57 = arith.constant 0 : index
    %swap3A_58 = vector.load %arg13[%swap3A_56, %swap3A_57] : memref<512x256xf32, #tpu.memory_space<vmem>>, vector<512x256xf32>
    tpu.vector_store %arg13[%swap3A_56, %swap3A_57], %sub3A_55 {strides = array<i32>} : memref<512x256xf32, #tpu.memory_space<vmem>>, vector<512x256xf32>,
    return
  }
  func.func @transform_0(%arg0: i32) -> (i32, i32) {
    %c0_i32 = arith.constant 0 : i32
    %c0_i32_0 = arith.constant 0 : i32
    return %arg0, %c0_i32 : i32, i32
  }
  func.func @transform_1(%arg0: i32) -> (i32, i32) {
    %c0_i32 = arith.constant 0 : i32
    %c0_i32_0 = arith.constant 0 : i32
    return %arg0, %c0_i32 : i32, i32
  }
  func.func @transform_2(%arg0: i32) -> (i32, i32) {
    %c0_i32 = arith.constant 0 : i32
    %c0_i32_0 = arith.constant 0 : i32
    %c0_i32_1 = arith.constant 0 : i32
    return %c0_i32, %c0_i32_0 : i32, i32
  }
  func.func @transform_3(%arg0: i32) -> (i32, i32) {
    %c0_i32 = arith.constant 0 : i32
    %c0_i32_0 = arith.constant 0 : i32
    %c0_i32_1 = arith.constant 0 : i32
    return %c0_i32, %c0_i32_0 : i32, i32
  }
  func.func @transform_4(%arg0: i32) -> (i32, i32) {
    %c0_i32 = arith.constant 0 : i32
    %c0_i32_0 = arith.constant 0 : i32
    %c0_i32_1 = arith.constant 0 : i32
    return %c0_i32, %c0_i32_0 : i32, i32
  }
  func.func @transform_5(%arg0: i32) -> (i32, i32) {
    %c0_i32 = arith.constant 0 : i32
    %c0_i32_0 = arith.constant 0 : i32
    %c0_i32_1 = arith.constant 0 : i32
    return %c0_i32, %c0_i32_0 : i32, i32
  }
  func.func @transform_6(%arg0: i32) -> (i32, i32) {
    %c0_i32 = arith.constant 0 : i32
    %c0_i32_0 = arith.constant 0 : i32
    %c0_i32_1 = arith.constant 0 : i32
    return %c0_i32, %c0_i32_0 : i32, i32
  }
  func.func @transform_7(%arg0: i32) -> (i32, i32) {
    %c0_i32 = arith.constant 0 : i32
    %c0_i32_0 = arith.constant 0 : i32
    %c0_i32_1 = arith.constant 0 : i32
    return %c0_i32, %c0_i32_0 : i32, i32
  }
  func.func @transform_8(%arg0: i32) -> (i32, i32) {
    %c0_i32 = arith.constant 0 : i32
    %c0_i32_0 = arith.constant 0 : i32
    %c0_i32_1 = arith.constant 0 : i32
    return %c0_i32, %c0_i32_0 : i32, i32
  }
  func.func @transform_9(%arg0: i32) -> (i32, i32) {
    %c0_i32 = arith.constant 0 : i32
    %c0_i32_0 = arith.constant 0 : i32
    return %arg0, %c0_i32 : i32, i32
  }
  func.func @transform_10(%arg0: i32) -> (i32, i32) {
    %c0_i32 = arith.constant 0 : i32
    %c0_i32_0 = arith.constant 0 : i32
    return %arg0, %c0_i32 : i32, i32
  }
  func.func @transform_11(%arg0: i32) -> (i32, i32) {
    %c0_i32 = arith.constant 0 : i32
    %c0_i32_0 = arith.constant 0 : i32
    return %arg0, %c0_i32 : i32, i32
  }
  func.func @transform_12(%arg0: i32) -> (i32, i32) {
    %c0_i32 = arith.constant 0 : i32
    %c0_i32_0 = arith.constant 0 : i32
    return %arg0, %c0_i32 : i32, i32
  }
}

module attributes {stable_mosaic.version = 14 : i64} {
  func.func @body(%arg0: i32, %arg1: i32, %arg2: memref<1x3x256xf32, #tpu.memory_space<vmem>>, %arg3: memref<1024x3xf32, #tpu.memory_space<vmem>>, %arg4: memref<16x256xi32, #tpu.memory_space<vmem>>) attributes {dimension_semantics = [#tpu.dimension_semantics<arbitrary>, #tpu.dimension_semantics<arbitrary>], iteration_bounds = array<i64: 4, 4>, scalar_prefetch = 0 : i64, scratch_operands = 0 : i64, tpu.core_type = #tpu.core_type<tc>, window_params = [{transform_indices = @transform_0, window_bounds = array<i64: 1, 3, 256>}, {transform_indices = @transform_1, window_bounds = array<i64: 1024, 3>}, {transform_indices = @transform_2, window_bounds = array<i64: 16, 256>}]} {
    %add3A = arith.constant 4 : i32
    %add3A_0 = arith.addi %add3A, %arg0 : i32
    %get3A = arith.constant 0 : index
    %get3A_1 = arith.constant 0 : index
    %get3A_2 = arith.constant 0 : index
    %get3A_3 = vector.load %arg2[%get3A, %get3A_1, %get3A_2] : memref<1x3x256xf32, #tpu.memory_space<vmem>>, vector<1x3x256xf32>
    %get3A_4 = vector.shape_cast %get3A_3 : vector<1x3x256xf32> to vector<3x256xf32>
    %get3A_5 = arith.constant 0 : index
    %get3A_6 = arith.constant 0 : index
    %get3A_7 = vector.load %arg3[%get3A_5, %get3A_6] : memref<1024x3xf32, #tpu.memory_space<vmem>>, vector<1024x3xf32>
    %dot_general3A = arith.constant dense<0.000000e+00> : vector<1024x256xf32>
    %dot_general3A_8 = tpu.matmul %get3A_7, %get3A_4, %dot_general3A {dimension_numbers = #tpu.dot_dimension_numbers<[1], [0], [0], [1], [0, 0, 1, 1], [], []>, precision = #tpu.contract_precision<fp32>, transpose_lhs_hint = false} : vector<1024x3xf32>, vector<3x256xf32>, vector<1024x256xf32> -> vector<1024x256xf32>
    %mul3A = arith.mulf %get3A_7, %get3A_7 : vector<1024x3xf32>
    %reduce_sum3A = arith.constant dense<0.000000e+00> : vector<1024xf32>
    %reduce_sum3A_9 = vector.multi_reduction <add>, %mul3A, %reduce_sum3A [1] : vector<1024x3xf32> to vector<1024xf32>
    %broadcast_in_dim3A = vector.shape_cast %reduce_sum3A_9 : vector<1024xf32> to vector<1024x1xf32>
    %mul3A_10 = arith.mulf %get3A_4, %get3A_4 : vector<3x256xf32>
    %reduce_sum3A_11 = arith.constant dense<0.000000e+00> : vector<256xf32>
    %reduce_sum3A_12 = vector.multi_reduction <add>, %mul3A_10, %reduce_sum3A_11 [0] : vector<3x256xf32> to vector<256xf32>
    %broadcast_in_dim3A_13 = vector.shape_cast %reduce_sum3A_12 : vector<256xf32> to vector<1x256xf32>
    %mul3A_14 = arith.constant -2.000000e+00 : f32
    %mul3A_15 = vector.broadcast %mul3A_14 : f32 to vector<1024x256xf32>
    %mul3A_16 = arith.mulf %mul3A_15, %dot_general3A_8 : vector<1024x256xf32>
    %add3A_17 = vector.broadcast %broadcast_in_dim3A_13 : vector<1x256xf32> to vector<1024x256xf32>
    %add3A_18 = arith.addf %mul3A_16, %add3A_17 : vector<1024x256xf32>
    %add3A_19 = vector.broadcast %broadcast_in_dim3A : vector<1024x1xf32> to vector<1024x256xf32>
    %add3A_20 = arith.addf %add3A_18, %add3A_19 : vector<1024x256xf32>
    %neg3A = arith.constant 0.000000e+00 : f32
    %neg3A_21 = vector.broadcast %neg3A : f32 to vector<1024x256xf32>
    %neg3A_22 = arith.subf %neg3A_21, %add3A_20 : vector<1024x256xf32>
    %iota3A = tpu.iota {dimensions = array<i32: 0>} : vector<1024x256xi32>
    %argmax3A = tpu.reduce_index %neg3A_22 {axis = 0 : i32, kind = #tpu.reduction_kind<arg_max>} : vector<1024x256xf32> -> vector<256xi32>
    %broadcast_in_dim3A_23 = vector.shape_cast %argmax3A : vector<256xi32> to vector<1x256xi32>
    %eq3A = vector.broadcast %broadcast_in_dim3A_23 : vector<1x256xi32> to vector<1024x256xi32>
    %eq3A_24 = arith.cmpi eq, %iota3A, %eq3A : vector<1024x256xi32>
    %jit3A = arith.constant -3.000000e+38 : f32
    %broadcast_in_dim3A_25 = vector.broadcast %jit3A : f32 to vector<1024x256xf32>
    %select_n3A = arith.select %eq3A_24, %broadcast_in_dim3A_25, %neg3A_22 : vector<1024x256xi1>, vector<1024x256xf32>
    %argmax3A_26 = tpu.reduce_index %select_n3A {axis = 0 : i32, kind = #tpu.reduction_kind<arg_max>} : vector<1024x256xf32> -> vector<256xi32>
    %broadcast_in_dim3A_27 = vector.shape_cast %argmax3A_26 : vector<256xi32> to vector<1x256xi32>
    %eq3A_28 = vector.broadcast %broadcast_in_dim3A_27 : vector<1x256xi32> to vector<1024x256xi32>
    %eq3A_29 = arith.cmpi eq, %iota3A, %eq3A_28 : vector<1024x256xi32>
    %jit3A_30 = arith.constant -3.000000e+38 : f32
    %broadcast_in_dim3A_31 = vector.broadcast %jit3A_30 : f32 to vector<1024x256xf32>
    %select_n3A_32 = arith.select %eq3A_29, %broadcast_in_dim3A_31, %select_n3A : vector<1024x256xi1>, vector<1024x256xf32>
    %argmax3A_33 = tpu.reduce_index %select_n3A_32 {axis = 0 : i32, kind = #tpu.reduction_kind<arg_max>} : vector<1024x256xf32> -> vector<256xi32>
    %broadcast_in_dim3A_34 = vector.shape_cast %argmax3A_33 : vector<256xi32> to vector<1x256xi32>
    %eq3A_35 = vector.broadcast %broadcast_in_dim3A_34 : vector<1x256xi32> to vector<1024x256xi32>
    %eq3A_36 = arith.cmpi eq, %iota3A, %eq3A_35 : vector<1024x256xi32>
    %jit3A_37 = arith.constant -3.000000e+38 : f32
    %broadcast_in_dim3A_38 = vector.broadcast %jit3A_37 : f32 to vector<1024x256xf32>
    %select_n3A_39 = arith.select %eq3A_36, %broadcast_in_dim3A_38, %select_n3A_32 : vector<1024x256xi1>, vector<1024x256xf32>
    %argmax3A_40 = tpu.reduce_index %select_n3A_39 {axis = 0 : i32, kind = #tpu.reduction_kind<arg_max>} : vector<1024x256xf32> -> vector<256xi32>
    %broadcast_in_dim3A_41 = vector.shape_cast %argmax3A_40 : vector<256xi32> to vector<1x256xi32>
    %eq3A_42 = vector.broadcast %broadcast_in_dim3A_41 : vector<1x256xi32> to vector<1024x256xi32>
    %eq3A_43 = arith.cmpi eq, %iota3A, %eq3A_42 : vector<1024x256xi32>
    %jit3A_44 = arith.constant -3.000000e+38 : f32
    %broadcast_in_dim3A_45 = vector.broadcast %jit3A_44 : f32 to vector<1024x256xf32>
    %select_n3A_46 = arith.select %eq3A_43, %broadcast_in_dim3A_45, %select_n3A_39 : vector<1024x256xi1>, vector<1024x256xf32>
    %argmax3A_47 = tpu.reduce_index %select_n3A_46 {axis = 0 : i32, kind = #tpu.reduction_kind<arg_max>} : vector<1024x256xf32> -> vector<256xi32>
    %broadcast_in_dim3A_48 = vector.shape_cast %argmax3A_47 : vector<256xi32> to vector<1x256xi32>
    %eq3A_49 = vector.broadcast %broadcast_in_dim3A_48 : vector<1x256xi32> to vector<1024x256xi32>
    %eq3A_50 = arith.cmpi eq, %iota3A, %eq3A_49 : vector<1024x256xi32>
    %jit3A_51 = arith.constant -3.000000e+38 : f32
    %broadcast_in_dim3A_52 = vector.broadcast %jit3A_51 : f32 to vector<1024x256xf32>
    %select_n3A_53 = arith.select %eq3A_50, %broadcast_in_dim3A_52, %select_n3A_46 : vector<1024x256xi1>, vector<1024x256xf32>
    %argmax3A_54 = tpu.reduce_index %select_n3A_53 {axis = 0 : i32, kind = #tpu.reduction_kind<arg_max>} : vector<1024x256xf32> -> vector<256xi32>
    %broadcast_in_dim3A_55 = vector.shape_cast %argmax3A_54 : vector<256xi32> to vector<1x256xi32>
    %eq3A_56 = vector.broadcast %broadcast_in_dim3A_55 : vector<1x256xi32> to vector<1024x256xi32>
    %eq3A_57 = arith.cmpi eq, %iota3A, %eq3A_56 : vector<1024x256xi32>
    %jit3A_58 = arith.constant -3.000000e+38 : f32
    %broadcast_in_dim3A_59 = vector.broadcast %jit3A_58 : f32 to vector<1024x256xf32>
    %select_n3A_60 = arith.select %eq3A_57, %broadcast_in_dim3A_59, %select_n3A_53 : vector<1024x256xi1>, vector<1024x256xf32>
    %argmax3A_61 = tpu.reduce_index %select_n3A_60 {axis = 0 : i32, kind = #tpu.reduction_kind<arg_max>} : vector<1024x256xf32> -> vector<256xi32>
    %broadcast_in_dim3A_62 = vector.shape_cast %argmax3A_61 : vector<256xi32> to vector<1x256xi32>
    %eq3A_63 = vector.broadcast %broadcast_in_dim3A_62 : vector<1x256xi32> to vector<1024x256xi32>
    %eq3A_64 = arith.cmpi eq, %iota3A, %eq3A_63 : vector<1024x256xi32>
    %jit3A_65 = arith.constant -3.000000e+38 : f32
    %broadcast_in_dim3A_66 = vector.broadcast %jit3A_65 : f32 to vector<1024x256xf32>
    %select_n3A_67 = arith.select %eq3A_64, %broadcast_in_dim3A_66, %select_n3A_60 : vector<1024x256xi1>, vector<1024x256xf32>
    %argmax3A_68 = tpu.reduce_index %select_n3A_67 {axis = 0 : i32, kind = #tpu.reduction_kind<arg_max>} : vector<1024x256xf32> -> vector<256xi32>
    %broadcast_in_dim3A_69 = vector.shape_cast %argmax3A_68 : vector<256xi32> to vector<1x256xi32>
    %eq3A_70 = vector.broadcast %broadcast_in_dim3A_69 : vector<1x256xi32> to vector<1024x256xi32>
    %eq3A_71 = arith.cmpi eq, %iota3A, %eq3A_70 : vector<1024x256xi32>
    %jit3A_72 = arith.constant -3.000000e+38 : f32
    %broadcast_in_dim3A_73 = vector.broadcast %jit3A_72 : f32 to vector<1024x256xf32>
    %select_n3A_74 = arith.select %eq3A_71, %broadcast_in_dim3A_73, %select_n3A_67 : vector<1024x256xi1>, vector<1024x256xf32>
    %argmax3A_75 = tpu.reduce_index %select_n3A_74 {axis = 0 : i32, kind = #tpu.reduction_kind<arg_max>} : vector<1024x256xf32> -> vector<256xi32>
    %broadcast_in_dim3A_76 = vector.shape_cast %argmax3A_75 : vector<256xi32> to vector<1x256xi32>
    %eq3A_77 = vector.broadcast %broadcast_in_dim3A_76 : vector<1x256xi32> to vector<1024x256xi32>
    %eq3A_78 = arith.cmpi eq, %iota3A, %eq3A_77 : vector<1024x256xi32>
    %jit3A_79 = arith.constant -3.000000e+38 : f32
    %broadcast_in_dim3A_80 = vector.broadcast %jit3A_79 : f32 to vector<1024x256xf32>
    %select_n3A_81 = arith.select %eq3A_78, %broadcast_in_dim3A_80, %select_n3A_74 : vector<1024x256xi1>, vector<1024x256xf32>
    %argmax3A_82 = tpu.reduce_index %select_n3A_81 {axis = 0 : i32, kind = #tpu.reduction_kind<arg_max>} : vector<1024x256xf32> -> vector<256xi32>
    %broadcast_in_dim3A_83 = vector.shape_cast %argmax3A_82 : vector<256xi32> to vector<1x256xi32>
    %eq3A_84 = vector.broadcast %broadcast_in_dim3A_83 : vector<1x256xi32> to vector<1024x256xi32>
    %eq3A_85 = arith.cmpi eq, %iota3A, %eq3A_84 : vector<1024x256xi32>
    %jit3A_86 = arith.constant -3.000000e+38 : f32
    %broadcast_in_dim3A_87 = vector.broadcast %jit3A_86 : f32 to vector<1024x256xf32>
    %select_n3A_88 = arith.select %eq3A_85, %broadcast_in_dim3A_87, %select_n3A_81 : vector<1024x256xi1>, vector<1024x256xf32>
    %argmax3A_89 = tpu.reduce_index %select_n3A_88 {axis = 0 : i32, kind = #tpu.reduction_kind<arg_max>} : vector<1024x256xf32> -> vector<256xi32>
    %broadcast_in_dim3A_90 = vector.shape_cast %argmax3A_89 : vector<256xi32> to vector<1x256xi32>
    %eq3A_91 = vector.broadcast %broadcast_in_dim3A_90 : vector<1x256xi32> to vector<1024x256xi32>
    %eq3A_92 = arith.cmpi eq, %iota3A, %eq3A_91 : vector<1024x256xi32>
    %jit3A_93 = arith.constant -3.000000e+38 : f32
    %broadcast_in_dim3A_94 = vector.broadcast %jit3A_93 : f32 to vector<1024x256xf32>
    %select_n3A_95 = arith.select %eq3A_92, %broadcast_in_dim3A_94, %select_n3A_88 : vector<1024x256xi1>, vector<1024x256xf32>
    %argmax3A_96 = tpu.reduce_index %select_n3A_95 {axis = 0 : i32, kind = #tpu.reduction_kind<arg_max>} : vector<1024x256xf32> -> vector<256xi32>
    %broadcast_in_dim3A_97 = vector.shape_cast %argmax3A_96 : vector<256xi32> to vector<1x256xi32>
    %eq3A_98 = vector.broadcast %broadcast_in_dim3A_97 : vector<1x256xi32> to vector<1024x256xi32>
    %eq3A_99 = arith.cmpi eq, %iota3A, %eq3A_98 : vector<1024x256xi32>
    %jit3A_100 = arith.constant -3.000000e+38 : f32
    %broadcast_in_dim3A_101 = vector.broadcast %jit3A_100 : f32 to vector<1024x256xf32>
    %select_n3A_102 = arith.select %eq3A_99, %broadcast_in_dim3A_101, %select_n3A_95 : vector<1024x256xi1>, vector<1024x256xf32>
    %argmax3A_103 = tpu.reduce_index %select_n3A_102 {axis = 0 : i32, kind = #tpu.reduction_kind<arg_max>} : vector<1024x256xf32> -> vector<256xi32>
    %broadcast_in_dim3A_104 = vector.shape_cast %argmax3A_103 : vector<256xi32> to vector<1x256xi32>
    %eq3A_105 = vector.broadcast %broadcast_in_dim3A_104 : vector<1x256xi32> to vector<1024x256xi32>
    %eq3A_106 = arith.cmpi eq, %iota3A, %eq3A_105 : vector<1024x256xi32>
    %jit3A_107 = arith.constant -3.000000e+38 : f32
    %broadcast_in_dim3A_108 = vector.broadcast %jit3A_107 : f32 to vector<1024x256xf32>
    %select_n3A_109 = arith.select %eq3A_106, %broadcast_in_dim3A_108, %select_n3A_102 : vector<1024x256xi1>, vector<1024x256xf32>
    %argmax3A_110 = tpu.reduce_index %select_n3A_109 {axis = 0 : i32, kind = #tpu.reduction_kind<arg_max>} : vector<1024x256xf32> -> vector<256xi32>
    %broadcast_in_dim3A_111 = vector.shape_cast %argmax3A_110 : vector<256xi32> to vector<1x256xi32>
    %eq3A_112 = vector.broadcast %broadcast_in_dim3A_111 : vector<1x256xi32> to vector<1024x256xi32>
    %eq3A_113 = arith.cmpi eq, %iota3A, %eq3A_112 : vector<1024x256xi32>
    %jit3A_114 = arith.constant -3.000000e+38 : f32
    %broadcast_in_dim3A_115 = vector.broadcast %jit3A_114 : f32 to vector<1024x256xf32>
    %select_n3A_116 = arith.select %eq3A_113, %broadcast_in_dim3A_115, %select_n3A_109 : vector<1024x256xi1>, vector<1024x256xf32>
    %argmax3A_117 = tpu.reduce_index %select_n3A_116 {axis = 0 : i32, kind = #tpu.reduction_kind<arg_max>} : vector<1024x256xf32> -> vector<256xi32>
    %broadcast_in_dim3A_118 = vector.shape_cast %argmax3A_117 : vector<256xi32> to vector<1x256xi32>
    %eq3A_119 = vector.broadcast %broadcast_in_dim3A_118 : vector<1x256xi32> to vector<1024x256xi32>
    %eq3A_120 = arith.cmpi eq, %iota3A, %eq3A_119 : vector<1024x256xi32>
    %jit3A_121 = arith.constant -3.000000e+38 : f32
    %broadcast_in_dim3A_122 = vector.broadcast %jit3A_121 : f32 to vector<1024x256xf32>
    %select_n3A_123 = arith.select %eq3A_120, %broadcast_in_dim3A_122, %select_n3A_116 : vector<1024x256xi1>, vector<1024x256xf32>
    %argmax3A_124 = tpu.reduce_index %select_n3A_123 {axis = 0 : i32, kind = #tpu.reduction_kind<arg_max>} : vector<1024x256xf32> -> vector<256xi32>
    %broadcast_in_dim3A_125 = vector.shape_cast %argmax3A_124 : vector<256xi32> to vector<1x256xi32>
    %concatenate3A = tpu.concatenate %broadcast_in_dim3A_23, %broadcast_in_dim3A_27, %broadcast_in_dim3A_34, %broadcast_in_dim3A_41, %broadcast_in_dim3A_48, %broadcast_in_dim3A_55, %broadcast_in_dim3A_62, %broadcast_in_dim3A_69, %broadcast_in_dim3A_76, %broadcast_in_dim3A_83, %broadcast_in_dim3A_90, %broadcast_in_dim3A_97, %broadcast_in_dim3A_104, %broadcast_in_dim3A_111, %broadcast_in_dim3A_118, %broadcast_in_dim3A_125 in 0 : vector<1x256xi32>, vector<1x256xi32>, vector<1x256xi32>, vector<1x256xi32>, vector<1x256xi32>, vector<1x256xi32>, vector<1x256xi32>, vector<1x256xi32>, vector<1x256xi32>, vector<1x256xi32>, vector<1x256xi32>, vector<1x256xi32>, vector<1x256xi32>, vector<1x256xi32>, vector<1x256xi32>, vector<1x256xi32> -> vector<16x256xi32>
    %mul3A_126 = arith.constant 1024 : i32
    %mul3A_127 = arith.muli %add3A_0, %mul3A_126 : i32
    %add3A_128 = vector.broadcast %mul3A_127 : i32 to vector<16x256xi32>
    %add3A_129 = arith.addi %concatenate3A, %add3A_128 : vector<16x256xi32>
    %swap3A = arith.constant 0 : index
    %swap3A_130 = arith.constant 0 : index
    %swap3A_131 = vector.load %arg4[%swap3A, %swap3A_130] : memref<16x256xi32, #tpu.memory_space<vmem>>, vector<16x256xi32>
    tpu.vector_store %arg4[%swap3A, %swap3A_130], %add3A_129 {strides = array<i32>} : memref<16x256xi32, #tpu.memory_space<vmem>>, vector<16x256xi32>,
    return
  }
  func.func @transform_0(%arg0: i32, %arg1: i32) -> (i32, i32, i32) {
    %add3A = arith.constant 4 : i32
    %add3A_0 = arith.addi %add3A, %arg0 : i32
    %c0_i32 = arith.constant 0 : i32
    %c0_i32_1 = arith.constant 0 : i32
    return %add3A_0, %c0_i32, %arg1 : i32, i32, i32
  }
  func.func @transform_1(%arg0: i32, %arg1: i32) -> (i32, i32) {
    %add3A = arith.constant 4 : i32
    %add3A_0 = arith.addi %add3A, %arg0 : i32
    %c0_i32 = arith.constant 0 : i32
    %c0_i32_1 = arith.constant 0 : i32
    return %add3A_0, %c0_i32 : i32, i32
  }
  func.func @transform_2(%arg0: i32, %arg1: i32) -> (i32, i32) {
    %mul3A = arith.constant 4 : i32
    %mul3A_0 = arith.muli %arg0, %mul3A : i32
    %add3A = arith.addi %mul3A_0, %arg1 : i32
    %c0_i32 = arith.constant 0 : i32
    %c0_i32_1 = arith.constant 0 : i32
    return %c0_i32, %add3A : i32, i32
  }
}

module attributes {stable_mosaic.version = 14 : i64} {
  func.func @_stats_body(%arg0: i32, %arg1: memref<512x128xf32, #tpu.memory_space<vmem>>, %arg2: memref<512x128xf32, #tpu.memory_space<vmem>>, %arg3: memref<512x128xf32, #tpu.memory_space<vmem>>, %arg4: memref<512x128xf32, #tpu.memory_space<vmem>>, %arg5: memref<512x128xf32, #tpu.memory_space<vmem>>, %arg6: memref<512x128xf32, #tpu.memory_space<vmem>>, %arg7: memref<512x128xf32, #tpu.memory_space<vmem>>, %arg8: memref<512x128xf32, #tpu.memory_space<vmem>>, %arg9: memref<512x128xf32, #tpu.memory_space<vmem>>, %arg10: memref<512x128xf32, #tpu.memory_space<vmem>>, %arg11: memref<512x128xf32, #tpu.memory_space<vmem>>, %arg12: memref<512x128xf32, #tpu.memory_space<vmem>>, %arg13: memref<512x128xf32, #tpu.memory_space<vmem>>, %arg14: memref<512x128xf32, #tpu.memory_space<vmem>>, %arg15: memref<512x128xf32, #tpu.memory_space<vmem>>, %arg16: memref<512x128xf32, #tpu.memory_space<vmem>>, %arg17: memref<512x128xi32, #tpu.memory_space<vmem>>, %arg18: memref<512x128xi32, #tpu.memory_space<vmem>>, %arg19: memref<512x128xi32, #tpu.memory_space<vmem>>, %arg20: memref<512x128xi32, #tpu.memory_space<vmem>>, %arg21: memref<512x128xi32, #tpu.memory_space<vmem>>, %arg22: memref<512x128xi32, #tpu.memory_space<vmem>>, %arg23: memref<512x128xi32, #tpu.memory_space<vmem>>, %arg24: memref<512x128xi32, #tpu.memory_space<vmem>>, %arg25: memref<512x128xi32, #tpu.memory_space<vmem>>, %arg26: memref<512x128xi32, #tpu.memory_space<vmem>>, %arg27: memref<512x128xi32, #tpu.memory_space<vmem>>, %arg28: memref<512x128xi32, #tpu.memory_space<vmem>>, %arg29: memref<512x128xi32, #tpu.memory_space<vmem>>, %arg30: memref<512x128xi32, #tpu.memory_space<vmem>>, %arg31: memref<512x128xi32, #tpu.memory_space<vmem>>, %arg32: memref<512x128xi32, #tpu.memory_space<vmem>>, %arg33: memref<512x64xf32, #tpu.memory_space<vmem>>, %arg34: memref<512x256xf32, #tpu.memory_space<vmem>>, %arg35: memref<8x64xf32, #tpu.memory_space<vmem>>, %arg36: memref<8x256xf32, #tpu.memory_space<vmem>>) attributes {dimension_semantics = [#tpu.dimension_semantics<arbitrary>], iteration_bounds = array<i64: 8>, scalar_prefetch = 0 : i64, scratch_operands = 0 : i64, tpu.core_type = #tpu.core_type<tc>, window_params = [{transform_indices = @transform_0, window_bounds = array<i64: 512, 128>}, {transform_indices = @transform_1, window_bounds = array<i64: 512, 128>}, {transform_indices = @transform_2, window_bounds = array<i64: 512, 128>}, {transform_indices = @transform_3, window_bounds = array<i64: 512, 128>}, {transform_indices = @transform_4, window_bounds = array<i64: 512, 128>}, {transform_indices = @transform_5, window_bounds = array<i64: 512, 128>}, {transform_indices = @transform_6, window_bounds = array<i64: 512, 128>}, {transform_indices = @transform_7, window_bounds = array<i64: 512, 128>}, {transform_indices = @transform_8, window_bounds = array<i64: 512, 128>}, {transform_indices = @transform_9, window_bounds = array<i64: 512, 128>}, {transform_indices = @transform_10, window_bounds = array<i64: 512, 128>}, {transform_indices = @transform_11, window_bounds = array<i64: 512, 128>}, {transform_indices = @transform_12, window_bounds = array<i64: 512, 128>}, {transform_indices = @transform_13, window_bounds = array<i64: 512, 128>}, {transform_indices = @transform_14, window_bounds = array<i64: 512, 128>}, {transform_indices = @transform_15, window_bounds = array<i64: 512, 128>}, {transform_indices = @transform_16, window_bounds = array<i64: 512, 128>}, {transform_indices = @transform_17, window_bounds = array<i64: 512, 128>}, {transform_indices = @transform_18, window_bounds = array<i64: 512, 128>}, {transform_indices = @transform_19, window_bounds = array<i64: 512, 128>}, {transform_indices = @transform_20, window_bounds = array<i64: 512, 128>}, {transform_indices = @transform_21, window_bounds = array<i64: 512, 128>}, {transform_indices = @transform_22, window_bounds = array<i64: 512, 128>}, {transform_indices = @transform_23, window_bounds = array<i64: 512, 128>}, {transform_indices = @transform_24, window_bounds = array<i64: 512, 128>}, {transform_indices = @transform_25, window_bounds = array<i64: 512, 128>}, {transform_indices = @transform_26, window_bounds = array<i64: 512, 128>}, {transform_indices = @transform_27, window_bounds = array<i64: 512, 128>}, {transform_indices = @transform_28, window_bounds = array<i64: 512, 128>}, {transform_indices = @transform_29, window_bounds = array<i64: 512, 128>}, {transform_indices = @transform_30, window_bounds = array<i64: 512, 128>}, {transform_indices = @transform_31, window_bounds = array<i64: 512, 128>}, {transform_indices = @transform_32, window_bounds = array<i64: 512, 64>}, {transform_indices = @transform_33, window_bounds = array<i64: 512, 256>}, {pipeline_mode = #tpu.pipeline_mode<synchronous>, transform_indices = @transform_34, window_bounds = array<i64: 8, 64>}, {pipeline_mode = #tpu.pipeline_mode<synchronous>, transform_indices = @transform_35, window_bounds = array<i64: 8, 256>}]} {
    %eq3A = arith.constant 0 : i32
    %eq3A_0 = arith.cmpi eq, %arg0, %eq3A : i32
    %convert_element_type3A = arith.extui %eq3A_0 : i1 to i32
    %cond3A = arith.constant 0 : i32
    %cond3A_1 = arith.cmpi ne, %convert_element_type3A, %cond3A : i32
    scf.if %cond3A_1 {
      %broadcast_in_dim3A_586 = arith.constant 0.000000e+00 : f32
      %broadcast_in_dim3A_587 = vector.broadcast %broadcast_in_dim3A_586 : f32 to vector<8x64xf32>
      %swap3A_588 = arith.constant 0 : index
      %swap3A_589 = arith.constant 0 : index
      %swap3A_590 = vector.load %arg35[%swap3A_588, %swap3A_589] : memref<8x64xf32, #tpu.memory_space<vmem>>, vector<8x64xf32>
      tpu.vector_store %arg35[%swap3A_588, %swap3A_589], %broadcast_in_dim3A_587 {strides = array<i32>} : memref<8x64xf32, #tpu.memory_space<vmem>>, vector<8x64xf32>,
      %broadcast_in_dim3A_591 = arith.constant 0.000000e+00 : f32
      %broadcast_in_dim3A_592 = vector.broadcast %broadcast_in_dim3A_591 : f32 to vector<8x256xf32>
      %swap3A_593 = arith.constant 0 : index
      %swap3A_594 = arith.constant 0 : index
      %swap3A_595 = vector.load %arg36[%swap3A_593, %swap3A_594] : memref<8x256xf32, #tpu.memory_space<vmem>>, vector<8x256xf32>
      tpu.vector_store %arg36[%swap3A_593, %swap3A_594], %broadcast_in_dim3A_592 {strides = array<i32>} : memref<8x256xf32, #tpu.memory_space<vmem>>, vector<8x256xf32>,
    } else {
    }
    %get3A = arith.constant 0 : index
    %get3A_2 = arith.constant 0 : index
    %get3A_3 = vector.load %arg33[%get3A, %get3A_2] : memref<512x64xf32, #tpu.memory_space<vmem>>, vector<512x64xf32>
    %get3A_4 = arith.constant 0 : index
    %get3A_5 = arith.constant 0 : index
    %get3A_6 = vector.load %arg34[%get3A_4, %get3A_5] : memref<512x256xf32, #tpu.memory_space<vmem>>, vector<512x256xf32>
    %broadcast_in_dim3A = arith.constant 0.000000e+00 : f32
    %broadcast_in_dim3A_7 = vector.broadcast %broadcast_in_dim3A : f32 to vector<1x64xf32>
    %broadcast_in_dim3A_8 = arith.constant 0.000000e+00 : f32
    %broadcast_in_dim3A_9 = vector.broadcast %broadcast_in_dim3A_8 : f32 to vector<1x64xf32>
    %broadcast_in_dim3A_10 = arith.constant 0.000000e+00 : f32
    %broadcast_in_dim3A_11 = vector.broadcast %broadcast_in_dim3A_10 : f32 to vector<1x256xf32>
    %broadcast_in_dim3A_12 = arith.constant 0.000000e+00 : f32
    %broadcast_in_dim3A_13 = vector.broadcast %broadcast_in_dim3A_12 : f32 to vector<1x256xf32>
    %get3A_14 = arith.constant 0 : index
    %get3A_15 = arith.constant 0 : index
    %get3A_16 = vector.load %arg1[%get3A_14, %get3A_15] : memref<512x128xf32, #tpu.memory_space<vmem>>, vector<512x64xf32>
    %add3A = arith.addf %get3A_16, %get3A_3 : vector<512x64xf32>
    %reduce_sum3A = arith.constant dense<0.000000e+00> : vector<64xf32>
    %reduce_sum3A_17 = vector.multi_reduction <add>, %add3A, %reduce_sum3A [0] : vector<512x64xf32> to vector<64xf32>
    %broadcast_in_dim3A_18 = vector.shape_cast %reduce_sum3A_17 : vector<64xf32> to vector<1x64xf32>
    %add3A_19 = arith.addf %broadcast_in_dim3A_7, %broadcast_in_dim3A_18 : vector<1x64xf32>
    %mul3A = arith.mulf %add3A, %add3A : vector<512x64xf32>
    %reduce_sum3A_20 = arith.constant dense<0.000000e+00> : vector<64xf32>
    %reduce_sum3A_21 = vector.multi_reduction <add>, %mul3A, %reduce_sum3A_20 [0] : vector<512x64xf32> to vector<64xf32>
    %broadcast_in_dim3A_22 = vector.shape_cast %reduce_sum3A_21 : vector<64xf32> to vector<1x64xf32>
    %add3A_23 = arith.addf %broadcast_in_dim3A_9, %broadcast_in_dim3A_22 : vector<1x64xf32>
    %get3A_24 = arith.constant 0 : index
    %get3A_25 = arith.constant 0 : index
    %get3A_26 = vector.load %arg17[%get3A_24, %get3A_25] : memref<512x128xi32, #tpu.memory_space<vmem>>, vector<512x128xi32>
    %shift_left3A = arith.constant 16 : i32
    %shift_left3A_27 = vector.broadcast %shift_left3A : i32 to vector<512x128xi32>
    %shift_left3A_28 = arith.shli %get3A_26, %shift_left3A_27 : vector<512x128xi32>
    %bitcast_convert_type3A = tpu.bitcast %shift_left3A_28 : vector<512x128xi32> -> vector<512x128xf32>
    %and3A = arith.constant -65536 : i32
    %and3A_29 = vector.broadcast %and3A : i32 to vector<512x128xi32>
    %and3A_30 = arith.andi %get3A_26, %and3A_29 : vector<512x128xi32>
    %bitcast_convert_type3A_31 = tpu.bitcast %and3A_30 : vector<512x128xi32> -> vector<512x128xf32>
    %concatenate3A = tpu.concatenate %bitcast_convert_type3A, %bitcast_convert_type3A_31 in 1 : vector<512x128xf32>, vector<512x128xf32> -> vector<512x256xf32>
    %add3A_32 = arith.addf %concatenate3A, %get3A_6 : vector<512x256xf32>
    %reduce_sum3A_33 = arith.constant dense<0.000000e+00> : vector<256xf32>
    %reduce_sum3A_34 = vector.multi_reduction <add>, %add3A_32, %reduce_sum3A_33 [0] : vector<512x256xf32> to vector<256xf32>
    %broadcast_in_dim3A_35 = vector.shape_cast %reduce_sum3A_34 : vector<256xf32> to vector<1x256xf32>
    %add3A_36 = arith.addf %broadcast_in_dim3A_11, %broadcast_in_dim3A_35 : vector<1x256xf32>
    %mul3A_37 = arith.mulf %add3A_32, %add3A_32 : vector<512x256xf32>
    %reduce_sum3A_38 = arith.constant dense<0.000000e+00> : vector<256xf32>
    %reduce_sum3A_39 = vector.multi_reduction <add>, %mul3A_37, %reduce_sum3A_38 [0] : vector<512x256xf32> to vector<256xf32>
    %broadcast_in_dim3A_40 = vector.shape_cast %reduce_sum3A_39 : vector<256xf32> to vector<1x256xf32>
    %add3A_41 = arith.addf %broadcast_in_dim3A_13, %broadcast_in_dim3A_40 : vector<1x256xf32>
    %get3A_42 = arith.constant 0 : index
    %get3A_43 = arith.constant 0 : index
    %get3A_44 = vector.load %arg2[%get3A_42, %get3A_43] : memref<512x128xf32, #tpu.memory_space<vmem>>, vector<512x64xf32>
    %add3A_45 = arith.addf %get3A_44, %get3A_3 : vector<512x64xf32>
    %reduce_sum3A_46 = arith.constant dense<0.000000e+00> : vector<64xf32>
    %reduce_sum3A_47 = vector.multi_reduction <add>, %add3A_45, %reduce_sum3A_46 [0] : vector<512x64xf32> to vector<64xf32>
    %broadcast_in_dim3A_48 = vector.shape_cast %reduce_sum3A_47 : vector<64xf32> to vector<1x64xf32>
    %add3A_49 = arith.addf %add3A_19, %broadcast_in_dim3A_48 : vector<1x64xf32>
    %mul3A_50 = arith.mulf %add3A_45, %add3A_45 : vector<512x64xf32>
    %reduce_sum3A_51 = arith.constant dense<0.000000e+00> : vector<64xf32>
    %reduce_sum3A_52 = vector.multi_reduction <add>, %mul3A_50, %reduce_sum3A_51 [0] : vector<512x64xf32> to vector<64xf32>
    %broadcast_in_dim3A_53 = vector.shape_cast %reduce_sum3A_52 : vector<64xf32> to vector<1x64xf32>
    %add3A_54 = arith.addf %add3A_23, %broadcast_in_dim3A_53 : vector<1x64xf32>
    %get3A_55 = arith.constant 0 : index
    %get3A_56 = arith.constant 0 : index
    %get3A_57 = vector.load %arg18[%get3A_55, %get3A_56] : memref<512x128xi32, #tpu.memory_space<vmem>>, vector<512x128xi32>
    %shift_left3A_58 = arith.constant 16 : i32
    %shift_left3A_59 = vector.broadcast %shift_left3A_58 : i32 to vector<512x128xi32>
    %shift_left3A_60 = arith.shli %get3A_57, %shift_left3A_59 : vector<512x128xi32>
    %bitcast_convert_type3A_61 = tpu.bitcast %shift_left3A_60 : vector<512x128xi32> -> vector<512x128xf32>
    %and3A_62 = arith.constant -65536 : i32
    %and3A_63 = vector.broadcast %and3A_62 : i32 to vector<512x128xi32>
    %and3A_64 = arith.andi %get3A_57, %and3A_63 : vector<512x128xi32>
    %bitcast_convert_type3A_65 = tpu.bitcast %and3A_64 : vector<512x128xi32> -> vector<512x128xf32>
    %concatenate3A_66 = tpu.concatenate %bitcast_convert_type3A_61, %bitcast_convert_type3A_65 in 1 : vector<512x128xf32>, vector<512x128xf32> -> vector<512x256xf32>
    %add3A_67 = arith.addf %concatenate3A_66, %get3A_6 : vector<512x256xf32>
    %reduce_sum3A_68 = arith.constant dense<0.000000e+00> : vector<256xf32>
    %reduce_sum3A_69 = vector.multi_reduction <add>, %add3A_67, %reduce_sum3A_68 [0] : vector<512x256xf32> to vector<256xf32>
    %broadcast_in_dim3A_70 = vector.shape_cast %reduce_sum3A_69 : vector<256xf32> to vector<1x256xf32>
    %add3A_71 = arith.addf %add3A_36, %broadcast_in_dim3A_70 : vector<1x256xf32>
    %mul3A_72 = arith.mulf %add3A_67, %add3A_67 : vector<512x256xf32>
    %reduce_sum3A_73 = arith.constant dense<0.000000e+00> : vector<256xf32>
    %reduce_sum3A_74 = vector.multi_reduction <add>, %mul3A_72, %reduce_sum3A_73 [0] : vector<512x256xf32> to vector<256xf32>
    %broadcast_in_dim3A_75 = vector.shape_cast %reduce_sum3A_74 : vector<256xf32> to vector<1x256xf32>
    %add3A_76 = arith.addf %add3A_41, %broadcast_in_dim3A_75 : vector<1x256xf32>
    %get3A_77 = arith.constant 0 : index
    %get3A_78 = arith.constant 0 : index
    %get3A_79 = vector.load %arg3[%get3A_77, %get3A_78] : memref<512x128xf32, #tpu.memory_space<vmem>>, vector<512x64xf32>
    %add3A_80 = arith.addf %get3A_79, %get3A_3 : vector<512x64xf32>
    %reduce_sum3A_81 = arith.constant dense<0.000000e+00> : vector<64xf32>
    %reduce_sum3A_82 = vector.multi_reduction <add>, %add3A_80, %reduce_sum3A_81 [0] : vector<512x64xf32> to vector<64xf32>
    %broadcast_in_dim3A_83 = vector.shape_cast %reduce_sum3A_82 : vector<64xf32> to vector<1x64xf32>
    %add3A_84 = arith.addf %add3A_49, %broadcast_in_dim3A_83 : vector<1x64xf32>
    %mul3A_85 = arith.mulf %add3A_80, %add3A_80 : vector<512x64xf32>
    %reduce_sum3A_86 = arith.constant dense<0.000000e+00> : vector<64xf32>
    %reduce_sum3A_87 = vector.multi_reduction <add>, %mul3A_85, %reduce_sum3A_86 [0] : vector<512x64xf32> to vector<64xf32>
    %broadcast_in_dim3A_88 = vector.shape_cast %reduce_sum3A_87 : vector<64xf32> to vector<1x64xf32>
    %add3A_89 = arith.addf %add3A_54, %broadcast_in_dim3A_88 : vector<1x64xf32>
    %get3A_90 = arith.constant 0 : index
    %get3A_91 = arith.constant 0 : index
    %get3A_92 = vector.load %arg19[%get3A_90, %get3A_91] : memref<512x128xi32, #tpu.memory_space<vmem>>, vector<512x128xi32>
    %shift_left3A_93 = arith.constant 16 : i32
    %shift_left3A_94 = vector.broadcast %shift_left3A_93 : i32 to vector<512x128xi32>
    %shift_left3A_95 = arith.shli %get3A_92, %shift_left3A_94 : vector<512x128xi32>
    %bitcast_convert_type3A_96 = tpu.bitcast %shift_left3A_95 : vector<512x128xi32> -> vector<512x128xf32>
    %and3A_97 = arith.constant -65536 : i32
    %and3A_98 = vector.broadcast %and3A_97 : i32 to vector<512x128xi32>
    %and3A_99 = arith.andi %get3A_92, %and3A_98 : vector<512x128xi32>
    %bitcast_convert_type3A_100 = tpu.bitcast %and3A_99 : vector<512x128xi32> -> vector<512x128xf32>
    %concatenate3A_101 = tpu.concatenate %bitcast_convert_type3A_96, %bitcast_convert_type3A_100 in 1 : vector<512x128xf32>, vector<512x128xf32> -> vector<512x256xf32>
    %add3A_102 = arith.addf %concatenate3A_101, %get3A_6 : vector<512x256xf32>
    %reduce_sum3A_103 = arith.constant dense<0.000000e+00> : vector<256xf32>
    %reduce_sum3A_104 = vector.multi_reduction <add>, %add3A_102, %reduce_sum3A_103 [0] : vector<512x256xf32> to vector<256xf32>
    %broadcast_in_dim3A_105 = vector.shape_cast %reduce_sum3A_104 : vector<256xf32> to vector<1x256xf32>
    %add3A_106 = arith.addf %add3A_71, %broadcast_in_dim3A_105 : vector<1x256xf32>
    %mul3A_107 = arith.mulf %add3A_102, %add3A_102 : vector<512x256xf32>
    %reduce_sum3A_108 = arith.constant dense<0.000000e+00> : vector<256xf32>
    %reduce_sum3A_109 = vector.multi_reduction <add>, %mul3A_107, %reduce_sum3A_108 [0] : vector<512x256xf32> to vector<256xf32>
    %broadcast_in_dim3A_110 = vector.shape_cast %reduce_sum3A_109 : vector<256xf32> to vector<1x256xf32>
    %add3A_111 = arith.addf %add3A_76, %broadcast_in_dim3A_110 : vector<1x256xf32>
    %get3A_112 = arith.constant 0 : index
    %get3A_113 = arith.constant 0 : index
    %get3A_114 = vector.load %arg4[%get3A_112, %get3A_113] : memref<512x128xf32, #tpu.memory_space<vmem>>, vector<512x64xf32>
    %add3A_115 = arith.addf %get3A_114, %get3A_3 : vector<512x64xf32>
    %reduce_sum3A_116 = arith.constant dense<0.000000e+00> : vector<64xf32>
    %reduce_sum3A_117 = vector.multi_reduction <add>, %add3A_115, %reduce_sum3A_116 [0] : vector<512x64xf32> to vector<64xf32>
    %broadcast_in_dim3A_118 = vector.shape_cast %reduce_sum3A_117 : vector<64xf32> to vector<1x64xf32>
    %add3A_119 = arith.addf %add3A_84, %broadcast_in_dim3A_118 : vector<1x64xf32>
    %mul3A_120 = arith.mulf %add3A_115, %add3A_115 : vector<512x64xf32>
    %reduce_sum3A_121 = arith.constant dense<0.000000e+00> : vector<64xf32>
    %reduce_sum3A_122 = vector.multi_reduction <add>, %mul3A_120, %reduce_sum3A_121 [0] : vector<512x64xf32> to vector<64xf32>
    %broadcast_in_dim3A_123 = vector.shape_cast %reduce_sum3A_122 : vector<64xf32> to vector<1x64xf32>
    %add3A_124 = arith.addf %add3A_89, %broadcast_in_dim3A_123 : vector<1x64xf32>
    %get3A_125 = arith.constant 0 : index
    %get3A_126 = arith.constant 0 : index
    %get3A_127 = vector.load %arg20[%get3A_125, %get3A_126] : memref<512x128xi32, #tpu.memory_space<vmem>>, vector<512x128xi32>
    %shift_left3A_128 = arith.constant 16 : i32
    %shift_left3A_129 = vector.broadcast %shift_left3A_128 : i32 to vector<512x128xi32>
    %shift_left3A_130 = arith.shli %get3A_127, %shift_left3A_129 : vector<512x128xi32>
    %bitcast_convert_type3A_131 = tpu.bitcast %shift_left3A_130 : vector<512x128xi32> -> vector<512x128xf32>
    %and3A_132 = arith.constant -65536 : i32
    %and3A_133 = vector.broadcast %and3A_132 : i32 to vector<512x128xi32>
    %and3A_134 = arith.andi %get3A_127, %and3A_133 : vector<512x128xi32>
    %bitcast_convert_type3A_135 = tpu.bitcast %and3A_134 : vector<512x128xi32> -> vector<512x128xf32>
    %concatenate3A_136 = tpu.concatenate %bitcast_convert_type3A_131, %bitcast_convert_type3A_135 in 1 : vector<512x128xf32>, vector<512x128xf32> -> vector<512x256xf32>
    %add3A_137 = arith.addf %concatenate3A_136, %get3A_6 : vector<512x256xf32>
    %reduce_sum3A_138 = arith.constant dense<0.000000e+00> : vector<256xf32>
    %reduce_sum3A_139 = vector.multi_reduction <add>, %add3A_137, %reduce_sum3A_138 [0] : vector<512x256xf32> to vector<256xf32>
    %broadcast_in_dim3A_140 = vector.shape_cast %reduce_sum3A_139 : vector<256xf32> to vector<1x256xf32>
    %add3A_141 = arith.addf %add3A_106, %broadcast_in_dim3A_140 : vector<1x256xf32>
    %mul3A_142 = arith.mulf %add3A_137, %add3A_137 : vector<512x256xf32>
    %reduce_sum3A_143 = arith.constant dense<0.000000e+00> : vector<256xf32>
    %reduce_sum3A_144 = vector.multi_reduction <add>, %mul3A_142, %reduce_sum3A_143 [0] : vector<512x256xf32> to vector<256xf32>
    %broadcast_in_dim3A_145 = vector.shape_cast %reduce_sum3A_144 : vector<256xf32> to vector<1x256xf32>
    %add3A_146 = arith.addf %add3A_111, %broadcast_in_dim3A_145 : vector<1x256xf32>
    %get3A_147 = arith.constant 0 : index
    %get3A_148 = arith.constant 0 : index
    %get3A_149 = vector.load %arg5[%get3A_147, %get3A_148] : memref<512x128xf32, #tpu.memory_space<vmem>>, vector<512x64xf32>
    %add3A_150 = arith.addf %get3A_149, %get3A_3 : vector<512x64xf32>
    %reduce_sum3A_151 = arith.constant dense<0.000000e+00> : vector<64xf32>
    %reduce_sum3A_152 = vector.multi_reduction <add>, %add3A_150, %reduce_sum3A_151 [0] : vector<512x64xf32> to vector<64xf32>
    %broadcast_in_dim3A_153 = vector.shape_cast %reduce_sum3A_152 : vector<64xf32> to vector<1x64xf32>
    %add3A_154 = arith.addf %add3A_119, %broadcast_in_dim3A_153 : vector<1x64xf32>
    %mul3A_155 = arith.mulf %add3A_150, %add3A_150 : vector<512x64xf32>
    %reduce_sum3A_156 = arith.constant dense<0.000000e+00> : vector<64xf32>
    %reduce_sum3A_157 = vector.multi_reduction <add>, %mul3A_155, %reduce_sum3A_156 [0] : vector<512x64xf32> to vector<64xf32>
    %broadcast_in_dim3A_158 = vector.shape_cast %reduce_sum3A_157 : vector<64xf32> to vector<1x64xf32>
    %add3A_159 = arith.addf %add3A_124, %broadcast_in_dim3A_158 : vector<1x64xf32>
    %get3A_160 = arith.constant 0 : index
    %get3A_161 = arith.constant 0 : index
    %get3A_162 = vector.load %arg21[%get3A_160, %get3A_161] : memref<512x128xi32, #tpu.memory_space<vmem>>, vector<512x128xi32>
    %shift_left3A_163 = arith.constant 16 : i32
    %shift_left3A_164 = vector.broadcast %shift_left3A_163 : i32 to vector<512x128xi32>
    %shift_left3A_165 = arith.shli %get3A_162, %shift_left3A_164 : vector<512x128xi32>
    %bitcast_convert_type3A_166 = tpu.bitcast %shift_left3A_165 : vector<512x128xi32> -> vector<512x128xf32>
    %and3A_167 = arith.constant -65536 : i32
    %and3A_168 = vector.broadcast %and3A_167 : i32 to vector<512x128xi32>
    %and3A_169 = arith.andi %get3A_162, %and3A_168 : vector<512x128xi32>
    %bitcast_convert_type3A_170 = tpu.bitcast %and3A_169 : vector<512x128xi32> -> vector<512x128xf32>
    %concatenate3A_171 = tpu.concatenate %bitcast_convert_type3A_166, %bitcast_convert_type3A_170 in 1 : vector<512x128xf32>, vector<512x128xf32> -> vector<512x256xf32>
    %add3A_172 = arith.addf %concatenate3A_171, %get3A_6 : vector<512x256xf32>
    %reduce_sum3A_173 = arith.constant dense<0.000000e+00> : vector<256xf32>
    %reduce_sum3A_174 = vector.multi_reduction <add>, %add3A_172, %reduce_sum3A_173 [0] : vector<512x256xf32> to vector<256xf32>
    %broadcast_in_dim3A_175 = vector.shape_cast %reduce_sum3A_174 : vector<256xf32> to vector<1x256xf32>
    %add3A_176 = arith.addf %add3A_141, %broadcast_in_dim3A_175 : vector<1x256xf32>
    %mul3A_177 = arith.mulf %add3A_172, %add3A_172 : vector<512x256xf32>
    %reduce_sum3A_178 = arith.constant dense<0.000000e+00> : vector<256xf32>
    %reduce_sum3A_179 = vector.multi_reduction <add>, %mul3A_177, %reduce_sum3A_178 [0] : vector<512x256xf32> to vector<256xf32>
    %broadcast_in_dim3A_180 = vector.shape_cast %reduce_sum3A_179 : vector<256xf32> to vector<1x256xf32>
    %add3A_181 = arith.addf %add3A_146, %broadcast_in_dim3A_180 : vector<1x256xf32>
    %get3A_182 = arith.constant 0 : index
    %get3A_183 = arith.constant 0 : index
    %get3A_184 = vector.load %arg6[%get3A_182, %get3A_183] : memref<512x128xf32, #tpu.memory_space<vmem>>, vector<512x64xf32>
    %add3A_185 = arith.addf %get3A_184, %get3A_3 : vector<512x64xf32>
    %reduce_sum3A_186 = arith.constant dense<0.000000e+00> : vector<64xf32>
    %reduce_sum3A_187 = vector.multi_reduction <add>, %add3A_185, %reduce_sum3A_186 [0] : vector<512x64xf32> to vector<64xf32>
    %broadcast_in_dim3A_188 = vector.shape_cast %reduce_sum3A_187 : vector<64xf32> to vector<1x64xf32>
    %add3A_189 = arith.addf %add3A_154, %broadcast_in_dim3A_188 : vector<1x64xf32>
    %mul3A_190 = arith.mulf %add3A_185, %add3A_185 : vector<512x64xf32>
    %reduce_sum3A_191 = arith.constant dense<0.000000e+00> : vector<64xf32>
    %reduce_sum3A_192 = vector.multi_reduction <add>, %mul3A_190, %reduce_sum3A_191 [0] : vector<512x64xf32> to vector<64xf32>
    %broadcast_in_dim3A_193 = vector.shape_cast %reduce_sum3A_192 : vector<64xf32> to vector<1x64xf32>
    %add3A_194 = arith.addf %add3A_159, %broadcast_in_dim3A_193 : vector<1x64xf32>
    %get3A_195 = arith.constant 0 : index
    %get3A_196 = arith.constant 0 : index
    %get3A_197 = vector.load %arg22[%get3A_195, %get3A_196] : memref<512x128xi32, #tpu.memory_space<vmem>>, vector<512x128xi32>
    %shift_left3A_198 = arith.constant 16 : i32
    %shift_left3A_199 = vector.broadcast %shift_left3A_198 : i32 to vector<512x128xi32>
    %shift_left3A_200 = arith.shli %get3A_197, %shift_left3A_199 : vector<512x128xi32>
    %bitcast_convert_type3A_201 = tpu.bitcast %shift_left3A_200 : vector<512x128xi32> -> vector<512x128xf32>
    %and3A_202 = arith.constant -65536 : i32
    %and3A_203 = vector.broadcast %and3A_202 : i32 to vector<512x128xi32>
    %and3A_204 = arith.andi %get3A_197, %and3A_203 : vector<512x128xi32>
    %bitcast_convert_type3A_205 = tpu.bitcast %and3A_204 : vector<512x128xi32> -> vector<512x128xf32>
    %concatenate3A_206 = tpu.concatenate %bitcast_convert_type3A_201, %bitcast_convert_type3A_205 in 1 : vector<512x128xf32>, vector<512x128xf32> -> vector<512x256xf32>
    %add3A_207 = arith.addf %concatenate3A_206, %get3A_6 : vector<512x256xf32>
    %reduce_sum3A_208 = arith.constant dense<0.000000e+00> : vector<256xf32>
    %reduce_sum3A_209 = vector.multi_reduction <add>, %add3A_207, %reduce_sum3A_208 [0] : vector<512x256xf32> to vector<256xf32>
    %broadcast_in_dim3A_210 = vector.shape_cast %reduce_sum3A_209 : vector<256xf32> to vector<1x256xf32>
    %add3A_211 = arith.addf %add3A_176, %broadcast_in_dim3A_210 : vector<1x256xf32>
    %mul3A_212 = arith.mulf %add3A_207, %add3A_207 : vector<512x256xf32>
    %reduce_sum3A_213 = arith.constant dense<0.000000e+00> : vector<256xf32>
    %reduce_sum3A_214 = vector.multi_reduction <add>, %mul3A_212, %reduce_sum3A_213 [0] : vector<512x256xf32> to vector<256xf32>
    %broadcast_in_dim3A_215 = vector.shape_cast %reduce_sum3A_214 : vector<256xf32> to vector<1x256xf32>
    %add3A_216 = arith.addf %add3A_181, %broadcast_in_dim3A_215 : vector<1x256xf32>
    %get3A_217 = arith.constant 0 : index
    %get3A_218 = arith.constant 0 : index
    %get3A_219 = vector.load %arg7[%get3A_217, %get3A_218] : memref<512x128xf32, #tpu.memory_space<vmem>>, vector<512x64xf32>
    %add3A_220 = arith.addf %get3A_219, %get3A_3 : vector<512x64xf32>
    %reduce_sum3A_221 = arith.constant dense<0.000000e+00> : vector<64xf32>
    %reduce_sum3A_222 = vector.multi_reduction <add>, %add3A_220, %reduce_sum3A_221 [0] : vector<512x64xf32> to vector<64xf32>
    %broadcast_in_dim3A_223 = vector.shape_cast %reduce_sum3A_222 : vector<64xf32> to vector<1x64xf32>
    %add3A_224 = arith.addf %add3A_189, %broadcast_in_dim3A_223 : vector<1x64xf32>
    %mul3A_225 = arith.mulf %add3A_220, %add3A_220 : vector<512x64xf32>
    %reduce_sum3A_226 = arith.constant dense<0.000000e+00> : vector<64xf32>
    %reduce_sum3A_227 = vector.multi_reduction <add>, %mul3A_225, %reduce_sum3A_226 [0] : vector<512x64xf32> to vector<64xf32>
    %broadcast_in_dim3A_228 = vector.shape_cast %reduce_sum3A_227 : vector<64xf32> to vector<1x64xf32>
    %add3A_229 = arith.addf %add3A_194, %broadcast_in_dim3A_228 : vector<1x64xf32>
    %get3A_230 = arith.constant 0 : index
    %get3A_231 = arith.constant 0 : index
    %get3A_232 = vector.load %arg23[%get3A_230, %get3A_231] : memref<512x128xi32, #tpu.memory_space<vmem>>, vector<512x128xi32>
    %shift_left3A_233 = arith.constant 16 : i32
    %shift_left3A_234 = vector.broadcast %shift_left3A_233 : i32 to vector<512x128xi32>
    %shift_left3A_235 = arith.shli %get3A_232, %shift_left3A_234 : vector<512x128xi32>
    %bitcast_convert_type3A_236 = tpu.bitcast %shift_left3A_235 : vector<512x128xi32> -> vector<512x128xf32>
    %and3A_237 = arith.constant -65536 : i32
    %and3A_238 = vector.broadcast %and3A_237 : i32 to vector<512x128xi32>
    %and3A_239 = arith.andi %get3A_232, %and3A_238 : vector<512x128xi32>
    %bitcast_convert_type3A_240 = tpu.bitcast %and3A_239 : vector<512x128xi32> -> vector<512x128xf32>
    %concatenate3A_241 = tpu.concatenate %bitcast_convert_type3A_236, %bitcast_convert_type3A_240 in 1 : vector<512x128xf32>, vector<512x128xf32> -> vector<512x256xf32>
    %add3A_242 = arith.addf %concatenate3A_241, %get3A_6 : vector<512x256xf32>
    %reduce_sum3A_243 = arith.constant dense<0.000000e+00> : vector<256xf32>
    %reduce_sum3A_244 = vector.multi_reduction <add>, %add3A_242, %reduce_sum3A_243 [0] : vector<512x256xf32> to vector<256xf32>
    %broadcast_in_dim3A_245 = vector.shape_cast %reduce_sum3A_244 : vector<256xf32> to vector<1x256xf32>
    %add3A_246 = arith.addf %add3A_211, %broadcast_in_dim3A_245 : vector<1x256xf32>
    %mul3A_247 = arith.mulf %add3A_242, %add3A_242 : vector<512x256xf32>
    %reduce_sum3A_248 = arith.constant dense<0.000000e+00> : vector<256xf32>
    %reduce_sum3A_249 = vector.multi_reduction <add>, %mul3A_247, %reduce_sum3A_248 [0] : vector<512x256xf32> to vector<256xf32>
    %broadcast_in_dim3A_250 = vector.shape_cast %reduce_sum3A_249 : vector<256xf32> to vector<1x256xf32>
    %add3A_251 = arith.addf %add3A_216, %broadcast_in_dim3A_250 : vector<1x256xf32>
    %get3A_252 = arith.constant 0 : index
    %get3A_253 = arith.constant 0 : index
    %get3A_254 = vector.load %arg8[%get3A_252, %get3A_253] : memref<512x128xf32, #tpu.memory_space<vmem>>, vector<512x64xf32>
    %add3A_255 = arith.addf %get3A_254, %get3A_3 : vector<512x64xf32>
    %reduce_sum3A_256 = arith.constant dense<0.000000e+00> : vector<64xf32>
    %reduce_sum3A_257 = vector.multi_reduction <add>, %add3A_255, %reduce_sum3A_256 [0] : vector<512x64xf32> to vector<64xf32>
    %broadcast_in_dim3A_258 = vector.shape_cast %reduce_sum3A_257 : vector<64xf32> to vector<1x64xf32>
    %add3A_259 = arith.addf %add3A_224, %broadcast_in_dim3A_258 : vector<1x64xf32>
    %mul3A_260 = arith.mulf %add3A_255, %add3A_255 : vector<512x64xf32>
    %reduce_sum3A_261 = arith.constant dense<0.000000e+00> : vector<64xf32>
    %reduce_sum3A_262 = vector.multi_reduction <add>, %mul3A_260, %reduce_sum3A_261 [0] : vector<512x64xf32> to vector<64xf32>
    %broadcast_in_dim3A_263 = vector.shape_cast %reduce_sum3A_262 : vector<64xf32> to vector<1x64xf32>
    %add3A_264 = arith.addf %add3A_229, %broadcast_in_dim3A_263 : vector<1x64xf32>
    %get3A_265 = arith.constant 0 : index
    %get3A_266 = arith.constant 0 : index
    %get3A_267 = vector.load %arg24[%get3A_265, %get3A_266] : memref<512x128xi32, #tpu.memory_space<vmem>>, vector<512x128xi32>
    %shift_left3A_268 = arith.constant 16 : i32
    %shift_left3A_269 = vector.broadcast %shift_left3A_268 : i32 to vector<512x128xi32>
    %shift_left3A_270 = arith.shli %get3A_267, %shift_left3A_269 : vector<512x128xi32>
    %bitcast_convert_type3A_271 = tpu.bitcast %shift_left3A_270 : vector<512x128xi32> -> vector<512x128xf32>
    %and3A_272 = arith.constant -65536 : i32
    %and3A_273 = vector.broadcast %and3A_272 : i32 to vector<512x128xi32>
    %and3A_274 = arith.andi %get3A_267, %and3A_273 : vector<512x128xi32>
    %bitcast_convert_type3A_275 = tpu.bitcast %and3A_274 : vector<512x128xi32> -> vector<512x128xf32>
    %concatenate3A_276 = tpu.concatenate %bitcast_convert_type3A_271, %bitcast_convert_type3A_275 in 1 : vector<512x128xf32>, vector<512x128xf32> -> vector<512x256xf32>
    %add3A_277 = arith.addf %concatenate3A_276, %get3A_6 : vector<512x256xf32>
    %reduce_sum3A_278 = arith.constant dense<0.000000e+00> : vector<256xf32>
    %reduce_sum3A_279 = vector.multi_reduction <add>, %add3A_277, %reduce_sum3A_278 [0] : vector<512x256xf32> to vector<256xf32>
    %broadcast_in_dim3A_280 = vector.shape_cast %reduce_sum3A_279 : vector<256xf32> to vector<1x256xf32>
    %add3A_281 = arith.addf %add3A_246, %broadcast_in_dim3A_280 : vector<1x256xf32>
    %mul3A_282 = arith.mulf %add3A_277, %add3A_277 : vector<512x256xf32>
    %reduce_sum3A_283 = arith.constant dense<0.000000e+00> : vector<256xf32>
    %reduce_sum3A_284 = vector.multi_reduction <add>, %mul3A_282, %reduce_sum3A_283 [0] : vector<512x256xf32> to vector<256xf32>
    %broadcast_in_dim3A_285 = vector.shape_cast %reduce_sum3A_284 : vector<256xf32> to vector<1x256xf32>
    %add3A_286 = arith.addf %add3A_251, %broadcast_in_dim3A_285 : vector<1x256xf32>
    %get3A_287 = arith.constant 0 : index
    %get3A_288 = arith.constant 0 : index
    %get3A_289 = vector.load %arg9[%get3A_287, %get3A_288] : memref<512x128xf32, #tpu.memory_space<vmem>>, vector<512x64xf32>
    %add3A_290 = arith.addf %get3A_289, %get3A_3 : vector<512x64xf32>
    %reduce_sum3A_291 = arith.constant dense<0.000000e+00> : vector<64xf32>
    %reduce_sum3A_292 = vector.multi_reduction <add>, %add3A_290, %reduce_sum3A_291 [0] : vector<512x64xf32> to vector<64xf32>
    %broadcast_in_dim3A_293 = vector.shape_cast %reduce_sum3A_292 : vector<64xf32> to vector<1x64xf32>
    %add3A_294 = arith.addf %add3A_259, %broadcast_in_dim3A_293 : vector<1x64xf32>
    %mul3A_295 = arith.mulf %add3A_290, %add3A_290 : vector<512x64xf32>
    %reduce_sum3A_296 = arith.constant dense<0.000000e+00> : vector<64xf32>
    %reduce_sum3A_297 = vector.multi_reduction <add>, %mul3A_295, %reduce_sum3A_296 [0] : vector<512x64xf32> to vector<64xf32>
    %broadcast_in_dim3A_298 = vector.shape_cast %reduce_sum3A_297 : vector<64xf32> to vector<1x64xf32>
    %add3A_299 = arith.addf %add3A_264, %broadcast_in_dim3A_298 : vector<1x64xf32>
    %get3A_300 = arith.constant 0 : index
    %get3A_301 = arith.constant 0 : index
    %get3A_302 = vector.load %arg25[%get3A_300, %get3A_301] : memref<512x128xi32, #tpu.memory_space<vmem>>, vector<512x128xi32>
    %shift_left3A_303 = arith.constant 16 : i32
    %shift_left3A_304 = vector.broadcast %shift_left3A_303 : i32 to vector<512x128xi32>
    %shift_left3A_305 = arith.shli %get3A_302, %shift_left3A_304 : vector<512x128xi32>
    %bitcast_convert_type3A_306 = tpu.bitcast %shift_left3A_305 : vector<512x128xi32> -> vector<512x128xf32>
    %and3A_307 = arith.constant -65536 : i32
    %and3A_308 = vector.broadcast %and3A_307 : i32 to vector<512x128xi32>
    %and3A_309 = arith.andi %get3A_302, %and3A_308 : vector<512x128xi32>
    %bitcast_convert_type3A_310 = tpu.bitcast %and3A_309 : vector<512x128xi32> -> vector<512x128xf32>
    %concatenate3A_311 = tpu.concatenate %bitcast_convert_type3A_306, %bitcast_convert_type3A_310 in 1 : vector<512x128xf32>, vector<512x128xf32> -> vector<512x256xf32>
    %add3A_312 = arith.addf %concatenate3A_311, %get3A_6 : vector<512x256xf32>
    %reduce_sum3A_313 = arith.constant dense<0.000000e+00> : vector<256xf32>
    %reduce_sum3A_314 = vector.multi_reduction <add>, %add3A_312, %reduce_sum3A_313 [0] : vector<512x256xf32> to vector<256xf32>
    %broadcast_in_dim3A_315 = vector.shape_cast %reduce_sum3A_314 : vector<256xf32> to vector<1x256xf32>
    %add3A_316 = arith.addf %add3A_281, %broadcast_in_dim3A_315 : vector<1x256xf32>
    %mul3A_317 = arith.mulf %add3A_312, %add3A_312 : vector<512x256xf32>
    %reduce_sum3A_318 = arith.constant dense<0.000000e+00> : vector<256xf32>
    %reduce_sum3A_319 = vector.multi_reduction <add>, %mul3A_317, %reduce_sum3A_318 [0] : vector<512x256xf32> to vector<256xf32>
    %broadcast_in_dim3A_320 = vector.shape_cast %reduce_sum3A_319 : vector<256xf32> to vector<1x256xf32>
    %add3A_321 = arith.addf %add3A_286, %broadcast_in_dim3A_320 : vector<1x256xf32>
    %get3A_322 = arith.constant 0 : index
    %get3A_323 = arith.constant 0 : index
    %get3A_324 = vector.load %arg10[%get3A_322, %get3A_323] : memref<512x128xf32, #tpu.memory_space<vmem>>, vector<512x64xf32>
    %add3A_325 = arith.addf %get3A_324, %get3A_3 : vector<512x64xf32>
    %reduce_sum3A_326 = arith.constant dense<0.000000e+00> : vector<64xf32>
    %reduce_sum3A_327 = vector.multi_reduction <add>, %add3A_325, %reduce_sum3A_326 [0] : vector<512x64xf32> to vector<64xf32>
    %broadcast_in_dim3A_328 = vector.shape_cast %reduce_sum3A_327 : vector<64xf32> to vector<1x64xf32>
    %add3A_329 = arith.addf %add3A_294, %broadcast_in_dim3A_328 : vector<1x64xf32>
    %mul3A_330 = arith.mulf %add3A_325, %add3A_325 : vector<512x64xf32>
    %reduce_sum3A_331 = arith.constant dense<0.000000e+00> : vector<64xf32>
    %reduce_sum3A_332 = vector.multi_reduction <add>, %mul3A_330, %reduce_sum3A_331 [0] : vector<512x64xf32> to vector<64xf32>
    %broadcast_in_dim3A_333 = vector.shape_cast %reduce_sum3A_332 : vector<64xf32> to vector<1x64xf32>
    %add3A_334 = arith.addf %add3A_299, %broadcast_in_dim3A_333 : vector<1x64xf32>
    %get3A_335 = arith.constant 0 : index
    %get3A_336 = arith.constant 0 : index
    %get3A_337 = vector.load %arg26[%get3A_335, %get3A_336] : memref<512x128xi32, #tpu.memory_space<vmem>>, vector<512x128xi32>
    %shift_left3A_338 = arith.constant 16 : i32
    %shift_left3A_339 = vector.broadcast %shift_left3A_338 : i32 to vector<512x128xi32>
    %shift_left3A_340 = arith.shli %get3A_337, %shift_left3A_339 : vector<512x128xi32>
    %bitcast_convert_type3A_341 = tpu.bitcast %shift_left3A_340 : vector<512x128xi32> -> vector<512x128xf32>
    %and3A_342 = arith.constant -65536 : i32
    %and3A_343 = vector.broadcast %and3A_342 : i32 to vector<512x128xi32>
    %and3A_344 = arith.andi %get3A_337, %and3A_343 : vector<512x128xi32>
    %bitcast_convert_type3A_345 = tpu.bitcast %and3A_344 : vector<512x128xi32> -> vector<512x128xf32>
    %concatenate3A_346 = tpu.concatenate %bitcast_convert_type3A_341, %bitcast_convert_type3A_345 in 1 : vector<512x128xf32>, vector<512x128xf32> -> vector<512x256xf32>
    %add3A_347 = arith.addf %concatenate3A_346, %get3A_6 : vector<512x256xf32>
    %reduce_sum3A_348 = arith.constant dense<0.000000e+00> : vector<256xf32>
    %reduce_sum3A_349 = vector.multi_reduction <add>, %add3A_347, %reduce_sum3A_348 [0] : vector<512x256xf32> to vector<256xf32>
    %broadcast_in_dim3A_350 = vector.shape_cast %reduce_sum3A_349 : vector<256xf32> to vector<1x256xf32>
    %add3A_351 = arith.addf %add3A_316, %broadcast_in_dim3A_350 : vector<1x256xf32>
    %mul3A_352 = arith.mulf %add3A_347, %add3A_347 : vector<512x256xf32>
    %reduce_sum3A_353 = arith.constant dense<0.000000e+00> : vector<256xf32>
    %reduce_sum3A_354 = vector.multi_reduction <add>, %mul3A_352, %reduce_sum3A_353 [0] : vector<512x256xf32> to vector<256xf32>
    %broadcast_in_dim3A_355 = vector.shape_cast %reduce_sum3A_354 : vector<256xf32> to vector<1x256xf32>
    %add3A_356 = arith.addf %add3A_321, %broadcast_in_dim3A_355 : vector<1x256xf32>
    %get3A_357 = arith.constant 0 : index
    %get3A_358 = arith.constant 0 : index
    %get3A_359 = vector.load %arg11[%get3A_357, %get3A_358] : memref<512x128xf32, #tpu.memory_space<vmem>>, vector<512x64xf32>
    %add3A_360 = arith.addf %get3A_359, %get3A_3 : vector<512x64xf32>
    %reduce_sum3A_361 = arith.constant dense<0.000000e+00> : vector<64xf32>
    %reduce_sum3A_362 = vector.multi_reduction <add>, %add3A_360, %reduce_sum3A_361 [0] : vector<512x64xf32> to vector<64xf32>
    %broadcast_in_dim3A_363 = vector.shape_cast %reduce_sum3A_362 : vector<64xf32> to vector<1x64xf32>
    %add3A_364 = arith.addf %add3A_329, %broadcast_in_dim3A_363 : vector<1x64xf32>
    %mul3A_365 = arith.mulf %add3A_360, %add3A_360 : vector<512x64xf32>
    %reduce_sum3A_366 = arith.constant dense<0.000000e+00> : vector<64xf32>
    %reduce_sum3A_367 = vector.multi_reduction <add>, %mul3A_365, %reduce_sum3A_366 [0] : vector<512x64xf32> to vector<64xf32>
    %broadcast_in_dim3A_368 = vector.shape_cast %reduce_sum3A_367 : vector<64xf32> to vector<1x64xf32>
    %add3A_369 = arith.addf %add3A_334, %broadcast_in_dim3A_368 : vector<1x64xf32>
    %get3A_370 = arith.constant 0 : index
    %get3A_371 = arith.constant 0 : index
    %get3A_372 = vector.load %arg27[%get3A_370, %get3A_371] : memref<512x128xi32, #tpu.memory_space<vmem>>, vector<512x128xi32>
    %shift_left3A_373 = arith.constant 16 : i32
    %shift_left3A_374 = vector.broadcast %shift_left3A_373 : i32 to vector<512x128xi32>
    %shift_left3A_375 = arith.shli %get3A_372, %shift_left3A_374 : vector<512x128xi32>
    %bitcast_convert_type3A_376 = tpu.bitcast %shift_left3A_375 : vector<512x128xi32> -> vector<512x128xf32>
    %and3A_377 = arith.constant -65536 : i32
    %and3A_378 = vector.broadcast %and3A_377 : i32 to vector<512x128xi32>
    %and3A_379 = arith.andi %get3A_372, %and3A_378 : vector<512x128xi32>
    %bitcast_convert_type3A_380 = tpu.bitcast %and3A_379 : vector<512x128xi32> -> vector<512x128xf32>
    %concatenate3A_381 = tpu.concatenate %bitcast_convert_type3A_376, %bitcast_convert_type3A_380 in 1 : vector<512x128xf32>, vector<512x128xf32> -> vector<512x256xf32>
    %add3A_382 = arith.addf %concatenate3A_381, %get3A_6 : vector<512x256xf32>
    %reduce_sum3A_383 = arith.constant dense<0.000000e+00> : vector<256xf32>
    %reduce_sum3A_384 = vector.multi_reduction <add>, %add3A_382, %reduce_sum3A_383 [0] : vector<512x256xf32> to vector<256xf32>
    %broadcast_in_dim3A_385 = vector.shape_cast %reduce_sum3A_384 : vector<256xf32> to vector<1x256xf32>
    %add3A_386 = arith.addf %add3A_351, %broadcast_in_dim3A_385 : vector<1x256xf32>
    %mul3A_387 = arith.mulf %add3A_382, %add3A_382 : vector<512x256xf32>
    %reduce_sum3A_388 = arith.constant dense<0.000000e+00> : vector<256xf32>
    %reduce_sum3A_389 = vector.multi_reduction <add>, %mul3A_387, %reduce_sum3A_388 [0] : vector<512x256xf32> to vector<256xf32>
    %broadcast_in_dim3A_390 = vector.shape_cast %reduce_sum3A_389 : vector<256xf32> to vector<1x256xf32>
    %add3A_391 = arith.addf %add3A_356, %broadcast_in_dim3A_390 : vector<1x256xf32>
    %get3A_392 = arith.constant 0 : index
    %get3A_393 = arith.constant 0 : index
    %get3A_394 = vector.load %arg12[%get3A_392, %get3A_393] : memref<512x128xf32, #tpu.memory_space<vmem>>, vector<512x64xf32>
    %add3A_395 = arith.addf %get3A_394, %get3A_3 : vector<512x64xf32>
    %reduce_sum3A_396 = arith.constant dense<0.000000e+00> : vector<64xf32>
    %reduce_sum3A_397 = vector.multi_reduction <add>, %add3A_395, %reduce_sum3A_396 [0] : vector<512x64xf32> to vector<64xf32>
    %broadcast_in_dim3A_398 = vector.shape_cast %reduce_sum3A_397 : vector<64xf32> to vector<1x64xf32>
    %add3A_399 = arith.addf %add3A_364, %broadcast_in_dim3A_398 : vector<1x64xf32>
    %mul3A_400 = arith.mulf %add3A_395, %add3A_395 : vector<512x64xf32>
    %reduce_sum3A_401 = arith.constant dense<0.000000e+00> : vector<64xf32>
    %reduce_sum3A_402 = vector.multi_reduction <add>, %mul3A_400, %reduce_sum3A_401 [0] : vector<512x64xf32> to vector<64xf32>
    %broadcast_in_dim3A_403 = vector.shape_cast %reduce_sum3A_402 : vector<64xf32> to vector<1x64xf32>
    %add3A_404 = arith.addf %add3A_369, %broadcast_in_dim3A_403 : vector<1x64xf32>
    %get3A_405 = arith.constant 0 : index
    %get3A_406 = arith.constant 0 : index
    %get3A_407 = vector.load %arg28[%get3A_405, %get3A_406] : memref<512x128xi32, #tpu.memory_space<vmem>>, vector<512x128xi32>
    %shift_left3A_408 = arith.constant 16 : i32
    %shift_left3A_409 = vector.broadcast %shift_left3A_408 : i32 to vector<512x128xi32>
    %shift_left3A_410 = arith.shli %get3A_407, %shift_left3A_409 : vector<512x128xi32>
    %bitcast_convert_type3A_411 = tpu.bitcast %shift_left3A_410 : vector<512x128xi32> -> vector<512x128xf32>
    %and3A_412 = arith.constant -65536 : i32
    %and3A_413 = vector.broadcast %and3A_412 : i32 to vector<512x128xi32>
    %and3A_414 = arith.andi %get3A_407, %and3A_413 : vector<512x128xi32>
    %bitcast_convert_type3A_415 = tpu.bitcast %and3A_414 : vector<512x128xi32> -> vector<512x128xf32>
    %concatenate3A_416 = tpu.concatenate %bitcast_convert_type3A_411, %bitcast_convert_type3A_415 in 1 : vector<512x128xf32>, vector<512x128xf32> -> vector<512x256xf32>
    %add3A_417 = arith.addf %concatenate3A_416, %get3A_6 : vector<512x256xf32>
    %reduce_sum3A_418 = arith.constant dense<0.000000e+00> : vector<256xf32>
    %reduce_sum3A_419 = vector.multi_reduction <add>, %add3A_417, %reduce_sum3A_418 [0] : vector<512x256xf32> to vector<256xf32>
    %broadcast_in_dim3A_420 = vector.shape_cast %reduce_sum3A_419 : vector<256xf32> to vector<1x256xf32>
    %add3A_421 = arith.addf %add3A_386, %broadcast_in_dim3A_420 : vector<1x256xf32>
    %mul3A_422 = arith.mulf %add3A_417, %add3A_417 : vector<512x256xf32>
    %reduce_sum3A_423 = arith.constant dense<0.000000e+00> : vector<256xf32>
    %reduce_sum3A_424 = vector.multi_reduction <add>, %mul3A_422, %reduce_sum3A_423 [0] : vector<512x256xf32> to vector<256xf32>
    %broadcast_in_dim3A_425 = vector.shape_cast %reduce_sum3A_424 : vector<256xf32> to vector<1x256xf32>
    %add3A_426 = arith.addf %add3A_391, %broadcast_in_dim3A_425 : vector<1x256xf32>
    %get3A_427 = arith.constant 0 : index
    %get3A_428 = arith.constant 0 : index
    %get3A_429 = vector.load %arg13[%get3A_427, %get3A_428] : memref<512x128xf32, #tpu.memory_space<vmem>>, vector<512x64xf32>
    %add3A_430 = arith.addf %get3A_429, %get3A_3 : vector<512x64xf32>
    %reduce_sum3A_431 = arith.constant dense<0.000000e+00> : vector<64xf32>
    %reduce_sum3A_432 = vector.multi_reduction <add>, %add3A_430, %reduce_sum3A_431 [0] : vector<512x64xf32> to vector<64xf32>
    %broadcast_in_dim3A_433 = vector.shape_cast %reduce_sum3A_432 : vector<64xf32> to vector<1x64xf32>
    %add3A_434 = arith.addf %add3A_399, %broadcast_in_dim3A_433 : vector<1x64xf32>
    %mul3A_435 = arith.mulf %add3A_430, %add3A_430 : vector<512x64xf32>
    %reduce_sum3A_436 = arith.constant dense<0.000000e+00> : vector<64xf32>
    %reduce_sum3A_437 = vector.multi_reduction <add>, %mul3A_435, %reduce_sum3A_436 [0] : vector<512x64xf32> to vector<64xf32>
    %broadcast_in_dim3A_438 = vector.shape_cast %reduce_sum3A_437 : vector<64xf32> to vector<1x64xf32>
    %add3A_439 = arith.addf %add3A_404, %broadcast_in_dim3A_438 : vector<1x64xf32>
    %get3A_440 = arith.constant 0 : index
    %get3A_441 = arith.constant 0 : index
    %get3A_442 = vector.load %arg29[%get3A_440, %get3A_441] : memref<512x128xi32, #tpu.memory_space<vmem>>, vector<512x128xi32>
    %shift_left3A_443 = arith.constant 16 : i32
    %shift_left3A_444 = vector.broadcast %shift_left3A_443 : i32 to vector<512x128xi32>
    %shift_left3A_445 = arith.shli %get3A_442, %shift_left3A_444 : vector<512x128xi32>
    %bitcast_convert_type3A_446 = tpu.bitcast %shift_left3A_445 : vector<512x128xi32> -> vector<512x128xf32>
    %and3A_447 = arith.constant -65536 : i32
    %and3A_448 = vector.broadcast %and3A_447 : i32 to vector<512x128xi32>
    %and3A_449 = arith.andi %get3A_442, %and3A_448 : vector<512x128xi32>
    %bitcast_convert_type3A_450 = tpu.bitcast %and3A_449 : vector<512x128xi32> -> vector<512x128xf32>
    %concatenate3A_451 = tpu.concatenate %bitcast_convert_type3A_446, %bitcast_convert_type3A_450 in 1 : vector<512x128xf32>, vector<512x128xf32> -> vector<512x256xf32>
    %add3A_452 = arith.addf %concatenate3A_451, %get3A_6 : vector<512x256xf32>
    %reduce_sum3A_453 = arith.constant dense<0.000000e+00> : vector<256xf32>
    %reduce_sum3A_454 = vector.multi_reduction <add>, %add3A_452, %reduce_sum3A_453 [0] : vector<512x256xf32> to vector<256xf32>
    %broadcast_in_dim3A_455 = vector.shape_cast %reduce_sum3A_454 : vector<256xf32> to vector<1x256xf32>
    %add3A_456 = arith.addf %add3A_421, %broadcast_in_dim3A_455 : vector<1x256xf32>
    %mul3A_457 = arith.mulf %add3A_452, %add3A_452 : vector<512x256xf32>
    %reduce_sum3A_458 = arith.constant dense<0.000000e+00> : vector<256xf32>
    %reduce_sum3A_459 = vector.multi_reduction <add>, %mul3A_457, %reduce_sum3A_458 [0] : vector<512x256xf32> to vector<256xf32>
    %broadcast_in_dim3A_460 = vector.shape_cast %reduce_sum3A_459 : vector<256xf32> to vector<1x256xf32>
    %add3A_461 = arith.addf %add3A_426, %broadcast_in_dim3A_460 : vector<1x256xf32>
    %get3A_462 = arith.constant 0 : index
    %get3A_463 = arith.constant 0 : index
    %get3A_464 = vector.load %arg14[%get3A_462, %get3A_463] : memref<512x128xf32, #tpu.memory_space<vmem>>, vector<512x64xf32>
    %add3A_465 = arith.addf %get3A_464, %get3A_3 : vector<512x64xf32>
    %reduce_sum3A_466 = arith.constant dense<0.000000e+00> : vector<64xf32>
    %reduce_sum3A_467 = vector.multi_reduction <add>, %add3A_465, %reduce_sum3A_466 [0] : vector<512x64xf32> to vector<64xf32>
    %broadcast_in_dim3A_468 = vector.shape_cast %reduce_sum3A_467 : vector<64xf32> to vector<1x64xf32>
    %add3A_469 = arith.addf %add3A_434, %broadcast_in_dim3A_468 : vector<1x64xf32>
    %mul3A_470 = arith.mulf %add3A_465, %add3A_465 : vector<512x64xf32>
    %reduce_sum3A_471 = arith.constant dense<0.000000e+00> : vector<64xf32>
    %reduce_sum3A_472 = vector.multi_reduction <add>, %mul3A_470, %reduce_sum3A_471 [0] : vector<512x64xf32> to vector<64xf32>
    %broadcast_in_dim3A_473 = vector.shape_cast %reduce_sum3A_472 : vector<64xf32> to vector<1x64xf32>
    %add3A_474 = arith.addf %add3A_439, %broadcast_in_dim3A_473 : vector<1x64xf32>
    %get3A_475 = arith.constant 0 : index
    %get3A_476 = arith.constant 0 : index
    %get3A_477 = vector.load %arg30[%get3A_475, %get3A_476] : memref<512x128xi32, #tpu.memory_space<vmem>>, vector<512x128xi32>
    %shift_left3A_478 = arith.constant 16 : i32
    %shift_left3A_479 = vector.broadcast %shift_left3A_478 : i32 to vector<512x128xi32>
    %shift_left3A_480 = arith.shli %get3A_477, %shift_left3A_479 : vector<512x128xi32>
    %bitcast_convert_type3A_481 = tpu.bitcast %shift_left3A_480 : vector<512x128xi32> -> vector<512x128xf32>
    %and3A_482 = arith.constant -65536 : i32
    %and3A_483 = vector.broadcast %and3A_482 : i32 to vector<512x128xi32>
    %and3A_484 = arith.andi %get3A_477, %and3A_483 : vector<512x128xi32>
    %bitcast_convert_type3A_485 = tpu.bitcast %and3A_484 : vector<512x128xi32> -> vector<512x128xf32>
    %concatenate3A_486 = tpu.concatenate %bitcast_convert_type3A_481, %bitcast_convert_type3A_485 in 1 : vector<512x128xf32>, vector<512x128xf32> -> vector<512x256xf32>
    %add3A_487 = arith.addf %concatenate3A_486, %get3A_6 : vector<512x256xf32>
    %reduce_sum3A_488 = arith.constant dense<0.000000e+00> : vector<256xf32>
    %reduce_sum3A_489 = vector.multi_reduction <add>, %add3A_487, %reduce_sum3A_488 [0] : vector<512x256xf32> to vector<256xf32>
    %broadcast_in_dim3A_490 = vector.shape_cast %reduce_sum3A_489 : vector<256xf32> to vector<1x256xf32>
    %add3A_491 = arith.addf %add3A_456, %broadcast_in_dim3A_490 : vector<1x256xf32>
    %mul3A_492 = arith.mulf %add3A_487, %add3A_487 : vector<512x256xf32>
    %reduce_sum3A_493 = arith.constant dense<0.000000e+00> : vector<256xf32>
    %reduce_sum3A_494 = vector.multi_reduction <add>, %mul3A_492, %reduce_sum3A_493 [0] : vector<512x256xf32> to vector<256xf32>
    %broadcast_in_dim3A_495 = vector.shape_cast %reduce_sum3A_494 : vector<256xf32> to vector<1x256xf32>
    %add3A_496 = arith.addf %add3A_461, %broadcast_in_dim3A_495 : vector<1x256xf32>
    %get3A_497 = arith.constant 0 : index
    %get3A_498 = arith.constant 0 : index
    %get3A_499 = vector.load %arg15[%get3A_497, %get3A_498] : memref<512x128xf32, #tpu.memory_space<vmem>>, vector<512x64xf32>
    %add3A_500 = arith.addf %get3A_499, %get3A_3 : vector<512x64xf32>
    %reduce_sum3A_501 = arith.constant dense<0.000000e+00> : vector<64xf32>
    %reduce_sum3A_502 = vector.multi_reduction <add>, %add3A_500, %reduce_sum3A_501 [0] : vector<512x64xf32> to vector<64xf32>
    %broadcast_in_dim3A_503 = vector.shape_cast %reduce_sum3A_502 : vector<64xf32> to vector<1x64xf32>
    %add3A_504 = arith.addf %add3A_469, %broadcast_in_dim3A_503 : vector<1x64xf32>
    %mul3A_505 = arith.mulf %add3A_500, %add3A_500 : vector<512x64xf32>
    %reduce_sum3A_506 = arith.constant dense<0.000000e+00> : vector<64xf32>
    %reduce_sum3A_507 = vector.multi_reduction <add>, %mul3A_505, %reduce_sum3A_506 [0] : vector<512x64xf32> to vector<64xf32>
    %broadcast_in_dim3A_508 = vector.shape_cast %reduce_sum3A_507 : vector<64xf32> to vector<1x64xf32>
    %add3A_509 = arith.addf %add3A_474, %broadcast_in_dim3A_508 : vector<1x64xf32>
    %get3A_510 = arith.constant 0 : index
    %get3A_511 = arith.constant 0 : index
    %get3A_512 = vector.load %arg31[%get3A_510, %get3A_511] : memref<512x128xi32, #tpu.memory_space<vmem>>, vector<512x128xi32>
    %shift_left3A_513 = arith.constant 16 : i32
    %shift_left3A_514 = vector.broadcast %shift_left3A_513 : i32 to vector<512x128xi32>
    %shift_left3A_515 = arith.shli %get3A_512, %shift_left3A_514 : vector<512x128xi32>
    %bitcast_convert_type3A_516 = tpu.bitcast %shift_left3A_515 : vector<512x128xi32> -> vector<512x128xf32>
    %and3A_517 = arith.constant -65536 : i32
    %and3A_518 = vector.broadcast %and3A_517 : i32 to vector<512x128xi32>
    %and3A_519 = arith.andi %get3A_512, %and3A_518 : vector<512x128xi32>
    %bitcast_convert_type3A_520 = tpu.bitcast %and3A_519 : vector<512x128xi32> -> vector<512x128xf32>
    %concatenate3A_521 = tpu.concatenate %bitcast_convert_type3A_516, %bitcast_convert_type3A_520 in 1 : vector<512x128xf32>, vector<512x128xf32> -> vector<512x256xf32>
    %add3A_522 = arith.addf %concatenate3A_521, %get3A_6 : vector<512x256xf32>
    %reduce_sum3A_523 = arith.constant dense<0.000000e+00> : vector<256xf32>
    %reduce_sum3A_524 = vector.multi_reduction <add>, %add3A_522, %reduce_sum3A_523 [0] : vector<512x256xf32> to vector<256xf32>
    %broadcast_in_dim3A_525 = vector.shape_cast %reduce_sum3A_524 : vector<256xf32> to vector<1x256xf32>
    %add3A_526 = arith.addf %add3A_491, %broadcast_in_dim3A_525 : vector<1x256xf32>
    %mul3A_527 = arith.mulf %add3A_522, %add3A_522 : vector<512x256xf32>
    %reduce_sum3A_528 = arith.constant dense<0.000000e+00> : vector<256xf32>
    %reduce_sum3A_529 = vector.multi_reduction <add>, %mul3A_527, %reduce_sum3A_528 [0] : vector<512x256xf32> to vector<256xf32>
    %broadcast_in_dim3A_530 = vector.shape_cast %reduce_sum3A_529 : vector<256xf32> to vector<1x256xf32>
    %add3A_531 = arith.addf %add3A_496, %broadcast_in_dim3A_530 : vector<1x256xf32>
    %get3A_532 = arith.constant 0 : index
    %get3A_533 = arith.constant 0 : index
    %get3A_534 = vector.load %arg16[%get3A_532, %get3A_533] : memref<512x128xf32, #tpu.memory_space<vmem>>, vector<512x64xf32>
    %add3A_535 = arith.addf %get3A_534, %get3A_3 : vector<512x64xf32>
    %reduce_sum3A_536 = arith.constant dense<0.000000e+00> : vector<64xf32>
    %reduce_sum3A_537 = vector.multi_reduction <add>, %add3A_535, %reduce_sum3A_536 [0] : vector<512x64xf32> to vector<64xf32>
    %broadcast_in_dim3A_538 = vector.shape_cast %reduce_sum3A_537 : vector<64xf32> to vector<1x64xf32>
    %add3A_539 = arith.addf %add3A_504, %broadcast_in_dim3A_538 : vector<1x64xf32>
    %mul3A_540 = arith.mulf %add3A_535, %add3A_535 : vector<512x64xf32>
    %reduce_sum3A_541 = arith.constant dense<0.000000e+00> : vector<64xf32>
    %reduce_sum3A_542 = vector.multi_reduction <add>, %mul3A_540, %reduce_sum3A_541 [0] : vector<512x64xf32> to vector<64xf32>
    %broadcast_in_dim3A_543 = vector.shape_cast %reduce_sum3A_542 : vector<64xf32> to vector<1x64xf32>
    %add3A_544 = arith.addf %add3A_509, %broadcast_in_dim3A_543 : vector<1x64xf32>
    %get3A_545 = arith.constant 0 : index
    %get3A_546 = arith.constant 0 : index
    %get3A_547 = vector.load %arg32[%get3A_545, %get3A_546] : memref<512x128xi32, #tpu.memory_space<vmem>>, vector<512x128xi32>
    %shift_left3A_548 = arith.constant 16 : i32
    %shift_left3A_549 = vector.broadcast %shift_left3A_548 : i32 to vector<512x128xi32>
    %shift_left3A_550 = arith.shli %get3A_547, %shift_left3A_549 : vector<512x128xi32>
    %bitcast_convert_type3A_551 = tpu.bitcast %shift_left3A_550 : vector<512x128xi32> -> vector<512x128xf32>
    %and3A_552 = arith.constant -65536 : i32
    %and3A_553 = vector.broadcast %and3A_552 : i32 to vector<512x128xi32>
    %and3A_554 = arith.andi %get3A_547, %and3A_553 : vector<512x128xi32>
    %bitcast_convert_type3A_555 = tpu.bitcast %and3A_554 : vector<512x128xi32> -> vector<512x128xf32>
    %concatenate3A_556 = tpu.concatenate %bitcast_convert_type3A_551, %bitcast_convert_type3A_555 in 1 : vector<512x128xf32>, vector<512x128xf32> -> vector<512x256xf32>
    %add3A_557 = arith.addf %concatenate3A_556, %get3A_6 : vector<512x256xf32>
    %reduce_sum3A_558 = arith.constant dense<0.000000e+00> : vector<256xf32>
    %reduce_sum3A_559 = vector.multi_reduction <add>, %add3A_557, %reduce_sum3A_558 [0] : vector<512x256xf32> to vector<256xf32>
    %broadcast_in_dim3A_560 = vector.shape_cast %reduce_sum3A_559 : vector<256xf32> to vector<1x256xf32>
    %add3A_561 = arith.addf %add3A_526, %broadcast_in_dim3A_560 : vector<1x256xf32>
    %mul3A_562 = arith.mulf %add3A_557, %add3A_557 : vector<512x256xf32>
    %reduce_sum3A_563 = arith.constant dense<0.000000e+00> : vector<256xf32>
    %reduce_sum3A_564 = vector.multi_reduction <add>, %mul3A_562, %reduce_sum3A_563 [0] : vector<512x256xf32> to vector<256xf32>
    %broadcast_in_dim3A_565 = vector.shape_cast %reduce_sum3A_564 : vector<256xf32> to vector<1x256xf32>
    %add3A_566 = arith.addf %add3A_531, %broadcast_in_dim3A_565 : vector<1x256xf32>
    %broadcast_in_dim3A_567 = arith.constant 0.000000e+00 : f32
    %broadcast_in_dim3A_568 = vector.broadcast %broadcast_in_dim3A_567 : f32 to vector<6x64xf32>
    %broadcast_in_dim3A_569 = arith.constant 0.000000e+00 : f32
    %broadcast_in_dim3A_570 = vector.broadcast %broadcast_in_dim3A_569 : f32 to vector<6x256xf32>
    %get3A_571 = arith.constant 0 : index
    %get3A_572 = arith.constant 0 : index
    %get3A_573 = vector.load %arg35[%get3A_571, %get3A_572] : memref<8x64xf32, #tpu.memory_space<vmem>>, vector<8x64xf32>
    %concatenate3A_574 = tpu.concatenate %add3A_539, %add3A_544, %broadcast_in_dim3A_568 in 0 : vector<1x64xf32>, vector<1x64xf32>, vector<6x64xf32> -> vector<8x64xf32>
    %add3A_575 = arith.addf %get3A_573, %concatenate3A_574 : vector<8x64xf32>
    %swap3A = arith.constant 0 : index
    %swap3A_576 = arith.constant 0 : index
    %swap3A_577 = vector.load %arg35[%swap3A, %swap3A_576] : memref<8x64xf32, #tpu.memory_space<vmem>>, vector<8x64xf32>
    tpu.vector_store %arg35[%swap3A, %swap3A_576], %add3A_575 {strides = array<i32>} : memref<8x64xf32, #tpu.memory_space<vmem>>, vector<8x64xf32>,
    %get3A_578 = arith.constant 0 : index
    %get3A_579 = arith.constant 0 : index
    %get3A_580 = vector.load %arg36[%get3A_578, %get3A_579] : memref<8x256xf32, #tpu.memory_space<vmem>>, vector<8x256xf32>
    %concatenate3A_581 = tpu.concatenate %add3A_561, %add3A_566, %broadcast_in_dim3A_570 in 0 : vector<1x256xf32>, vector<1x256xf32>, vector<6x256xf32> -> vector<8x256xf32>
    %add3A_582 = arith.addf %get3A_580, %concatenate3A_581 : vector<8x256xf32>
    %swap3A_583 = arith.constant 0 : index
    %swap3A_584 = arith.constant 0 : index
    %swap3A_585 = vector.load %arg36[%swap3A_583, %swap3A_584] : memref<8x256xf32, #tpu.memory_space<vmem>>, vector<8x256xf32>
    tpu.vector_store %arg36[%swap3A_583, %swap3A_584], %add3A_582 {strides = array<i32>} : memref<8x256xf32, #tpu.memory_space<vmem>>, vector<8x256xf32>,
    return
  }
  func.func @transform_0(%arg0: i32) -> (i32, i32) {
    %add3A = arith.constant 0 : i32
    %add3A_0 = arith.addi %add3A, %arg0 : i32
    %c0_i32 = arith.constant 0 : i32
    %c0_i32_1 = arith.constant 0 : i32
    return %add3A_0, %c0_i32 : i32, i32
  }
  func.func @transform_1(%arg0: i32) -> (i32, i32) {
    %add3A = arith.constant 8 : i32
    %add3A_0 = arith.addi %add3A, %arg0 : i32
    %c0_i32 = arith.constant 0 : i32
    %c0_i32_1 = arith.constant 0 : i32
    return %add3A_0, %c0_i32 : i32, i32
  }
  func.func @transform_2(%arg0: i32) -> (i32, i32) {
    %add3A = arith.constant 16 : i32
    %add3A_0 = arith.addi %add3A, %arg0 : i32
    %c0_i32 = arith.constant 0 : i32
    %c0_i32_1 = arith.constant 0 : i32
    return %add3A_0, %c0_i32 : i32, i32
  }
  func.func @transform_3(%arg0: i32) -> (i32, i32) {
    %add3A = arith.constant 24 : i32
    %add3A_0 = arith.addi %add3A, %arg0 : i32
    %c0_i32 = arith.constant 0 : i32
    %c0_i32_1 = arith.constant 0 : i32
    return %add3A_0, %c0_i32 : i32, i32
  }
  func.func @transform_4(%arg0: i32) -> (i32, i32) {
    %add3A = arith.constant 32 : i32
    %add3A_0 = arith.addi %add3A, %arg0 : i32
    %c0_i32 = arith.constant 0 : i32
    %c0_i32_1 = arith.constant 0 : i32
    return %add3A_0, %c0_i32 : i32, i32
  }
  func.func @transform_5(%arg0: i32) -> (i32, i32) {
    %add3A = arith.constant 40 : i32
    %add3A_0 = arith.addi %add3A, %arg0 : i32
    %c0_i32 = arith.constant 0 : i32
    %c0_i32_1 = arith.constant 0 : i32
    return %add3A_0, %c0_i32 : i32, i32
  }
  func.func @transform_6(%arg0: i32) -> (i32, i32) {
    %add3A = arith.constant 48 : i32
    %add3A_0 = arith.addi %add3A, %arg0 : i32
    %c0_i32 = arith.constant 0 : i32
    %c0_i32_1 = arith.constant 0 : i32
    return %add3A_0, %c0_i32 : i32, i32
  }
  func.func @transform_7(%arg0: i32) -> (i32, i32) {
    %add3A = arith.constant 56 : i32
    %add3A_0 = arith.addi %add3A, %arg0 : i32
    %c0_i32 = arith.constant 0 : i32
    %c0_i32_1 = arith.constant 0 : i32
    return %add3A_0, %c0_i32 : i32, i32
  }
  func.func @transform_8(%arg0: i32) -> (i32, i32) {
    %add3A = arith.constant 64 : i32
    %add3A_0 = arith.addi %add3A, %arg0 : i32
    %c0_i32 = arith.constant 0 : i32
    %c0_i32_1 = arith.constant 0 : i32
    return %add3A_0, %c0_i32 : i32, i32
  }
  func.func @transform_9(%arg0: i32) -> (i32, i32) {
    %add3A = arith.constant 72 : i32
    %add3A_0 = arith.addi %add3A, %arg0 : i32
    %c0_i32 = arith.constant 0 : i32
    %c0_i32_1 = arith.constant 0 : i32
    return %add3A_0, %c0_i32 : i32, i32
  }
  func.func @transform_10(%arg0: i32) -> (i32, i32) {
    %add3A = arith.constant 80 : i32
    %add3A_0 = arith.addi %add3A, %arg0 : i32
    %c0_i32 = arith.constant 0 : i32
    %c0_i32_1 = arith.constant 0 : i32
    return %add3A_0, %c0_i32 : i32, i32
  }
  func.func @transform_11(%arg0: i32) -> (i32, i32) {
    %add3A = arith.constant 88 : i32
    %add3A_0 = arith.addi %add3A, %arg0 : i32
    %c0_i32 = arith.constant 0 : i32
    %c0_i32_1 = arith.constant 0 : i32
    return %add3A_0, %c0_i32 : i32, i32
  }
  func.func @transform_12(%arg0: i32) -> (i32, i32) {
    %add3A = arith.constant 96 : i32
    %add3A_0 = arith.addi %add3A, %arg0 : i32
    %c0_i32 = arith.constant 0 : i32
    %c0_i32_1 = arith.constant 0 : i32
    return %add3A_0, %c0_i32 : i32, i32
  }
  func.func @transform_13(%arg0: i32) -> (i32, i32) {
    %add3A = arith.constant 104 : i32
    %add3A_0 = arith.addi %add3A, %arg0 : i32
    %c0_i32 = arith.constant 0 : i32
    %c0_i32_1 = arith.constant 0 : i32
    return %add3A_0, %c0_i32 : i32, i32
  }
  func.func @transform_14(%arg0: i32) -> (i32, i32) {
    %add3A = arith.constant 112 : i32
    %add3A_0 = arith.addi %add3A, %arg0 : i32
    %c0_i32 = arith.constant 0 : i32
    %c0_i32_1 = arith.constant 0 : i32
    return %add3A_0, %c0_i32 : i32, i32
  }
  func.func @transform_15(%arg0: i32) -> (i32, i32) {
    %add3A = arith.constant 120 : i32
    %add3A_0 = arith.addi %add3A, %arg0 : i32
    %c0_i32 = arith.constant 0 : i32
    %c0_i32_1 = arith.constant 0 : i32
    return %add3A_0, %c0_i32 : i32, i32
  }
  func.func @transform_16(%arg0: i32) -> (i32, i32) {
    %add3A = arith.constant 0 : i32
    %add3A_0 = arith.addi %add3A, %arg0 : i32
    %c0_i32 = arith.constant 0 : i32
    %c0_i32_1 = arith.constant 0 : i32
    return %add3A_0, %c0_i32 : i32, i32
  }
  func.func @transform_17(%arg0: i32) -> (i32, i32) {
    %add3A = arith.constant 8 : i32
    %add3A_0 = arith.addi %add3A, %arg0 : i32
    %c0_i32 = arith.constant 0 : i32
    %c0_i32_1 = arith.constant 0 : i32
    return %add3A_0, %c0_i32 : i32, i32
  }
  func.func @transform_18(%arg0: i32) -> (i32, i32) {
    %add3A = arith.constant 16 : i32
    %add3A_0 = arith.addi %add3A, %arg0 : i32
    %c0_i32 = arith.constant 0 : i32
    %c0_i32_1 = arith.constant 0 : i32
    return %add3A_0, %c0_i32 : i32, i32
  }
  func.func @transform_19(%arg0: i32) -> (i32, i32) {
    %add3A = arith.constant 24 : i32
    %add3A_0 = arith.addi %add3A, %arg0 : i32
    %c0_i32 = arith.constant 0 : i32
    %c0_i32_1 = arith.constant 0 : i32
    return %add3A_0, %c0_i32 : i32, i32
  }
  func.func @transform_20(%arg0: i32) -> (i32, i32) {
    %add3A = arith.constant 32 : i32
    %add3A_0 = arith.addi %add3A, %arg0 : i32
    %c0_i32 = arith.constant 0 : i32
    %c0_i32_1 = arith.constant 0 : i32
    return %add3A_0, %c0_i32 : i32, i32
  }
  func.func @transform_21(%arg0: i32) -> (i32, i32) {
    %add3A = arith.constant 40 : i32
    %add3A_0 = arith.addi %add3A, %arg0 : i32
    %c0_i32 = arith.constant 0 : i32
    %c0_i32_1 = arith.constant 0 : i32
    return %add3A_0, %c0_i32 : i32, i32
  }
  func.func @transform_22(%arg0: i32) -> (i32, i32) {
    %add3A = arith.constant 48 : i32
    %add3A_0 = arith.addi %add3A, %arg0 : i32
    %c0_i32 = arith.constant 0 : i32
    %c0_i32_1 = arith.constant 0 : i32
    return %add3A_0, %c0_i32 : i32, i32
  }
  func.func @transform_23(%arg0: i32) -> (i32, i32) {
    %add3A = arith.constant 56 : i32
    %add3A_0 = arith.addi %add3A, %arg0 : i32
    %c0_i32 = arith.constant 0 : i32
    %c0_i32_1 = arith.constant 0 : i32
    return %add3A_0, %c0_i32 : i32, i32
  }
  func.func @transform_24(%arg0: i32) -> (i32, i32) {
    %add3A = arith.constant 64 : i32
    %add3A_0 = arith.addi %add3A, %arg0 : i32
    %c0_i32 = arith.constant 0 : i32
    %c0_i32_1 = arith.constant 0 : i32
    return %add3A_0, %c0_i32 : i32, i32
  }
  func.func @transform_25(%arg0: i32) -> (i32, i32) {
    %add3A = arith.constant 72 : i32
    %add3A_0 = arith.addi %add3A, %arg0 : i32
    %c0_i32 = arith.constant 0 : i32
    %c0_i32_1 = arith.constant 0 : i32
    return %add3A_0, %c0_i32 : i32, i32
  }
  func.func @transform_26(%arg0: i32) -> (i32, i32) {
    %add3A = arith.constant 80 : i32
    %add3A_0 = arith.addi %add3A, %arg0 : i32
    %c0_i32 = arith.constant 0 : i32
    %c0_i32_1 = arith.constant 0 : i32
    return %add3A_0, %c0_i32 : i32, i32
  }
  func.func @transform_27(%arg0: i32) -> (i32, i32) {
    %add3A = arith.constant 88 : i32
    %add3A_0 = arith.addi %add3A, %arg0 : i32
    %c0_i32 = arith.constant 0 : i32
    %c0_i32_1 = arith.constant 0 : i32
    return %add3A_0, %c0_i32 : i32, i32
  }
  func.func @transform_28(%arg0: i32) -> (i32, i32) {
    %add3A = arith.constant 96 : i32
    %add3A_0 = arith.addi %add3A, %arg0 : i32
    %c0_i32 = arith.constant 0 : i32
    %c0_i32_1 = arith.constant 0 : i32
    return %add3A_0, %c0_i32 : i32, i32
  }
  func.func @transform_29(%arg0: i32) -> (i32, i32) {
    %add3A = arith.constant 104 : i32
    %add3A_0 = arith.addi %add3A, %arg0 : i32
    %c0_i32 = arith.constant 0 : i32
    %c0_i32_1 = arith.constant 0 : i32
    return %add3A_0, %c0_i32 : i32, i32
  }
  func.func @transform_30(%arg0: i32) -> (i32, i32) {
    %add3A = arith.constant 112 : i32
    %add3A_0 = arith.addi %add3A, %arg0 : i32
    %c0_i32 = arith.constant 0 : i32
    %c0_i32_1 = arith.constant 0 : i32
    return %add3A_0, %c0_i32 : i32, i32
  }
  func.func @transform_31(%arg0: i32) -> (i32, i32) {
    %add3A = arith.constant 120 : i32
    %add3A_0 = arith.addi %add3A, %arg0 : i32
    %c0_i32 = arith.constant 0 : i32
    %c0_i32_1 = arith.constant 0 : i32
    return %add3A_0, %c0_i32 : i32, i32
  }
  func.func @transform_32(%arg0: i32) -> (i32, i32) {
    %add3A = arith.constant 0 : i32
    %add3A_0 = arith.addi %add3A, %arg0 : i32
    %c0_i32 = arith.constant 0 : i32
    %c0_i32_1 = arith.constant 0 : i32
    return %add3A_0, %c0_i32 : i32, i32
  }
  func.func @transform_33(%arg0: i32) -> (i32, i32) {
    %add3A = arith.constant 0 : i32
    %add3A_0 = arith.addi %add3A, %arg0 : i32
    %c0_i32 = arith.constant 0 : i32
    %c0_i32_1 = arith.constant 0 : i32
    return %add3A_0, %c0_i32 : i32, i32
  }
  func.func @transform_34(%arg0: i32) -> (i32, i32) {
    %c0_i32 = arith.constant 0 : i32
    %c0_i32_0 = arith.constant 0 : i32
    %c0_i32_1 = arith.constant 0 : i32
    return %c0_i32, %c0_i32_0 : i32, i32
  }
  func.func @transform_35(%arg0: i32) -> (i32, i32) {
    %c0_i32 = arith.constant 0 : i32
    %c0_i32_0 = arith.constant 0 : i32
    %c0_i32_1 = arith.constant 0 : i32
    return %c0_i32, %c0_i32_0 : i32, i32
  }
}

module attributes {stable_mosaic.version = 14 : i64} {
  func.func @_stats_body(%arg0: i32, %arg1: memref<512x128xf32, #tpu.memory_space<vmem>>, %arg2: memref<512x128xf32, #tpu.memory_space<vmem>>, %arg3: memref<512x128xf32, #tpu.memory_space<vmem>>, %arg4: memref<512x128xf32, #tpu.memory_space<vmem>>, %arg5: memref<512x128xf32, #tpu.memory_space<vmem>>, %arg6: memref<512x128xf32, #tpu.memory_space<vmem>>, %arg7: memref<512x128xf32, #tpu.memory_space<vmem>>, %arg8: memref<512x128xf32, #tpu.memory_space<vmem>>, %arg9: memref<512x128xf32, #tpu.memory_space<vmem>>, %arg10: memref<512x128xf32, #tpu.memory_space<vmem>>, %arg11: memref<512x128xf32, #tpu.memory_space<vmem>>, %arg12: memref<512x128xf32, #tpu.memory_space<vmem>>, %arg13: memref<512x128xf32, #tpu.memory_space<vmem>>, %arg14: memref<512x128xf32, #tpu.memory_space<vmem>>, %arg15: memref<512x128xf32, #tpu.memory_space<vmem>>, %arg16: memref<512x128xf32, #tpu.memory_space<vmem>>, %arg17: memref<512x128xi32, #tpu.memory_space<vmem>>, %arg18: memref<512x128xi32, #tpu.memory_space<vmem>>, %arg19: memref<512x128xi32, #tpu.memory_space<vmem>>, %arg20: memref<512x128xi32, #tpu.memory_space<vmem>>, %arg21: memref<512x128xi32, #tpu.memory_space<vmem>>, %arg22: memref<512x128xi32, #tpu.memory_space<vmem>>, %arg23: memref<512x128xi32, #tpu.memory_space<vmem>>, %arg24: memref<512x128xi32, #tpu.memory_space<vmem>>, %arg25: memref<512x128xi32, #tpu.memory_space<vmem>>, %arg26: memref<512x128xi32, #tpu.memory_space<vmem>>, %arg27: memref<512x128xi32, #tpu.memory_space<vmem>>, %arg28: memref<512x128xi32, #tpu.memory_space<vmem>>, %arg29: memref<512x128xi32, #tpu.memory_space<vmem>>, %arg30: memref<512x128xi32, #tpu.memory_space<vmem>>, %arg31: memref<512x128xi32, #tpu.memory_space<vmem>>, %arg32: memref<512x128xi32, #tpu.memory_space<vmem>>, %arg33: memref<512x64xf32, #tpu.memory_space<vmem>>, %arg34: memref<512x256xf32, #tpu.memory_space<vmem>>, %arg35: memref<8x64xf32, #tpu.memory_space<vmem>>, %arg36: memref<8x256xf32, #tpu.memory_space<vmem>>) attributes {dimension_semantics = [#tpu.dimension_semantics<arbitrary>], iteration_bounds = array<i64: 8>, scalar_prefetch = 0 : i64, scratch_operands = 0 : i64, tpu.core_type = #tpu.core_type<tc>, window_params = [{transform_indices = @transform_0, window_bounds = array<i64: 512, 128>}, {transform_indices = @transform_1, window_bounds = array<i64: 512, 128>}, {transform_indices = @transform_2, window_bounds = array<i64: 512, 128>}, {transform_indices = @transform_3, window_bounds = array<i64: 512, 128>}, {transform_indices = @transform_4, window_bounds = array<i64: 512, 128>}, {transform_indices = @transform_5, window_bounds = array<i64: 512, 128>}, {transform_indices = @transform_6, window_bounds = array<i64: 512, 128>}, {transform_indices = @transform_7, window_bounds = array<i64: 512, 128>}, {transform_indices = @transform_8, window_bounds = array<i64: 512, 128>}, {transform_indices = @transform_9, window_bounds = array<i64: 512, 128>}, {transform_indices = @transform_10, window_bounds = array<i64: 512, 128>}, {transform_indices = @transform_11, window_bounds = array<i64: 512, 128>}, {transform_indices = @transform_12, window_bounds = array<i64: 512, 128>}, {transform_indices = @transform_13, window_bounds = array<i64: 512, 128>}, {transform_indices = @transform_14, window_bounds = array<i64: 512, 128>}, {transform_indices = @transform_15, window_bounds = array<i64: 512, 128>}, {transform_indices = @transform_16, window_bounds = array<i64: 512, 128>}, {transform_indices = @transform_17, window_bounds = array<i64: 512, 128>}, {transform_indices = @transform_18, window_bounds = array<i64: 512, 128>}, {transform_indices = @transform_19, window_bounds = array<i64: 512, 128>}, {transform_indices = @transform_20, window_bounds = array<i64: 512, 128>}, {transform_indices = @transform_21, window_bounds = array<i64: 512, 128>}, {transform_indices = @transform_22, window_bounds = array<i64: 512, 128>}, {transform_indices = @transform_23, window_bounds = array<i64: 512, 128>}, {transform_indices = @transform_24, window_bounds = array<i64: 512, 128>}, {transform_indices = @transform_25, window_bounds = array<i64: 512, 128>}, {transform_indices = @transform_26, window_bounds = array<i64: 512, 128>}, {transform_indices = @transform_27, window_bounds = array<i64: 512, 128>}, {transform_indices = @transform_28, window_bounds = array<i64: 512, 128>}, {transform_indices = @transform_29, window_bounds = array<i64: 512, 128>}, {transform_indices = @transform_30, window_bounds = array<i64: 512, 128>}, {transform_indices = @transform_31, window_bounds = array<i64: 512, 128>}, {transform_indices = @transform_32, window_bounds = array<i64: 512, 64>}, {transform_indices = @transform_33, window_bounds = array<i64: 512, 256>}, {pipeline_mode = #tpu.pipeline_mode<synchronous>, transform_indices = @transform_34, window_bounds = array<i64: 8, 64>}, {pipeline_mode = #tpu.pipeline_mode<synchronous>, transform_indices = @transform_35, window_bounds = array<i64: 8, 256>}]} {
    %eq3A = arith.constant 0 : i32
    %eq3A_0 = arith.cmpi eq, %arg0, %eq3A : i32
    %convert_element_type3A = arith.extui %eq3A_0 : i1 to i32
    %cond3A = arith.constant 0 : i32
    %cond3A_1 = arith.cmpi ne, %convert_element_type3A, %cond3A : i32
    scf.if %cond3A_1 {
      %broadcast_in_dim3A_586 = arith.constant 0.000000e+00 : f32
      %broadcast_in_dim3A_587 = vector.broadcast %broadcast_in_dim3A_586 : f32 to vector<8x64xf32>
      %swap3A_588 = arith.constant 0 : index
      %swap3A_589 = arith.constant 0 : index
      %swap3A_590 = vector.load %arg35[%swap3A_588, %swap3A_589] : memref<8x64xf32, #tpu.memory_space<vmem>>, vector<8x64xf32>
      tpu.vector_store %arg35[%swap3A_588, %swap3A_589], %broadcast_in_dim3A_587 {strides = array<i32>} : memref<8x64xf32, #tpu.memory_space<vmem>>, vector<8x64xf32>,
      %broadcast_in_dim3A_591 = arith.constant 0.000000e+00 : f32
      %broadcast_in_dim3A_592 = vector.broadcast %broadcast_in_dim3A_591 : f32 to vector<8x256xf32>
      %swap3A_593 = arith.constant 0 : index
      %swap3A_594 = arith.constant 0 : index
      %swap3A_595 = vector.load %arg36[%swap3A_593, %swap3A_594] : memref<8x256xf32, #tpu.memory_space<vmem>>, vector<8x256xf32>
      tpu.vector_store %arg36[%swap3A_593, %swap3A_594], %broadcast_in_dim3A_592 {strides = array<i32>} : memref<8x256xf32, #tpu.memory_space<vmem>>, vector<8x256xf32>,
    } else {
    }
    %get3A = arith.constant 0 : index
    %get3A_2 = arith.constant 0 : index
    %get3A_3 = vector.load %arg33[%get3A, %get3A_2] : memref<512x64xf32, #tpu.memory_space<vmem>>, vector<512x64xf32>
    %get3A_4 = arith.constant 0 : index
    %get3A_5 = arith.constant 0 : index
    %get3A_6 = vector.load %arg34[%get3A_4, %get3A_5] : memref<512x256xf32, #tpu.memory_space<vmem>>, vector<512x256xf32>
    %broadcast_in_dim3A = arith.constant 0.000000e+00 : f32
    %broadcast_in_dim3A_7 = vector.broadcast %broadcast_in_dim3A : f32 to vector<1x64xf32>
    %broadcast_in_dim3A_8 = arith.constant 0.000000e+00 : f32
    %broadcast_in_dim3A_9 = vector.broadcast %broadcast_in_dim3A_8 : f32 to vector<1x64xf32>
    %broadcast_in_dim3A_10 = arith.constant 0.000000e+00 : f32
    %broadcast_in_dim3A_11 = vector.broadcast %broadcast_in_dim3A_10 : f32 to vector<1x256xf32>
    %broadcast_in_dim3A_12 = arith.constant 0.000000e+00 : f32
    %broadcast_in_dim3A_13 = vector.broadcast %broadcast_in_dim3A_12 : f32 to vector<1x256xf32>
    %get3A_14 = arith.constant 0 : index
    %get3A_15 = arith.constant 0 : index
    %get3A_16 = vector.load %arg1[%get3A_14, %get3A_15] : memref<512x128xf32, #tpu.memory_space<vmem>>, vector<512x64xf32>
    %add3A = arith.addf %get3A_16, %get3A_3 : vector<512x64xf32>
    %reduce_sum3A = arith.constant dense<0.000000e+00> : vector<64xf32>
    %reduce_sum3A_17 = vector.multi_reduction <add>, %add3A, %reduce_sum3A [0] : vector<512x64xf32> to vector<64xf32>
    %broadcast_in_dim3A_18 = vector.shape_cast %reduce_sum3A_17 : vector<64xf32> to vector<1x64xf32>
    %add3A_19 = arith.addf %broadcast_in_dim3A_7, %broadcast_in_dim3A_18 : vector<1x64xf32>
    %mul3A = arith.mulf %add3A, %add3A : vector<512x64xf32>
    %reduce_sum3A_20 = arith.constant dense<0.000000e+00> : vector<64xf32>
    %reduce_sum3A_21 = vector.multi_reduction <add>, %mul3A, %reduce_sum3A_20 [0] : vector<512x64xf32> to vector<64xf32>
    %broadcast_in_dim3A_22 = vector.shape_cast %reduce_sum3A_21 : vector<64xf32> to vector<1x64xf32>
    %add3A_23 = arith.addf %broadcast_in_dim3A_9, %broadcast_in_dim3A_22 : vector<1x64xf32>
    %get3A_24 = arith.constant 0 : index
    %get3A_25 = arith.constant 0 : index
    %get3A_26 = vector.load %arg17[%get3A_24, %get3A_25] : memref<512x128xi32, #tpu.memory_space<vmem>>, vector<512x128xi32>
    %shift_left3A = arith.constant 16 : i32
    %shift_left3A_27 = vector.broadcast %shift_left3A : i32 to vector<512x128xi32>
    %shift_left3A_28 = arith.shli %get3A_26, %shift_left3A_27 : vector<512x128xi32>
    %bitcast_convert_type3A = tpu.bitcast %shift_left3A_28 : vector<512x128xi32> -> vector<512x128xf32>
    %and3A = arith.constant -65536 : i32
    %and3A_29 = vector.broadcast %and3A : i32 to vector<512x128xi32>
    %and3A_30 = arith.andi %get3A_26, %and3A_29 : vector<512x128xi32>
    %bitcast_convert_type3A_31 = tpu.bitcast %and3A_30 : vector<512x128xi32> -> vector<512x128xf32>
    %concatenate3A = tpu.concatenate %bitcast_convert_type3A, %bitcast_convert_type3A_31 in 1 : vector<512x128xf32>, vector<512x128xf32> -> vector<512x256xf32>
    %add3A_32 = arith.addf %concatenate3A, %get3A_6 : vector<512x256xf32>
    %reduce_sum3A_33 = arith.constant dense<0.000000e+00> : vector<256xf32>
    %reduce_sum3A_34 = vector.multi_reduction <add>, %add3A_32, %reduce_sum3A_33 [0] : vector<512x256xf32> to vector<256xf32>
    %broadcast_in_dim3A_35 = vector.shape_cast %reduce_sum3A_34 : vector<256xf32> to vector<1x256xf32>
    %add3A_36 = arith.addf %broadcast_in_dim3A_11, %broadcast_in_dim3A_35 : vector<1x256xf32>
    %mul3A_37 = arith.mulf %add3A_32, %add3A_32 : vector<512x256xf32>
    %reduce_sum3A_38 = arith.constant dense<0.000000e+00> : vector<256xf32>
    %reduce_sum3A_39 = vector.multi_reduction <add>, %mul3A_37, %reduce_sum3A_38 [0] : vector<512x256xf32> to vector<256xf32>
    %broadcast_in_dim3A_40 = vector.shape_cast %reduce_sum3A_39 : vector<256xf32> to vector<1x256xf32>
    %add3A_41 = arith.addf %broadcast_in_dim3A_13, %broadcast_in_dim3A_40 : vector<1x256xf32>
    %get3A_42 = arith.constant 0 : index
    %get3A_43 = arith.constant 0 : index
    %get3A_44 = vector.load %arg2[%get3A_42, %get3A_43] : memref<512x128xf32, #tpu.memory_space<vmem>>, vector<512x64xf32>
    %add3A_45 = arith.addf %get3A_44, %get3A_3 : vector<512x64xf32>
    %reduce_sum3A_46 = arith.constant dense<0.000000e+00> : vector<64xf32>
    %reduce_sum3A_47 = vector.multi_reduction <add>, %add3A_45, %reduce_sum3A_46 [0] : vector<512x64xf32> to vector<64xf32>
    %broadcast_in_dim3A_48 = vector.shape_cast %reduce_sum3A_47 : vector<64xf32> to vector<1x64xf32>
    %add3A_49 = arith.addf %add3A_19, %broadcast_in_dim3A_48 : vector<1x64xf32>
    %mul3A_50 = arith.mulf %add3A_45, %add3A_45 : vector<512x64xf32>
    %reduce_sum3A_51 = arith.constant dense<0.000000e+00> : vector<64xf32>
    %reduce_sum3A_52 = vector.multi_reduction <add>, %mul3A_50, %reduce_sum3A_51 [0] : vector<512x64xf32> to vector<64xf32>
    %broadcast_in_dim3A_53 = vector.shape_cast %reduce_sum3A_52 : vector<64xf32> to vector<1x64xf32>
    %add3A_54 = arith.addf %add3A_23, %broadcast_in_dim3A_53 : vector<1x64xf32>
    %get3A_55 = arith.constant 0 : index
    %get3A_56 = arith.constant 0 : index
    %get3A_57 = vector.load %arg18[%get3A_55, %get3A_56] : memref<512x128xi32, #tpu.memory_space<vmem>>, vector<512x128xi32>
    %shift_left3A_58 = arith.constant 16 : i32
    %shift_left3A_59 = vector.broadcast %shift_left3A_58 : i32 to vector<512x128xi32>
    %shift_left3A_60 = arith.shli %get3A_57, %shift_left3A_59 : vector<512x128xi32>
    %bitcast_convert_type3A_61 = tpu.bitcast %shift_left3A_60 : vector<512x128xi32> -> vector<512x128xf32>
    %and3A_62 = arith.constant -65536 : i32
    %and3A_63 = vector.broadcast %and3A_62 : i32 to vector<512x128xi32>
    %and3A_64 = arith.andi %get3A_57, %and3A_63 : vector<512x128xi32>
    %bitcast_convert_type3A_65 = tpu.bitcast %and3A_64 : vector<512x128xi32> -> vector<512x128xf32>
    %concatenate3A_66 = tpu.concatenate %bitcast_convert_type3A_61, %bitcast_convert_type3A_65 in 1 : vector<512x128xf32>, vector<512x128xf32> -> vector<512x256xf32>
    %add3A_67 = arith.addf %concatenate3A_66, %get3A_6 : vector<512x256xf32>
    %reduce_sum3A_68 = arith.constant dense<0.000000e+00> : vector<256xf32>
    %reduce_sum3A_69 = vector.multi_reduction <add>, %add3A_67, %reduce_sum3A_68 [0] : vector<512x256xf32> to vector<256xf32>
    %broadcast_in_dim3A_70 = vector.shape_cast %reduce_sum3A_69 : vector<256xf32> to vector<1x256xf32>
    %add3A_71 = arith.addf %add3A_36, %broadcast_in_dim3A_70 : vector<1x256xf32>
    %mul3A_72 = arith.mulf %add3A_67, %add3A_67 : vector<512x256xf32>
    %reduce_sum3A_73 = arith.constant dense<0.000000e+00> : vector<256xf32>
    %reduce_sum3A_74 = vector.multi_reduction <add>, %mul3A_72, %reduce_sum3A_73 [0] : vector<512x256xf32> to vector<256xf32>
    %broadcast_in_dim3A_75 = vector.shape_cast %reduce_sum3A_74 : vector<256xf32> to vector<1x256xf32>
    %add3A_76 = arith.addf %add3A_41, %broadcast_in_dim3A_75 : vector<1x256xf32>
    %get3A_77 = arith.constant 0 : index
    %get3A_78 = arith.constant 0 : index
    %get3A_79 = vector.load %arg3[%get3A_77, %get3A_78] : memref<512x128xf32, #tpu.memory_space<vmem>>, vector<512x64xf32>
    %add3A_80 = arith.addf %get3A_79, %get3A_3 : vector<512x64xf32>
    %reduce_sum3A_81 = arith.constant dense<0.000000e+00> : vector<64xf32>
    %reduce_sum3A_82 = vector.multi_reduction <add>, %add3A_80, %reduce_sum3A_81 [0] : vector<512x64xf32> to vector<64xf32>
    %broadcast_in_dim3A_83 = vector.shape_cast %reduce_sum3A_82 : vector<64xf32> to vector<1x64xf32>
    %add3A_84 = arith.addf %add3A_49, %broadcast_in_dim3A_83 : vector<1x64xf32>
    %mul3A_85 = arith.mulf %add3A_80, %add3A_80 : vector<512x64xf32>
    %reduce_sum3A_86 = arith.constant dense<0.000000e+00> : vector<64xf32>
    %reduce_sum3A_87 = vector.multi_reduction <add>, %mul3A_85, %reduce_sum3A_86 [0] : vector<512x64xf32> to vector<64xf32>
    %broadcast_in_dim3A_88 = vector.shape_cast %reduce_sum3A_87 : vector<64xf32> to vector<1x64xf32>
    %add3A_89 = arith.addf %add3A_54, %broadcast_in_dim3A_88 : vector<1x64xf32>
    %get3A_90 = arith.constant 0 : index
    %get3A_91 = arith.constant 0 : index
    %get3A_92 = vector.load %arg19[%get3A_90, %get3A_91] : memref<512x128xi32, #tpu.memory_space<vmem>>, vector<512x128xi32>
    %shift_left3A_93 = arith.constant 16 : i32
    %shift_left3A_94 = vector.broadcast %shift_left3A_93 : i32 to vector<512x128xi32>
    %shift_left3A_95 = arith.shli %get3A_92, %shift_left3A_94 : vector<512x128xi32>
    %bitcast_convert_type3A_96 = tpu.bitcast %shift_left3A_95 : vector<512x128xi32> -> vector<512x128xf32>
    %and3A_97 = arith.constant -65536 : i32
    %and3A_98 = vector.broadcast %and3A_97 : i32 to vector<512x128xi32>
    %and3A_99 = arith.andi %get3A_92, %and3A_98 : vector<512x128xi32>
    %bitcast_convert_type3A_100 = tpu.bitcast %and3A_99 : vector<512x128xi32> -> vector<512x128xf32>
    %concatenate3A_101 = tpu.concatenate %bitcast_convert_type3A_96, %bitcast_convert_type3A_100 in 1 : vector<512x128xf32>, vector<512x128xf32> -> vector<512x256xf32>
    %add3A_102 = arith.addf %concatenate3A_101, %get3A_6 : vector<512x256xf32>
    %reduce_sum3A_103 = arith.constant dense<0.000000e+00> : vector<256xf32>
    %reduce_sum3A_104 = vector.multi_reduction <add>, %add3A_102, %reduce_sum3A_103 [0] : vector<512x256xf32> to vector<256xf32>
    %broadcast_in_dim3A_105 = vector.shape_cast %reduce_sum3A_104 : vector<256xf32> to vector<1x256xf32>
    %add3A_106 = arith.addf %add3A_71, %broadcast_in_dim3A_105 : vector<1x256xf32>
    %mul3A_107 = arith.mulf %add3A_102, %add3A_102 : vector<512x256xf32>
    %reduce_sum3A_108 = arith.constant dense<0.000000e+00> : vector<256xf32>
    %reduce_sum3A_109 = vector.multi_reduction <add>, %mul3A_107, %reduce_sum3A_108 [0] : vector<512x256xf32> to vector<256xf32>
    %broadcast_in_dim3A_110 = vector.shape_cast %reduce_sum3A_109 : vector<256xf32> to vector<1x256xf32>
    %add3A_111 = arith.addf %add3A_76, %broadcast_in_dim3A_110 : vector<1x256xf32>
    %get3A_112 = arith.constant 0 : index
    %get3A_113 = arith.constant 0 : index
    %get3A_114 = vector.load %arg4[%get3A_112, %get3A_113] : memref<512x128xf32, #tpu.memory_space<vmem>>, vector<512x64xf32>
    %add3A_115 = arith.addf %get3A_114, %get3A_3 : vector<512x64xf32>
    %reduce_sum3A_116 = arith.constant dense<0.000000e+00> : vector<64xf32>
    %reduce_sum3A_117 = vector.multi_reduction <add>, %add3A_115, %reduce_sum3A_116 [0] : vector<512x64xf32> to vector<64xf32>
    %broadcast_in_dim3A_118 = vector.shape_cast %reduce_sum3A_117 : vector<64xf32> to vector<1x64xf32>
    %add3A_119 = arith.addf %add3A_84, %broadcast_in_dim3A_118 : vector<1x64xf32>
    %mul3A_120 = arith.mulf %add3A_115, %add3A_115 : vector<512x64xf32>
    %reduce_sum3A_121 = arith.constant dense<0.000000e+00> : vector<64xf32>
    %reduce_sum3A_122 = vector.multi_reduction <add>, %mul3A_120, %reduce_sum3A_121 [0] : vector<512x64xf32> to vector<64xf32>
    %broadcast_in_dim3A_123 = vector.shape_cast %reduce_sum3A_122 : vector<64xf32> to vector<1x64xf32>
    %add3A_124 = arith.addf %add3A_89, %broadcast_in_dim3A_123 : vector<1x64xf32>
    %get3A_125 = arith.constant 0 : index
    %get3A_126 = arith.constant 0 : index
    %get3A_127 = vector.load %arg20[%get3A_125, %get3A_126] : memref<512x128xi32, #tpu.memory_space<vmem>>, vector<512x128xi32>
    %shift_left3A_128 = arith.constant 16 : i32
    %shift_left3A_129 = vector.broadcast %shift_left3A_128 : i32 to vector<512x128xi32>
    %shift_left3A_130 = arith.shli %get3A_127, %shift_left3A_129 : vector<512x128xi32>
    %bitcast_convert_type3A_131 = tpu.bitcast %shift_left3A_130 : vector<512x128xi32> -> vector<512x128xf32>
    %and3A_132 = arith.constant -65536 : i32
    %and3A_133 = vector.broadcast %and3A_132 : i32 to vector<512x128xi32>
    %and3A_134 = arith.andi %get3A_127, %and3A_133 : vector<512x128xi32>
    %bitcast_convert_type3A_135 = tpu.bitcast %and3A_134 : vector<512x128xi32> -> vector<512x128xf32>
    %concatenate3A_136 = tpu.concatenate %bitcast_convert_type3A_131, %bitcast_convert_type3A_135 in 1 : vector<512x128xf32>, vector<512x128xf32> -> vector<512x256xf32>
    %add3A_137 = arith.addf %concatenate3A_136, %get3A_6 : vector<512x256xf32>
    %reduce_sum3A_138 = arith.constant dense<0.000000e+00> : vector<256xf32>
    %reduce_sum3A_139 = vector.multi_reduction <add>, %add3A_137, %reduce_sum3A_138 [0] : vector<512x256xf32> to vector<256xf32>
    %broadcast_in_dim3A_140 = vector.shape_cast %reduce_sum3A_139 : vector<256xf32> to vector<1x256xf32>
    %add3A_141 = arith.addf %add3A_106, %broadcast_in_dim3A_140 : vector<1x256xf32>
    %mul3A_142 = arith.mulf %add3A_137, %add3A_137 : vector<512x256xf32>
    %reduce_sum3A_143 = arith.constant dense<0.000000e+00> : vector<256xf32>
    %reduce_sum3A_144 = vector.multi_reduction <add>, %mul3A_142, %reduce_sum3A_143 [0] : vector<512x256xf32> to vector<256xf32>
    %broadcast_in_dim3A_145 = vector.shape_cast %reduce_sum3A_144 : vector<256xf32> to vector<1x256xf32>
    %add3A_146 = arith.addf %add3A_111, %broadcast_in_dim3A_145 : vector<1x256xf32>
    %get3A_147 = arith.constant 0 : index
    %get3A_148 = arith.constant 0 : index
    %get3A_149 = vector.load %arg5[%get3A_147, %get3A_148] : memref<512x128xf32, #tpu.memory_space<vmem>>, vector<512x64xf32>
    %add3A_150 = arith.addf %get3A_149, %get3A_3 : vector<512x64xf32>
    %reduce_sum3A_151 = arith.constant dense<0.000000e+00> : vector<64xf32>
    %reduce_sum3A_152 = vector.multi_reduction <add>, %add3A_150, %reduce_sum3A_151 [0] : vector<512x64xf32> to vector<64xf32>
    %broadcast_in_dim3A_153 = vector.shape_cast %reduce_sum3A_152 : vector<64xf32> to vector<1x64xf32>
    %add3A_154 = arith.addf %add3A_119, %broadcast_in_dim3A_153 : vector<1x64xf32>
    %mul3A_155 = arith.mulf %add3A_150, %add3A_150 : vector<512x64xf32>
    %reduce_sum3A_156 = arith.constant dense<0.000000e+00> : vector<64xf32>
    %reduce_sum3A_157 = vector.multi_reduction <add>, %mul3A_155, %reduce_sum3A_156 [0] : vector<512x64xf32> to vector<64xf32>
    %broadcast_in_dim3A_158 = vector.shape_cast %reduce_sum3A_157 : vector<64xf32> to vector<1x64xf32>
    %add3A_159 = arith.addf %add3A_124, %broadcast_in_dim3A_158 : vector<1x64xf32>
    %get3A_160 = arith.constant 0 : index
    %get3A_161 = arith.constant 0 : index
    %get3A_162 = vector.load %arg21[%get3A_160, %get3A_161] : memref<512x128xi32, #tpu.memory_space<vmem>>, vector<512x128xi32>
    %shift_left3A_163 = arith.constant 16 : i32
    %shift_left3A_164 = vector.broadcast %shift_left3A_163 : i32 to vector<512x128xi32>
    %shift_left3A_165 = arith.shli %get3A_162, %shift_left3A_164 : vector<512x128xi32>
    %bitcast_convert_type3A_166 = tpu.bitcast %shift_left3A_165 : vector<512x128xi32> -> vector<512x128xf32>
    %and3A_167 = arith.constant -65536 : i32
    %and3A_168 = vector.broadcast %and3A_167 : i32 to vector<512x128xi32>
    %and3A_169 = arith.andi %get3A_162, %and3A_168 : vector<512x128xi32>
    %bitcast_convert_type3A_170 = tpu.bitcast %and3A_169 : vector<512x128xi32> -> vector<512x128xf32>
    %concatenate3A_171 = tpu.concatenate %bitcast_convert_type3A_166, %bitcast_convert_type3A_170 in 1 : vector<512x128xf32>, vector<512x128xf32> -> vector<512x256xf32>
    %add3A_172 = arith.addf %concatenate3A_171, %get3A_6 : vector<512x256xf32>
    %reduce_sum3A_173 = arith.constant dense<0.000000e+00> : vector<256xf32>
    %reduce_sum3A_174 = vector.multi_reduction <add>, %add3A_172, %reduce_sum3A_173 [0] : vector<512x256xf32> to vector<256xf32>
    %broadcast_in_dim3A_175 = vector.shape_cast %reduce_sum3A_174 : vector<256xf32> to vector<1x256xf32>
    %add3A_176 = arith.addf %add3A_141, %broadcast_in_dim3A_175 : vector<1x256xf32>
    %mul3A_177 = arith.mulf %add3A_172, %add3A_172 : vector<512x256xf32>
    %reduce_sum3A_178 = arith.constant dense<0.000000e+00> : vector<256xf32>
    %reduce_sum3A_179 = vector.multi_reduction <add>, %mul3A_177, %reduce_sum3A_178 [0] : vector<512x256xf32> to vector<256xf32>
    %broadcast_in_dim3A_180 = vector.shape_cast %reduce_sum3A_179 : vector<256xf32> to vector<1x256xf32>
    %add3A_181 = arith.addf %add3A_146, %broadcast_in_dim3A_180 : vector<1x256xf32>
    %get3A_182 = arith.constant 0 : index
    %get3A_183 = arith.constant 0 : index
    %get3A_184 = vector.load %arg6[%get3A_182, %get3A_183] : memref<512x128xf32, #tpu.memory_space<vmem>>, vector<512x64xf32>
    %add3A_185 = arith.addf %get3A_184, %get3A_3 : vector<512x64xf32>
    %reduce_sum3A_186 = arith.constant dense<0.000000e+00> : vector<64xf32>
    %reduce_sum3A_187 = vector.multi_reduction <add>, %add3A_185, %reduce_sum3A_186 [0] : vector<512x64xf32> to vector<64xf32>
    %broadcast_in_dim3A_188 = vector.shape_cast %reduce_sum3A_187 : vector<64xf32> to vector<1x64xf32>
    %add3A_189 = arith.addf %add3A_154, %broadcast_in_dim3A_188 : vector<1x64xf32>
    %mul3A_190 = arith.mulf %add3A_185, %add3A_185 : vector<512x64xf32>
    %reduce_sum3A_191 = arith.constant dense<0.000000e+00> : vector<64xf32>
    %reduce_sum3A_192 = vector.multi_reduction <add>, %mul3A_190, %reduce_sum3A_191 [0] : vector<512x64xf32> to vector<64xf32>
    %broadcast_in_dim3A_193 = vector.shape_cast %reduce_sum3A_192 : vector<64xf32> to vector<1x64xf32>
    %add3A_194 = arith.addf %add3A_159, %broadcast_in_dim3A_193 : vector<1x64xf32>
    %get3A_195 = arith.constant 0 : index
    %get3A_196 = arith.constant 0 : index
    %get3A_197 = vector.load %arg22[%get3A_195, %get3A_196] : memref<512x128xi32, #tpu.memory_space<vmem>>, vector<512x128xi32>
    %shift_left3A_198 = arith.constant 16 : i32
    %shift_left3A_199 = vector.broadcast %shift_left3A_198 : i32 to vector<512x128xi32>
    %shift_left3A_200 = arith.shli %get3A_197, %shift_left3A_199 : vector<512x128xi32>
    %bitcast_convert_type3A_201 = tpu.bitcast %shift_left3A_200 : vector<512x128xi32> -> vector<512x128xf32>
    %and3A_202 = arith.constant -65536 : i32
    %and3A_203 = vector.broadcast %and3A_202 : i32 to vector<512x128xi32>
    %and3A_204 = arith.andi %get3A_197, %and3A_203 : vector<512x128xi32>
    %bitcast_convert_type3A_205 = tpu.bitcast %and3A_204 : vector<512x128xi32> -> vector<512x128xf32>
    %concatenate3A_206 = tpu.concatenate %bitcast_convert_type3A_201, %bitcast_convert_type3A_205 in 1 : vector<512x128xf32>, vector<512x128xf32> -> vector<512x256xf32>
    %add3A_207 = arith.addf %concatenate3A_206, %get3A_6 : vector<512x256xf32>
    %reduce_sum3A_208 = arith.constant dense<0.000000e+00> : vector<256xf32>
    %reduce_sum3A_209 = vector.multi_reduction <add>, %add3A_207, %reduce_sum3A_208 [0] : vector<512x256xf32> to vector<256xf32>
    %broadcast_in_dim3A_210 = vector.shape_cast %reduce_sum3A_209 : vector<256xf32> to vector<1x256xf32>
    %add3A_211 = arith.addf %add3A_176, %broadcast_in_dim3A_210 : vector<1x256xf32>
    %mul3A_212 = arith.mulf %add3A_207, %add3A_207 : vector<512x256xf32>
    %reduce_sum3A_213 = arith.constant dense<0.000000e+00> : vector<256xf32>
    %reduce_sum3A_214 = vector.multi_reduction <add>, %mul3A_212, %reduce_sum3A_213 [0] : vector<512x256xf32> to vector<256xf32>
    %broadcast_in_dim3A_215 = vector.shape_cast %reduce_sum3A_214 : vector<256xf32> to vector<1x256xf32>
    %add3A_216 = arith.addf %add3A_181, %broadcast_in_dim3A_215 : vector<1x256xf32>
    %get3A_217 = arith.constant 0 : index
    %get3A_218 = arith.constant 0 : index
    %get3A_219 = vector.load %arg7[%get3A_217, %get3A_218] : memref<512x128xf32, #tpu.memory_space<vmem>>, vector<512x64xf32>
    %add3A_220 = arith.addf %get3A_219, %get3A_3 : vector<512x64xf32>
    %reduce_sum3A_221 = arith.constant dense<0.000000e+00> : vector<64xf32>
    %reduce_sum3A_222 = vector.multi_reduction <add>, %add3A_220, %reduce_sum3A_221 [0] : vector<512x64xf32> to vector<64xf32>
    %broadcast_in_dim3A_223 = vector.shape_cast %reduce_sum3A_222 : vector<64xf32> to vector<1x64xf32>
    %add3A_224 = arith.addf %add3A_189, %broadcast_in_dim3A_223 : vector<1x64xf32>
    %mul3A_225 = arith.mulf %add3A_220, %add3A_220 : vector<512x64xf32>
    %reduce_sum3A_226 = arith.constant dense<0.000000e+00> : vector<64xf32>
    %reduce_sum3A_227 = vector.multi_reduction <add>, %mul3A_225, %reduce_sum3A_226 [0] : vector<512x64xf32> to vector<64xf32>
    %broadcast_in_dim3A_228 = vector.shape_cast %reduce_sum3A_227 : vector<64xf32> to vector<1x64xf32>
    %add3A_229 = arith.addf %add3A_194, %broadcast_in_dim3A_228 : vector<1x64xf32>
    %get3A_230 = arith.constant 0 : index
    %get3A_231 = arith.constant 0 : index
    %get3A_232 = vector.load %arg23[%get3A_230, %get3A_231] : memref<512x128xi32, #tpu.memory_space<vmem>>, vector<512x128xi32>
    %shift_left3A_233 = arith.constant 16 : i32
    %shift_left3A_234 = vector.broadcast %shift_left3A_233 : i32 to vector<512x128xi32>
    %shift_left3A_235 = arith.shli %get3A_232, %shift_left3A_234 : vector<512x128xi32>
    %bitcast_convert_type3A_236 = tpu.bitcast %shift_left3A_235 : vector<512x128xi32> -> vector<512x128xf32>
    %and3A_237 = arith.constant -65536 : i32
    %and3A_238 = vector.broadcast %and3A_237 : i32 to vector<512x128xi32>
    %and3A_239 = arith.andi %get3A_232, %and3A_238 : vector<512x128xi32>
    %bitcast_convert_type3A_240 = tpu.bitcast %and3A_239 : vector<512x128xi32> -> vector<512x128xf32>
    %concatenate3A_241 = tpu.concatenate %bitcast_convert_type3A_236, %bitcast_convert_type3A_240 in 1 : vector<512x128xf32>, vector<512x128xf32> -> vector<512x256xf32>
    %add3A_242 = arith.addf %concatenate3A_241, %get3A_6 : vector<512x256xf32>
    %reduce_sum3A_243 = arith.constant dense<0.000000e+00> : vector<256xf32>
    %reduce_sum3A_244 = vector.multi_reduction <add>, %add3A_242, %reduce_sum3A_243 [0] : vector<512x256xf32> to vector<256xf32>
    %broadcast_in_dim3A_245 = vector.shape_cast %reduce_sum3A_244 : vector<256xf32> to vector<1x256xf32>
    %add3A_246 = arith.addf %add3A_211, %broadcast_in_dim3A_245 : vector<1x256xf32>
    %mul3A_247 = arith.mulf %add3A_242, %add3A_242 : vector<512x256xf32>
    %reduce_sum3A_248 = arith.constant dense<0.000000e+00> : vector<256xf32>
    %reduce_sum3A_249 = vector.multi_reduction <add>, %mul3A_247, %reduce_sum3A_248 [0] : vector<512x256xf32> to vector<256xf32>
    %broadcast_in_dim3A_250 = vector.shape_cast %reduce_sum3A_249 : vector<256xf32> to vector<1x256xf32>
    %add3A_251 = arith.addf %add3A_216, %broadcast_in_dim3A_250 : vector<1x256xf32>
    %get3A_252 = arith.constant 0 : index
    %get3A_253 = arith.constant 0 : index
    %get3A_254 = vector.load %arg8[%get3A_252, %get3A_253] : memref<512x128xf32, #tpu.memory_space<vmem>>, vector<512x64xf32>
    %add3A_255 = arith.addf %get3A_254, %get3A_3 : vector<512x64xf32>
    %reduce_sum3A_256 = arith.constant dense<0.000000e+00> : vector<64xf32>
    %reduce_sum3A_257 = vector.multi_reduction <add>, %add3A_255, %reduce_sum3A_256 [0] : vector<512x64xf32> to vector<64xf32>
    %broadcast_in_dim3A_258 = vector.shape_cast %reduce_sum3A_257 : vector<64xf32> to vector<1x64xf32>
    %add3A_259 = arith.addf %add3A_224, %broadcast_in_dim3A_258 : vector<1x64xf32>
    %mul3A_260 = arith.mulf %add3A_255, %add3A_255 : vector<512x64xf32>
    %reduce_sum3A_261 = arith.constant dense<0.000000e+00> : vector<64xf32>
    %reduce_sum3A_262 = vector.multi_reduction <add>, %mul3A_260, %reduce_sum3A_261 [0] : vector<512x64xf32> to vector<64xf32>
    %broadcast_in_dim3A_263 = vector.shape_cast %reduce_sum3A_262 : vector<64xf32> to vector<1x64xf32>
    %add3A_264 = arith.addf %add3A_229, %broadcast_in_dim3A_263 : vector<1x64xf32>
    %get3A_265 = arith.constant 0 : index
    %get3A_266 = arith.constant 0 : index
    %get3A_267 = vector.load %arg24[%get3A_265, %get3A_266] : memref<512x128xi32, #tpu.memory_space<vmem>>, vector<512x128xi32>
    %shift_left3A_268 = arith.constant 16 : i32
    %shift_left3A_269 = vector.broadcast %shift_left3A_268 : i32 to vector<512x128xi32>
    %shift_left3A_270 = arith.shli %get3A_267, %shift_left3A_269 : vector<512x128xi32>
    %bitcast_convert_type3A_271 = tpu.bitcast %shift_left3A_270 : vector<512x128xi32> -> vector<512x128xf32>
    %and3A_272 = arith.constant -65536 : i32
    %and3A_273 = vector.broadcast %and3A_272 : i32 to vector<512x128xi32>
    %and3A_274 = arith.andi %get3A_267, %and3A_273 : vector<512x128xi32>
    %bitcast_convert_type3A_275 = tpu.bitcast %and3A_274 : vector<512x128xi32> -> vector<512x128xf32>
    %concatenate3A_276 = tpu.concatenate %bitcast_convert_type3A_271, %bitcast_convert_type3A_275 in 1 : vector<512x128xf32>, vector<512x128xf32> -> vector<512x256xf32>
    %add3A_277 = arith.addf %concatenate3A_276, %get3A_6 : vector<512x256xf32>
    %reduce_sum3A_278 = arith.constant dense<0.000000e+00> : vector<256xf32>
    %reduce_sum3A_279 = vector.multi_reduction <add>, %add3A_277, %reduce_sum3A_278 [0] : vector<512x256xf32> to vector<256xf32>
    %broadcast_in_dim3A_280 = vector.shape_cast %reduce_sum3A_279 : vector<256xf32> to vector<1x256xf32>
    %add3A_281 = arith.addf %add3A_246, %broadcast_in_dim3A_280 : vector<1x256xf32>
    %mul3A_282 = arith.mulf %add3A_277, %add3A_277 : vector<512x256xf32>
    %reduce_sum3A_283 = arith.constant dense<0.000000e+00> : vector<256xf32>
    %reduce_sum3A_284 = vector.multi_reduction <add>, %mul3A_282, %reduce_sum3A_283 [0] : vector<512x256xf32> to vector<256xf32>
    %broadcast_in_dim3A_285 = vector.shape_cast %reduce_sum3A_284 : vector<256xf32> to vector<1x256xf32>
    %add3A_286 = arith.addf %add3A_251, %broadcast_in_dim3A_285 : vector<1x256xf32>
    %get3A_287 = arith.constant 0 : index
    %get3A_288 = arith.constant 0 : index
    %get3A_289 = vector.load %arg9[%get3A_287, %get3A_288] : memref<512x128xf32, #tpu.memory_space<vmem>>, vector<512x64xf32>
    %add3A_290 = arith.addf %get3A_289, %get3A_3 : vector<512x64xf32>
    %reduce_sum3A_291 = arith.constant dense<0.000000e+00> : vector<64xf32>
    %reduce_sum3A_292 = vector.multi_reduction <add>, %add3A_290, %reduce_sum3A_291 [0] : vector<512x64xf32> to vector<64xf32>
    %broadcast_in_dim3A_293 = vector.shape_cast %reduce_sum3A_292 : vector<64xf32> to vector<1x64xf32>
    %add3A_294 = arith.addf %add3A_259, %broadcast_in_dim3A_293 : vector<1x64xf32>
    %mul3A_295 = arith.mulf %add3A_290, %add3A_290 : vector<512x64xf32>
    %reduce_sum3A_296 = arith.constant dense<0.000000e+00> : vector<64xf32>
    %reduce_sum3A_297 = vector.multi_reduction <add>, %mul3A_295, %reduce_sum3A_296 [0] : vector<512x64xf32> to vector<64xf32>
    %broadcast_in_dim3A_298 = vector.shape_cast %reduce_sum3A_297 : vector<64xf32> to vector<1x64xf32>
    %add3A_299 = arith.addf %add3A_264, %broadcast_in_dim3A_298 : vector<1x64xf32>
    %get3A_300 = arith.constant 0 : index
    %get3A_301 = arith.constant 0 : index
    %get3A_302 = vector.load %arg25[%get3A_300, %get3A_301] : memref<512x128xi32, #tpu.memory_space<vmem>>, vector<512x128xi32>
    %shift_left3A_303 = arith.constant 16 : i32
    %shift_left3A_304 = vector.broadcast %shift_left3A_303 : i32 to vector<512x128xi32>
    %shift_left3A_305 = arith.shli %get3A_302, %shift_left3A_304 : vector<512x128xi32>
    %bitcast_convert_type3A_306 = tpu.bitcast %shift_left3A_305 : vector<512x128xi32> -> vector<512x128xf32>
    %and3A_307 = arith.constant -65536 : i32
    %and3A_308 = vector.broadcast %and3A_307 : i32 to vector<512x128xi32>
    %and3A_309 = arith.andi %get3A_302, %and3A_308 : vector<512x128xi32>
    %bitcast_convert_type3A_310 = tpu.bitcast %and3A_309 : vector<512x128xi32> -> vector<512x128xf32>
    %concatenate3A_311 = tpu.concatenate %bitcast_convert_type3A_306, %bitcast_convert_type3A_310 in 1 : vector<512x128xf32>, vector<512x128xf32> -> vector<512x256xf32>
    %add3A_312 = arith.addf %concatenate3A_311, %get3A_6 : vector<512x256xf32>
    %reduce_sum3A_313 = arith.constant dense<0.000000e+00> : vector<256xf32>
    %reduce_sum3A_314 = vector.multi_reduction <add>, %add3A_312, %reduce_sum3A_313 [0] : vector<512x256xf32> to vector<256xf32>
    %broadcast_in_dim3A_315 = vector.shape_cast %reduce_sum3A_314 : vector<256xf32> to vector<1x256xf32>
    %add3A_316 = arith.addf %add3A_281, %broadcast_in_dim3A_315 : vector<1x256xf32>
    %mul3A_317 = arith.mulf %add3A_312, %add3A_312 : vector<512x256xf32>
    %reduce_sum3A_318 = arith.constant dense<0.000000e+00> : vector<256xf32>
    %reduce_sum3A_319 = vector.multi_reduction <add>, %mul3A_317, %reduce_sum3A_318 [0] : vector<512x256xf32> to vector<256xf32>
    %broadcast_in_dim3A_320 = vector.shape_cast %reduce_sum3A_319 : vector<256xf32> to vector<1x256xf32>
    %add3A_321 = arith.addf %add3A_286, %broadcast_in_dim3A_320 : vector<1x256xf32>
    %get3A_322 = arith.constant 0 : index
    %get3A_323 = arith.constant 0 : index
    %get3A_324 = vector.load %arg10[%get3A_322, %get3A_323] : memref<512x128xf32, #tpu.memory_space<vmem>>, vector<512x64xf32>
    %add3A_325 = arith.addf %get3A_324, %get3A_3 : vector<512x64xf32>
    %reduce_sum3A_326 = arith.constant dense<0.000000e+00> : vector<64xf32>
    %reduce_sum3A_327 = vector.multi_reduction <add>, %add3A_325, %reduce_sum3A_326 [0] : vector<512x64xf32> to vector<64xf32>
    %broadcast_in_dim3A_328 = vector.shape_cast %reduce_sum3A_327 : vector<64xf32> to vector<1x64xf32>
    %add3A_329 = arith.addf %add3A_294, %broadcast_in_dim3A_328 : vector<1x64xf32>
    %mul3A_330 = arith.mulf %add3A_325, %add3A_325 : vector<512x64xf32>
    %reduce_sum3A_331 = arith.constant dense<0.000000e+00> : vector<64xf32>
    %reduce_sum3A_332 = vector.multi_reduction <add>, %mul3A_330, %reduce_sum3A_331 [0] : vector<512x64xf32> to vector<64xf32>
    %broadcast_in_dim3A_333 = vector.shape_cast %reduce_sum3A_332 : vector<64xf32> to vector<1x64xf32>
    %add3A_334 = arith.addf %add3A_299, %broadcast_in_dim3A_333 : vector<1x64xf32>
    %get3A_335 = arith.constant 0 : index
    %get3A_336 = arith.constant 0 : index
    %get3A_337 = vector.load %arg26[%get3A_335, %get3A_336] : memref<512x128xi32, #tpu.memory_space<vmem>>, vector<512x128xi32>
    %shift_left3A_338 = arith.constant 16 : i32
    %shift_left3A_339 = vector.broadcast %shift_left3A_338 : i32 to vector<512x128xi32>
    %shift_left3A_340 = arith.shli %get3A_337, %shift_left3A_339 : vector<512x128xi32>
    %bitcast_convert_type3A_341 = tpu.bitcast %shift_left3A_340 : vector<512x128xi32> -> vector<512x128xf32>
    %and3A_342 = arith.constant -65536 : i32
    %and3A_343 = vector.broadcast %and3A_342 : i32 to vector<512x128xi32>
    %and3A_344 = arith.andi %get3A_337, %and3A_343 : vector<512x128xi32>
    %bitcast_convert_type3A_345 = tpu.bitcast %and3A_344 : vector<512x128xi32> -> vector<512x128xf32>
    %concatenate3A_346 = tpu.concatenate %bitcast_convert_type3A_341, %bitcast_convert_type3A_345 in 1 : vector<512x128xf32>, vector<512x128xf32> -> vector<512x256xf32>
    %add3A_347 = arith.addf %concatenate3A_346, %get3A_6 : vector<512x256xf32>
    %reduce_sum3A_348 = arith.constant dense<0.000000e+00> : vector<256xf32>
    %reduce_sum3A_349 = vector.multi_reduction <add>, %add3A_347, %reduce_sum3A_348 [0] : vector<512x256xf32> to vector<256xf32>
    %broadcast_in_dim3A_350 = vector.shape_cast %reduce_sum3A_349 : vector<256xf32> to vector<1x256xf32>
    %add3A_351 = arith.addf %add3A_316, %broadcast_in_dim3A_350 : vector<1x256xf32>
    %mul3A_352 = arith.mulf %add3A_347, %add3A_347 : vector<512x256xf32>
    %reduce_sum3A_353 = arith.constant dense<0.000000e+00> : vector<256xf32>
    %reduce_sum3A_354 = vector.multi_reduction <add>, %mul3A_352, %reduce_sum3A_353 [0] : vector<512x256xf32> to vector<256xf32>
    %broadcast_in_dim3A_355 = vector.shape_cast %reduce_sum3A_354 : vector<256xf32> to vector<1x256xf32>
    %add3A_356 = arith.addf %add3A_321, %broadcast_in_dim3A_355 : vector<1x256xf32>
    %get3A_357 = arith.constant 0 : index
    %get3A_358 = arith.constant 0 : index
    %get3A_359 = vector.load %arg11[%get3A_357, %get3A_358] : memref<512x128xf32, #tpu.memory_space<vmem>>, vector<512x64xf32>
    %add3A_360 = arith.addf %get3A_359, %get3A_3 : vector<512x64xf32>
    %reduce_sum3A_361 = arith.constant dense<0.000000e+00> : vector<64xf32>
    %reduce_sum3A_362 = vector.multi_reduction <add>, %add3A_360, %reduce_sum3A_361 [0] : vector<512x64xf32> to vector<64xf32>
    %broadcast_in_dim3A_363 = vector.shape_cast %reduce_sum3A_362 : vector<64xf32> to vector<1x64xf32>
    %add3A_364 = arith.addf %add3A_329, %broadcast_in_dim3A_363 : vector<1x64xf32>
    %mul3A_365 = arith.mulf %add3A_360, %add3A_360 : vector<512x64xf32>
    %reduce_sum3A_366 = arith.constant dense<0.000000e+00> : vector<64xf32>
    %reduce_sum3A_367 = vector.multi_reduction <add>, %mul3A_365, %reduce_sum3A_366 [0] : vector<512x64xf32> to vector<64xf32>
    %broadcast_in_dim3A_368 = vector.shape_cast %reduce_sum3A_367 : vector<64xf32> to vector<1x64xf32>
    %add3A_369 = arith.addf %add3A_334, %broadcast_in_dim3A_368 : vector<1x64xf32>
    %get3A_370 = arith.constant 0 : index
    %get3A_371 = arith.constant 0 : index
    %get3A_372 = vector.load %arg27[%get3A_370, %get3A_371] : memref<512x128xi32, #tpu.memory_space<vmem>>, vector<512x128xi32>
    %shift_left3A_373 = arith.constant 16 : i32
    %shift_left3A_374 = vector.broadcast %shift_left3A_373 : i32 to vector<512x128xi32>
    %shift_left3A_375 = arith.shli %get3A_372, %shift_left3A_374 : vector<512x128xi32>
    %bitcast_convert_type3A_376 = tpu.bitcast %shift_left3A_375 : vector<512x128xi32> -> vector<512x128xf32>
    %and3A_377 = arith.constant -65536 : i32
    %and3A_378 = vector.broadcast %and3A_377 : i32 to vector<512x128xi32>
    %and3A_379 = arith.andi %get3A_372, %and3A_378 : vector<512x128xi32>
    %bitcast_convert_type3A_380 = tpu.bitcast %and3A_379 : vector<512x128xi32> -> vector<512x128xf32>
    %concatenate3A_381 = tpu.concatenate %bitcast_convert_type3A_376, %bitcast_convert_type3A_380 in 1 : vector<512x128xf32>, vector<512x128xf32> -> vector<512x256xf32>
    %add3A_382 = arith.addf %concatenate3A_381, %get3A_6 : vector<512x256xf32>
    %reduce_sum3A_383 = arith.constant dense<0.000000e+00> : vector<256xf32>
    %reduce_sum3A_384 = vector.multi_reduction <add>, %add3A_382, %reduce_sum3A_383 [0] : vector<512x256xf32> to vector<256xf32>
    %broadcast_in_dim3A_385 = vector.shape_cast %reduce_sum3A_384 : vector<256xf32> to vector<1x256xf32>
    %add3A_386 = arith.addf %add3A_351, %broadcast_in_dim3A_385 : vector<1x256xf32>
    %mul3A_387 = arith.mulf %add3A_382, %add3A_382 : vector<512x256xf32>
    %reduce_sum3A_388 = arith.constant dense<0.000000e+00> : vector<256xf32>
    %reduce_sum3A_389 = vector.multi_reduction <add>, %mul3A_387, %reduce_sum3A_388 [0] : vector<512x256xf32> to vector<256xf32>
    %broadcast_in_dim3A_390 = vector.shape_cast %reduce_sum3A_389 : vector<256xf32> to vector<1x256xf32>
    %add3A_391 = arith.addf %add3A_356, %broadcast_in_dim3A_390 : vector<1x256xf32>
    %get3A_392 = arith.constant 0 : index
    %get3A_393 = arith.constant 0 : index
    %get3A_394 = vector.load %arg12[%get3A_392, %get3A_393] : memref<512x128xf32, #tpu.memory_space<vmem>>, vector<512x64xf32>
    %add3A_395 = arith.addf %get3A_394, %get3A_3 : vector<512x64xf32>
    %reduce_sum3A_396 = arith.constant dense<0.000000e+00> : vector<64xf32>
    %reduce_sum3A_397 = vector.multi_reduction <add>, %add3A_395, %reduce_sum3A_396 [0] : vector<512x64xf32> to vector<64xf32>
    %broadcast_in_dim3A_398 = vector.shape_cast %reduce_sum3A_397 : vector<64xf32> to vector<1x64xf32>
    %add3A_399 = arith.addf %add3A_364, %broadcast_in_dim3A_398 : vector<1x64xf32>
    %mul3A_400 = arith.mulf %add3A_395, %add3A_395 : vector<512x64xf32>
    %reduce_sum3A_401 = arith.constant dense<0.000000e+00> : vector<64xf32>
    %reduce_sum3A_402 = vector.multi_reduction <add>, %mul3A_400, %reduce_sum3A_401 [0] : vector<512x64xf32> to vector<64xf32>
    %broadcast_in_dim3A_403 = vector.shape_cast %reduce_sum3A_402 : vector<64xf32> to vector<1x64xf32>
    %add3A_404 = arith.addf %add3A_369, %broadcast_in_dim3A_403 : vector<1x64xf32>
    %get3A_405 = arith.constant 0 : index
    %get3A_406 = arith.constant 0 : index
    %get3A_407 = vector.load %arg28[%get3A_405, %get3A_406] : memref<512x128xi32, #tpu.memory_space<vmem>>, vector<512x128xi32>
    %shift_left3A_408 = arith.constant 16 : i32
    %shift_left3A_409 = vector.broadcast %shift_left3A_408 : i32 to vector<512x128xi32>
    %shift_left3A_410 = arith.shli %get3A_407, %shift_left3A_409 : vector<512x128xi32>
    %bitcast_convert_type3A_411 = tpu.bitcast %shift_left3A_410 : vector<512x128xi32> -> vector<512x128xf32>
    %and3A_412 = arith.constant -65536 : i32
    %and3A_413 = vector.broadcast %and3A_412 : i32 to vector<512x128xi32>
    %and3A_414 = arith.andi %get3A_407, %and3A_413 : vector<512x128xi32>
    %bitcast_convert_type3A_415 = tpu.bitcast %and3A_414 : vector<512x128xi32> -> vector<512x128xf32>
    %concatenate3A_416 = tpu.concatenate %bitcast_convert_type3A_411, %bitcast_convert_type3A_415 in 1 : vector<512x128xf32>, vector<512x128xf32> -> vector<512x256xf32>
    %add3A_417 = arith.addf %concatenate3A_416, %get3A_6 : vector<512x256xf32>
    %reduce_sum3A_418 = arith.constant dense<0.000000e+00> : vector<256xf32>
    %reduce_sum3A_419 = vector.multi_reduction <add>, %add3A_417, %reduce_sum3A_418 [0] : vector<512x256xf32> to vector<256xf32>
    %broadcast_in_dim3A_420 = vector.shape_cast %reduce_sum3A_419 : vector<256xf32> to vector<1x256xf32>
    %add3A_421 = arith.addf %add3A_386, %broadcast_in_dim3A_420 : vector<1x256xf32>
    %mul3A_422 = arith.mulf %add3A_417, %add3A_417 : vector<512x256xf32>
    %reduce_sum3A_423 = arith.constant dense<0.000000e+00> : vector<256xf32>
    %reduce_sum3A_424 = vector.multi_reduction <add>, %mul3A_422, %reduce_sum3A_423 [0] : vector<512x256xf32> to vector<256xf32>
    %broadcast_in_dim3A_425 = vector.shape_cast %reduce_sum3A_424 : vector<256xf32> to vector<1x256xf32>
    %add3A_426 = arith.addf %add3A_391, %broadcast_in_dim3A_425 : vector<1x256xf32>
    %get3A_427 = arith.constant 0 : index
    %get3A_428 = arith.constant 0 : index
    %get3A_429 = vector.load %arg13[%get3A_427, %get3A_428] : memref<512x128xf32, #tpu.memory_space<vmem>>, vector<512x64xf32>
    %add3A_430 = arith.addf %get3A_429, %get3A_3 : vector<512x64xf32>
    %reduce_sum3A_431 = arith.constant dense<0.000000e+00> : vector<64xf32>
    %reduce_sum3A_432 = vector.multi_reduction <add>, %add3A_430, %reduce_sum3A_431 [0] : vector<512x64xf32> to vector<64xf32>
    %broadcast_in_dim3A_433 = vector.shape_cast %reduce_sum3A_432 : vector<64xf32> to vector<1x64xf32>
    %add3A_434 = arith.addf %add3A_399, %broadcast_in_dim3A_433 : vector<1x64xf32>
    %mul3A_435 = arith.mulf %add3A_430, %add3A_430 : vector<512x64xf32>
    %reduce_sum3A_436 = arith.constant dense<0.000000e+00> : vector<64xf32>
    %reduce_sum3A_437 = vector.multi_reduction <add>, %mul3A_435, %reduce_sum3A_436 [0] : vector<512x64xf32> to vector<64xf32>
    %broadcast_in_dim3A_438 = vector.shape_cast %reduce_sum3A_437 : vector<64xf32> to vector<1x64xf32>
    %add3A_439 = arith.addf %add3A_404, %broadcast_in_dim3A_438 : vector<1x64xf32>
    %get3A_440 = arith.constant 0 : index
    %get3A_441 = arith.constant 0 : index
    %get3A_442 = vector.load %arg29[%get3A_440, %get3A_441] : memref<512x128xi32, #tpu.memory_space<vmem>>, vector<512x128xi32>
    %shift_left3A_443 = arith.constant 16 : i32
    %shift_left3A_444 = vector.broadcast %shift_left3A_443 : i32 to vector<512x128xi32>
    %shift_left3A_445 = arith.shli %get3A_442, %shift_left3A_444 : vector<512x128xi32>
    %bitcast_convert_type3A_446 = tpu.bitcast %shift_left3A_445 : vector<512x128xi32> -> vector<512x128xf32>
    %and3A_447 = arith.constant -65536 : i32
    %and3A_448 = vector.broadcast %and3A_447 : i32 to vector<512x128xi32>
    %and3A_449 = arith.andi %get3A_442, %and3A_448 : vector<512x128xi32>
    %bitcast_convert_type3A_450 = tpu.bitcast %and3A_449 : vector<512x128xi32> -> vector<512x128xf32>
    %concatenate3A_451 = tpu.concatenate %bitcast_convert_type3A_446, %bitcast_convert_type3A_450 in 1 : vector<512x128xf32>, vector<512x128xf32> -> vector<512x256xf32>
    %add3A_452 = arith.addf %concatenate3A_451, %get3A_6 : vector<512x256xf32>
    %reduce_sum3A_453 = arith.constant dense<0.000000e+00> : vector<256xf32>
    %reduce_sum3A_454 = vector.multi_reduction <add>, %add3A_452, %reduce_sum3A_453 [0] : vector<512x256xf32> to vector<256xf32>
    %broadcast_in_dim3A_455 = vector.shape_cast %reduce_sum3A_454 : vector<256xf32> to vector<1x256xf32>
    %add3A_456 = arith.addf %add3A_421, %broadcast_in_dim3A_455 : vector<1x256xf32>
    %mul3A_457 = arith.mulf %add3A_452, %add3A_452 : vector<512x256xf32>
    %reduce_sum3A_458 = arith.constant dense<0.000000e+00> : vector<256xf32>
    %reduce_sum3A_459 = vector.multi_reduction <add>, %mul3A_457, %reduce_sum3A_458 [0] : vector<512x256xf32> to vector<256xf32>
    %broadcast_in_dim3A_460 = vector.shape_cast %reduce_sum3A_459 : vector<256xf32> to vector<1x256xf32>
    %add3A_461 = arith.addf %add3A_426, %broadcast_in_dim3A_460 : vector<1x256xf32>
    %get3A_462 = arith.constant 0 : index
    %get3A_463 = arith.constant 0 : index
    %get3A_464 = vector.load %arg14[%get3A_462, %get3A_463] : memref<512x128xf32, #tpu.memory_space<vmem>>, vector<512x64xf32>
    %add3A_465 = arith.addf %get3A_464, %get3A_3 : vector<512x64xf32>
    %reduce_sum3A_466 = arith.constant dense<0.000000e+00> : vector<64xf32>
    %reduce_sum3A_467 = vector.multi_reduction <add>, %add3A_465, %reduce_sum3A_466 [0] : vector<512x64xf32> to vector<64xf32>
    %broadcast_in_dim3A_468 = vector.shape_cast %reduce_sum3A_467 : vector<64xf32> to vector<1x64xf32>
    %add3A_469 = arith.addf %add3A_434, %broadcast_in_dim3A_468 : vector<1x64xf32>
    %mul3A_470 = arith.mulf %add3A_465, %add3A_465 : vector<512x64xf32>
    %reduce_sum3A_471 = arith.constant dense<0.000000e+00> : vector<64xf32>
    %reduce_sum3A_472 = vector.multi_reduction <add>, %mul3A_470, %reduce_sum3A_471 [0] : vector<512x64xf32> to vector<64xf32>
    %broadcast_in_dim3A_473 = vector.shape_cast %reduce_sum3A_472 : vector<64xf32> to vector<1x64xf32>
    %add3A_474 = arith.addf %add3A_439, %broadcast_in_dim3A_473 : vector<1x64xf32>
    %get3A_475 = arith.constant 0 : index
    %get3A_476 = arith.constant 0 : index
    %get3A_477 = vector.load %arg30[%get3A_475, %get3A_476] : memref<512x128xi32, #tpu.memory_space<vmem>>, vector<512x128xi32>
    %shift_left3A_478 = arith.constant 16 : i32
    %shift_left3A_479 = vector.broadcast %shift_left3A_478 : i32 to vector<512x128xi32>
    %shift_left3A_480 = arith.shli %get3A_477, %shift_left3A_479 : vector<512x128xi32>
    %bitcast_convert_type3A_481 = tpu.bitcast %shift_left3A_480 : vector<512x128xi32> -> vector<512x128xf32>
    %and3A_482 = arith.constant -65536 : i32
    %and3A_483 = vector.broadcast %and3A_482 : i32 to vector<512x128xi32>
    %and3A_484 = arith.andi %get3A_477, %and3A_483 : vector<512x128xi32>
    %bitcast_convert_type3A_485 = tpu.bitcast %and3A_484 : vector<512x128xi32> -> vector<512x128xf32>
    %concatenate3A_486 = tpu.concatenate %bitcast_convert_type3A_481, %bitcast_convert_type3A_485 in 1 : vector<512x128xf32>, vector<512x128xf32> -> vector<512x256xf32>
    %add3A_487 = arith.addf %concatenate3A_486, %get3A_6 : vector<512x256xf32>
    %reduce_sum3A_488 = arith.constant dense<0.000000e+00> : vector<256xf32>
    %reduce_sum3A_489 = vector.multi_reduction <add>, %add3A_487, %reduce_sum3A_488 [0] : vector<512x256xf32> to vector<256xf32>
    %broadcast_in_dim3A_490 = vector.shape_cast %reduce_sum3A_489 : vector<256xf32> to vector<1x256xf32>
    %add3A_491 = arith.addf %add3A_456, %broadcast_in_dim3A_490 : vector<1x256xf32>
    %mul3A_492 = arith.mulf %add3A_487, %add3A_487 : vector<512x256xf32>
    %reduce_sum3A_493 = arith.constant dense<0.000000e+00> : vector<256xf32>
    %reduce_sum3A_494 = vector.multi_reduction <add>, %mul3A_492, %reduce_sum3A_493 [0] : vector<512x256xf32> to vector<256xf32>
    %broadcast_in_dim3A_495 = vector.shape_cast %reduce_sum3A_494 : vector<256xf32> to vector<1x256xf32>
    %add3A_496 = arith.addf %add3A_461, %broadcast_in_dim3A_495 : vector<1x256xf32>
    %get3A_497 = arith.constant 0 : index
    %get3A_498 = arith.constant 0 : index
    %get3A_499 = vector.load %arg15[%get3A_497, %get3A_498] : memref<512x128xf32, #tpu.memory_space<vmem>>, vector<512x64xf32>
    %add3A_500 = arith.addf %get3A_499, %get3A_3 : vector<512x64xf32>
    %reduce_sum3A_501 = arith.constant dense<0.000000e+00> : vector<64xf32>
    %reduce_sum3A_502 = vector.multi_reduction <add>, %add3A_500, %reduce_sum3A_501 [0] : vector<512x64xf32> to vector<64xf32>
    %broadcast_in_dim3A_503 = vector.shape_cast %reduce_sum3A_502 : vector<64xf32> to vector<1x64xf32>
    %add3A_504 = arith.addf %add3A_469, %broadcast_in_dim3A_503 : vector<1x64xf32>
    %mul3A_505 = arith.mulf %add3A_500, %add3A_500 : vector<512x64xf32>
    %reduce_sum3A_506 = arith.constant dense<0.000000e+00> : vector<64xf32>
    %reduce_sum3A_507 = vector.multi_reduction <add>, %mul3A_505, %reduce_sum3A_506 [0] : vector<512x64xf32> to vector<64xf32>
    %broadcast_in_dim3A_508 = vector.shape_cast %reduce_sum3A_507 : vector<64xf32> to vector<1x64xf32>
    %add3A_509 = arith.addf %add3A_474, %broadcast_in_dim3A_508 : vector<1x64xf32>
    %get3A_510 = arith.constant 0 : index
    %get3A_511 = arith.constant 0 : index
    %get3A_512 = vector.load %arg31[%get3A_510, %get3A_511] : memref<512x128xi32, #tpu.memory_space<vmem>>, vector<512x128xi32>
    %shift_left3A_513 = arith.constant 16 : i32
    %shift_left3A_514 = vector.broadcast %shift_left3A_513 : i32 to vector<512x128xi32>
    %shift_left3A_515 = arith.shli %get3A_512, %shift_left3A_514 : vector<512x128xi32>
    %bitcast_convert_type3A_516 = tpu.bitcast %shift_left3A_515 : vector<512x128xi32> -> vector<512x128xf32>
    %and3A_517 = arith.constant -65536 : i32
    %and3A_518 = vector.broadcast %and3A_517 : i32 to vector<512x128xi32>
    %and3A_519 = arith.andi %get3A_512, %and3A_518 : vector<512x128xi32>
    %bitcast_convert_type3A_520 = tpu.bitcast %and3A_519 : vector<512x128xi32> -> vector<512x128xf32>
    %concatenate3A_521 = tpu.concatenate %bitcast_convert_type3A_516, %bitcast_convert_type3A_520 in 1 : vector<512x128xf32>, vector<512x128xf32> -> vector<512x256xf32>
    %add3A_522 = arith.addf %concatenate3A_521, %get3A_6 : vector<512x256xf32>
    %reduce_sum3A_523 = arith.constant dense<0.000000e+00> : vector<256xf32>
    %reduce_sum3A_524 = vector.multi_reduction <add>, %add3A_522, %reduce_sum3A_523 [0] : vector<512x256xf32> to vector<256xf32>
    %broadcast_in_dim3A_525 = vector.shape_cast %reduce_sum3A_524 : vector<256xf32> to vector<1x256xf32>
    %add3A_526 = arith.addf %add3A_491, %broadcast_in_dim3A_525 : vector<1x256xf32>
    %mul3A_527 = arith.mulf %add3A_522, %add3A_522 : vector<512x256xf32>
    %reduce_sum3A_528 = arith.constant dense<0.000000e+00> : vector<256xf32>
    %reduce_sum3A_529 = vector.multi_reduction <add>, %mul3A_527, %reduce_sum3A_528 [0] : vector<512x256xf32> to vector<256xf32>
    %broadcast_in_dim3A_530 = vector.shape_cast %reduce_sum3A_529 : vector<256xf32> to vector<1x256xf32>
    %add3A_531 = arith.addf %add3A_496, %broadcast_in_dim3A_530 : vector<1x256xf32>
    %get3A_532 = arith.constant 0 : index
    %get3A_533 = arith.constant 0 : index
    %get3A_534 = vector.load %arg16[%get3A_532, %get3A_533] : memref<512x128xf32, #tpu.memory_space<vmem>>, vector<512x64xf32>
    %add3A_535 = arith.addf %get3A_534, %get3A_3 : vector<512x64xf32>
    %reduce_sum3A_536 = arith.constant dense<0.000000e+00> : vector<64xf32>
    %reduce_sum3A_537 = vector.multi_reduction <add>, %add3A_535, %reduce_sum3A_536 [0] : vector<512x64xf32> to vector<64xf32>
    %broadcast_in_dim3A_538 = vector.shape_cast %reduce_sum3A_537 : vector<64xf32> to vector<1x64xf32>
    %add3A_539 = arith.addf %add3A_504, %broadcast_in_dim3A_538 : vector<1x64xf32>
    %mul3A_540 = arith.mulf %add3A_535, %add3A_535 : vector<512x64xf32>
    %reduce_sum3A_541 = arith.constant dense<0.000000e+00> : vector<64xf32>
    %reduce_sum3A_542 = vector.multi_reduction <add>, %mul3A_540, %reduce_sum3A_541 [0] : vector<512x64xf32> to vector<64xf32>
    %broadcast_in_dim3A_543 = vector.shape_cast %reduce_sum3A_542 : vector<64xf32> to vector<1x64xf32>
    %add3A_544 = arith.addf %add3A_509, %broadcast_in_dim3A_543 : vector<1x64xf32>
    %get3A_545 = arith.constant 0 : index
    %get3A_546 = arith.constant 0 : index
    %get3A_547 = vector.load %arg32[%get3A_545, %get3A_546] : memref<512x128xi32, #tpu.memory_space<vmem>>, vector<512x128xi32>
    %shift_left3A_548 = arith.constant 16 : i32
    %shift_left3A_549 = vector.broadcast %shift_left3A_548 : i32 to vector<512x128xi32>
    %shift_left3A_550 = arith.shli %get3A_547, %shift_left3A_549 : vector<512x128xi32>
    %bitcast_convert_type3A_551 = tpu.bitcast %shift_left3A_550 : vector<512x128xi32> -> vector<512x128xf32>
    %and3A_552 = arith.constant -65536 : i32
    %and3A_553 = vector.broadcast %and3A_552 : i32 to vector<512x128xi32>
    %and3A_554 = arith.andi %get3A_547, %and3A_553 : vector<512x128xi32>
    %bitcast_convert_type3A_555 = tpu.bitcast %and3A_554 : vector<512x128xi32> -> vector<512x128xf32>
    %concatenate3A_556 = tpu.concatenate %bitcast_convert_type3A_551, %bitcast_convert_type3A_555 in 1 : vector<512x128xf32>, vector<512x128xf32> -> vector<512x256xf32>
    %add3A_557 = arith.addf %concatenate3A_556, %get3A_6 : vector<512x256xf32>
    %reduce_sum3A_558 = arith.constant dense<0.000000e+00> : vector<256xf32>
    %reduce_sum3A_559 = vector.multi_reduction <add>, %add3A_557, %reduce_sum3A_558 [0] : vector<512x256xf32> to vector<256xf32>
    %broadcast_in_dim3A_560 = vector.shape_cast %reduce_sum3A_559 : vector<256xf32> to vector<1x256xf32>
    %add3A_561 = arith.addf %add3A_526, %broadcast_in_dim3A_560 : vector<1x256xf32>
    %mul3A_562 = arith.mulf %add3A_557, %add3A_557 : vector<512x256xf32>
    %reduce_sum3A_563 = arith.constant dense<0.000000e+00> : vector<256xf32>
    %reduce_sum3A_564 = vector.multi_reduction <add>, %mul3A_562, %reduce_sum3A_563 [0] : vector<512x256xf32> to vector<256xf32>
    %broadcast_in_dim3A_565 = vector.shape_cast %reduce_sum3A_564 : vector<256xf32> to vector<1x256xf32>
    %add3A_566 = arith.addf %add3A_531, %broadcast_in_dim3A_565 : vector<1x256xf32>
    %broadcast_in_dim3A_567 = arith.constant 0.000000e+00 : f32
    %broadcast_in_dim3A_568 = vector.broadcast %broadcast_in_dim3A_567 : f32 to vector<6x64xf32>
    %broadcast_in_dim3A_569 = arith.constant 0.000000e+00 : f32
    %broadcast_in_dim3A_570 = vector.broadcast %broadcast_in_dim3A_569 : f32 to vector<6x256xf32>
    %get3A_571 = arith.constant 0 : index
    %get3A_572 = arith.constant 0 : index
    %get3A_573 = vector.load %arg35[%get3A_571, %get3A_572] : memref<8x64xf32, #tpu.memory_space<vmem>>, vector<8x64xf32>
    %concatenate3A_574 = tpu.concatenate %add3A_539, %add3A_544, %broadcast_in_dim3A_568 in 0 : vector<1x64xf32>, vector<1x64xf32>, vector<6x64xf32> -> vector<8x64xf32>
    %add3A_575 = arith.addf %get3A_573, %concatenate3A_574 : vector<8x64xf32>
    %swap3A = arith.constant 0 : index
    %swap3A_576 = arith.constant 0 : index
    %swap3A_577 = vector.load %arg35[%swap3A, %swap3A_576] : memref<8x64xf32, #tpu.memory_space<vmem>>, vector<8x64xf32>
    tpu.vector_store %arg35[%swap3A, %swap3A_576], %add3A_575 {strides = array<i32>} : memref<8x64xf32, #tpu.memory_space<vmem>>, vector<8x64xf32>,
    %get3A_578 = arith.constant 0 : index
    %get3A_579 = arith.constant 0 : index
    %get3A_580 = vector.load %arg36[%get3A_578, %get3A_579] : memref<8x256xf32, #tpu.memory_space<vmem>>, vector<8x256xf32>
    %concatenate3A_581 = tpu.concatenate %add3A_561, %add3A_566, %broadcast_in_dim3A_570 in 0 : vector<1x256xf32>, vector<1x256xf32>, vector<6x256xf32> -> vector<8x256xf32>
    %add3A_582 = arith.addf %get3A_580, %concatenate3A_581 : vector<8x256xf32>
    %swap3A_583 = arith.constant 0 : index
    %swap3A_584 = arith.constant 0 : index
    %swap3A_585 = vector.load %arg36[%swap3A_583, %swap3A_584] : memref<8x256xf32, #tpu.memory_space<vmem>>, vector<8x256xf32>
    tpu.vector_store %arg36[%swap3A_583, %swap3A_584], %add3A_582 {strides = array<i32>} : memref<8x256xf32, #tpu.memory_space<vmem>>, vector<8x256xf32>,
    return
  }
  func.func @transform_0(%arg0: i32) -> (i32, i32) {
    %add3A = arith.constant 0 : i32
    %add3A_0 = arith.addi %add3A, %arg0 : i32
    %c0_i32 = arith.constant 0 : i32
    %c0_i32_1 = arith.constant 0 : i32
    return %add3A_0, %c0_i32 : i32, i32
  }
  func.func @transform_1(%arg0: i32) -> (i32, i32) {
    %add3A = arith.constant 8 : i32
    %add3A_0 = arith.addi %add3A, %arg0 : i32
    %c0_i32 = arith.constant 0 : i32
    %c0_i32_1 = arith.constant 0 : i32
    return %add3A_0, %c0_i32 : i32, i32
  }
  func.func @transform_2(%arg0: i32) -> (i32, i32) {
    %add3A = arith.constant 16 : i32
    %add3A_0 = arith.addi %add3A, %arg0 : i32
    %c0_i32 = arith.constant 0 : i32
    %c0_i32_1 = arith.constant 0 : i32
    return %add3A_0, %c0_i32 : i32, i32
  }
  func.func @transform_3(%arg0: i32) -> (i32, i32) {
    %add3A = arith.constant 24 : i32
    %add3A_0 = arith.addi %add3A, %arg0 : i32
    %c0_i32 = arith.constant 0 : i32
    %c0_i32_1 = arith.constant 0 : i32
    return %add3A_0, %c0_i32 : i32, i32
  }
  func.func @transform_4(%arg0: i32) -> (i32, i32) {
    %add3A = arith.constant 32 : i32
    %add3A_0 = arith.addi %add3A, %arg0 : i32
    %c0_i32 = arith.constant 0 : i32
    %c0_i32_1 = arith.constant 0 : i32
    return %add3A_0, %c0_i32 : i32, i32
  }
  func.func @transform_5(%arg0: i32) -> (i32, i32) {
    %add3A = arith.constant 40 : i32
    %add3A_0 = arith.addi %add3A, %arg0 : i32
    %c0_i32 = arith.constant 0 : i32
    %c0_i32_1 = arith.constant 0 : i32
    return %add3A_0, %c0_i32 : i32, i32
  }
  func.func @transform_6(%arg0: i32) -> (i32, i32) {
    %add3A = arith.constant 48 : i32
    %add3A_0 = arith.addi %add3A, %arg0 : i32
    %c0_i32 = arith.constant 0 : i32
    %c0_i32_1 = arith.constant 0 : i32
    return %add3A_0, %c0_i32 : i32, i32
  }
  func.func @transform_7(%arg0: i32) -> (i32, i32) {
    %add3A = arith.constant 56 : i32
    %add3A_0 = arith.addi %add3A, %arg0 : i32
    %c0_i32 = arith.constant 0 : i32
    %c0_i32_1 = arith.constant 0 : i32
    return %add3A_0, %c0_i32 : i32, i32
  }
  func.func @transform_8(%arg0: i32) -> (i32, i32) {
    %add3A = arith.constant 64 : i32
    %add3A_0 = arith.addi %add3A, %arg0 : i32
    %c0_i32 = arith.constant 0 : i32
    %c0_i32_1 = arith.constant 0 : i32
    return %add3A_0, %c0_i32 : i32, i32
  }
  func.func @transform_9(%arg0: i32) -> (i32, i32) {
    %add3A = arith.constant 72 : i32
    %add3A_0 = arith.addi %add3A, %arg0 : i32
    %c0_i32 = arith.constant 0 : i32
    %c0_i32_1 = arith.constant 0 : i32
    return %add3A_0, %c0_i32 : i32, i32
  }
  func.func @transform_10(%arg0: i32) -> (i32, i32) {
    %add3A = arith.constant 80 : i32
    %add3A_0 = arith.addi %add3A, %arg0 : i32
    %c0_i32 = arith.constant 0 : i32
    %c0_i32_1 = arith.constant 0 : i32
    return %add3A_0, %c0_i32 : i32, i32
  }
  func.func @transform_11(%arg0: i32) -> (i32, i32) {
    %add3A = arith.constant 88 : i32
    %add3A_0 = arith.addi %add3A, %arg0 : i32
    %c0_i32 = arith.constant 0 : i32
    %c0_i32_1 = arith.constant 0 : i32
    return %add3A_0, %c0_i32 : i32, i32
  }
  func.func @transform_12(%arg0: i32) -> (i32, i32) {
    %add3A = arith.constant 96 : i32
    %add3A_0 = arith.addi %add3A, %arg0 : i32
    %c0_i32 = arith.constant 0 : i32
    %c0_i32_1 = arith.constant 0 : i32
    return %add3A_0, %c0_i32 : i32, i32
  }
  func.func @transform_13(%arg0: i32) -> (i32, i32) {
    %add3A = arith.constant 104 : i32
    %add3A_0 = arith.addi %add3A, %arg0 : i32
    %c0_i32 = arith.constant 0 : i32
    %c0_i32_1 = arith.constant 0 : i32
    return %add3A_0, %c0_i32 : i32, i32
  }
  func.func @transform_14(%arg0: i32) -> (i32, i32) {
    %add3A = arith.constant 112 : i32
    %add3A_0 = arith.addi %add3A, %arg0 : i32
    %c0_i32 = arith.constant 0 : i32
    %c0_i32_1 = arith.constant 0 : i32
    return %add3A_0, %c0_i32 : i32, i32
  }
  func.func @transform_15(%arg0: i32) -> (i32, i32) {
    %add3A = arith.constant 120 : i32
    %add3A_0 = arith.addi %add3A, %arg0 : i32
    %c0_i32 = arith.constant 0 : i32
    %c0_i32_1 = arith.constant 0 : i32
    return %add3A_0, %c0_i32 : i32, i32
  }
  func.func @transform_16(%arg0: i32) -> (i32, i32) {
    %add3A = arith.constant 0 : i32
    %add3A_0 = arith.addi %add3A, %arg0 : i32
    %c0_i32 = arith.constant 0 : i32
    %c0_i32_1 = arith.constant 0 : i32
    return %add3A_0, %c0_i32 : i32, i32
  }
  func.func @transform_17(%arg0: i32) -> (i32, i32) {
    %add3A = arith.constant 8 : i32
    %add3A_0 = arith.addi %add3A, %arg0 : i32
    %c0_i32 = arith.constant 0 : i32
    %c0_i32_1 = arith.constant 0 : i32
    return %add3A_0, %c0_i32 : i32, i32
  }
  func.func @transform_18(%arg0: i32) -> (i32, i32) {
    %add3A = arith.constant 16 : i32
    %add3A_0 = arith.addi %add3A, %arg0 : i32
    %c0_i32 = arith.constant 0 : i32
    %c0_i32_1 = arith.constant 0 : i32
    return %add3A_0, %c0_i32 : i32, i32
  }
  func.func @transform_19(%arg0: i32) -> (i32, i32) {
    %add3A = arith.constant 24 : i32
    %add3A_0 = arith.addi %add3A, %arg0 : i32
    %c0_i32 = arith.constant 0 : i32
    %c0_i32_1 = arith.constant 0 : i32
    return %add3A_0, %c0_i32 : i32, i32
  }
  func.func @transform_20(%arg0: i32) -> (i32, i32) {
    %add3A = arith.constant 32 : i32
    %add3A_0 = arith.addi %add3A, %arg0 : i32
    %c0_i32 = arith.constant 0 : i32
    %c0_i32_1 = arith.constant 0 : i32
    return %add3A_0, %c0_i32 : i32, i32
  }
  func.func @transform_21(%arg0: i32) -> (i32, i32) {
    %add3A = arith.constant 40 : i32
    %add3A_0 = arith.addi %add3A, %arg0 : i32
    %c0_i32 = arith.constant 0 : i32
    %c0_i32_1 = arith.constant 0 : i32
    return %add3A_0, %c0_i32 : i32, i32
  }
  func.func @transform_22(%arg0: i32) -> (i32, i32) {
    %add3A = arith.constant 48 : i32
    %add3A_0 = arith.addi %add3A, %arg0 : i32
    %c0_i32 = arith.constant 0 : i32
    %c0_i32_1 = arith.constant 0 : i32
    return %add3A_0, %c0_i32 : i32, i32
  }
  func.func @transform_23(%arg0: i32) -> (i32, i32) {
    %add3A = arith.constant 56 : i32
    %add3A_0 = arith.addi %add3A, %arg0 : i32
    %c0_i32 = arith.constant 0 : i32
    %c0_i32_1 = arith.constant 0 : i32
    return %add3A_0, %c0_i32 : i32, i32
  }
  func.func @transform_24(%arg0: i32) -> (i32, i32) {
    %add3A = arith.constant 64 : i32
    %add3A_0 = arith.addi %add3A, %arg0 : i32
    %c0_i32 = arith.constant 0 : i32
    %c0_i32_1 = arith.constant 0 : i32
    return %add3A_0, %c0_i32 : i32, i32
  }
  func.func @transform_25(%arg0: i32) -> (i32, i32) {
    %add3A = arith.constant 72 : i32
    %add3A_0 = arith.addi %add3A, %arg0 : i32
    %c0_i32 = arith.constant 0 : i32
    %c0_i32_1 = arith.constant 0 : i32
    return %add3A_0, %c0_i32 : i32, i32
  }
  func.func @transform_26(%arg0: i32) -> (i32, i32) {
    %add3A = arith.constant 80 : i32
    %add3A_0 = arith.addi %add3A, %arg0 : i32
    %c0_i32 = arith.constant 0 : i32
    %c0_i32_1 = arith.constant 0 : i32
    return %add3A_0, %c0_i32 : i32, i32
  }
  func.func @transform_27(%arg0: i32) -> (i32, i32) {
    %add3A = arith.constant 88 : i32
    %add3A_0 = arith.addi %add3A, %arg0 : i32
    %c0_i32 = arith.constant 0 : i32
    %c0_i32_1 = arith.constant 0 : i32
    return %add3A_0, %c0_i32 : i32, i32
  }
  func.func @transform_28(%arg0: i32) -> (i32, i32) {
    %add3A = arith.constant 96 : i32
    %add3A_0 = arith.addi %add3A, %arg0 : i32
    %c0_i32 = arith.constant 0 : i32
    %c0_i32_1 = arith.constant 0 : i32
    return %add3A_0, %c0_i32 : i32, i32
  }
  func.func @transform_29(%arg0: i32) -> (i32, i32) {
    %add3A = arith.constant 104 : i32
    %add3A_0 = arith.addi %add3A, %arg0 : i32
    %c0_i32 = arith.constant 0 : i32
    %c0_i32_1 = arith.constant 0 : i32
    return %add3A_0, %c0_i32 : i32, i32
  }
  func.func @transform_30(%arg0: i32) -> (i32, i32) {
    %add3A = arith.constant 112 : i32
    %add3A_0 = arith.addi %add3A, %arg0 : i32
    %c0_i32 = arith.constant 0 : i32
    %c0_i32_1 = arith.constant 0 : i32
    return %add3A_0, %c0_i32 : i32, i32
  }
  func.func @transform_31(%arg0: i32) -> (i32, i32) {
    %add3A = arith.constant 120 : i32
    %add3A_0 = arith.addi %add3A, %arg0 : i32
    %c0_i32 = arith.constant 0 : i32
    %c0_i32_1 = arith.constant 0 : i32
    return %add3A_0, %c0_i32 : i32, i32
  }
  func.func @transform_32(%arg0: i32) -> (i32, i32) {
    %add3A = arith.constant 8 : i32
    %add3A_0 = arith.addi %add3A, %arg0 : i32
    %c0_i32 = arith.constant 0 : i32
    %c0_i32_1 = arith.constant 0 : i32
    return %add3A_0, %c0_i32 : i32, i32
  }
  func.func @transform_33(%arg0: i32) -> (i32, i32) {
    %add3A = arith.constant 8 : i32
    %add3A_0 = arith.addi %add3A, %arg0 : i32
    %c0_i32 = arith.constant 0 : i32
    %c0_i32_1 = arith.constant 0 : i32
    return %add3A_0, %c0_i32 : i32, i32
  }
  func.func @transform_34(%arg0: i32) -> (i32, i32) {
    %c0_i32 = arith.constant 0 : i32
    %c0_i32_0 = arith.constant 0 : i32
    %c0_i32_1 = arith.constant 0 : i32
    return %c0_i32, %c0_i32_0 : i32, i32
  }
  func.func @transform_35(%arg0: i32) -> (i32, i32) {
    %c0_i32 = arith.constant 0 : i32
    %c0_i32_0 = arith.constant 0 : i32
    %c0_i32_1 = arith.constant 0 : i32
    return %c0_i32, %c0_i32_0 : i32, i32
  }
}

module attributes {stable_mosaic.version = 14 : i64} {
  func.func @_main_body(%arg0: i32, %arg1: memref<256x128xf32, #tpu.memory_space<vmem>>, %arg2: memref<256x128xf32, #tpu.memory_space<vmem>>, %arg3: memref<256x128xf32, #tpu.memory_space<vmem>>, %arg4: memref<256x128xf32, #tpu.memory_space<vmem>>, %arg5: memref<256x128xf32, #tpu.memory_space<vmem>>, %arg6: memref<256x128xf32, #tpu.memory_space<vmem>>, %arg7: memref<256x128xf32, #tpu.memory_space<vmem>>, %arg8: memref<256x128xf32, #tpu.memory_space<vmem>>, %arg9: memref<256x128xf32, #tpu.memory_space<vmem>>, %arg10: memref<256x128xf32, #tpu.memory_space<vmem>>, %arg11: memref<256x128xf32, #tpu.memory_space<vmem>>, %arg12: memref<256x128xf32, #tpu.memory_space<vmem>>, %arg13: memref<256x128xf32, #tpu.memory_space<vmem>>, %arg14: memref<256x128xf32, #tpu.memory_space<vmem>>, %arg15: memref<256x128xf32, #tpu.memory_space<vmem>>, %arg16: memref<256x128xf32, #tpu.memory_space<vmem>>, %arg17: memref<256x128xi32, #tpu.memory_space<vmem>>, %arg18: memref<256x128xi32, #tpu.memory_space<vmem>>, %arg19: memref<256x128xi32, #tpu.memory_space<vmem>>, %arg20: memref<256x128xi32, #tpu.memory_space<vmem>>, %arg21: memref<256x128xi32, #tpu.memory_space<vmem>>, %arg22: memref<256x128xi32, #tpu.memory_space<vmem>>, %arg23: memref<256x128xi32, #tpu.memory_space<vmem>>, %arg24: memref<256x128xi32, #tpu.memory_space<vmem>>, %arg25: memref<256x128xi32, #tpu.memory_space<vmem>>, %arg26: memref<256x128xi32, #tpu.memory_space<vmem>>, %arg27: memref<256x128xi32, #tpu.memory_space<vmem>>, %arg28: memref<256x128xi32, #tpu.memory_space<vmem>>, %arg29: memref<256x128xi32, #tpu.memory_space<vmem>>, %arg30: memref<256x128xi32, #tpu.memory_space<vmem>>, %arg31: memref<256x128xi32, #tpu.memory_space<vmem>>, %arg32: memref<256x128xi32, #tpu.memory_space<vmem>>, %arg33: memref<256x64xf32, #tpu.memory_space<vmem>>, %arg34: memref<256x256xf32, #tpu.memory_space<vmem>>, %arg35: memref<1x64xf32, #tpu.memory_space<vmem>>, %arg36: memref<1x64xf32, #tpu.memory_space<vmem>>, %arg37: memref<1x256xf32, #tpu.memory_space<vmem>>, %arg38: memref<1x256xf32, #tpu.memory_space<vmem>>, %arg39: memref<1x64xf32, #tpu.memory_space<vmem>>, %arg40: memref<256x256xf32, #tpu.memory_space<vmem>>, %arg41: memref<1x256xf32, #tpu.memory_space<vmem>>, %arg42: memref<256x256xf32, #tpu.memory_space<vmem>>, %arg43: memref<8x256xf32, #tpu.memory_space<vmem>>) attributes {dimension_semantics = [#tpu.dimension_semantics<arbitrary>], iteration_bounds = array<i64: 16>, scalar_prefetch = 0 : i64, scratch_operands = 0 : i64, tpu.core_type = #tpu.core_type<tc>, window_params = [{transform_indices = @transform_0, window_bounds = array<i64: 256, 128>}, {transform_indices = @transform_1, window_bounds = array<i64: 256, 128>}, {transform_indices = @transform_2, window_bounds = array<i64: 256, 128>}, {transform_indices = @transform_3, window_bounds = array<i64: 256, 128>}, {transform_indices = @transform_4, window_bounds = array<i64: 256, 128>}, {transform_indices = @transform_5, window_bounds = array<i64: 256, 128>}, {transform_indices = @transform_6, window_bounds = array<i64: 256, 128>}, {transform_indices = @transform_7, window_bounds = array<i64: 256, 128>}, {transform_indices = @transform_8, window_bounds = array<i64: 256, 128>}, {transform_indices = @transform_9, window_bounds = array<i64: 256, 128>}, {transform_indices = @transform_10, window_bounds = array<i64: 256, 128>}, {transform_indices = @transform_11, window_bounds = array<i64: 256, 128>}, {transform_indices = @transform_12, window_bounds = array<i64: 256, 128>}, {transform_indices = @transform_13, window_bounds = array<i64: 256, 128>}, {transform_indices = @transform_14, window_bounds = array<i64: 256, 128>}, {transform_indices = @transform_15, window_bounds = array<i64: 256, 128>}, {transform_indices = @transform_16, window_bounds = array<i64: 256, 128>}, {transform_indices = @transform_17, window_bounds = array<i64: 256, 128>}, {transform_indices = @transform_18, window_bounds = array<i64: 256, 128>}, {transform_indices = @transform_19, window_bounds = array<i64: 256, 128>}, {transform_indices = @transform_20, window_bounds = array<i64: 256, 128>}, {transform_indices = @transform_21, window_bounds = array<i64: 256, 128>}, {transform_indices = @transform_22, window_bounds = array<i64: 256, 128>}, {transform_indices = @transform_23, window_bounds = array<i64: 256, 128>}, {transform_indices = @transform_24, window_bounds = array<i64: 256, 128>}, {transform_indices = @transform_25, window_bounds = array<i64: 256, 128>}, {transform_indices = @transform_26, window_bounds = array<i64: 256, 128>}, {transform_indices = @transform_27, window_bounds = array<i64: 256, 128>}, {transform_indices = @transform_28, window_bounds = array<i64: 256, 128>}, {transform_indices = @transform_29, window_bounds = array<i64: 256, 128>}, {transform_indices = @transform_30, window_bounds = array<i64: 256, 128>}, {transform_indices = @transform_31, window_bounds = array<i64: 256, 128>}, {transform_indices = @transform_32, window_bounds = array<i64: 256, 64>}, {transform_indices = @transform_33, window_bounds = array<i64: 256, 256>}, {pipeline_mode = #tpu.pipeline_mode<synchronous>, transform_indices = @transform_34, window_bounds = array<i64: 1, 64>}, {pipeline_mode = #tpu.pipeline_mode<synchronous>, transform_indices = @transform_35, window_bounds = array<i64: 1, 64>}, {pipeline_mode = #tpu.pipeline_mode<synchronous>, transform_indices = @transform_36, window_bounds = array<i64: 1, 256>}, {pipeline_mode = #tpu.pipeline_mode<synchronous>, transform_indices = @transform_37, window_bounds = array<i64: 1, 256>}, {pipeline_mode = #tpu.pipeline_mode<synchronous>, transform_indices = @transform_38, window_bounds = array<i64: 1, 64>}, {pipeline_mode = #tpu.pipeline_mode<synchronous>, transform_indices = @transform_39, window_bounds = array<i64: 256, 256>}, {pipeline_mode = #tpu.pipeline_mode<synchronous>, transform_indices = @transform_40, window_bounds = array<i64: 1, 256>}, {transform_indices = @transform_41, window_bounds = array<i64: 256, 256>}, {pipeline_mode = #tpu.pipeline_mode<synchronous>, transform_indices = @transform_42, window_bounds = array<i64: 8, 256>}]} {
    %get3A = arith.constant 0 : index
    %get3A_0 = arith.constant 0 : index
    %get3A_1 = vector.load %arg33[%get3A, %get3A_0] : memref<256x64xf32, #tpu.memory_space<vmem>>, vector<256x64xf32>
    %get3A_2 = arith.constant 0 : index
    %get3A_3 = arith.constant 0 : index
    %get3A_4 = vector.load %arg34[%get3A_2, %get3A_3] : memref<256x256xf32, #tpu.memory_space<vmem>>, vector<256x256xf32>
    %get3A_5 = arith.constant 0 : index
    %get3A_6 = arith.constant 0 : index
    %get3A_7 = vector.load %arg35[%get3A_5, %get3A_6] : memref<1x64xf32, #tpu.memory_space<vmem>>, vector<1x64xf32>
    %get3A_8 = arith.constant 0 : index
    %get3A_9 = arith.constant 0 : index
    %get3A_10 = vector.load %arg36[%get3A_8, %get3A_9] : memref<1x64xf32, #tpu.memory_space<vmem>>, vector<1x64xf32>
    %get3A_11 = arith.constant 0 : index
    %get3A_12 = arith.constant 0 : index
    %get3A_13 = vector.load %arg37[%get3A_11, %get3A_12] : memref<1x256xf32, #tpu.memory_space<vmem>>, vector<1x256xf32>
    %get3A_14 = arith.constant 0 : index
    %get3A_15 = arith.constant 0 : index
    %get3A_16 = vector.load %arg38[%get3A_14, %get3A_15] : memref<1x256xf32, #tpu.memory_space<vmem>>, vector<1x256xf32>
    %get3A_17 = arith.constant 0 : index
    %get3A_18 = arith.constant 0 : index
    %get3A_19 = vector.load %arg39[%get3A_17, %get3A_18] : memref<1x64xf32, #tpu.memory_space<vmem>>, vector<1x64xf32>
    %get3A_20 = arith.constant 0 : index
    %get3A_21 = arith.constant 0 : index
    %get3A_22 = vector.load %arg1[%get3A_20, %get3A_21] : memref<256x128xf32, #tpu.memory_space<vmem>>, vector<256x64xf32>
    %add3A = arith.addf %get3A_22, %get3A_1 : vector<256x64xf32>
    %mul3A = vector.broadcast %get3A_7 : vector<1x64xf32> to vector<256x64xf32>
    %mul3A_23 = arith.mulf %add3A, %mul3A : vector<256x64xf32>
    %add3A_24 = vector.broadcast %get3A_10 : vector<1x64xf32> to vector<256x64xf32>
    %add3A_25 = arith.addf %mul3A_23, %add3A_24 : vector<256x64xf32>
    %max3A = arith.constant 0.000000e+00 : f32
    %max3A_26 = vector.broadcast %max3A : f32 to vector<256x64xf32>
    %max3A_27 = arith.maximumf %add3A_25, %max3A_26 : vector<256x64xf32>
    %mul3A_28 = vector.broadcast %get3A_19 : vector<1x64xf32> to vector<256x64xf32>
    %mul3A_29 = arith.mulf %max3A_27, %mul3A_28 : vector<256x64xf32>
    %reduce_sum3A = arith.constant dense<0.000000e+00> : vector<256xf32>
    %reduce_sum3A_30 = vector.multi_reduction <add>, %mul3A_29, %reduce_sum3A [1] : vector<256x64xf32> to vector<256xf32>
    %broadcast_in_dim3A = vector.shape_cast %reduce_sum3A_30 : vector<256xf32> to vector<256x1xf32>
    %get3A_31 = arith.constant 0 : index
    %get3A_32 = arith.constant 0 : index
    %get3A_33 = vector.load %arg2[%get3A_31, %get3A_32] : memref<256x128xf32, #tpu.memory_space<vmem>>, vector<256x64xf32>
    %add3A_34 = arith.addf %get3A_33, %get3A_1 : vector<256x64xf32>
    %mul3A_35 = vector.broadcast %get3A_7 : vector<1x64xf32> to vector<256x64xf32>
    %mul3A_36 = arith.mulf %add3A_34, %mul3A_35 : vector<256x64xf32>
    %add3A_37 = vector.broadcast %get3A_10 : vector<1x64xf32> to vector<256x64xf32>
    %add3A_38 = arith.addf %mul3A_36, %add3A_37 : vector<256x64xf32>
    %max3A_39 = arith.constant 0.000000e+00 : f32
    %max3A_40 = vector.broadcast %max3A_39 : f32 to vector<256x64xf32>
    %max3A_41 = arith.maximumf %add3A_38, %max3A_40 : vector<256x64xf32>
    %mul3A_42 = vector.broadcast %get3A_19 : vector<1x64xf32> to vector<256x64xf32>
    %mul3A_43 = arith.mulf %max3A_41, %mul3A_42 : vector<256x64xf32>
    %reduce_sum3A_44 = arith.constant dense<0.000000e+00> : vector<256xf32>
    %reduce_sum3A_45 = vector.multi_reduction <add>, %mul3A_43, %reduce_sum3A_44 [1] : vector<256x64xf32> to vector<256xf32>
    %broadcast_in_dim3A_46 = vector.shape_cast %reduce_sum3A_45 : vector<256xf32> to vector<256x1xf32>
    %get3A_47 = arith.constant 0 : index
    %get3A_48 = arith.constant 0 : index
    %get3A_49 = vector.load %arg3[%get3A_47, %get3A_48] : memref<256x128xf32, #tpu.memory_space<vmem>>, vector<256x64xf32>
    %add3A_50 = arith.addf %get3A_49, %get3A_1 : vector<256x64xf32>
    %mul3A_51 = vector.broadcast %get3A_7 : vector<1x64xf32> to vector<256x64xf32>
    %mul3A_52 = arith.mulf %add3A_50, %mul3A_51 : vector<256x64xf32>
    %add3A_53 = vector.broadcast %get3A_10 : vector<1x64xf32> to vector<256x64xf32>
    %add3A_54 = arith.addf %mul3A_52, %add3A_53 : vector<256x64xf32>
    %max3A_55 = arith.constant 0.000000e+00 : f32
    %max3A_56 = vector.broadcast %max3A_55 : f32 to vector<256x64xf32>
    %max3A_57 = arith.maximumf %add3A_54, %max3A_56 : vector<256x64xf32>
    %mul3A_58 = vector.broadcast %get3A_19 : vector<1x64xf32> to vector<256x64xf32>
    %mul3A_59 = arith.mulf %max3A_57, %mul3A_58 : vector<256x64xf32>
    %reduce_sum3A_60 = arith.constant dense<0.000000e+00> : vector<256xf32>
    %reduce_sum3A_61 = vector.multi_reduction <add>, %mul3A_59, %reduce_sum3A_60 [1] : vector<256x64xf32> to vector<256xf32>
    %broadcast_in_dim3A_62 = vector.shape_cast %reduce_sum3A_61 : vector<256xf32> to vector<256x1xf32>
    %get3A_63 = arith.constant 0 : index
    %get3A_64 = arith.constant 0 : index
    %get3A_65 = vector.load %arg4[%get3A_63, %get3A_64] : memref<256x128xf32, #tpu.memory_space<vmem>>, vector<256x64xf32>
    %add3A_66 = arith.addf %get3A_65, %get3A_1 : vector<256x64xf32>
    %mul3A_67 = vector.broadcast %get3A_7 : vector<1x64xf32> to vector<256x64xf32>
    %mul3A_68 = arith.mulf %add3A_66, %mul3A_67 : vector<256x64xf32>
    %add3A_69 = vector.broadcast %get3A_10 : vector<1x64xf32> to vector<256x64xf32>
    %add3A_70 = arith.addf %mul3A_68, %add3A_69 : vector<256x64xf32>
    %max3A_71 = arith.constant 0.000000e+00 : f32
    %max3A_72 = vector.broadcast %max3A_71 : f32 to vector<256x64xf32>
    %max3A_73 = arith.maximumf %add3A_70, %max3A_72 : vector<256x64xf32>
    %mul3A_74 = vector.broadcast %get3A_19 : vector<1x64xf32> to vector<256x64xf32>
    %mul3A_75 = arith.mulf %max3A_73, %mul3A_74 : vector<256x64xf32>
    %reduce_sum3A_76 = arith.constant dense<0.000000e+00> : vector<256xf32>
    %reduce_sum3A_77 = vector.multi_reduction <add>, %mul3A_75, %reduce_sum3A_76 [1] : vector<256x64xf32> to vector<256xf32>
    %broadcast_in_dim3A_78 = vector.shape_cast %reduce_sum3A_77 : vector<256xf32> to vector<256x1xf32>
    %get3A_79 = arith.constant 0 : index
    %get3A_80 = arith.constant 0 : index
    %get3A_81 = vector.load %arg5[%get3A_79, %get3A_80] : memref<256x128xf32, #tpu.memory_space<vmem>>, vector<256x64xf32>
    %add3A_82 = arith.addf %get3A_81, %get3A_1 : vector<256x64xf32>
    %mul3A_83 = vector.broadcast %get3A_7 : vector<1x64xf32> to vector<256x64xf32>
    %mul3A_84 = arith.mulf %add3A_82, %mul3A_83 : vector<256x64xf32>
    %add3A_85 = vector.broadcast %get3A_10 : vector<1x64xf32> to vector<256x64xf32>
    %add3A_86 = arith.addf %mul3A_84, %add3A_85 : vector<256x64xf32>
    %max3A_87 = arith.constant 0.000000e+00 : f32
    %max3A_88 = vector.broadcast %max3A_87 : f32 to vector<256x64xf32>
    %max3A_89 = arith.maximumf %add3A_86, %max3A_88 : vector<256x64xf32>
    %mul3A_90 = vector.broadcast %get3A_19 : vector<1x64xf32> to vector<256x64xf32>
    %mul3A_91 = arith.mulf %max3A_89, %mul3A_90 : vector<256x64xf32>
    %reduce_sum3A_92 = arith.constant dense<0.000000e+00> : vector<256xf32>
    %reduce_sum3A_93 = vector.multi_reduction <add>, %mul3A_91, %reduce_sum3A_92 [1] : vector<256x64xf32> to vector<256xf32>
    %broadcast_in_dim3A_94 = vector.shape_cast %reduce_sum3A_93 : vector<256xf32> to vector<256x1xf32>
    %get3A_95 = arith.constant 0 : index
    %get3A_96 = arith.constant 0 : index
    %get3A_97 = vector.load %arg6[%get3A_95, %get3A_96] : memref<256x128xf32, #tpu.memory_space<vmem>>, vector<256x64xf32>
    %add3A_98 = arith.addf %get3A_97, %get3A_1 : vector<256x64xf32>
    %mul3A_99 = vector.broadcast %get3A_7 : vector<1x64xf32> to vector<256x64xf32>
    %mul3A_100 = arith.mulf %add3A_98, %mul3A_99 : vector<256x64xf32>
    %add3A_101 = vector.broadcast %get3A_10 : vector<1x64xf32> to vector<256x64xf32>
    %add3A_102 = arith.addf %mul3A_100, %add3A_101 : vector<256x64xf32>
    %max3A_103 = arith.constant 0.000000e+00 : f32
    %max3A_104 = vector.broadcast %max3A_103 : f32 to vector<256x64xf32>
    %max3A_105 = arith.maximumf %add3A_102, %max3A_104 : vector<256x64xf32>
    %mul3A_106 = vector.broadcast %get3A_19 : vector<1x64xf32> to vector<256x64xf32>
    %mul3A_107 = arith.mulf %max3A_105, %mul3A_106 : vector<256x64xf32>
    %reduce_sum3A_108 = arith.constant dense<0.000000e+00> : vector<256xf32>
    %reduce_sum3A_109 = vector.multi_reduction <add>, %mul3A_107, %reduce_sum3A_108 [1] : vector<256x64xf32> to vector<256xf32>
    %broadcast_in_dim3A_110 = vector.shape_cast %reduce_sum3A_109 : vector<256xf32> to vector<256x1xf32>
    %get3A_111 = arith.constant 0 : index
    %get3A_112 = arith.constant 0 : index
    %get3A_113 = vector.load %arg7[%get3A_111, %get3A_112] : memref<256x128xf32, #tpu.memory_space<vmem>>, vector<256x64xf32>
    %add3A_114 = arith.addf %get3A_113, %get3A_1 : vector<256x64xf32>
    %mul3A_115 = vector.broadcast %get3A_7 : vector<1x64xf32> to vector<256x64xf32>
    %mul3A_116 = arith.mulf %add3A_114, %mul3A_115 : vector<256x64xf32>
    %add3A_117 = vector.broadcast %get3A_10 : vector<1x64xf32> to vector<256x64xf32>
    %add3A_118 = arith.addf %mul3A_116, %add3A_117 : vector<256x64xf32>
    %max3A_119 = arith.constant 0.000000e+00 : f32
    %max3A_120 = vector.broadcast %max3A_119 : f32 to vector<256x64xf32>
    %max3A_121 = arith.maximumf %add3A_118, %max3A_120 : vector<256x64xf32>
    %mul3A_122 = vector.broadcast %get3A_19 : vector<1x64xf32> to vector<256x64xf32>
    %mul3A_123 = arith.mulf %max3A_121, %mul3A_122 : vector<256x64xf32>
    %reduce_sum3A_124 = arith.constant dense<0.000000e+00> : vector<256xf32>
    %reduce_sum3A_125 = vector.multi_reduction <add>, %mul3A_123, %reduce_sum3A_124 [1] : vector<256x64xf32> to vector<256xf32>
    %broadcast_in_dim3A_126 = vector.shape_cast %reduce_sum3A_125 : vector<256xf32> to vector<256x1xf32>
    %get3A_127 = arith.constant 0 : index
    %get3A_128 = arith.constant 0 : index
    %get3A_129 = vector.load %arg8[%get3A_127, %get3A_128] : memref<256x128xf32, #tpu.memory_space<vmem>>, vector<256x64xf32>
    %add3A_130 = arith.addf %get3A_129, %get3A_1 : vector<256x64xf32>
    %mul3A_131 = vector.broadcast %get3A_7 : vector<1x64xf32> to vector<256x64xf32>
    %mul3A_132 = arith.mulf %add3A_130, %mul3A_131 : vector<256x64xf32>
    %add3A_133 = vector.broadcast %get3A_10 : vector<1x64xf32> to vector<256x64xf32>
    %add3A_134 = arith.addf %mul3A_132, %add3A_133 : vector<256x64xf32>
    %max3A_135 = arith.constant 0.000000e+00 : f32
    %max3A_136 = vector.broadcast %max3A_135 : f32 to vector<256x64xf32>
    %max3A_137 = arith.maximumf %add3A_134, %max3A_136 : vector<256x64xf32>
    %mul3A_138 = vector.broadcast %get3A_19 : vector<1x64xf32> to vector<256x64xf32>
    %mul3A_139 = arith.mulf %max3A_137, %mul3A_138 : vector<256x64xf32>
    %reduce_sum3A_140 = arith.constant dense<0.000000e+00> : vector<256xf32>
    %reduce_sum3A_141 = vector.multi_reduction <add>, %mul3A_139, %reduce_sum3A_140 [1] : vector<256x64xf32> to vector<256xf32>
    %broadcast_in_dim3A_142 = vector.shape_cast %reduce_sum3A_141 : vector<256xf32> to vector<256x1xf32>
    %get3A_143 = arith.constant 0 : index
    %get3A_144 = arith.constant 0 : index
    %get3A_145 = vector.load %arg9[%get3A_143, %get3A_144] : memref<256x128xf32, #tpu.memory_space<vmem>>, vector<256x64xf32>
    %add3A_146 = arith.addf %get3A_145, %get3A_1 : vector<256x64xf32>
    %mul3A_147 = vector.broadcast %get3A_7 : vector<1x64xf32> to vector<256x64xf32>
    %mul3A_148 = arith.mulf %add3A_146, %mul3A_147 : vector<256x64xf32>
    %add3A_149 = vector.broadcast %get3A_10 : vector<1x64xf32> to vector<256x64xf32>
    %add3A_150 = arith.addf %mul3A_148, %add3A_149 : vector<256x64xf32>
    %max3A_151 = arith.constant 0.000000e+00 : f32
    %max3A_152 = vector.broadcast %max3A_151 : f32 to vector<256x64xf32>
    %max3A_153 = arith.maximumf %add3A_150, %max3A_152 : vector<256x64xf32>
    %mul3A_154 = vector.broadcast %get3A_19 : vector<1x64xf32> to vector<256x64xf32>
    %mul3A_155 = arith.mulf %max3A_153, %mul3A_154 : vector<256x64xf32>
    %reduce_sum3A_156 = arith.constant dense<0.000000e+00> : vector<256xf32>
    %reduce_sum3A_157 = vector.multi_reduction <add>, %mul3A_155, %reduce_sum3A_156 [1] : vector<256x64xf32> to vector<256xf32>
    %broadcast_in_dim3A_158 = vector.shape_cast %reduce_sum3A_157 : vector<256xf32> to vector<256x1xf32>
    %get3A_159 = arith.constant 0 : index
    %get3A_160 = arith.constant 0 : index
    %get3A_161 = vector.load %arg10[%get3A_159, %get3A_160] : memref<256x128xf32, #tpu.memory_space<vmem>>, vector<256x64xf32>
    %add3A_162 = arith.addf %get3A_161, %get3A_1 : vector<256x64xf32>
    %mul3A_163 = vector.broadcast %get3A_7 : vector<1x64xf32> to vector<256x64xf32>
    %mul3A_164 = arith.mulf %add3A_162, %mul3A_163 : vector<256x64xf32>
    %add3A_165 = vector.broadcast %get3A_10 : vector<1x64xf32> to vector<256x64xf32>
    %add3A_166 = arith.addf %mul3A_164, %add3A_165 : vector<256x64xf32>
    %max3A_167 = arith.constant 0.000000e+00 : f32
    %max3A_168 = vector.broadcast %max3A_167 : f32 to vector<256x64xf32>
    %max3A_169 = arith.maximumf %add3A_166, %max3A_168 : vector<256x64xf32>
    %mul3A_170 = vector.broadcast %get3A_19 : vector<1x64xf32> to vector<256x64xf32>
    %mul3A_171 = arith.mulf %max3A_169, %mul3A_170 : vector<256x64xf32>
    %reduce_sum3A_172 = arith.constant dense<0.000000e+00> : vector<256xf32>
    %reduce_sum3A_173 = vector.multi_reduction <add>, %mul3A_171, %reduce_sum3A_172 [1] : vector<256x64xf32> to vector<256xf32>
    %broadcast_in_dim3A_174 = vector.shape_cast %reduce_sum3A_173 : vector<256xf32> to vector<256x1xf32>
    %get3A_175 = arith.constant 0 : index
    %get3A_176 = arith.constant 0 : index
    %get3A_177 = vector.load %arg11[%get3A_175, %get3A_176] : memref<256x128xf32, #tpu.memory_space<vmem>>, vector<256x64xf32>
    %add3A_178 = arith.addf %get3A_177, %get3A_1 : vector<256x64xf32>
    %mul3A_179 = vector.broadcast %get3A_7 : vector<1x64xf32> to vector<256x64xf32>
    %mul3A_180 = arith.mulf %add3A_178, %mul3A_179 : vector<256x64xf32>
    %add3A_181 = vector.broadcast %get3A_10 : vector<1x64xf32> to vector<256x64xf32>
    %add3A_182 = arith.addf %mul3A_180, %add3A_181 : vector<256x64xf32>
    %max3A_183 = arith.constant 0.000000e+00 : f32
    %max3A_184 = vector.broadcast %max3A_183 : f32 to vector<256x64xf32>
    %max3A_185 = arith.maximumf %add3A_182, %max3A_184 : vector<256x64xf32>
    %mul3A_186 = vector.broadcast %get3A_19 : vector<1x64xf32> to vector<256x64xf32>
    %mul3A_187 = arith.mulf %max3A_185, %mul3A_186 : vector<256x64xf32>
    %reduce_sum3A_188 = arith.constant dense<0.000000e+00> : vector<256xf32>
    %reduce_sum3A_189 = vector.multi_reduction <add>, %mul3A_187, %reduce_sum3A_188 [1] : vector<256x64xf32> to vector<256xf32>
    %broadcast_in_dim3A_190 = vector.shape_cast %reduce_sum3A_189 : vector<256xf32> to vector<256x1xf32>
    %get3A_191 = arith.constant 0 : index
    %get3A_192 = arith.constant 0 : index
    %get3A_193 = vector.load %arg12[%get3A_191, %get3A_192] : memref<256x128xf32, #tpu.memory_space<vmem>>, vector<256x64xf32>
    %add3A_194 = arith.addf %get3A_193, %get3A_1 : vector<256x64xf32>
    %mul3A_195 = vector.broadcast %get3A_7 : vector<1x64xf32> to vector<256x64xf32>
    %mul3A_196 = arith.mulf %add3A_194, %mul3A_195 : vector<256x64xf32>
    %add3A_197 = vector.broadcast %get3A_10 : vector<1x64xf32> to vector<256x64xf32>
    %add3A_198 = arith.addf %mul3A_196, %add3A_197 : vector<256x64xf32>
    %max3A_199 = arith.constant 0.000000e+00 : f32
    %max3A_200 = vector.broadcast %max3A_199 : f32 to vector<256x64xf32>
    %max3A_201 = arith.maximumf %add3A_198, %max3A_200 : vector<256x64xf32>
    %mul3A_202 = vector.broadcast %get3A_19 : vector<1x64xf32> to vector<256x64xf32>
    %mul3A_203 = arith.mulf %max3A_201, %mul3A_202 : vector<256x64xf32>
    %reduce_sum3A_204 = arith.constant dense<0.000000e+00> : vector<256xf32>
    %reduce_sum3A_205 = vector.multi_reduction <add>, %mul3A_203, %reduce_sum3A_204 [1] : vector<256x64xf32> to vector<256xf32>
    %broadcast_in_dim3A_206 = vector.shape_cast %reduce_sum3A_205 : vector<256xf32> to vector<256x1xf32>
    %get3A_207 = arith.constant 0 : index
    %get3A_208 = arith.constant 0 : index
    %get3A_209 = vector.load %arg13[%get3A_207, %get3A_208] : memref<256x128xf32, #tpu.memory_space<vmem>>, vector<256x64xf32>
    %add3A_210 = arith.addf %get3A_209, %get3A_1 : vector<256x64xf32>
    %mul3A_211 = vector.broadcast %get3A_7 : vector<1x64xf32> to vector<256x64xf32>
    %mul3A_212 = arith.mulf %add3A_210, %mul3A_211 : vector<256x64xf32>
    %add3A_213 = vector.broadcast %get3A_10 : vector<1x64xf32> to vector<256x64xf32>
    %add3A_214 = arith.addf %mul3A_212, %add3A_213 : vector<256x64xf32>
    %max3A_215 = arith.constant 0.000000e+00 : f32
    %max3A_216 = vector.broadcast %max3A_215 : f32 to vector<256x64xf32>
    %max3A_217 = arith.maximumf %add3A_214, %max3A_216 : vector<256x64xf32>
    %mul3A_218 = vector.broadcast %get3A_19 : vector<1x64xf32> to vector<256x64xf32>
    %mul3A_219 = arith.mulf %max3A_217, %mul3A_218 : vector<256x64xf32>
    %reduce_sum3A_220 = arith.constant dense<0.000000e+00> : vector<256xf32>
    %reduce_sum3A_221 = vector.multi_reduction <add>, %mul3A_219, %reduce_sum3A_220 [1] : vector<256x64xf32> to vector<256xf32>
    %broadcast_in_dim3A_222 = vector.shape_cast %reduce_sum3A_221 : vector<256xf32> to vector<256x1xf32>
    %get3A_223 = arith.constant 0 : index
    %get3A_224 = arith.constant 0 : index
    %get3A_225 = vector.load %arg14[%get3A_223, %get3A_224] : memref<256x128xf32, #tpu.memory_space<vmem>>, vector<256x64xf32>
    %add3A_226 = arith.addf %get3A_225, %get3A_1 : vector<256x64xf32>
    %mul3A_227 = vector.broadcast %get3A_7 : vector<1x64xf32> to vector<256x64xf32>
    %mul3A_228 = arith.mulf %add3A_226, %mul3A_227 : vector<256x64xf32>
    %add3A_229 = vector.broadcast %get3A_10 : vector<1x64xf32> to vector<256x64xf32>
    %add3A_230 = arith.addf %mul3A_228, %add3A_229 : vector<256x64xf32>
    %max3A_231 = arith.constant 0.000000e+00 : f32
    %max3A_232 = vector.broadcast %max3A_231 : f32 to vector<256x64xf32>
    %max3A_233 = arith.maximumf %add3A_230, %max3A_232 : vector<256x64xf32>
    %mul3A_234 = vector.broadcast %get3A_19 : vector<1x64xf32> to vector<256x64xf32>
    %mul3A_235 = arith.mulf %max3A_233, %mul3A_234 : vector<256x64xf32>
    %reduce_sum3A_236 = arith.constant dense<0.000000e+00> : vector<256xf32>
    %reduce_sum3A_237 = vector.multi_reduction <add>, %mul3A_235, %reduce_sum3A_236 [1] : vector<256x64xf32> to vector<256xf32>
    %broadcast_in_dim3A_238 = vector.shape_cast %reduce_sum3A_237 : vector<256xf32> to vector<256x1xf32>
    %get3A_239 = arith.constant 0 : index
    %get3A_240 = arith.constant 0 : index
    %get3A_241 = vector.load %arg15[%get3A_239, %get3A_240] : memref<256x128xf32, #tpu.memory_space<vmem>>, vector<256x64xf32>
    %add3A_242 = arith.addf %get3A_241, %get3A_1 : vector<256x64xf32>
    %mul3A_243 = vector.broadcast %get3A_7 : vector<1x64xf32> to vector<256x64xf32>
    %mul3A_244 = arith.mulf %add3A_242, %mul3A_243 : vector<256x64xf32>
    %add3A_245 = vector.broadcast %get3A_10 : vector<1x64xf32> to vector<256x64xf32>
    %add3A_246 = arith.addf %mul3A_244, %add3A_245 : vector<256x64xf32>
    %max3A_247 = arith.constant 0.000000e+00 : f32
    %max3A_248 = vector.broadcast %max3A_247 : f32 to vector<256x64xf32>
    %max3A_249 = arith.maximumf %add3A_246, %max3A_248 : vector<256x64xf32>
    %mul3A_250 = vector.broadcast %get3A_19 : vector<1x64xf32> to vector<256x64xf32>
    %mul3A_251 = arith.mulf %max3A_249, %mul3A_250 : vector<256x64xf32>
    %reduce_sum3A_252 = arith.constant dense<0.000000e+00> : vector<256xf32>
    %reduce_sum3A_253 = vector.multi_reduction <add>, %mul3A_251, %reduce_sum3A_252 [1] : vector<256x64xf32> to vector<256xf32>
    %broadcast_in_dim3A_254 = vector.shape_cast %reduce_sum3A_253 : vector<256xf32> to vector<256x1xf32>
    %get3A_255 = arith.constant 0 : index
    %get3A_256 = arith.constant 0 : index
    %get3A_257 = vector.load %arg16[%get3A_255, %get3A_256] : memref<256x128xf32, #tpu.memory_space<vmem>>, vector<256x64xf32>
    %add3A_258 = arith.addf %get3A_257, %get3A_1 : vector<256x64xf32>
    %mul3A_259 = vector.broadcast %get3A_7 : vector<1x64xf32> to vector<256x64xf32>
    %mul3A_260 = arith.mulf %add3A_258, %mul3A_259 : vector<256x64xf32>
    %add3A_261 = vector.broadcast %get3A_10 : vector<1x64xf32> to vector<256x64xf32>
    %add3A_262 = arith.addf %mul3A_260, %add3A_261 : vector<256x64xf32>
    %max3A_263 = arith.constant 0.000000e+00 : f32
    %max3A_264 = vector.broadcast %max3A_263 : f32 to vector<256x64xf32>
    %max3A_265 = arith.maximumf %add3A_262, %max3A_264 : vector<256x64xf32>
    %mul3A_266 = vector.broadcast %get3A_19 : vector<1x64xf32> to vector<256x64xf32>
    %mul3A_267 = arith.mulf %max3A_265, %mul3A_266 : vector<256x64xf32>
    %reduce_sum3A_268 = arith.constant dense<0.000000e+00> : vector<256xf32>
    %reduce_sum3A_269 = vector.multi_reduction <add>, %mul3A_267, %reduce_sum3A_268 [1] : vector<256x64xf32> to vector<256xf32>
    %broadcast_in_dim3A_270 = vector.shape_cast %reduce_sum3A_269 : vector<256xf32> to vector<256x1xf32>
    %concatenate3A = tpu.concatenate %broadcast_in_dim3A, %broadcast_in_dim3A_46, %broadcast_in_dim3A_62, %broadcast_in_dim3A_78, %broadcast_in_dim3A_94, %broadcast_in_dim3A_110, %broadcast_in_dim3A_126, %broadcast_in_dim3A_142, %broadcast_in_dim3A_158, %broadcast_in_dim3A_174, %broadcast_in_dim3A_190, %broadcast_in_dim3A_206, %broadcast_in_dim3A_222, %broadcast_in_dim3A_238, %broadcast_in_dim3A_254, %broadcast_in_dim3A_270 in 1 : vector<256x1xf32>, vector<256x1xf32>, vector<256x1xf32>, vector<256x1xf32>, vector<256x1xf32>, vector<256x1xf32>, vector<256x1xf32>, vector<256x1xf32>, vector<256x1xf32>, vector<256x1xf32>, vector<256x1xf32>, vector<256x1xf32>, vector<256x1xf32>, vector<256x1xf32>, vector<256x1xf32>, vector<256x1xf32> -> vector<256x16xf32>
    %reduce_max3A = arith.constant dense<0xFF800000> : vector<256xf32>
    %reduce_max3A_271 = vector.multi_reduction <maximumf>, %concatenate3A, %reduce_max3A [1] : vector<256x16xf32> to vector<256xf32>
    %broadcast_in_dim3A_272 = vector.shape_cast %reduce_max3A_271 : vector<256xf32> to vector<256x1xf32>
    %sub3A = vector.broadcast %broadcast_in_dim3A_272 : vector<256x1xf32> to vector<256x16xf32>
    %sub3A_273 = arith.subf %concatenate3A, %sub3A : vector<256x16xf32>
    %exp3A = math.exp %sub3A_273 : vector<256x16xf32>
    %reduce_sum3A_274 = arith.constant dense<0.000000e+00> : vector<256xf32>
    %reduce_sum3A_275 = vector.multi_reduction <add>, %exp3A, %reduce_sum3A_274 [1] : vector<256x16xf32> to vector<256xf32>
    %broadcast_in_dim3A_276 = vector.shape_cast %reduce_sum3A_275 : vector<256xf32> to vector<256x1xf32>
    %div3A = vector.broadcast %broadcast_in_dim3A_276 : vector<256x1xf32> to vector<256x16xf32>
    %div3A_277 = arith.divf %exp3A, %div3A : vector<256x16xf32>
    %broadcast_in_dim3A_278 = arith.constant 0.000000e+00 : f32
    %broadcast_in_dim3A_279 = vector.broadcast %broadcast_in_dim3A_278 : f32 to vector<256x256xf32>
    %get3A_280 = arith.constant 0 : index
    %get3A_281 = arith.constant 0 : index
    %get3A_282 = vector.load %arg17[%get3A_280, %get3A_281] : memref<256x128xi32, #tpu.memory_space<vmem>>, vector<256x128xi32>
    %shift_left3A = arith.constant 16 : i32
    %shift_left3A_283 = vector.broadcast %shift_left3A : i32 to vector<256x128xi32>
    %shift_left3A_284 = arith.shli %get3A_282, %shift_left3A_283 : vector<256x128xi32>
    %bitcast_convert_type3A = tpu.bitcast %shift_left3A_284 : vector<256x128xi32> -> vector<256x128xf32>
    %and3A = arith.constant -65536 : i32
    %and3A_285 = vector.broadcast %and3A : i32 to vector<256x128xi32>
    %and3A_286 = arith.andi %get3A_282, %and3A_285 : vector<256x128xi32>
    %bitcast_convert_type3A_287 = tpu.bitcast %and3A_286 : vector<256x128xi32> -> vector<256x128xf32>
    %concatenate3A_288 = tpu.concatenate %bitcast_convert_type3A, %bitcast_convert_type3A_287 in 1 : vector<256x128xf32>, vector<256x128xf32> -> vector<256x256xf32>
    %add3A_289 = arith.addf %concatenate3A_288, %get3A_4 : vector<256x256xf32>
    %mul3A_290 = vector.broadcast %get3A_13 : vector<1x256xf32> to vector<256x256xf32>
    %mul3A_291 = arith.mulf %add3A_289, %mul3A_290 : vector<256x256xf32>
    %add3A_292 = vector.broadcast %get3A_16 : vector<1x256xf32> to vector<256x256xf32>
    %add3A_293 = arith.addf %mul3A_291, %add3A_292 : vector<256x256xf32>
    %max3A_294 = arith.constant 0.000000e+00 : f32
    %max3A_295 = vector.broadcast %max3A_294 : f32 to vector<256x256xf32>
    %max3A_296 = arith.maximumf %add3A_293, %max3A_295 : vector<256x256xf32>
    %slice3A = vector.extract_strided_slice %div3A_277 {offsets = [0, 0], sizes = [256, 1], strides = [1, 1]} : vector<256x16xf32> to vector<256x1xf32>
    %mul3A_297 = vector.broadcast %slice3A : vector<256x1xf32> to vector<256x256xf32>
    %mul3A_298 = arith.mulf %mul3A_297, %max3A_296 : vector<256x256xf32>
    %add3A_299 = arith.addf %broadcast_in_dim3A_279, %mul3A_298 : vector<256x256xf32>
    %get3A_300 = arith.constant 0 : index
    %get3A_301 = arith.constant 0 : index
    %get3A_302 = vector.load %arg18[%get3A_300, %get3A_301] : memref<256x128xi32, #tpu.memory_space<vmem>>, vector<256x128xi32>
    %shift_left3A_303 = arith.constant 16 : i32
    %shift_left3A_304 = vector.broadcast %shift_left3A_303 : i32 to vector<256x128xi32>
    %shift_left3A_305 = arith.shli %get3A_302, %shift_left3A_304 : vector<256x128xi32>
    %bitcast_convert_type3A_306 = tpu.bitcast %shift_left3A_305 : vector<256x128xi32> -> vector<256x128xf32>
    %and3A_307 = arith.constant -65536 : i32
    %and3A_308 = vector.broadcast %and3A_307 : i32 to vector<256x128xi32>
    %and3A_309 = arith.andi %get3A_302, %and3A_308 : vector<256x128xi32>
    %bitcast_convert_type3A_310 = tpu.bitcast %and3A_309 : vector<256x128xi32> -> vector<256x128xf32>
    %concatenate3A_311 = tpu.concatenate %bitcast_convert_type3A_306, %bitcast_convert_type3A_310 in 1 : vector<256x128xf32>, vector<256x128xf32> -> vector<256x256xf32>
    %add3A_312 = arith.addf %concatenate3A_311, %get3A_4 : vector<256x256xf32>
    %mul3A_313 = vector.broadcast %get3A_13 : vector<1x256xf32> to vector<256x256xf32>
    %mul3A_314 = arith.mulf %add3A_312, %mul3A_313 : vector<256x256xf32>
    %add3A_315 = vector.broadcast %get3A_16 : vector<1x256xf32> to vector<256x256xf32>
    %add3A_316 = arith.addf %mul3A_314, %add3A_315 : vector<256x256xf32>
    %max3A_317 = arith.constant 0.000000e+00 : f32
    %max3A_318 = vector.broadcast %max3A_317 : f32 to vector<256x256xf32>
    %max3A_319 = arith.maximumf %add3A_316, %max3A_318 : vector<256x256xf32>
    %slice3A_320 = vector.extract_strided_slice %div3A_277 {offsets = [0, 1], sizes = [256, 1], strides = [1, 1]} : vector<256x16xf32> to vector<256x1xf32>
    %mul3A_321 = vector.broadcast %slice3A_320 : vector<256x1xf32> to vector<256x256xf32>
    %mul3A_322 = arith.mulf %mul3A_321, %max3A_319 : vector<256x256xf32>
    %add3A_323 = arith.addf %add3A_299, %mul3A_322 : vector<256x256xf32>
    %get3A_324 = arith.constant 0 : index
    %get3A_325 = arith.constant 0 : index
    %get3A_326 = vector.load %arg19[%get3A_324, %get3A_325] : memref<256x128xi32, #tpu.memory_space<vmem>>, vector<256x128xi32>
    %shift_left3A_327 = arith.constant 16 : i32
    %shift_left3A_328 = vector.broadcast %shift_left3A_327 : i32 to vector<256x128xi32>
    %shift_left3A_329 = arith.shli %get3A_326, %shift_left3A_328 : vector<256x128xi32>
    %bitcast_convert_type3A_330 = tpu.bitcast %shift_left3A_329 : vector<256x128xi32> -> vector<256x128xf32>
    %and3A_331 = arith.constant -65536 : i32
    %and3A_332 = vector.broadcast %and3A_331 : i32 to vector<256x128xi32>
    %and3A_333 = arith.andi %get3A_326, %and3A_332 : vector<256x128xi32>
    %bitcast_convert_type3A_334 = tpu.bitcast %and3A_333 : vector<256x128xi32> -> vector<256x128xf32>
    %concatenate3A_335 = tpu.concatenate %bitcast_convert_type3A_330, %bitcast_convert_type3A_334 in 1 : vector<256x128xf32>, vector<256x128xf32> -> vector<256x256xf32>
    %add3A_336 = arith.addf %concatenate3A_335, %get3A_4 : vector<256x256xf32>
    %mul3A_337 = vector.broadcast %get3A_13 : vector<1x256xf32> to vector<256x256xf32>
    %mul3A_338 = arith.mulf %add3A_336, %mul3A_337 : vector<256x256xf32>
    %add3A_339 = vector.broadcast %get3A_16 : vector<1x256xf32> to vector<256x256xf32>
    %add3A_340 = arith.addf %mul3A_338, %add3A_339 : vector<256x256xf32>
    %max3A_341 = arith.constant 0.000000e+00 : f32
    %max3A_342 = vector.broadcast %max3A_341 : f32 to vector<256x256xf32>
    %max3A_343 = arith.maximumf %add3A_340, %max3A_342 : vector<256x256xf32>
    %slice3A_344 = vector.extract_strided_slice %div3A_277 {offsets = [0, 2], sizes = [256, 1], strides = [1, 1]} : vector<256x16xf32> to vector<256x1xf32>
    %mul3A_345 = vector.broadcast %slice3A_344 : vector<256x1xf32> to vector<256x256xf32>
    %mul3A_346 = arith.mulf %mul3A_345, %max3A_343 : vector<256x256xf32>
    %add3A_347 = arith.addf %add3A_323, %mul3A_346 : vector<256x256xf32>
    %get3A_348 = arith.constant 0 : index
    %get3A_349 = arith.constant 0 : index
    %get3A_350 = vector.load %arg20[%get3A_348, %get3A_349] : memref<256x128xi32, #tpu.memory_space<vmem>>, vector<256x128xi32>
    %shift_left3A_351 = arith.constant 16 : i32
    %shift_left3A_352 = vector.broadcast %shift_left3A_351 : i32 to vector<256x128xi32>
    %shift_left3A_353 = arith.shli %get3A_350, %shift_left3A_352 : vector<256x128xi32>
    %bitcast_convert_type3A_354 = tpu.bitcast %shift_left3A_353 : vector<256x128xi32> -> vector<256x128xf32>
    %and3A_355 = arith.constant -65536 : i32
    %and3A_356 = vector.broadcast %and3A_355 : i32 to vector<256x128xi32>
    %and3A_357 = arith.andi %get3A_350, %and3A_356 : vector<256x128xi32>
    %bitcast_convert_type3A_358 = tpu.bitcast %and3A_357 : vector<256x128xi32> -> vector<256x128xf32>
    %concatenate3A_359 = tpu.concatenate %bitcast_convert_type3A_354, %bitcast_convert_type3A_358 in 1 : vector<256x128xf32>, vector<256x128xf32> -> vector<256x256xf32>
    %add3A_360 = arith.addf %concatenate3A_359, %get3A_4 : vector<256x256xf32>
    %mul3A_361 = vector.broadcast %get3A_13 : vector<1x256xf32> to vector<256x256xf32>
    %mul3A_362 = arith.mulf %add3A_360, %mul3A_361 : vector<256x256xf32>
    %add3A_363 = vector.broadcast %get3A_16 : vector<1x256xf32> to vector<256x256xf32>
    %add3A_364 = arith.addf %mul3A_362, %add3A_363 : vector<256x256xf32>
    %max3A_365 = arith.constant 0.000000e+00 : f32
    %max3A_366 = vector.broadcast %max3A_365 : f32 to vector<256x256xf32>
    %max3A_367 = arith.maximumf %add3A_364, %max3A_366 : vector<256x256xf32>
    %slice3A_368 = vector.extract_strided_slice %div3A_277 {offsets = [0, 3], sizes = [256, 1], strides = [1, 1]} : vector<256x16xf32> to vector<256x1xf32>
    %mul3A_369 = vector.broadcast %slice3A_368 : vector<256x1xf32> to vector<256x256xf32>
    %mul3A_370 = arith.mulf %mul3A_369, %max3A_367 : vector<256x256xf32>
    %add3A_371 = arith.addf %add3A_347, %mul3A_370 : vector<256x256xf32>
    %get3A_372 = arith.constant 0 : index
    %get3A_373 = arith.constant 0 : index
    %get3A_374 = vector.load %arg21[%get3A_372, %get3A_373] : memref<256x128xi32, #tpu.memory_space<vmem>>, vector<256x128xi32>
    %shift_left3A_375 = arith.constant 16 : i32
    %shift_left3A_376 = vector.broadcast %shift_left3A_375 : i32 to vector<256x128xi32>
    %shift_left3A_377 = arith.shli %get3A_374, %shift_left3A_376 : vector<256x128xi32>
    %bitcast_convert_type3A_378 = tpu.bitcast %shift_left3A_377 : vector<256x128xi32> -> vector<256x128xf32>
    %and3A_379 = arith.constant -65536 : i32
    %and3A_380 = vector.broadcast %and3A_379 : i32 to vector<256x128xi32>
    %and3A_381 = arith.andi %get3A_374, %and3A_380 : vector<256x128xi32>
    %bitcast_convert_type3A_382 = tpu.bitcast %and3A_381 : vector<256x128xi32> -> vector<256x128xf32>
    %concatenate3A_383 = tpu.concatenate %bitcast_convert_type3A_378, %bitcast_convert_type3A_382 in 1 : vector<256x128xf32>, vector<256x128xf32> -> vector<256x256xf32>
    %add3A_384 = arith.addf %concatenate3A_383, %get3A_4 : vector<256x256xf32>
    %mul3A_385 = vector.broadcast %get3A_13 : vector<1x256xf32> to vector<256x256xf32>
    %mul3A_386 = arith.mulf %add3A_384, %mul3A_385 : vector<256x256xf32>
    %add3A_387 = vector.broadcast %get3A_16 : vector<1x256xf32> to vector<256x256xf32>
    %add3A_388 = arith.addf %mul3A_386, %add3A_387 : vector<256x256xf32>
    %max3A_389 = arith.constant 0.000000e+00 : f32
    %max3A_390 = vector.broadcast %max3A_389 : f32 to vector<256x256xf32>
    %max3A_391 = arith.maximumf %add3A_388, %max3A_390 : vector<256x256xf32>
    %slice3A_392 = vector.extract_strided_slice %div3A_277 {offsets = [0, 4], sizes = [256, 1], strides = [1, 1]} : vector<256x16xf32> to vector<256x1xf32>
    %mul3A_393 = vector.broadcast %slice3A_392 : vector<256x1xf32> to vector<256x256xf32>
    %mul3A_394 = arith.mulf %mul3A_393, %max3A_391 : vector<256x256xf32>
    %add3A_395 = arith.addf %add3A_371, %mul3A_394 : vector<256x256xf32>
    %get3A_396 = arith.constant 0 : index
    %get3A_397 = arith.constant 0 : index
    %get3A_398 = vector.load %arg22[%get3A_396, %get3A_397] : memref<256x128xi32, #tpu.memory_space<vmem>>, vector<256x128xi32>
    %shift_left3A_399 = arith.constant 16 : i32
    %shift_left3A_400 = vector.broadcast %shift_left3A_399 : i32 to vector<256x128xi32>
    %shift_left3A_401 = arith.shli %get3A_398, %shift_left3A_400 : vector<256x128xi32>
    %bitcast_convert_type3A_402 = tpu.bitcast %shift_left3A_401 : vector<256x128xi32> -> vector<256x128xf32>
    %and3A_403 = arith.constant -65536 : i32
    %and3A_404 = vector.broadcast %and3A_403 : i32 to vector<256x128xi32>
    %and3A_405 = arith.andi %get3A_398, %and3A_404 : vector<256x128xi32>
    %bitcast_convert_type3A_406 = tpu.bitcast %and3A_405 : vector<256x128xi32> -> vector<256x128xf32>
    %concatenate3A_407 = tpu.concatenate %bitcast_convert_type3A_402, %bitcast_convert_type3A_406 in 1 : vector<256x128xf32>, vector<256x128xf32> -> vector<256x256xf32>
    %add3A_408 = arith.addf %concatenate3A_407, %get3A_4 : vector<256x256xf32>
    %mul3A_409 = vector.broadcast %get3A_13 : vector<1x256xf32> to vector<256x256xf32>
    %mul3A_410 = arith.mulf %add3A_408, %mul3A_409 : vector<256x256xf32>
    %add3A_411 = vector.broadcast %get3A_16 : vector<1x256xf32> to vector<256x256xf32>
    %add3A_412 = arith.addf %mul3A_410, %add3A_411 : vector<256x256xf32>
    %max3A_413 = arith.constant 0.000000e+00 : f32
    %max3A_414 = vector.broadcast %max3A_413 : f32 to vector<256x256xf32>
    %max3A_415 = arith.maximumf %add3A_412, %max3A_414 : vector<256x256xf32>
    %slice3A_416 = vector.extract_strided_slice %div3A_277 {offsets = [0, 5], sizes = [256, 1], strides = [1, 1]} : vector<256x16xf32> to vector<256x1xf32>
    %mul3A_417 = vector.broadcast %slice3A_416 : vector<256x1xf32> to vector<256x256xf32>
    %mul3A_418 = arith.mulf %mul3A_417, %max3A_415 : vector<256x256xf32>
    %add3A_419 = arith.addf %add3A_395, %mul3A_418 : vector<256x256xf32>
    %get3A_420 = arith.constant 0 : index
    %get3A_421 = arith.constant 0 : index
    %get3A_422 = vector.load %arg23[%get3A_420, %get3A_421] : memref<256x128xi32, #tpu.memory_space<vmem>>, vector<256x128xi32>
    %shift_left3A_423 = arith.constant 16 : i32
    %shift_left3A_424 = vector.broadcast %shift_left3A_423 : i32 to vector<256x128xi32>
    %shift_left3A_425 = arith.shli %get3A_422, %shift_left3A_424 : vector<256x128xi32>
    %bitcast_convert_type3A_426 = tpu.bitcast %shift_left3A_425 : vector<256x128xi32> -> vector<256x128xf32>
    %and3A_427 = arith.constant -65536 : i32
    %and3A_428 = vector.broadcast %and3A_427 : i32 to vector<256x128xi32>
    %and3A_429 = arith.andi %get3A_422, %and3A_428 : vector<256x128xi32>
    %bitcast_convert_type3A_430 = tpu.bitcast %and3A_429 : vector<256x128xi32> -> vector<256x128xf32>
    %concatenate3A_431 = tpu.concatenate %bitcast_convert_type3A_426, %bitcast_convert_type3A_430 in 1 : vector<256x128xf32>, vector<256x128xf32> -> vector<256x256xf32>
    %add3A_432 = arith.addf %concatenate3A_431, %get3A_4 : vector<256x256xf32>
    %mul3A_433 = vector.broadcast %get3A_13 : vector<1x256xf32> to vector<256x256xf32>
    %mul3A_434 = arith.mulf %add3A_432, %mul3A_433 : vector<256x256xf32>
    %add3A_435 = vector.broadcast %get3A_16 : vector<1x256xf32> to vector<256x256xf32>
    %add3A_436 = arith.addf %mul3A_434, %add3A_435 : vector<256x256xf32>
    %max3A_437 = arith.constant 0.000000e+00 : f32
    %max3A_438 = vector.broadcast %max3A_437 : f32 to vector<256x256xf32>
    %max3A_439 = arith.maximumf %add3A_436, %max3A_438 : vector<256x256xf32>
    %slice3A_440 = vector.extract_strided_slice %div3A_277 {offsets = [0, 6], sizes = [256, 1], strides = [1, 1]} : vector<256x16xf32> to vector<256x1xf32>
    %mul3A_441 = vector.broadcast %slice3A_440 : vector<256x1xf32> to vector<256x256xf32>
    %mul3A_442 = arith.mulf %mul3A_441, %max3A_439 : vector<256x256xf32>
    %add3A_443 = arith.addf %add3A_419, %mul3A_442 : vector<256x256xf32>
    %get3A_444 = arith.constant 0 : index
    %get3A_445 = arith.constant 0 : index
    %get3A_446 = vector.load %arg24[%get3A_444, %get3A_445] : memref<256x128xi32, #tpu.memory_space<vmem>>, vector<256x128xi32>
    %shift_left3A_447 = arith.constant 16 : i32
    %shift_left3A_448 = vector.broadcast %shift_left3A_447 : i32 to vector<256x128xi32>
    %shift_left3A_449 = arith.shli %get3A_446, %shift_left3A_448 : vector<256x128xi32>
    %bitcast_convert_type3A_450 = tpu.bitcast %shift_left3A_449 : vector<256x128xi32> -> vector<256x128xf32>
    %and3A_451 = arith.constant -65536 : i32
    %and3A_452 = vector.broadcast %and3A_451 : i32 to vector<256x128xi32>
    %and3A_453 = arith.andi %get3A_446, %and3A_452 : vector<256x128xi32>
    %bitcast_convert_type3A_454 = tpu.bitcast %and3A_453 : vector<256x128xi32> -> vector<256x128xf32>
    %concatenate3A_455 = tpu.concatenate %bitcast_convert_type3A_450, %bitcast_convert_type3A_454 in 1 : vector<256x128xf32>, vector<256x128xf32> -> vector<256x256xf32>
    %add3A_456 = arith.addf %concatenate3A_455, %get3A_4 : vector<256x256xf32>
    %mul3A_457 = vector.broadcast %get3A_13 : vector<1x256xf32> to vector<256x256xf32>
    %mul3A_458 = arith.mulf %add3A_456, %mul3A_457 : vector<256x256xf32>
    %add3A_459 = vector.broadcast %get3A_16 : vector<1x256xf32> to vector<256x256xf32>
    %add3A_460 = arith.addf %mul3A_458, %add3A_459 : vector<256x256xf32>
    %max3A_461 = arith.constant 0.000000e+00 : f32
    %max3A_462 = vector.broadcast %max3A_461 : f32 to vector<256x256xf32>
    %max3A_463 = arith.maximumf %add3A_460, %max3A_462 : vector<256x256xf32>
    %slice3A_464 = vector.extract_strided_slice %div3A_277 {offsets = [0, 7], sizes = [256, 1], strides = [1, 1]} : vector<256x16xf32> to vector<256x1xf32>
    %mul3A_465 = vector.broadcast %slice3A_464 : vector<256x1xf32> to vector<256x256xf32>
    %mul3A_466 = arith.mulf %mul3A_465, %max3A_463 : vector<256x256xf32>
    %add3A_467 = arith.addf %add3A_443, %mul3A_466 : vector<256x256xf32>
    %get3A_468 = arith.constant 0 : index
    %get3A_469 = arith.constant 0 : index
    %get3A_470 = vector.load %arg25[%get3A_468, %get3A_469] : memref<256x128xi32, #tpu.memory_space<vmem>>, vector<256x128xi32>
    %shift_left3A_471 = arith.constant 16 : i32
    %shift_left3A_472 = vector.broadcast %shift_left3A_471 : i32 to vector<256x128xi32>
    %shift_left3A_473 = arith.shli %get3A_470, %shift_left3A_472 : vector<256x128xi32>
    %bitcast_convert_type3A_474 = tpu.bitcast %shift_left3A_473 : vector<256x128xi32> -> vector<256x128xf32>
    %and3A_475 = arith.constant -65536 : i32
    %and3A_476 = vector.broadcast %and3A_475 : i32 to vector<256x128xi32>
    %and3A_477 = arith.andi %get3A_470, %and3A_476 : vector<256x128xi32>
    %bitcast_convert_type3A_478 = tpu.bitcast %and3A_477 : vector<256x128xi32> -> vector<256x128xf32>
    %concatenate3A_479 = tpu.concatenate %bitcast_convert_type3A_474, %bitcast_convert_type3A_478 in 1 : vector<256x128xf32>, vector<256x128xf32> -> vector<256x256xf32>
    %add3A_480 = arith.addf %concatenate3A_479, %get3A_4 : vector<256x256xf32>
    %mul3A_481 = vector.broadcast %get3A_13 : vector<1x256xf32> to vector<256x256xf32>
    %mul3A_482 = arith.mulf %add3A_480, %mul3A_481 : vector<256x256xf32>
    %add3A_483 = vector.broadcast %get3A_16 : vector<1x256xf32> to vector<256x256xf32>
    %add3A_484 = arith.addf %mul3A_482, %add3A_483 : vector<256x256xf32>
    %max3A_485 = arith.constant 0.000000e+00 : f32
    %max3A_486 = vector.broadcast %max3A_485 : f32 to vector<256x256xf32>
    %max3A_487 = arith.maximumf %add3A_484, %max3A_486 : vector<256x256xf32>
    %slice3A_488 = vector.extract_strided_slice %div3A_277 {offsets = [0, 8], sizes = [256, 1], strides = [1, 1]} : vector<256x16xf32> to vector<256x1xf32>
    %mul3A_489 = vector.broadcast %slice3A_488 : vector<256x1xf32> to vector<256x256xf32>
    %mul3A_490 = arith.mulf %mul3A_489, %max3A_487 : vector<256x256xf32>
    %add3A_491 = arith.addf %add3A_467, %mul3A_490 : vector<256x256xf32>
    %get3A_492 = arith.constant 0 : index
    %get3A_493 = arith.constant 0 : index
    %get3A_494 = vector.load %arg26[%get3A_492, %get3A_493] : memref<256x128xi32, #tpu.memory_space<vmem>>, vector<256x128xi32>
    %shift_left3A_495 = arith.constant 16 : i32
    %shift_left3A_496 = vector.broadcast %shift_left3A_495 : i32 to vector<256x128xi32>
    %shift_left3A_497 = arith.shli %get3A_494, %shift_left3A_496 : vector<256x128xi32>
    %bitcast_convert_type3A_498 = tpu.bitcast %shift_left3A_497 : vector<256x128xi32> -> vector<256x128xf32>
    %and3A_499 = arith.constant -65536 : i32
    %and3A_500 = vector.broadcast %and3A_499 : i32 to vector<256x128xi32>
    %and3A_501 = arith.andi %get3A_494, %and3A_500 : vector<256x128xi32>
    %bitcast_convert_type3A_502 = tpu.bitcast %and3A_501 : vector<256x128xi32> -> vector<256x128xf32>
    %concatenate3A_503 = tpu.concatenate %bitcast_convert_type3A_498, %bitcast_convert_type3A_502 in 1 : vector<256x128xf32>, vector<256x128xf32> -> vector<256x256xf32>
    %add3A_504 = arith.addf %concatenate3A_503, %get3A_4 : vector<256x256xf32>
    %mul3A_505 = vector.broadcast %get3A_13 : vector<1x256xf32> to vector<256x256xf32>
    %mul3A_506 = arith.mulf %add3A_504, %mul3A_505 : vector<256x256xf32>
    %add3A_507 = vector.broadcast %get3A_16 : vector<1x256xf32> to vector<256x256xf32>
    %add3A_508 = arith.addf %mul3A_506, %add3A_507 : vector<256x256xf32>
    %max3A_509 = arith.constant 0.000000e+00 : f32
    %max3A_510 = vector.broadcast %max3A_509 : f32 to vector<256x256xf32>
    %max3A_511 = arith.maximumf %add3A_508, %max3A_510 : vector<256x256xf32>
    %slice3A_512 = vector.extract_strided_slice %div3A_277 {offsets = [0, 9], sizes = [256, 1], strides = [1, 1]} : vector<256x16xf32> to vector<256x1xf32>
    %mul3A_513 = vector.broadcast %slice3A_512 : vector<256x1xf32> to vector<256x256xf32>
    %mul3A_514 = arith.mulf %mul3A_513, %max3A_511 : vector<256x256xf32>
    %add3A_515 = arith.addf %add3A_491, %mul3A_514 : vector<256x256xf32>
    %get3A_516 = arith.constant 0 : index
    %get3A_517 = arith.constant 0 : index
    %get3A_518 = vector.load %arg27[%get3A_516, %get3A_517] : memref<256x128xi32, #tpu.memory_space<vmem>>, vector<256x128xi32>
    %shift_left3A_519 = arith.constant 16 : i32
    %shift_left3A_520 = vector.broadcast %shift_left3A_519 : i32 to vector<256x128xi32>
    %shift_left3A_521 = arith.shli %get3A_518, %shift_left3A_520 : vector<256x128xi32>
    %bitcast_convert_type3A_522 = tpu.bitcast %shift_left3A_521 : vector<256x128xi32> -> vector<256x128xf32>
    %and3A_523 = arith.constant -65536 : i32
    %and3A_524 = vector.broadcast %and3A_523 : i32 to vector<256x128xi32>
    %and3A_525 = arith.andi %get3A_518, %and3A_524 : vector<256x128xi32>
    %bitcast_convert_type3A_526 = tpu.bitcast %and3A_525 : vector<256x128xi32> -> vector<256x128xf32>
    %concatenate3A_527 = tpu.concatenate %bitcast_convert_type3A_522, %bitcast_convert_type3A_526 in 1 : vector<256x128xf32>, vector<256x128xf32> -> vector<256x256xf32>
    %add3A_528 = arith.addf %concatenate3A_527, %get3A_4 : vector<256x256xf32>
    %mul3A_529 = vector.broadcast %get3A_13 : vector<1x256xf32> to vector<256x256xf32>
    %mul3A_530 = arith.mulf %add3A_528, %mul3A_529 : vector<256x256xf32>
    %add3A_531 = vector.broadcast %get3A_16 : vector<1x256xf32> to vector<256x256xf32>
    %add3A_532 = arith.addf %mul3A_530, %add3A_531 : vector<256x256xf32>
    %max3A_533 = arith.constant 0.000000e+00 : f32
    %max3A_534 = vector.broadcast %max3A_533 : f32 to vector<256x256xf32>
    %max3A_535 = arith.maximumf %add3A_532, %max3A_534 : vector<256x256xf32>
    %slice3A_536 = vector.extract_strided_slice %div3A_277 {offsets = [0, 10], sizes = [256, 1], strides = [1, 1]} : vector<256x16xf32> to vector<256x1xf32>
    %mul3A_537 = vector.broadcast %slice3A_536 : vector<256x1xf32> to vector<256x256xf32>
    %mul3A_538 = arith.mulf %mul3A_537, %max3A_535 : vector<256x256xf32>
    %add3A_539 = arith.addf %add3A_515, %mul3A_538 : vector<256x256xf32>
    %get3A_540 = arith.constant 0 : index
    %get3A_541 = arith.constant 0 : index
    %get3A_542 = vector.load %arg28[%get3A_540, %get3A_541] : memref<256x128xi32, #tpu.memory_space<vmem>>, vector<256x128xi32>
    %shift_left3A_543 = arith.constant 16 : i32
    %shift_left3A_544 = vector.broadcast %shift_left3A_543 : i32 to vector<256x128xi32>
    %shift_left3A_545 = arith.shli %get3A_542, %shift_left3A_544 : vector<256x128xi32>
    %bitcast_convert_type3A_546 = tpu.bitcast %shift_left3A_545 : vector<256x128xi32> -> vector<256x128xf32>
    %and3A_547 = arith.constant -65536 : i32
    %and3A_548 = vector.broadcast %and3A_547 : i32 to vector<256x128xi32>
    %and3A_549 = arith.andi %get3A_542, %and3A_548 : vector<256x128xi32>
    %bitcast_convert_type3A_550 = tpu.bitcast %and3A_549 : vector<256x128xi32> -> vector<256x128xf32>
    %concatenate3A_551 = tpu.concatenate %bitcast_convert_type3A_546, %bitcast_convert_type3A_550 in 1 : vector<256x128xf32>, vector<256x128xf32> -> vector<256x256xf32>
    %add3A_552 = arith.addf %concatenate3A_551, %get3A_4 : vector<256x256xf32>
    %mul3A_553 = vector.broadcast %get3A_13 : vector<1x256xf32> to vector<256x256xf32>
    %mul3A_554 = arith.mulf %add3A_552, %mul3A_553 : vector<256x256xf32>
    %add3A_555 = vector.broadcast %get3A_16 : vector<1x256xf32> to vector<256x256xf32>
    %add3A_556 = arith.addf %mul3A_554, %add3A_555 : vector<256x256xf32>
    %max3A_557 = arith.constant 0.000000e+00 : f32
    %max3A_558 = vector.broadcast %max3A_557 : f32 to vector<256x256xf32>
    %max3A_559 = arith.maximumf %add3A_556, %max3A_558 : vector<256x256xf32>
    %slice3A_560 = vector.extract_strided_slice %div3A_277 {offsets = [0, 11], sizes = [256, 1], strides = [1, 1]} : vector<256x16xf32> to vector<256x1xf32>
    %mul3A_561 = vector.broadcast %slice3A_560 : vector<256x1xf32> to vector<256x256xf32>
    %mul3A_562 = arith.mulf %mul3A_561, %max3A_559 : vector<256x256xf32>
    %add3A_563 = arith.addf %add3A_539, %mul3A_562 : vector<256x256xf32>
    %get3A_564 = arith.constant 0 : index
    %get3A_565 = arith.constant 0 : index
    %get3A_566 = vector.load %arg29[%get3A_564, %get3A_565] : memref<256x128xi32, #tpu.memory_space<vmem>>, vector<256x128xi32>
    %shift_left3A_567 = arith.constant 16 : i32
    %shift_left3A_568 = vector.broadcast %shift_left3A_567 : i32 to vector<256x128xi32>
    %shift_left3A_569 = arith.shli %get3A_566, %shift_left3A_568 : vector<256x128xi32>
    %bitcast_convert_type3A_570 = tpu.bitcast %shift_left3A_569 : vector<256x128xi32> -> vector<256x128xf32>
    %and3A_571 = arith.constant -65536 : i32
    %and3A_572 = vector.broadcast %and3A_571 : i32 to vector<256x128xi32>
    %and3A_573 = arith.andi %get3A_566, %and3A_572 : vector<256x128xi32>
    %bitcast_convert_type3A_574 = tpu.bitcast %and3A_573 : vector<256x128xi32> -> vector<256x128xf32>
    %concatenate3A_575 = tpu.concatenate %bitcast_convert_type3A_570, %bitcast_convert_type3A_574 in 1 : vector<256x128xf32>, vector<256x128xf32> -> vector<256x256xf32>
    %add3A_576 = arith.addf %concatenate3A_575, %get3A_4 : vector<256x256xf32>
    %mul3A_577 = vector.broadcast %get3A_13 : vector<1x256xf32> to vector<256x256xf32>
    %mul3A_578 = arith.mulf %add3A_576, %mul3A_577 : vector<256x256xf32>
    %add3A_579 = vector.broadcast %get3A_16 : vector<1x256xf32> to vector<256x256xf32>
    %add3A_580 = arith.addf %mul3A_578, %add3A_579 : vector<256x256xf32>
    %max3A_581 = arith.constant 0.000000e+00 : f32
    %max3A_582 = vector.broadcast %max3A_581 : f32 to vector<256x256xf32>
    %max3A_583 = arith.maximumf %add3A_580, %max3A_582 : vector<256x256xf32>
    %slice3A_584 = vector.extract_strided_slice %div3A_277 {offsets = [0, 12], sizes = [256, 1], strides = [1, 1]} : vector<256x16xf32> to vector<256x1xf32>
    %mul3A_585 = vector.broadcast %slice3A_584 : vector<256x1xf32> to vector<256x256xf32>
    %mul3A_586 = arith.mulf %mul3A_585, %max3A_583 : vector<256x256xf32>
    %add3A_587 = arith.addf %add3A_563, %mul3A_586 : vector<256x256xf32>
    %get3A_588 = arith.constant 0 : index
    %get3A_589 = arith.constant 0 : index
    %get3A_590 = vector.load %arg30[%get3A_588, %get3A_589] : memref<256x128xi32, #tpu.memory_space<vmem>>, vector<256x128xi32>
    %shift_left3A_591 = arith.constant 16 : i32
    %shift_left3A_592 = vector.broadcast %shift_left3A_591 : i32 to vector<256x128xi32>
    %shift_left3A_593 = arith.shli %get3A_590, %shift_left3A_592 : vector<256x128xi32>
    %bitcast_convert_type3A_594 = tpu.bitcast %shift_left3A_593 : vector<256x128xi32> -> vector<256x128xf32>
    %and3A_595 = arith.constant -65536 : i32
    %and3A_596 = vector.broadcast %and3A_595 : i32 to vector<256x128xi32>
    %and3A_597 = arith.andi %get3A_590, %and3A_596 : vector<256x128xi32>
    %bitcast_convert_type3A_598 = tpu.bitcast %and3A_597 : vector<256x128xi32> -> vector<256x128xf32>
    %concatenate3A_599 = tpu.concatenate %bitcast_convert_type3A_594, %bitcast_convert_type3A_598 in 1 : vector<256x128xf32>, vector<256x128xf32> -> vector<256x256xf32>
    %add3A_600 = arith.addf %concatenate3A_599, %get3A_4 : vector<256x256xf32>
    %mul3A_601 = vector.broadcast %get3A_13 : vector<1x256xf32> to vector<256x256xf32>
    %mul3A_602 = arith.mulf %add3A_600, %mul3A_601 : vector<256x256xf32>
    %add3A_603 = vector.broadcast %get3A_16 : vector<1x256xf32> to vector<256x256xf32>
    %add3A_604 = arith.addf %mul3A_602, %add3A_603 : vector<256x256xf32>
    %max3A_605 = arith.constant 0.000000e+00 : f32
    %max3A_606 = vector.broadcast %max3A_605 : f32 to vector<256x256xf32>
    %max3A_607 = arith.maximumf %add3A_604, %max3A_606 : vector<256x256xf32>
    %slice3A_608 = vector.extract_strided_slice %div3A_277 {offsets = [0, 13], sizes = [256, 1], strides = [1, 1]} : vector<256x16xf32> to vector<256x1xf32>
    %mul3A_609 = vector.broadcast %slice3A_608 : vector<256x1xf32> to vector<256x256xf32>
    %mul3A_610 = arith.mulf %mul3A_609, %max3A_607 : vector<256x256xf32>
    %add3A_611 = arith.addf %add3A_587, %mul3A_610 : vector<256x256xf32>
    %get3A_612 = arith.constant 0 : index
    %get3A_613 = arith.constant 0 : index
    %get3A_614 = vector.load %arg31[%get3A_612, %get3A_613] : memref<256x128xi32, #tpu.memory_space<vmem>>, vector<256x128xi32>
    %shift_left3A_615 = arith.constant 16 : i32
    %shift_left3A_616 = vector.broadcast %shift_left3A_615 : i32 to vector<256x128xi32>
    %shift_left3A_617 = arith.shli %get3A_614, %shift_left3A_616 : vector<256x128xi32>
    %bitcast_convert_type3A_618 = tpu.bitcast %shift_left3A_617 : vector<256x128xi32> -> vector<256x128xf32>
    %and3A_619 = arith.constant -65536 : i32
    %and3A_620 = vector.broadcast %and3A_619 : i32 to vector<256x128xi32>
    %and3A_621 = arith.andi %get3A_614, %and3A_620 : vector<256x128xi32>
    %bitcast_convert_type3A_622 = tpu.bitcast %and3A_621 : vector<256x128xi32> -> vector<256x128xf32>
    %concatenate3A_623 = tpu.concatenate %bitcast_convert_type3A_618, %bitcast_convert_type3A_622 in 1 : vector<256x128xf32>, vector<256x128xf32> -> vector<256x256xf32>
    %add3A_624 = arith.addf %concatenate3A_623, %get3A_4 : vector<256x256xf32>
    %mul3A_625 = vector.broadcast %get3A_13 : vector<1x256xf32> to vector<256x256xf32>
    %mul3A_626 = arith.mulf %add3A_624, %mul3A_625 : vector<256x256xf32>
    %add3A_627 = vector.broadcast %get3A_16 : vector<1x256xf32> to vector<256x256xf32>
    %add3A_628 = arith.addf %mul3A_626, %add3A_627 : vector<256x256xf32>
    %max3A_629 = arith.constant 0.000000e+00 : f32
    %max3A_630 = vector.broadcast %max3A_629 : f32 to vector<256x256xf32>
    %max3A_631 = arith.maximumf %add3A_628, %max3A_630 : vector<256x256xf32>
    %slice3A_632 = vector.extract_strided_slice %div3A_277 {offsets = [0, 14], sizes = [256, 1], strides = [1, 1]} : vector<256x16xf32> to vector<256x1xf32>
    %mul3A_633 = vector.broadcast %slice3A_632 : vector<256x1xf32> to vector<256x256xf32>
    %mul3A_634 = arith.mulf %mul3A_633, %max3A_631 : vector<256x256xf32>
    %add3A_635 = arith.addf %add3A_611, %mul3A_634 : vector<256x256xf32>
    %get3A_636 = arith.constant 0 : index
    %get3A_637 = arith.constant 0 : index
    %get3A_638 = vector.load %arg32[%get3A_636, %get3A_637] : memref<256x128xi32, #tpu.memory_space<vmem>>, vector<256x128xi32>
    %shift_left3A_639 = arith.constant 16 : i32
    %shift_left3A_640 = vector.broadcast %shift_left3A_639 : i32 to vector<256x128xi32>
    %shift_left3A_641 = arith.shli %get3A_638, %shift_left3A_640 : vector<256x128xi32>
    %bitcast_convert_type3A_642 = tpu.bitcast %shift_left3A_641 : vector<256x128xi32> -> vector<256x128xf32>
    %and3A_643 = arith.constant -65536 : i32
    %and3A_644 = vector.broadcast %and3A_643 : i32 to vector<256x128xi32>
    %and3A_645 = arith.andi %get3A_638, %and3A_644 : vector<256x128xi32>
    %bitcast_convert_type3A_646 = tpu.bitcast %and3A_645 : vector<256x128xi32> -> vector<256x128xf32>
    %concatenate3A_647 = tpu.concatenate %bitcast_convert_type3A_642, %bitcast_convert_type3A_646 in 1 : vector<256x128xf32>, vector<256x128xf32> -> vector<256x256xf32>
    %add3A_648 = arith.addf %concatenate3A_647, %get3A_4 : vector<256x256xf32>
    %mul3A_649 = vector.broadcast %get3A_13 : vector<1x256xf32> to vector<256x256xf32>
    %mul3A_650 = arith.mulf %add3A_648, %mul3A_649 : vector<256x256xf32>
    %add3A_651 = vector.broadcast %get3A_16 : vector<1x256xf32> to vector<256x256xf32>
    %add3A_652 = arith.addf %mul3A_650, %add3A_651 : vector<256x256xf32>
    %max3A_653 = arith.constant 0.000000e+00 : f32
    %max3A_654 = vector.broadcast %max3A_653 : f32 to vector<256x256xf32>
    %max3A_655 = arith.maximumf %add3A_652, %max3A_654 : vector<256x256xf32>
    %slice3A_656 = vector.extract_strided_slice %div3A_277 {offsets = [0, 15], sizes = [256, 1], strides = [1, 1]} : vector<256x16xf32> to vector<256x1xf32>
    %mul3A_657 = vector.broadcast %slice3A_656 : vector<256x1xf32> to vector<256x256xf32>
    %mul3A_658 = arith.mulf %mul3A_657, %max3A_655 : vector<256x256xf32>
    %add3A_659 = arith.addf %add3A_635, %mul3A_658 : vector<256x256xf32>
    %get3A_660 = arith.constant 0 : index
    %get3A_661 = arith.constant 0 : index
    %get3A_662 = vector.load %arg40[%get3A_660, %get3A_661] : memref<256x256xf32, #tpu.memory_space<vmem>>, vector<256x256xf32>
    %dot_general3A = arith.constant dense<0.000000e+00> : vector<256x256xf32>
    %dot_general3A_663 = tpu.matmul %add3A_659, %get3A_662, %dot_general3A {dimension_numbers = #tpu.dot_dimension_numbers<[1], [0], [0], [1], [0, 0, 1, 1], [], []>, precision = #tpu.contract_precision<fp32>, transpose_lhs_hint = false} : vector<256x256xf32>, vector<256x256xf32>, vector<256x256xf32> -> vector<256x256xf32>
    %get3A_664 = arith.constant 0 : index
    %get3A_665 = arith.constant 0 : index
    %get3A_666 = vector.load %arg41[%get3A_664, %get3A_665] : memref<1x256xf32, #tpu.memory_space<vmem>>, vector<1x256xf32>
    %add3A_667 = vector.broadcast %get3A_666 : vector<1x256xf32> to vector<256x256xf32>
    %add3A_668 = arith.addf %dot_general3A_663, %add3A_667 : vector<256x256xf32>
    %swap3A = arith.constant 0 : index
    %swap3A_669 = arith.constant 0 : index
    %swap3A_670 = vector.load %arg42[%swap3A, %swap3A_669] : memref<256x256xf32, #tpu.memory_space<vmem>>, vector<256x256xf32>
    tpu.vector_store %arg42[%swap3A, %swap3A_669], %add3A_668 {strides = array<i32>} : memref<256x256xf32, #tpu.memory_space<vmem>>, vector<256x256xf32>,
    %eq3A = arith.constant 0 : i32
    %eq3A_671 = arith.cmpi eq, %arg0, %eq3A : i32
    %convert_element_type3A = arith.extui %eq3A_671 : i1 to i32
    %cond3A = arith.constant 0 : i32
    %cond3A_672 = arith.cmpi ne, %convert_element_type3A, %cond3A : i32
    scf.if %cond3A_672 {
      %broadcast_in_dim3A_690 = arith.constant 0.000000e+00 : f32
      %broadcast_in_dim3A_691 = vector.broadcast %broadcast_in_dim3A_690 : f32 to vector<8x256xf32>
      %swap3A_692 = arith.constant 0 : index
      %swap3A_693 = arith.constant 0 : index
      %swap3A_694 = vector.load %arg43[%swap3A_692, %swap3A_693] : memref<8x256xf32, #tpu.memory_space<vmem>>, vector<8x256xf32>
      tpu.vector_store %arg43[%swap3A_692, %swap3A_693], %broadcast_in_dim3A_691 {strides = array<i32>} : memref<8x256xf32, #tpu.memory_space<vmem>>, vector<8x256xf32>,
    } else {
    }
    %get3A_673 = arith.constant 0 : index
    %get3A_674 = arith.constant 0 : index
    %get3A_675 = vector.load %arg43[%get3A_673, %get3A_674] : memref<8x256xf32, #tpu.memory_space<vmem>>, vector<8x256xf32>
    %reduce_sum3A_676 = arith.constant dense<0.000000e+00> : vector<256xf32>
    %reduce_sum3A_677 = vector.multi_reduction <add>, %add3A_668, %reduce_sum3A_676 [0] : vector<256x256xf32> to vector<256xf32>
    %broadcast_in_dim3A_678 = vector.shape_cast %reduce_sum3A_677 : vector<256xf32> to vector<1x256xf32>
    %mul3A_679 = arith.mulf %add3A_668, %add3A_668 : vector<256x256xf32>
    %reduce_sum3A_680 = arith.constant dense<0.000000e+00> : vector<256xf32>
    %reduce_sum3A_681 = vector.multi_reduction <add>, %mul3A_679, %reduce_sum3A_680 [0] : vector<256x256xf32> to vector<256xf32>
    %broadcast_in_dim3A_682 = vector.shape_cast %reduce_sum3A_681 : vector<256xf32> to vector<1x256xf32>
    %broadcast_in_dim3A_683 = arith.constant 0.000000e+00 : f32
    %broadcast_in_dim3A_684 = vector.broadcast %broadcast_in_dim3A_683 : f32 to vector<6x256xf32>
    %concatenate3A_685 = tpu.concatenate %broadcast_in_dim3A_678, %broadcast_in_dim3A_682, %broadcast_in_dim3A_684 in 0 : vector<1x256xf32>, vector<1x256xf32>, vector<6x256xf32> -> vector<8x256xf32>
    %add3A_686 = arith.addf %get3A_675, %concatenate3A_685 : vector<8x256xf32>
    %swap3A_687 = arith.constant 0 : index
    %swap3A_688 = arith.constant 0 : index
    %swap3A_689 = vector.load %arg43[%swap3A_687, %swap3A_688] : memref<8x256xf32, #tpu.memory_space<vmem>>, vector<8x256xf32>
    tpu.vector_store %arg43[%swap3A_687, %swap3A_688], %add3A_686 {strides = array<i32>} : memref<8x256xf32, #tpu.memory_space<vmem>>, vector<8x256xf32>,
    return
  }
  func.func @transform_0(%arg0: i32) -> (i32, i32) {
    %add3A = arith.constant 0 : i32
    %add3A_0 = arith.addi %add3A, %arg0 : i32
    %c0_i32 = arith.constant 0 : i32
    %c0_i32_1 = arith.constant 0 : i32
    return %add3A_0, %c0_i32 : i32, i32
  }
  func.func @transform_1(%arg0: i32) -> (i32, i32) {
    %add3A = arith.constant 16 : i32
    %add3A_0 = arith.addi %add3A, %arg0 : i32
    %c0_i32 = arith.constant 0 : i32
    %c0_i32_1 = arith.constant 0 : i32
    return %add3A_0, %c0_i32 : i32, i32
  }
  func.func @transform_2(%arg0: i32) -> (i32, i32) {
    %add3A = arith.constant 32 : i32
    %add3A_0 = arith.addi %add3A, %arg0 : i32
    %c0_i32 = arith.constant 0 : i32
    %c0_i32_1 = arith.constant 0 : i32
    return %add3A_0, %c0_i32 : i32, i32
  }
  func.func @transform_3(%arg0: i32) -> (i32, i32) {
    %add3A = arith.constant 48 : i32
    %add3A_0 = arith.addi %add3A, %arg0 : i32
    %c0_i32 = arith.constant 0 : i32
    %c0_i32_1 = arith.constant 0 : i32
    return %add3A_0, %c0_i32 : i32, i32
  }
  func.func @transform_4(%arg0: i32) -> (i32, i32) {
    %add3A = arith.constant 64 : i32
    %add3A_0 = arith.addi %add3A, %arg0 : i32
    %c0_i32 = arith.constant 0 : i32
    %c0_i32_1 = arith.constant 0 : i32
    return %add3A_0, %c0_i32 : i32, i32
  }
  func.func @transform_5(%arg0: i32) -> (i32, i32) {
    %add3A = arith.constant 80 : i32
    %add3A_0 = arith.addi %add3A, %arg0 : i32
    %c0_i32 = arith.constant 0 : i32
    %c0_i32_1 = arith.constant 0 : i32
    return %add3A_0, %c0_i32 : i32, i32
  }
  func.func @transform_6(%arg0: i32) -> (i32, i32) {
    %add3A = arith.constant 96 : i32
    %add3A_0 = arith.addi %add3A, %arg0 : i32
    %c0_i32 = arith.constant 0 : i32
    %c0_i32_1 = arith.constant 0 : i32
    return %add3A_0, %c0_i32 : i32, i32
  }
  func.func @transform_7(%arg0: i32) -> (i32, i32) {
    %add3A = arith.constant 112 : i32
    %add3A_0 = arith.addi %add3A, %arg0 : i32
    %c0_i32 = arith.constant 0 : i32
    %c0_i32_1 = arith.constant 0 : i32
    return %add3A_0, %c0_i32 : i32, i32
  }
  func.func @transform_8(%arg0: i32) -> (i32, i32) {
    %add3A = arith.constant 128 : i32
    %add3A_0 = arith.addi %add3A, %arg0 : i32
    %c0_i32 = arith.constant 0 : i32
    %c0_i32_1 = arith.constant 0 : i32
    return %add3A_0, %c0_i32 : i32, i32
  }
  func.func @transform_9(%arg0: i32) -> (i32, i32) {
    %add3A = arith.constant 144 : i32
    %add3A_0 = arith.addi %add3A, %arg0 : i32
    %c0_i32 = arith.constant 0 : i32
    %c0_i32_1 = arith.constant 0 : i32
    return %add3A_0, %c0_i32 : i32, i32
  }
  func.func @transform_10(%arg0: i32) -> (i32, i32) {
    %add3A = arith.constant 160 : i32
    %add3A_0 = arith.addi %add3A, %arg0 : i32
    %c0_i32 = arith.constant 0 : i32
    %c0_i32_1 = arith.constant 0 : i32
    return %add3A_0, %c0_i32 : i32, i32
  }
  func.func @transform_11(%arg0: i32) -> (i32, i32) {
    %add3A = arith.constant 176 : i32
    %add3A_0 = arith.addi %add3A, %arg0 : i32
    %c0_i32 = arith.constant 0 : i32
    %c0_i32_1 = arith.constant 0 : i32
    return %add3A_0, %c0_i32 : i32, i32
  }
  func.func @transform_12(%arg0: i32) -> (i32, i32) {
    %add3A = arith.constant 192 : i32
    %add3A_0 = arith.addi %add3A, %arg0 : i32
    %c0_i32 = arith.constant 0 : i32
    %c0_i32_1 = arith.constant 0 : i32
    return %add3A_0, %c0_i32 : i32, i32
  }
  func.func @transform_13(%arg0: i32) -> (i32, i32) {
    %add3A = arith.constant 208 : i32
    %add3A_0 = arith.addi %add3A, %arg0 : i32
    %c0_i32 = arith.constant 0 : i32
    %c0_i32_1 = arith.constant 0 : i32
    return %add3A_0, %c0_i32 : i32, i32
  }
  func.func @transform_14(%arg0: i32) -> (i32, i32) {
    %add3A = arith.constant 224 : i32
    %add3A_0 = arith.addi %add3A, %arg0 : i32
    %c0_i32 = arith.constant 0 : i32
    %c0_i32_1 = arith.constant 0 : i32
    return %add3A_0, %c0_i32 : i32, i32
  }
  func.func @transform_15(%arg0: i32) -> (i32, i32) {
    %add3A = arith.constant 240 : i32
    %add3A_0 = arith.addi %add3A, %arg0 : i32
    %c0_i32 = arith.constant 0 : i32
    %c0_i32_1 = arith.constant 0 : i32
    return %add3A_0, %c0_i32 : i32, i32
  }
  func.func @transform_16(%arg0: i32) -> (i32, i32) {
    %add3A = arith.constant 0 : i32
    %add3A_0 = arith.addi %add3A, %arg0 : i32
    %c0_i32 = arith.constant 0 : i32
    %c0_i32_1 = arith.constant 0 : i32
    return %add3A_0, %c0_i32 : i32, i32
  }
  func.func @transform_17(%arg0: i32) -> (i32, i32) {
    %add3A = arith.constant 16 : i32
    %add3A_0 = arith.addi %add3A, %arg0 : i32
    %c0_i32 = arith.constant 0 : i32
    %c0_i32_1 = arith.constant 0 : i32
    return %add3A_0, %c0_i32 : i32, i32
  }
  func.func @transform_18(%arg0: i32) -> (i32, i32) {
    %add3A = arith.constant 32 : i32
    %add3A_0 = arith.addi %add3A, %arg0 : i32
    %c0_i32 = arith.constant 0 : i32
    %c0_i32_1 = arith.constant 0 : i32
    return %add3A_0, %c0_i32 : i32, i32
  }
  func.func @transform_19(%arg0: i32) -> (i32, i32) {
    %add3A = arith.constant 48 : i32
    %add3A_0 = arith.addi %add3A, %arg0 : i32
    %c0_i32 = arith.constant 0 : i32
    %c0_i32_1 = arith.constant 0 : i32
    return %add3A_0, %c0_i32 : i32, i32
  }
  func.func @transform_20(%arg0: i32) -> (i32, i32) {
    %add3A = arith.constant 64 : i32
    %add3A_0 = arith.addi %add3A, %arg0 : i32
    %c0_i32 = arith.constant 0 : i32
    %c0_i32_1 = arith.constant 0 : i32
    return %add3A_0, %c0_i32 : i32, i32
  }
  func.func @transform_21(%arg0: i32) -> (i32, i32) {
    %add3A = arith.constant 80 : i32
    %add3A_0 = arith.addi %add3A, %arg0 : i32
    %c0_i32 = arith.constant 0 : i32
    %c0_i32_1 = arith.constant 0 : i32
    return %add3A_0, %c0_i32 : i32, i32
  }
  func.func @transform_22(%arg0: i32) -> (i32, i32) {
    %add3A = arith.constant 96 : i32
    %add3A_0 = arith.addi %add3A, %arg0 : i32
    %c0_i32 = arith.constant 0 : i32
    %c0_i32_1 = arith.constant 0 : i32
    return %add3A_0, %c0_i32 : i32, i32
  }
  func.func @transform_23(%arg0: i32) -> (i32, i32) {
    %add3A = arith.constant 112 : i32
    %add3A_0 = arith.addi %add3A, %arg0 : i32
    %c0_i32 = arith.constant 0 : i32
    %c0_i32_1 = arith.constant 0 : i32
    return %add3A_0, %c0_i32 : i32, i32
  }
  func.func @transform_24(%arg0: i32) -> (i32, i32) {
    %add3A = arith.constant 128 : i32
    %add3A_0 = arith.addi %add3A, %arg0 : i32
    %c0_i32 = arith.constant 0 : i32
    %c0_i32_1 = arith.constant 0 : i32
    return %add3A_0, %c0_i32 : i32, i32
  }
  func.func @transform_25(%arg0: i32) -> (i32, i32) {
    %add3A = arith.constant 144 : i32
    %add3A_0 = arith.addi %add3A, %arg0 : i32
    %c0_i32 = arith.constant 0 : i32
    %c0_i32_1 = arith.constant 0 : i32
    return %add3A_0, %c0_i32 : i32, i32
  }
  func.func @transform_26(%arg0: i32) -> (i32, i32) {
    %add3A = arith.constant 160 : i32
    %add3A_0 = arith.addi %add3A, %arg0 : i32
    %c0_i32 = arith.constant 0 : i32
    %c0_i32_1 = arith.constant 0 : i32
    return %add3A_0, %c0_i32 : i32, i32
  }
  func.func @transform_27(%arg0: i32) -> (i32, i32) {
    %add3A = arith.constant 176 : i32
    %add3A_0 = arith.addi %add3A, %arg0 : i32
    %c0_i32 = arith.constant 0 : i32
    %c0_i32_1 = arith.constant 0 : i32
    return %add3A_0, %c0_i32 : i32, i32
  }
  func.func @transform_28(%arg0: i32) -> (i32, i32) {
    %add3A = arith.constant 192 : i32
    %add3A_0 = arith.addi %add3A, %arg0 : i32
    %c0_i32 = arith.constant 0 : i32
    %c0_i32_1 = arith.constant 0 : i32
    return %add3A_0, %c0_i32 : i32, i32
  }
  func.func @transform_29(%arg0: i32) -> (i32, i32) {
    %add3A = arith.constant 208 : i32
    %add3A_0 = arith.addi %add3A, %arg0 : i32
    %c0_i32 = arith.constant 0 : i32
    %c0_i32_1 = arith.constant 0 : i32
    return %add3A_0, %c0_i32 : i32, i32
  }
  func.func @transform_30(%arg0: i32) -> (i32, i32) {
    %add3A = arith.constant 224 : i32
    %add3A_0 = arith.addi %add3A, %arg0 : i32
    %c0_i32 = arith.constant 0 : i32
    %c0_i32_1 = arith.constant 0 : i32
    return %add3A_0, %c0_i32 : i32, i32
  }
  func.func @transform_31(%arg0: i32) -> (i32, i32) {
    %add3A = arith.constant 240 : i32
    %add3A_0 = arith.addi %add3A, %arg0 : i32
    %c0_i32 = arith.constant 0 : i32
    %c0_i32_1 = arith.constant 0 : i32
    return %add3A_0, %c0_i32 : i32, i32
  }
  func.func @transform_32(%arg0: i32) -> (i32, i32) {
    %add3A = arith.constant 16 : i32
    %add3A_0 = arith.addi %add3A, %arg0 : i32
    %c0_i32 = arith.constant 0 : i32
    %c0_i32_1 = arith.constant 0 : i32
    return %add3A_0, %c0_i32 : i32, i32
  }
  func.func @transform_33(%arg0: i32) -> (i32, i32) {
    %add3A = arith.constant 16 : i32
    %add3A_0 = arith.addi %add3A, %arg0 : i32
    %c0_i32 = arith.constant 0 : i32
    %c0_i32_1 = arith.constant 0 : i32
    return %add3A_0, %c0_i32 : i32, i32
  }
  func.func @transform_34(%arg0: i32) -> (i32, i32) {
    %c0_i32 = arith.constant 0 : i32
    %c0_i32_0 = arith.constant 0 : i32
    %c0_i32_1 = arith.constant 0 : i32
    return %c0_i32, %c0_i32_0 : i32, i32
  }
  func.func @transform_35(%arg0: i32) -> (i32, i32) {
    %c0_i32 = arith.constant 0 : i32
    %c0_i32_0 = arith.constant 0 : i32
    %c0_i32_1 = arith.constant 0 : i32
    return %c0_i32, %c0_i32_0 : i32, i32
  }
  func.func @transform_36(%arg0: i32) -> (i32, i32) {
    %c0_i32 = arith.constant 0 : i32
    %c0_i32_0 = arith.constant 0 : i32
    %c0_i32_1 = arith.constant 0 : i32
    return %c0_i32, %c0_i32_0 : i32, i32
  }
  func.func @transform_37(%arg0: i32) -> (i32, i32) {
    %c0_i32 = arith.constant 0 : i32
    %c0_i32_0 = arith.constant 0 : i32
    %c0_i32_1 = arith.constant 0 : i32
    return %c0_i32, %c0_i32_0 : i32, i32
  }
  func.func @transform_38(%arg0: i32) -> (i32, i32) {
    %c0_i32 = arith.constant 0 : i32
    %c0_i32_0 = arith.constant 0 : i32
    %c0_i32_1 = arith.constant 0 : i32
    return %c0_i32, %c0_i32_0 : i32, i32
  }
  func.func @transform_39(%arg0: i32) -> (i32, i32) {
    %c0_i32 = arith.constant 0 : i32
    %c0_i32_0 = arith.constant 0 : i32
    %c0_i32_1 = arith.constant 0 : i32
    return %c0_i32, %c0_i32_0 : i32, i32
  }
  func.func @transform_40(%arg0: i32) -> (i32, i32) {
    %c0_i32 = arith.constant 0 : i32
    %c0_i32_0 = arith.constant 0 : i32
    %c0_i32_1 = arith.constant 0 : i32
    return %c0_i32, %c0_i32_0 : i32, i32
  }
  func.func @transform_41(%arg0: i32) -> (i32, i32) {
    %c0_i32 = arith.constant 0 : i32
    %c0_i32_0 = arith.constant 0 : i32
    return %arg0, %c0_i32 : i32, i32
  }
  func.func @transform_42(%arg0: i32) -> (i32, i32) {
    %c0_i32 = arith.constant 0 : i32
    %c0_i32_0 = arith.constant 0 : i32
    %c0_i32_1 = arith.constant 0 : i32
    return %c0_i32, %c0_i32_0 : i32, i32
  }
}

module attributes {stable_mosaic.version = 14 : i64} {
  func.func @_main_body(%arg0: i32, %arg1: memref<256x128xf32, #tpu.memory_space<vmem>>, %arg2: memref<256x128xf32, #tpu.memory_space<vmem>>, %arg3: memref<256x128xf32, #tpu.memory_space<vmem>>, %arg4: memref<256x128xf32, #tpu.memory_space<vmem>>, %arg5: memref<256x128xf32, #tpu.memory_space<vmem>>, %arg6: memref<256x128xf32, #tpu.memory_space<vmem>>, %arg7: memref<256x128xf32, #tpu.memory_space<vmem>>, %arg8: memref<256x128xf32, #tpu.memory_space<vmem>>, %arg9: memref<256x128xf32, #tpu.memory_space<vmem>>, %arg10: memref<256x128xf32, #tpu.memory_space<vmem>>, %arg11: memref<256x128xf32, #tpu.memory_space<vmem>>, %arg12: memref<256x128xf32, #tpu.memory_space<vmem>>, %arg13: memref<256x128xf32, #tpu.memory_space<vmem>>, %arg14: memref<256x128xf32, #tpu.memory_space<vmem>>, %arg15: memref<256x128xf32, #tpu.memory_space<vmem>>, %arg16: memref<256x128xf32, #tpu.memory_space<vmem>>, %arg17: memref<256x128xi32, #tpu.memory_space<vmem>>, %arg18: memref<256x128xi32, #tpu.memory_space<vmem>>, %arg19: memref<256x128xi32, #tpu.memory_space<vmem>>, %arg20: memref<256x128xi32, #tpu.memory_space<vmem>>, %arg21: memref<256x128xi32, #tpu.memory_space<vmem>>, %arg22: memref<256x128xi32, #tpu.memory_space<vmem>>, %arg23: memref<256x128xi32, #tpu.memory_space<vmem>>, %arg24: memref<256x128xi32, #tpu.memory_space<vmem>>, %arg25: memref<256x128xi32, #tpu.memory_space<vmem>>, %arg26: memref<256x128xi32, #tpu.memory_space<vmem>>, %arg27: memref<256x128xi32, #tpu.memory_space<vmem>>, %arg28: memref<256x128xi32, #tpu.memory_space<vmem>>, %arg29: memref<256x128xi32, #tpu.memory_space<vmem>>, %arg30: memref<256x128xi32, #tpu.memory_space<vmem>>, %arg31: memref<256x128xi32, #tpu.memory_space<vmem>>, %arg32: memref<256x128xi32, #tpu.memory_space<vmem>>, %arg33: memref<256x64xf32, #tpu.memory_space<vmem>>, %arg34: memref<256x256xf32, #tpu.memory_space<vmem>>, %arg35: memref<1x64xf32, #tpu.memory_space<vmem>>, %arg36: memref<1x64xf32, #tpu.memory_space<vmem>>, %arg37: memref<1x256xf32, #tpu.memory_space<vmem>>, %arg38: memref<1x256xf32, #tpu.memory_space<vmem>>, %arg39: memref<1x64xf32, #tpu.memory_space<vmem>>, %arg40: memref<256x256xf32, #tpu.memory_space<vmem>>, %arg41: memref<1x256xf32, #tpu.memory_space<vmem>>, %arg42: memref<256x256xf32, #tpu.memory_space<vmem>>, %arg43: memref<8x256xf32, #tpu.memory_space<vmem>>) attributes {dimension_semantics = [#tpu.dimension_semantics<arbitrary>], iteration_bounds = array<i64: 16>, scalar_prefetch = 0 : i64, scratch_operands = 0 : i64, tpu.core_type = #tpu.core_type<tc>, window_params = [{transform_indices = @transform_0, window_bounds = array<i64: 256, 128>}, {transform_indices = @transform_1, window_bounds = array<i64: 256, 128>}, {transform_indices = @transform_2, window_bounds = array<i64: 256, 128>}, {transform_indices = @transform_3, window_bounds = array<i64: 256, 128>}, {transform_indices = @transform_4, window_bounds = array<i64: 256, 128>}, {transform_indices = @transform_5, window_bounds = array<i64: 256, 128>}, {transform_indices = @transform_6, window_bounds = array<i64: 256, 128>}, {transform_indices = @transform_7, window_bounds = array<i64: 256, 128>}, {transform_indices = @transform_8, window_bounds = array<i64: 256, 128>}, {transform_indices = @transform_9, window_bounds = array<i64: 256, 128>}, {transform_indices = @transform_10, window_bounds = array<i64: 256, 128>}, {transform_indices = @transform_11, window_bounds = array<i64: 256, 128>}, {transform_indices = @transform_12, window_bounds = array<i64: 256, 128>}, {transform_indices = @transform_13, window_bounds = array<i64: 256, 128>}, {transform_indices = @transform_14, window_bounds = array<i64: 256, 128>}, {transform_indices = @transform_15, window_bounds = array<i64: 256, 128>}, {transform_indices = @transform_16, window_bounds = array<i64: 256, 128>}, {transform_indices = @transform_17, window_bounds = array<i64: 256, 128>}, {transform_indices = @transform_18, window_bounds = array<i64: 256, 128>}, {transform_indices = @transform_19, window_bounds = array<i64: 256, 128>}, {transform_indices = @transform_20, window_bounds = array<i64: 256, 128>}, {transform_indices = @transform_21, window_bounds = array<i64: 256, 128>}, {transform_indices = @transform_22, window_bounds = array<i64: 256, 128>}, {transform_indices = @transform_23, window_bounds = array<i64: 256, 128>}, {transform_indices = @transform_24, window_bounds = array<i64: 256, 128>}, {transform_indices = @transform_25, window_bounds = array<i64: 256, 128>}, {transform_indices = @transform_26, window_bounds = array<i64: 256, 128>}, {transform_indices = @transform_27, window_bounds = array<i64: 256, 128>}, {transform_indices = @transform_28, window_bounds = array<i64: 256, 128>}, {transform_indices = @transform_29, window_bounds = array<i64: 256, 128>}, {transform_indices = @transform_30, window_bounds = array<i64: 256, 128>}, {transform_indices = @transform_31, window_bounds = array<i64: 256, 128>}, {transform_indices = @transform_32, window_bounds = array<i64: 256, 64>}, {transform_indices = @transform_33, window_bounds = array<i64: 256, 256>}, {pipeline_mode = #tpu.pipeline_mode<synchronous>, transform_indices = @transform_34, window_bounds = array<i64: 1, 64>}, {pipeline_mode = #tpu.pipeline_mode<synchronous>, transform_indices = @transform_35, window_bounds = array<i64: 1, 64>}, {pipeline_mode = #tpu.pipeline_mode<synchronous>, transform_indices = @transform_36, window_bounds = array<i64: 1, 256>}, {pipeline_mode = #tpu.pipeline_mode<synchronous>, transform_indices = @transform_37, window_bounds = array<i64: 1, 256>}, {pipeline_mode = #tpu.pipeline_mode<synchronous>, transform_indices = @transform_38, window_bounds = array<i64: 1, 64>}, {pipeline_mode = #tpu.pipeline_mode<synchronous>, transform_indices = @transform_39, window_bounds = array<i64: 256, 256>}, {pipeline_mode = #tpu.pipeline_mode<synchronous>, transform_indices = @transform_40, window_bounds = array<i64: 1, 256>}, {transform_indices = @transform_41, window_bounds = array<i64: 256, 256>}, {pipeline_mode = #tpu.pipeline_mode<synchronous>, transform_indices = @transform_42, window_bounds = array<i64: 8, 256>}]} {
    %get3A = arith.constant 0 : index
    %get3A_0 = arith.constant 0 : index
    %get3A_1 = vector.load %arg33[%get3A, %get3A_0] : memref<256x64xf32, #tpu.memory_space<vmem>>, vector<256x64xf32>
    %get3A_2 = arith.constant 0 : index
    %get3A_3 = arith.constant 0 : index
    %get3A_4 = vector.load %arg34[%get3A_2, %get3A_3] : memref<256x256xf32, #tpu.memory_space<vmem>>, vector<256x256xf32>
    %get3A_5 = arith.constant 0 : index
    %get3A_6 = arith.constant 0 : index
    %get3A_7 = vector.load %arg35[%get3A_5, %get3A_6] : memref<1x64xf32, #tpu.memory_space<vmem>>, vector<1x64xf32>
    %get3A_8 = arith.constant 0 : index
    %get3A_9 = arith.constant 0 : index
    %get3A_10 = vector.load %arg36[%get3A_8, %get3A_9] : memref<1x64xf32, #tpu.memory_space<vmem>>, vector<1x64xf32>
    %get3A_11 = arith.constant 0 : index
    %get3A_12 = arith.constant 0 : index
    %get3A_13 = vector.load %arg37[%get3A_11, %get3A_12] : memref<1x256xf32, #tpu.memory_space<vmem>>, vector<1x256xf32>
    %get3A_14 = arith.constant 0 : index
    %get3A_15 = arith.constant 0 : index
    %get3A_16 = vector.load %arg38[%get3A_14, %get3A_15] : memref<1x256xf32, #tpu.memory_space<vmem>>, vector<1x256xf32>
    %get3A_17 = arith.constant 0 : index
    %get3A_18 = arith.constant 0 : index
    %get3A_19 = vector.load %arg39[%get3A_17, %get3A_18] : memref<1x64xf32, #tpu.memory_space<vmem>>, vector<1x64xf32>
    %get3A_20 = arith.constant 0 : index
    %get3A_21 = arith.constant 0 : index
    %get3A_22 = vector.load %arg1[%get3A_20, %get3A_21] : memref<256x128xf32, #tpu.memory_space<vmem>>, vector<256x64xf32>
    %add3A = arith.addf %get3A_22, %get3A_1 : vector<256x64xf32>
    %mul3A = vector.broadcast %get3A_7 : vector<1x64xf32> to vector<256x64xf32>
    %mul3A_23 = arith.mulf %add3A, %mul3A : vector<256x64xf32>
    %add3A_24 = vector.broadcast %get3A_10 : vector<1x64xf32> to vector<256x64xf32>
    %add3A_25 = arith.addf %mul3A_23, %add3A_24 : vector<256x64xf32>
    %max3A = arith.constant 0.000000e+00 : f32
    %max3A_26 = vector.broadcast %max3A : f32 to vector<256x64xf32>
    %max3A_27 = arith.maximumf %add3A_25, %max3A_26 : vector<256x64xf32>
    %mul3A_28 = vector.broadcast %get3A_19 : vector<1x64xf32> to vector<256x64xf32>
    %mul3A_29 = arith.mulf %max3A_27, %mul3A_28 : vector<256x64xf32>
    %reduce_sum3A = arith.constant dense<0.000000e+00> : vector<256xf32>
    %reduce_sum3A_30 = vector.multi_reduction <add>, %mul3A_29, %reduce_sum3A [1] : vector<256x64xf32> to vector<256xf32>
    %broadcast_in_dim3A = vector.shape_cast %reduce_sum3A_30 : vector<256xf32> to vector<256x1xf32>
    %get3A_31 = arith.constant 0 : index
    %get3A_32 = arith.constant 0 : index
    %get3A_33 = vector.load %arg2[%get3A_31, %get3A_32] : memref<256x128xf32, #tpu.memory_space<vmem>>, vector<256x64xf32>
    %add3A_34 = arith.addf %get3A_33, %get3A_1 : vector<256x64xf32>
    %mul3A_35 = vector.broadcast %get3A_7 : vector<1x64xf32> to vector<256x64xf32>
    %mul3A_36 = arith.mulf %add3A_34, %mul3A_35 : vector<256x64xf32>
    %add3A_37 = vector.broadcast %get3A_10 : vector<1x64xf32> to vector<256x64xf32>
    %add3A_38 = arith.addf %mul3A_36, %add3A_37 : vector<256x64xf32>
    %max3A_39 = arith.constant 0.000000e+00 : f32
    %max3A_40 = vector.broadcast %max3A_39 : f32 to vector<256x64xf32>
    %max3A_41 = arith.maximumf %add3A_38, %max3A_40 : vector<256x64xf32>
    %mul3A_42 = vector.broadcast %get3A_19 : vector<1x64xf32> to vector<256x64xf32>
    %mul3A_43 = arith.mulf %max3A_41, %mul3A_42 : vector<256x64xf32>
    %reduce_sum3A_44 = arith.constant dense<0.000000e+00> : vector<256xf32>
    %reduce_sum3A_45 = vector.multi_reduction <add>, %mul3A_43, %reduce_sum3A_44 [1] : vector<256x64xf32> to vector<256xf32>
    %broadcast_in_dim3A_46 = vector.shape_cast %reduce_sum3A_45 : vector<256xf32> to vector<256x1xf32>
    %get3A_47 = arith.constant 0 : index
    %get3A_48 = arith.constant 0 : index
    %get3A_49 = vector.load %arg3[%get3A_47, %get3A_48] : memref<256x128xf32, #tpu.memory_space<vmem>>, vector<256x64xf32>
    %add3A_50 = arith.addf %get3A_49, %get3A_1 : vector<256x64xf32>
    %mul3A_51 = vector.broadcast %get3A_7 : vector<1x64xf32> to vector<256x64xf32>
    %mul3A_52 = arith.mulf %add3A_50, %mul3A_51 : vector<256x64xf32>
    %add3A_53 = vector.broadcast %get3A_10 : vector<1x64xf32> to vector<256x64xf32>
    %add3A_54 = arith.addf %mul3A_52, %add3A_53 : vector<256x64xf32>
    %max3A_55 = arith.constant 0.000000e+00 : f32
    %max3A_56 = vector.broadcast %max3A_55 : f32 to vector<256x64xf32>
    %max3A_57 = arith.maximumf %add3A_54, %max3A_56 : vector<256x64xf32>
    %mul3A_58 = vector.broadcast %get3A_19 : vector<1x64xf32> to vector<256x64xf32>
    %mul3A_59 = arith.mulf %max3A_57, %mul3A_58 : vector<256x64xf32>
    %reduce_sum3A_60 = arith.constant dense<0.000000e+00> : vector<256xf32>
    %reduce_sum3A_61 = vector.multi_reduction <add>, %mul3A_59, %reduce_sum3A_60 [1] : vector<256x64xf32> to vector<256xf32>
    %broadcast_in_dim3A_62 = vector.shape_cast %reduce_sum3A_61 : vector<256xf32> to vector<256x1xf32>
    %get3A_63 = arith.constant 0 : index
    %get3A_64 = arith.constant 0 : index
    %get3A_65 = vector.load %arg4[%get3A_63, %get3A_64] : memref<256x128xf32, #tpu.memory_space<vmem>>, vector<256x64xf32>
    %add3A_66 = arith.addf %get3A_65, %get3A_1 : vector<256x64xf32>
    %mul3A_67 = vector.broadcast %get3A_7 : vector<1x64xf32> to vector<256x64xf32>
    %mul3A_68 = arith.mulf %add3A_66, %mul3A_67 : vector<256x64xf32>
    %add3A_69 = vector.broadcast %get3A_10 : vector<1x64xf32> to vector<256x64xf32>
    %add3A_70 = arith.addf %mul3A_68, %add3A_69 : vector<256x64xf32>
    %max3A_71 = arith.constant 0.000000e+00 : f32
    %max3A_72 = vector.broadcast %max3A_71 : f32 to vector<256x64xf32>
    %max3A_73 = arith.maximumf %add3A_70, %max3A_72 : vector<256x64xf32>
    %mul3A_74 = vector.broadcast %get3A_19 : vector<1x64xf32> to vector<256x64xf32>
    %mul3A_75 = arith.mulf %max3A_73, %mul3A_74 : vector<256x64xf32>
    %reduce_sum3A_76 = arith.constant dense<0.000000e+00> : vector<256xf32>
    %reduce_sum3A_77 = vector.multi_reduction <add>, %mul3A_75, %reduce_sum3A_76 [1] : vector<256x64xf32> to vector<256xf32>
    %broadcast_in_dim3A_78 = vector.shape_cast %reduce_sum3A_77 : vector<256xf32> to vector<256x1xf32>
    %get3A_79 = arith.constant 0 : index
    %get3A_80 = arith.constant 0 : index
    %get3A_81 = vector.load %arg5[%get3A_79, %get3A_80] : memref<256x128xf32, #tpu.memory_space<vmem>>, vector<256x64xf32>
    %add3A_82 = arith.addf %get3A_81, %get3A_1 : vector<256x64xf32>
    %mul3A_83 = vector.broadcast %get3A_7 : vector<1x64xf32> to vector<256x64xf32>
    %mul3A_84 = arith.mulf %add3A_82, %mul3A_83 : vector<256x64xf32>
    %add3A_85 = vector.broadcast %get3A_10 : vector<1x64xf32> to vector<256x64xf32>
    %add3A_86 = arith.addf %mul3A_84, %add3A_85 : vector<256x64xf32>
    %max3A_87 = arith.constant 0.000000e+00 : f32
    %max3A_88 = vector.broadcast %max3A_87 : f32 to vector<256x64xf32>
    %max3A_89 = arith.maximumf %add3A_86, %max3A_88 : vector<256x64xf32>
    %mul3A_90 = vector.broadcast %get3A_19 : vector<1x64xf32> to vector<256x64xf32>
    %mul3A_91 = arith.mulf %max3A_89, %mul3A_90 : vector<256x64xf32>
    %reduce_sum3A_92 = arith.constant dense<0.000000e+00> : vector<256xf32>
    %reduce_sum3A_93 = vector.multi_reduction <add>, %mul3A_91, %reduce_sum3A_92 [1] : vector<256x64xf32> to vector<256xf32>
    %broadcast_in_dim3A_94 = vector.shape_cast %reduce_sum3A_93 : vector<256xf32> to vector<256x1xf32>
    %get3A_95 = arith.constant 0 : index
    %get3A_96 = arith.constant 0 : index
    %get3A_97 = vector.load %arg6[%get3A_95, %get3A_96] : memref<256x128xf32, #tpu.memory_space<vmem>>, vector<256x64xf32>
    %add3A_98 = arith.addf %get3A_97, %get3A_1 : vector<256x64xf32>
    %mul3A_99 = vector.broadcast %get3A_7 : vector<1x64xf32> to vector<256x64xf32>
    %mul3A_100 = arith.mulf %add3A_98, %mul3A_99 : vector<256x64xf32>
    %add3A_101 = vector.broadcast %get3A_10 : vector<1x64xf32> to vector<256x64xf32>
    %add3A_102 = arith.addf %mul3A_100, %add3A_101 : vector<256x64xf32>
    %max3A_103 = arith.constant 0.000000e+00 : f32
    %max3A_104 = vector.broadcast %max3A_103 : f32 to vector<256x64xf32>
    %max3A_105 = arith.maximumf %add3A_102, %max3A_104 : vector<256x64xf32>
    %mul3A_106 = vector.broadcast %get3A_19 : vector<1x64xf32> to vector<256x64xf32>
    %mul3A_107 = arith.mulf %max3A_105, %mul3A_106 : vector<256x64xf32>
    %reduce_sum3A_108 = arith.constant dense<0.000000e+00> : vector<256xf32>
    %reduce_sum3A_109 = vector.multi_reduction <add>, %mul3A_107, %reduce_sum3A_108 [1] : vector<256x64xf32> to vector<256xf32>
    %broadcast_in_dim3A_110 = vector.shape_cast %reduce_sum3A_109 : vector<256xf32> to vector<256x1xf32>
    %get3A_111 = arith.constant 0 : index
    %get3A_112 = arith.constant 0 : index
    %get3A_113 = vector.load %arg7[%get3A_111, %get3A_112] : memref<256x128xf32, #tpu.memory_space<vmem>>, vector<256x64xf32>
    %add3A_114 = arith.addf %get3A_113, %get3A_1 : vector<256x64xf32>
    %mul3A_115 = vector.broadcast %get3A_7 : vector<1x64xf32> to vector<256x64xf32>
    %mul3A_116 = arith.mulf %add3A_114, %mul3A_115 : vector<256x64xf32>
    %add3A_117 = vector.broadcast %get3A_10 : vector<1x64xf32> to vector<256x64xf32>
    %add3A_118 = arith.addf %mul3A_116, %add3A_117 : vector<256x64xf32>
    %max3A_119 = arith.constant 0.000000e+00 : f32
    %max3A_120 = vector.broadcast %max3A_119 : f32 to vector<256x64xf32>
    %max3A_121 = arith.maximumf %add3A_118, %max3A_120 : vector<256x64xf32>
    %mul3A_122 = vector.broadcast %get3A_19 : vector<1x64xf32> to vector<256x64xf32>
    %mul3A_123 = arith.mulf %max3A_121, %mul3A_122 : vector<256x64xf32>
    %reduce_sum3A_124 = arith.constant dense<0.000000e+00> : vector<256xf32>
    %reduce_sum3A_125 = vector.multi_reduction <add>, %mul3A_123, %reduce_sum3A_124 [1] : vector<256x64xf32> to vector<256xf32>
    %broadcast_in_dim3A_126 = vector.shape_cast %reduce_sum3A_125 : vector<256xf32> to vector<256x1xf32>
    %get3A_127 = arith.constant 0 : index
    %get3A_128 = arith.constant 0 : index
    %get3A_129 = vector.load %arg8[%get3A_127, %get3A_128] : memref<256x128xf32, #tpu.memory_space<vmem>>, vector<256x64xf32>
    %add3A_130 = arith.addf %get3A_129, %get3A_1 : vector<256x64xf32>
    %mul3A_131 = vector.broadcast %get3A_7 : vector<1x64xf32> to vector<256x64xf32>
    %mul3A_132 = arith.mulf %add3A_130, %mul3A_131 : vector<256x64xf32>
    %add3A_133 = vector.broadcast %get3A_10 : vector<1x64xf32> to vector<256x64xf32>
    %add3A_134 = arith.addf %mul3A_132, %add3A_133 : vector<256x64xf32>
    %max3A_135 = arith.constant 0.000000e+00 : f32
    %max3A_136 = vector.broadcast %max3A_135 : f32 to vector<256x64xf32>
    %max3A_137 = arith.maximumf %add3A_134, %max3A_136 : vector<256x64xf32>
    %mul3A_138 = vector.broadcast %get3A_19 : vector<1x64xf32> to vector<256x64xf32>
    %mul3A_139 = arith.mulf %max3A_137, %mul3A_138 : vector<256x64xf32>
    %reduce_sum3A_140 = arith.constant dense<0.000000e+00> : vector<256xf32>
    %reduce_sum3A_141 = vector.multi_reduction <add>, %mul3A_139, %reduce_sum3A_140 [1] : vector<256x64xf32> to vector<256xf32>
    %broadcast_in_dim3A_142 = vector.shape_cast %reduce_sum3A_141 : vector<256xf32> to vector<256x1xf32>
    %get3A_143 = arith.constant 0 : index
    %get3A_144 = arith.constant 0 : index
    %get3A_145 = vector.load %arg9[%get3A_143, %get3A_144] : memref<256x128xf32, #tpu.memory_space<vmem>>, vector<256x64xf32>
    %add3A_146 = arith.addf %get3A_145, %get3A_1 : vector<256x64xf32>
    %mul3A_147 = vector.broadcast %get3A_7 : vector<1x64xf32> to vector<256x64xf32>
    %mul3A_148 = arith.mulf %add3A_146, %mul3A_147 : vector<256x64xf32>
    %add3A_149 = vector.broadcast %get3A_10 : vector<1x64xf32> to vector<256x64xf32>
    %add3A_150 = arith.addf %mul3A_148, %add3A_149 : vector<256x64xf32>
    %max3A_151 = arith.constant 0.000000e+00 : f32
    %max3A_152 = vector.broadcast %max3A_151 : f32 to vector<256x64xf32>
    %max3A_153 = arith.maximumf %add3A_150, %max3A_152 : vector<256x64xf32>
    %mul3A_154 = vector.broadcast %get3A_19 : vector<1x64xf32> to vector<256x64xf32>
    %mul3A_155 = arith.mulf %max3A_153, %mul3A_154 : vector<256x64xf32>
    %reduce_sum3A_156 = arith.constant dense<0.000000e+00> : vector<256xf32>
    %reduce_sum3A_157 = vector.multi_reduction <add>, %mul3A_155, %reduce_sum3A_156 [1] : vector<256x64xf32> to vector<256xf32>
    %broadcast_in_dim3A_158 = vector.shape_cast %reduce_sum3A_157 : vector<256xf32> to vector<256x1xf32>
    %get3A_159 = arith.constant 0 : index
    %get3A_160 = arith.constant 0 : index
    %get3A_161 = vector.load %arg10[%get3A_159, %get3A_160] : memref<256x128xf32, #tpu.memory_space<vmem>>, vector<256x64xf32>
    %add3A_162 = arith.addf %get3A_161, %get3A_1 : vector<256x64xf32>
    %mul3A_163 = vector.broadcast %get3A_7 : vector<1x64xf32> to vector<256x64xf32>
    %mul3A_164 = arith.mulf %add3A_162, %mul3A_163 : vector<256x64xf32>
    %add3A_165 = vector.broadcast %get3A_10 : vector<1x64xf32> to vector<256x64xf32>
    %add3A_166 = arith.addf %mul3A_164, %add3A_165 : vector<256x64xf32>
    %max3A_167 = arith.constant 0.000000e+00 : f32
    %max3A_168 = vector.broadcast %max3A_167 : f32 to vector<256x64xf32>
    %max3A_169 = arith.maximumf %add3A_166, %max3A_168 : vector<256x64xf32>
    %mul3A_170 = vector.broadcast %get3A_19 : vector<1x64xf32> to vector<256x64xf32>
    %mul3A_171 = arith.mulf %max3A_169, %mul3A_170 : vector<256x64xf32>
    %reduce_sum3A_172 = arith.constant dense<0.000000e+00> : vector<256xf32>
    %reduce_sum3A_173 = vector.multi_reduction <add>, %mul3A_171, %reduce_sum3A_172 [1] : vector<256x64xf32> to vector<256xf32>
    %broadcast_in_dim3A_174 = vector.shape_cast %reduce_sum3A_173 : vector<256xf32> to vector<256x1xf32>
    %get3A_175 = arith.constant 0 : index
    %get3A_176 = arith.constant 0 : index
    %get3A_177 = vector.load %arg11[%get3A_175, %get3A_176] : memref<256x128xf32, #tpu.memory_space<vmem>>, vector<256x64xf32>
    %add3A_178 = arith.addf %get3A_177, %get3A_1 : vector<256x64xf32>
    %mul3A_179 = vector.broadcast %get3A_7 : vector<1x64xf32> to vector<256x64xf32>
    %mul3A_180 = arith.mulf %add3A_178, %mul3A_179 : vector<256x64xf32>
    %add3A_181 = vector.broadcast %get3A_10 : vector<1x64xf32> to vector<256x64xf32>
    %add3A_182 = arith.addf %mul3A_180, %add3A_181 : vector<256x64xf32>
    %max3A_183 = arith.constant 0.000000e+00 : f32
    %max3A_184 = vector.broadcast %max3A_183 : f32 to vector<256x64xf32>
    %max3A_185 = arith.maximumf %add3A_182, %max3A_184 : vector<256x64xf32>
    %mul3A_186 = vector.broadcast %get3A_19 : vector<1x64xf32> to vector<256x64xf32>
    %mul3A_187 = arith.mulf %max3A_185, %mul3A_186 : vector<256x64xf32>
    %reduce_sum3A_188 = arith.constant dense<0.000000e+00> : vector<256xf32>
    %reduce_sum3A_189 = vector.multi_reduction <add>, %mul3A_187, %reduce_sum3A_188 [1] : vector<256x64xf32> to vector<256xf32>
    %broadcast_in_dim3A_190 = vector.shape_cast %reduce_sum3A_189 : vector<256xf32> to vector<256x1xf32>
    %get3A_191 = arith.constant 0 : index
    %get3A_192 = arith.constant 0 : index
    %get3A_193 = vector.load %arg12[%get3A_191, %get3A_192] : memref<256x128xf32, #tpu.memory_space<vmem>>, vector<256x64xf32>
    %add3A_194 = arith.addf %get3A_193, %get3A_1 : vector<256x64xf32>
    %mul3A_195 = vector.broadcast %get3A_7 : vector<1x64xf32> to vector<256x64xf32>
    %mul3A_196 = arith.mulf %add3A_194, %mul3A_195 : vector<256x64xf32>
    %add3A_197 = vector.broadcast %get3A_10 : vector<1x64xf32> to vector<256x64xf32>
    %add3A_198 = arith.addf %mul3A_196, %add3A_197 : vector<256x64xf32>
    %max3A_199 = arith.constant 0.000000e+00 : f32
    %max3A_200 = vector.broadcast %max3A_199 : f32 to vector<256x64xf32>
    %max3A_201 = arith.maximumf %add3A_198, %max3A_200 : vector<256x64xf32>
    %mul3A_202 = vector.broadcast %get3A_19 : vector<1x64xf32> to vector<256x64xf32>
    %mul3A_203 = arith.mulf %max3A_201, %mul3A_202 : vector<256x64xf32>
    %reduce_sum3A_204 = arith.constant dense<0.000000e+00> : vector<256xf32>
    %reduce_sum3A_205 = vector.multi_reduction <add>, %mul3A_203, %reduce_sum3A_204 [1] : vector<256x64xf32> to vector<256xf32>
    %broadcast_in_dim3A_206 = vector.shape_cast %reduce_sum3A_205 : vector<256xf32> to vector<256x1xf32>
    %get3A_207 = arith.constant 0 : index
    %get3A_208 = arith.constant 0 : index
    %get3A_209 = vector.load %arg13[%get3A_207, %get3A_208] : memref<256x128xf32, #tpu.memory_space<vmem>>, vector<256x64xf32>
    %add3A_210 = arith.addf %get3A_209, %get3A_1 : vector<256x64xf32>
    %mul3A_211 = vector.broadcast %get3A_7 : vector<1x64xf32> to vector<256x64xf32>
    %mul3A_212 = arith.mulf %add3A_210, %mul3A_211 : vector<256x64xf32>
    %add3A_213 = vector.broadcast %get3A_10 : vector<1x64xf32> to vector<256x64xf32>
    %add3A_214 = arith.addf %mul3A_212, %add3A_213 : vector<256x64xf32>
    %max3A_215 = arith.constant 0.000000e+00 : f32
    %max3A_216 = vector.broadcast %max3A_215 : f32 to vector<256x64xf32>
    %max3A_217 = arith.maximumf %add3A_214, %max3A_216 : vector<256x64xf32>
    %mul3A_218 = vector.broadcast %get3A_19 : vector<1x64xf32> to vector<256x64xf32>
    %mul3A_219 = arith.mulf %max3A_217, %mul3A_218 : vector<256x64xf32>
    %reduce_sum3A_220 = arith.constant dense<0.000000e+00> : vector<256xf32>
    %reduce_sum3A_221 = vector.multi_reduction <add>, %mul3A_219, %reduce_sum3A_220 [1] : vector<256x64xf32> to vector<256xf32>
    %broadcast_in_dim3A_222 = vector.shape_cast %reduce_sum3A_221 : vector<256xf32> to vector<256x1xf32>
    %get3A_223 = arith.constant 0 : index
    %get3A_224 = arith.constant 0 : index
    %get3A_225 = vector.load %arg14[%get3A_223, %get3A_224] : memref<256x128xf32, #tpu.memory_space<vmem>>, vector<256x64xf32>
    %add3A_226 = arith.addf %get3A_225, %get3A_1 : vector<256x64xf32>
    %mul3A_227 = vector.broadcast %get3A_7 : vector<1x64xf32> to vector<256x64xf32>
    %mul3A_228 = arith.mulf %add3A_226, %mul3A_227 : vector<256x64xf32>
    %add3A_229 = vector.broadcast %get3A_10 : vector<1x64xf32> to vector<256x64xf32>
    %add3A_230 = arith.addf %mul3A_228, %add3A_229 : vector<256x64xf32>
    %max3A_231 = arith.constant 0.000000e+00 : f32
    %max3A_232 = vector.broadcast %max3A_231 : f32 to vector<256x64xf32>
    %max3A_233 = arith.maximumf %add3A_230, %max3A_232 : vector<256x64xf32>
    %mul3A_234 = vector.broadcast %get3A_19 : vector<1x64xf32> to vector<256x64xf32>
    %mul3A_235 = arith.mulf %max3A_233, %mul3A_234 : vector<256x64xf32>
    %reduce_sum3A_236 = arith.constant dense<0.000000e+00> : vector<256xf32>
    %reduce_sum3A_237 = vector.multi_reduction <add>, %mul3A_235, %reduce_sum3A_236 [1] : vector<256x64xf32> to vector<256xf32>
    %broadcast_in_dim3A_238 = vector.shape_cast %reduce_sum3A_237 : vector<256xf32> to vector<256x1xf32>
    %get3A_239 = arith.constant 0 : index
    %get3A_240 = arith.constant 0 : index
    %get3A_241 = vector.load %arg15[%get3A_239, %get3A_240] : memref<256x128xf32, #tpu.memory_space<vmem>>, vector<256x64xf32>
    %add3A_242 = arith.addf %get3A_241, %get3A_1 : vector<256x64xf32>
    %mul3A_243 = vector.broadcast %get3A_7 : vector<1x64xf32> to vector<256x64xf32>
    %mul3A_244 = arith.mulf %add3A_242, %mul3A_243 : vector<256x64xf32>
    %add3A_245 = vector.broadcast %get3A_10 : vector<1x64xf32> to vector<256x64xf32>
    %add3A_246 = arith.addf %mul3A_244, %add3A_245 : vector<256x64xf32>
    %max3A_247 = arith.constant 0.000000e+00 : f32
    %max3A_248 = vector.broadcast %max3A_247 : f32 to vector<256x64xf32>
    %max3A_249 = arith.maximumf %add3A_246, %max3A_248 : vector<256x64xf32>
    %mul3A_250 = vector.broadcast %get3A_19 : vector<1x64xf32> to vector<256x64xf32>
    %mul3A_251 = arith.mulf %max3A_249, %mul3A_250 : vector<256x64xf32>
    %reduce_sum3A_252 = arith.constant dense<0.000000e+00> : vector<256xf32>
    %reduce_sum3A_253 = vector.multi_reduction <add>, %mul3A_251, %reduce_sum3A_252 [1] : vector<256x64xf32> to vector<256xf32>
    %broadcast_in_dim3A_254 = vector.shape_cast %reduce_sum3A_253 : vector<256xf32> to vector<256x1xf32>
    %get3A_255 = arith.constant 0 : index
    %get3A_256 = arith.constant 0 : index
    %get3A_257 = vector.load %arg16[%get3A_255, %get3A_256] : memref<256x128xf32, #tpu.memory_space<vmem>>, vector<256x64xf32>
    %add3A_258 = arith.addf %get3A_257, %get3A_1 : vector<256x64xf32>
    %mul3A_259 = vector.broadcast %get3A_7 : vector<1x64xf32> to vector<256x64xf32>
    %mul3A_260 = arith.mulf %add3A_258, %mul3A_259 : vector<256x64xf32>
    %add3A_261 = vector.broadcast %get3A_10 : vector<1x64xf32> to vector<256x64xf32>
    %add3A_262 = arith.addf %mul3A_260, %add3A_261 : vector<256x64xf32>
    %max3A_263 = arith.constant 0.000000e+00 : f32
    %max3A_264 = vector.broadcast %max3A_263 : f32 to vector<256x64xf32>
    %max3A_265 = arith.maximumf %add3A_262, %max3A_264 : vector<256x64xf32>
    %mul3A_266 = vector.broadcast %get3A_19 : vector<1x64xf32> to vector<256x64xf32>
    %mul3A_267 = arith.mulf %max3A_265, %mul3A_266 : vector<256x64xf32>
    %reduce_sum3A_268 = arith.constant dense<0.000000e+00> : vector<256xf32>
    %reduce_sum3A_269 = vector.multi_reduction <add>, %mul3A_267, %reduce_sum3A_268 [1] : vector<256x64xf32> to vector<256xf32>
    %broadcast_in_dim3A_270 = vector.shape_cast %reduce_sum3A_269 : vector<256xf32> to vector<256x1xf32>
    %concatenate3A = tpu.concatenate %broadcast_in_dim3A, %broadcast_in_dim3A_46, %broadcast_in_dim3A_62, %broadcast_in_dim3A_78, %broadcast_in_dim3A_94, %broadcast_in_dim3A_110, %broadcast_in_dim3A_126, %broadcast_in_dim3A_142, %broadcast_in_dim3A_158, %broadcast_in_dim3A_174, %broadcast_in_dim3A_190, %broadcast_in_dim3A_206, %broadcast_in_dim3A_222, %broadcast_in_dim3A_238, %broadcast_in_dim3A_254, %broadcast_in_dim3A_270 in 1 : vector<256x1xf32>, vector<256x1xf32>, vector<256x1xf32>, vector<256x1xf32>, vector<256x1xf32>, vector<256x1xf32>, vector<256x1xf32>, vector<256x1xf32>, vector<256x1xf32>, vector<256x1xf32>, vector<256x1xf32>, vector<256x1xf32>, vector<256x1xf32>, vector<256x1xf32>, vector<256x1xf32>, vector<256x1xf32> -> vector<256x16xf32>
    %reduce_max3A = arith.constant dense<0xFF800000> : vector<256xf32>
    %reduce_max3A_271 = vector.multi_reduction <maximumf>, %concatenate3A, %reduce_max3A [1] : vector<256x16xf32> to vector<256xf32>
    %broadcast_in_dim3A_272 = vector.shape_cast %reduce_max3A_271 : vector<256xf32> to vector<256x1xf32>
    %sub3A = vector.broadcast %broadcast_in_dim3A_272 : vector<256x1xf32> to vector<256x16xf32>
    %sub3A_273 = arith.subf %concatenate3A, %sub3A : vector<256x16xf32>
    %exp3A = math.exp %sub3A_273 : vector<256x16xf32>
    %reduce_sum3A_274 = arith.constant dense<0.000000e+00> : vector<256xf32>
    %reduce_sum3A_275 = vector.multi_reduction <add>, %exp3A, %reduce_sum3A_274 [1] : vector<256x16xf32> to vector<256xf32>
    %broadcast_in_dim3A_276 = vector.shape_cast %reduce_sum3A_275 : vector<256xf32> to vector<256x1xf32>
    %div3A = vector.broadcast %broadcast_in_dim3A_276 : vector<256x1xf32> to vector<256x16xf32>
    %div3A_277 = arith.divf %exp3A, %div3A : vector<256x16xf32>
    %broadcast_in_dim3A_278 = arith.constant 0.000000e+00 : f32
    %broadcast_in_dim3A_279 = vector.broadcast %broadcast_in_dim3A_278 : f32 to vector<256x256xf32>
    %get3A_280 = arith.constant 0 : index
    %get3A_281 = arith.constant 0 : index
    %get3A_282 = vector.load %arg17[%get3A_280, %get3A_281] : memref<256x128xi32, #tpu.memory_space<vmem>>, vector<256x128xi32>
    %shift_left3A = arith.constant 16 : i32
    %shift_left3A_283 = vector.broadcast %shift_left3A : i32 to vector<256x128xi32>
    %shift_left3A_284 = arith.shli %get3A_282, %shift_left3A_283 : vector<256x128xi32>
    %bitcast_convert_type3A = tpu.bitcast %shift_left3A_284 : vector<256x128xi32> -> vector<256x128xf32>
    %and3A = arith.constant -65536 : i32
    %and3A_285 = vector.broadcast %and3A : i32 to vector<256x128xi32>
    %and3A_286 = arith.andi %get3A_282, %and3A_285 : vector<256x128xi32>
    %bitcast_convert_type3A_287 = tpu.bitcast %and3A_286 : vector<256x128xi32> -> vector<256x128xf32>
    %concatenate3A_288 = tpu.concatenate %bitcast_convert_type3A, %bitcast_convert_type3A_287 in 1 : vector<256x128xf32>, vector<256x128xf32> -> vector<256x256xf32>
    %add3A_289 = arith.addf %concatenate3A_288, %get3A_4 : vector<256x256xf32>
    %mul3A_290 = vector.broadcast %get3A_13 : vector<1x256xf32> to vector<256x256xf32>
    %mul3A_291 = arith.mulf %add3A_289, %mul3A_290 : vector<256x256xf32>
    %add3A_292 = vector.broadcast %get3A_16 : vector<1x256xf32> to vector<256x256xf32>
    %add3A_293 = arith.addf %mul3A_291, %add3A_292 : vector<256x256xf32>
    %max3A_294 = arith.constant 0.000000e+00 : f32
    %max3A_295 = vector.broadcast %max3A_294 : f32 to vector<256x256xf32>
    %max3A_296 = arith.maximumf %add3A_293, %max3A_295 : vector<256x256xf32>
    %slice3A = vector.extract_strided_slice %div3A_277 {offsets = [0, 0], sizes = [256, 1], strides = [1, 1]} : vector<256x16xf32> to vector<256x1xf32>
    %mul3A_297 = vector.broadcast %slice3A : vector<256x1xf32> to vector<256x256xf32>
    %mul3A_298 = arith.mulf %mul3A_297, %max3A_296 : vector<256x256xf32>
    %add3A_299 = arith.addf %broadcast_in_dim3A_279, %mul3A_298 : vector<256x256xf32>
    %get3A_300 = arith.constant 0 : index
    %get3A_301 = arith.constant 0 : index
    %get3A_302 = vector.load %arg18[%get3A_300, %get3A_301] : memref<256x128xi32, #tpu.memory_space<vmem>>, vector<256x128xi32>
    %shift_left3A_303 = arith.constant 16 : i32
    %shift_left3A_304 = vector.broadcast %shift_left3A_303 : i32 to vector<256x128xi32>
    %shift_left3A_305 = arith.shli %get3A_302, %shift_left3A_304 : vector<256x128xi32>
    %bitcast_convert_type3A_306 = tpu.bitcast %shift_left3A_305 : vector<256x128xi32> -> vector<256x128xf32>
    %and3A_307 = arith.constant -65536 : i32
    %and3A_308 = vector.broadcast %and3A_307 : i32 to vector<256x128xi32>
    %and3A_309 = arith.andi %get3A_302, %and3A_308 : vector<256x128xi32>
    %bitcast_convert_type3A_310 = tpu.bitcast %and3A_309 : vector<256x128xi32> -> vector<256x128xf32>
    %concatenate3A_311 = tpu.concatenate %bitcast_convert_type3A_306, %bitcast_convert_type3A_310 in 1 : vector<256x128xf32>, vector<256x128xf32> -> vector<256x256xf32>
    %add3A_312 = arith.addf %concatenate3A_311, %get3A_4 : vector<256x256xf32>
    %mul3A_313 = vector.broadcast %get3A_13 : vector<1x256xf32> to vector<256x256xf32>
    %mul3A_314 = arith.mulf %add3A_312, %mul3A_313 : vector<256x256xf32>
    %add3A_315 = vector.broadcast %get3A_16 : vector<1x256xf32> to vector<256x256xf32>
    %add3A_316 = arith.addf %mul3A_314, %add3A_315 : vector<256x256xf32>
    %max3A_317 = arith.constant 0.000000e+00 : f32
    %max3A_318 = vector.broadcast %max3A_317 : f32 to vector<256x256xf32>
    %max3A_319 = arith.maximumf %add3A_316, %max3A_318 : vector<256x256xf32>
    %slice3A_320 = vector.extract_strided_slice %div3A_277 {offsets = [0, 1], sizes = [256, 1], strides = [1, 1]} : vector<256x16xf32> to vector<256x1xf32>
    %mul3A_321 = vector.broadcast %slice3A_320 : vector<256x1xf32> to vector<256x256xf32>
    %mul3A_322 = arith.mulf %mul3A_321, %max3A_319 : vector<256x256xf32>
    %add3A_323 = arith.addf %add3A_299, %mul3A_322 : vector<256x256xf32>
    %get3A_324 = arith.constant 0 : index
    %get3A_325 = arith.constant 0 : index
    %get3A_326 = vector.load %arg19[%get3A_324, %get3A_325] : memref<256x128xi32, #tpu.memory_space<vmem>>, vector<256x128xi32>
    %shift_left3A_327 = arith.constant 16 : i32
    %shift_left3A_328 = vector.broadcast %shift_left3A_327 : i32 to vector<256x128xi32>
    %shift_left3A_329 = arith.shli %get3A_326, %shift_left3A_328 : vector<256x128xi32>
    %bitcast_convert_type3A_330 = tpu.bitcast %shift_left3A_329 : vector<256x128xi32> -> vector<256x128xf32>
    %and3A_331 = arith.constant -65536 : i32
    %and3A_332 = vector.broadcast %and3A_331 : i32 to vector<256x128xi32>
    %and3A_333 = arith.andi %get3A_326, %and3A_332 : vector<256x128xi32>
    %bitcast_convert_type3A_334 = tpu.bitcast %and3A_333 : vector<256x128xi32> -> vector<256x128xf32>
    %concatenate3A_335 = tpu.concatenate %bitcast_convert_type3A_330, %bitcast_convert_type3A_334 in 1 : vector<256x128xf32>, vector<256x128xf32> -> vector<256x256xf32>
    %add3A_336 = arith.addf %concatenate3A_335, %get3A_4 : vector<256x256xf32>
    %mul3A_337 = vector.broadcast %get3A_13 : vector<1x256xf32> to vector<256x256xf32>
    %mul3A_338 = arith.mulf %add3A_336, %mul3A_337 : vector<256x256xf32>
    %add3A_339 = vector.broadcast %get3A_16 : vector<1x256xf32> to vector<256x256xf32>
    %add3A_340 = arith.addf %mul3A_338, %add3A_339 : vector<256x256xf32>
    %max3A_341 = arith.constant 0.000000e+00 : f32
    %max3A_342 = vector.broadcast %max3A_341 : f32 to vector<256x256xf32>
    %max3A_343 = arith.maximumf %add3A_340, %max3A_342 : vector<256x256xf32>
    %slice3A_344 = vector.extract_strided_slice %div3A_277 {offsets = [0, 2], sizes = [256, 1], strides = [1, 1]} : vector<256x16xf32> to vector<256x1xf32>
    %mul3A_345 = vector.broadcast %slice3A_344 : vector<256x1xf32> to vector<256x256xf32>
    %mul3A_346 = arith.mulf %mul3A_345, %max3A_343 : vector<256x256xf32>
    %add3A_347 = arith.addf %add3A_323, %mul3A_346 : vector<256x256xf32>
    %get3A_348 = arith.constant 0 : index
    %get3A_349 = arith.constant 0 : index
    %get3A_350 = vector.load %arg20[%get3A_348, %get3A_349] : memref<256x128xi32, #tpu.memory_space<vmem>>, vector<256x128xi32>
    %shift_left3A_351 = arith.constant 16 : i32
    %shift_left3A_352 = vector.broadcast %shift_left3A_351 : i32 to vector<256x128xi32>
    %shift_left3A_353 = arith.shli %get3A_350, %shift_left3A_352 : vector<256x128xi32>
    %bitcast_convert_type3A_354 = tpu.bitcast %shift_left3A_353 : vector<256x128xi32> -> vector<256x128xf32>
    %and3A_355 = arith.constant -65536 : i32
    %and3A_356 = vector.broadcast %and3A_355 : i32 to vector<256x128xi32>
    %and3A_357 = arith.andi %get3A_350, %and3A_356 : vector<256x128xi32>
    %bitcast_convert_type3A_358 = tpu.bitcast %and3A_357 : vector<256x128xi32> -> vector<256x128xf32>
    %concatenate3A_359 = tpu.concatenate %bitcast_convert_type3A_354, %bitcast_convert_type3A_358 in 1 : vector<256x128xf32>, vector<256x128xf32> -> vector<256x256xf32>
    %add3A_360 = arith.addf %concatenate3A_359, %get3A_4 : vector<256x256xf32>
    %mul3A_361 = vector.broadcast %get3A_13 : vector<1x256xf32> to vector<256x256xf32>
    %mul3A_362 = arith.mulf %add3A_360, %mul3A_361 : vector<256x256xf32>
    %add3A_363 = vector.broadcast %get3A_16 : vector<1x256xf32> to vector<256x256xf32>
    %add3A_364 = arith.addf %mul3A_362, %add3A_363 : vector<256x256xf32>
    %max3A_365 = arith.constant 0.000000e+00 : f32
    %max3A_366 = vector.broadcast %max3A_365 : f32 to vector<256x256xf32>
    %max3A_367 = arith.maximumf %add3A_364, %max3A_366 : vector<256x256xf32>
    %slice3A_368 = vector.extract_strided_slice %div3A_277 {offsets = [0, 3], sizes = [256, 1], strides = [1, 1]} : vector<256x16xf32> to vector<256x1xf32>
    %mul3A_369 = vector.broadcast %slice3A_368 : vector<256x1xf32> to vector<256x256xf32>
    %mul3A_370 = arith.mulf %mul3A_369, %max3A_367 : vector<256x256xf32>
    %add3A_371 = arith.addf %add3A_347, %mul3A_370 : vector<256x256xf32>
    %get3A_372 = arith.constant 0 : index
    %get3A_373 = arith.constant 0 : index
    %get3A_374 = vector.load %arg21[%get3A_372, %get3A_373] : memref<256x128xi32, #tpu.memory_space<vmem>>, vector<256x128xi32>
    %shift_left3A_375 = arith.constant 16 : i32
    %shift_left3A_376 = vector.broadcast %shift_left3A_375 : i32 to vector<256x128xi32>
    %shift_left3A_377 = arith.shli %get3A_374, %shift_left3A_376 : vector<256x128xi32>
    %bitcast_convert_type3A_378 = tpu.bitcast %shift_left3A_377 : vector<256x128xi32> -> vector<256x128xf32>
    %and3A_379 = arith.constant -65536 : i32
    %and3A_380 = vector.broadcast %and3A_379 : i32 to vector<256x128xi32>
    %and3A_381 = arith.andi %get3A_374, %and3A_380 : vector<256x128xi32>
    %bitcast_convert_type3A_382 = tpu.bitcast %and3A_381 : vector<256x128xi32> -> vector<256x128xf32>
    %concatenate3A_383 = tpu.concatenate %bitcast_convert_type3A_378, %bitcast_convert_type3A_382 in 1 : vector<256x128xf32>, vector<256x128xf32> -> vector<256x256xf32>
    %add3A_384 = arith.addf %concatenate3A_383, %get3A_4 : vector<256x256xf32>
    %mul3A_385 = vector.broadcast %get3A_13 : vector<1x256xf32> to vector<256x256xf32>
    %mul3A_386 = arith.mulf %add3A_384, %mul3A_385 : vector<256x256xf32>
    %add3A_387 = vector.broadcast %get3A_16 : vector<1x256xf32> to vector<256x256xf32>
    %add3A_388 = arith.addf %mul3A_386, %add3A_387 : vector<256x256xf32>
    %max3A_389 = arith.constant 0.000000e+00 : f32
    %max3A_390 = vector.broadcast %max3A_389 : f32 to vector<256x256xf32>
    %max3A_391 = arith.maximumf %add3A_388, %max3A_390 : vector<256x256xf32>
    %slice3A_392 = vector.extract_strided_slice %div3A_277 {offsets = [0, 4], sizes = [256, 1], strides = [1, 1]} : vector<256x16xf32> to vector<256x1xf32>
    %mul3A_393 = vector.broadcast %slice3A_392 : vector<256x1xf32> to vector<256x256xf32>
    %mul3A_394 = arith.mulf %mul3A_393, %max3A_391 : vector<256x256xf32>
    %add3A_395 = arith.addf %add3A_371, %mul3A_394 : vector<256x256xf32>
    %get3A_396 = arith.constant 0 : index
    %get3A_397 = arith.constant 0 : index
    %get3A_398 = vector.load %arg22[%get3A_396, %get3A_397] : memref<256x128xi32, #tpu.memory_space<vmem>>, vector<256x128xi32>
    %shift_left3A_399 = arith.constant 16 : i32
    %shift_left3A_400 = vector.broadcast %shift_left3A_399 : i32 to vector<256x128xi32>
    %shift_left3A_401 = arith.shli %get3A_398, %shift_left3A_400 : vector<256x128xi32>
    %bitcast_convert_type3A_402 = tpu.bitcast %shift_left3A_401 : vector<256x128xi32> -> vector<256x128xf32>
    %and3A_403 = arith.constant -65536 : i32
    %and3A_404 = vector.broadcast %and3A_403 : i32 to vector<256x128xi32>
    %and3A_405 = arith.andi %get3A_398, %and3A_404 : vector<256x128xi32>
    %bitcast_convert_type3A_406 = tpu.bitcast %and3A_405 : vector<256x128xi32> -> vector<256x128xf32>
    %concatenate3A_407 = tpu.concatenate %bitcast_convert_type3A_402, %bitcast_convert_type3A_406 in 1 : vector<256x128xf32>, vector<256x128xf32> -> vector<256x256xf32>
    %add3A_408 = arith.addf %concatenate3A_407, %get3A_4 : vector<256x256xf32>
    %mul3A_409 = vector.broadcast %get3A_13 : vector<1x256xf32> to vector<256x256xf32>
    %mul3A_410 = arith.mulf %add3A_408, %mul3A_409 : vector<256x256xf32>
    %add3A_411 = vector.broadcast %get3A_16 : vector<1x256xf32> to vector<256x256xf32>
    %add3A_412 = arith.addf %mul3A_410, %add3A_411 : vector<256x256xf32>
    %max3A_413 = arith.constant 0.000000e+00 : f32
    %max3A_414 = vector.broadcast %max3A_413 : f32 to vector<256x256xf32>
    %max3A_415 = arith.maximumf %add3A_412, %max3A_414 : vector<256x256xf32>
    %slice3A_416 = vector.extract_strided_slice %div3A_277 {offsets = [0, 5], sizes = [256, 1], strides = [1, 1]} : vector<256x16xf32> to vector<256x1xf32>
    %mul3A_417 = vector.broadcast %slice3A_416 : vector<256x1xf32> to vector<256x256xf32>
    %mul3A_418 = arith.mulf %mul3A_417, %max3A_415 : vector<256x256xf32>
    %add3A_419 = arith.addf %add3A_395, %mul3A_418 : vector<256x256xf32>
    %get3A_420 = arith.constant 0 : index
    %get3A_421 = arith.constant 0 : index
    %get3A_422 = vector.load %arg23[%get3A_420, %get3A_421] : memref<256x128xi32, #tpu.memory_space<vmem>>, vector<256x128xi32>
    %shift_left3A_423 = arith.constant 16 : i32
    %shift_left3A_424 = vector.broadcast %shift_left3A_423 : i32 to vector<256x128xi32>
    %shift_left3A_425 = arith.shli %get3A_422, %shift_left3A_424 : vector<256x128xi32>
    %bitcast_convert_type3A_426 = tpu.bitcast %shift_left3A_425 : vector<256x128xi32> -> vector<256x128xf32>
    %and3A_427 = arith.constant -65536 : i32
    %and3A_428 = vector.broadcast %and3A_427 : i32 to vector<256x128xi32>
    %and3A_429 = arith.andi %get3A_422, %and3A_428 : vector<256x128xi32>
    %bitcast_convert_type3A_430 = tpu.bitcast %and3A_429 : vector<256x128xi32> -> vector<256x128xf32>
    %concatenate3A_431 = tpu.concatenate %bitcast_convert_type3A_426, %bitcast_convert_type3A_430 in 1 : vector<256x128xf32>, vector<256x128xf32> -> vector<256x256xf32>
    %add3A_432 = arith.addf %concatenate3A_431, %get3A_4 : vector<256x256xf32>
    %mul3A_433 = vector.broadcast %get3A_13 : vector<1x256xf32> to vector<256x256xf32>
    %mul3A_434 = arith.mulf %add3A_432, %mul3A_433 : vector<256x256xf32>
    %add3A_435 = vector.broadcast %get3A_16 : vector<1x256xf32> to vector<256x256xf32>
    %add3A_436 = arith.addf %mul3A_434, %add3A_435 : vector<256x256xf32>
    %max3A_437 = arith.constant 0.000000e+00 : f32
    %max3A_438 = vector.broadcast %max3A_437 : f32 to vector<256x256xf32>
    %max3A_439 = arith.maximumf %add3A_436, %max3A_438 : vector<256x256xf32>
    %slice3A_440 = vector.extract_strided_slice %div3A_277 {offsets = [0, 6], sizes = [256, 1], strides = [1, 1]} : vector<256x16xf32> to vector<256x1xf32>
    %mul3A_441 = vector.broadcast %slice3A_440 : vector<256x1xf32> to vector<256x256xf32>
    %mul3A_442 = arith.mulf %mul3A_441, %max3A_439 : vector<256x256xf32>
    %add3A_443 = arith.addf %add3A_419, %mul3A_442 : vector<256x256xf32>
    %get3A_444 = arith.constant 0 : index
    %get3A_445 = arith.constant 0 : index
    %get3A_446 = vector.load %arg24[%get3A_444, %get3A_445] : memref<256x128xi32, #tpu.memory_space<vmem>>, vector<256x128xi32>
    %shift_left3A_447 = arith.constant 16 : i32
    %shift_left3A_448 = vector.broadcast %shift_left3A_447 : i32 to vector<256x128xi32>
    %shift_left3A_449 = arith.shli %get3A_446, %shift_left3A_448 : vector<256x128xi32>
    %bitcast_convert_type3A_450 = tpu.bitcast %shift_left3A_449 : vector<256x128xi32> -> vector<256x128xf32>
    %and3A_451 = arith.constant -65536 : i32
    %and3A_452 = vector.broadcast %and3A_451 : i32 to vector<256x128xi32>
    %and3A_453 = arith.andi %get3A_446, %and3A_452 : vector<256x128xi32>
    %bitcast_convert_type3A_454 = tpu.bitcast %and3A_453 : vector<256x128xi32> -> vector<256x128xf32>
    %concatenate3A_455 = tpu.concatenate %bitcast_convert_type3A_450, %bitcast_convert_type3A_454 in 1 : vector<256x128xf32>, vector<256x128xf32> -> vector<256x256xf32>
    %add3A_456 = arith.addf %concatenate3A_455, %get3A_4 : vector<256x256xf32>
    %mul3A_457 = vector.broadcast %get3A_13 : vector<1x256xf32> to vector<256x256xf32>
    %mul3A_458 = arith.mulf %add3A_456, %mul3A_457 : vector<256x256xf32>
    %add3A_459 = vector.broadcast %get3A_16 : vector<1x256xf32> to vector<256x256xf32>
    %add3A_460 = arith.addf %mul3A_458, %add3A_459 : vector<256x256xf32>
    %max3A_461 = arith.constant 0.000000e+00 : f32
    %max3A_462 = vector.broadcast %max3A_461 : f32 to vector<256x256xf32>
    %max3A_463 = arith.maximumf %add3A_460, %max3A_462 : vector<256x256xf32>
    %slice3A_464 = vector.extract_strided_slice %div3A_277 {offsets = [0, 7], sizes = [256, 1], strides = [1, 1]} : vector<256x16xf32> to vector<256x1xf32>
    %mul3A_465 = vector.broadcast %slice3A_464 : vector<256x1xf32> to vector<256x256xf32>
    %mul3A_466 = arith.mulf %mul3A_465, %max3A_463 : vector<256x256xf32>
    %add3A_467 = arith.addf %add3A_443, %mul3A_466 : vector<256x256xf32>
    %get3A_468 = arith.constant 0 : index
    %get3A_469 = arith.constant 0 : index
    %get3A_470 = vector.load %arg25[%get3A_468, %get3A_469] : memref<256x128xi32, #tpu.memory_space<vmem>>, vector<256x128xi32>
    %shift_left3A_471 = arith.constant 16 : i32
    %shift_left3A_472 = vector.broadcast %shift_left3A_471 : i32 to vector<256x128xi32>
    %shift_left3A_473 = arith.shli %get3A_470, %shift_left3A_472 : vector<256x128xi32>
    %bitcast_convert_type3A_474 = tpu.bitcast %shift_left3A_473 : vector<256x128xi32> -> vector<256x128xf32>
    %and3A_475 = arith.constant -65536 : i32
    %and3A_476 = vector.broadcast %and3A_475 : i32 to vector<256x128xi32>
    %and3A_477 = arith.andi %get3A_470, %and3A_476 : vector<256x128xi32>
    %bitcast_convert_type3A_478 = tpu.bitcast %and3A_477 : vector<256x128xi32> -> vector<256x128xf32>
    %concatenate3A_479 = tpu.concatenate %bitcast_convert_type3A_474, %bitcast_convert_type3A_478 in 1 : vector<256x128xf32>, vector<256x128xf32> -> vector<256x256xf32>
    %add3A_480 = arith.addf %concatenate3A_479, %get3A_4 : vector<256x256xf32>
    %mul3A_481 = vector.broadcast %get3A_13 : vector<1x256xf32> to vector<256x256xf32>
    %mul3A_482 = arith.mulf %add3A_480, %mul3A_481 : vector<256x256xf32>
    %add3A_483 = vector.broadcast %get3A_16 : vector<1x256xf32> to vector<256x256xf32>
    %add3A_484 = arith.addf %mul3A_482, %add3A_483 : vector<256x256xf32>
    %max3A_485 = arith.constant 0.000000e+00 : f32
    %max3A_486 = vector.broadcast %max3A_485 : f32 to vector<256x256xf32>
    %max3A_487 = arith.maximumf %add3A_484, %max3A_486 : vector<256x256xf32>
    %slice3A_488 = vector.extract_strided_slice %div3A_277 {offsets = [0, 8], sizes = [256, 1], strides = [1, 1]} : vector<256x16xf32> to vector<256x1xf32>
    %mul3A_489 = vector.broadcast %slice3A_488 : vector<256x1xf32> to vector<256x256xf32>
    %mul3A_490 = arith.mulf %mul3A_489, %max3A_487 : vector<256x256xf32>
    %add3A_491 = arith.addf %add3A_467, %mul3A_490 : vector<256x256xf32>
    %get3A_492 = arith.constant 0 : index
    %get3A_493 = arith.constant 0 : index
    %get3A_494 = vector.load %arg26[%get3A_492, %get3A_493] : memref<256x128xi32, #tpu.memory_space<vmem>>, vector<256x128xi32>
    %shift_left3A_495 = arith.constant 16 : i32
    %shift_left3A_496 = vector.broadcast %shift_left3A_495 : i32 to vector<256x128xi32>
    %shift_left3A_497 = arith.shli %get3A_494, %shift_left3A_496 : vector<256x128xi32>
    %bitcast_convert_type3A_498 = tpu.bitcast %shift_left3A_497 : vector<256x128xi32> -> vector<256x128xf32>
    %and3A_499 = arith.constant -65536 : i32
    %and3A_500 = vector.broadcast %and3A_499 : i32 to vector<256x128xi32>
    %and3A_501 = arith.andi %get3A_494, %and3A_500 : vector<256x128xi32>
    %bitcast_convert_type3A_502 = tpu.bitcast %and3A_501 : vector<256x128xi32> -> vector<256x128xf32>
    %concatenate3A_503 = tpu.concatenate %bitcast_convert_type3A_498, %bitcast_convert_type3A_502 in 1 : vector<256x128xf32>, vector<256x128xf32> -> vector<256x256xf32>
    %add3A_504 = arith.addf %concatenate3A_503, %get3A_4 : vector<256x256xf32>
    %mul3A_505 = vector.broadcast %get3A_13 : vector<1x256xf32> to vector<256x256xf32>
    %mul3A_506 = arith.mulf %add3A_504, %mul3A_505 : vector<256x256xf32>
    %add3A_507 = vector.broadcast %get3A_16 : vector<1x256xf32> to vector<256x256xf32>
    %add3A_508 = arith.addf %mul3A_506, %add3A_507 : vector<256x256xf32>
    %max3A_509 = arith.constant 0.000000e+00 : f32
    %max3A_510 = vector.broadcast %max3A_509 : f32 to vector<256x256xf32>
    %max3A_511 = arith.maximumf %add3A_508, %max3A_510 : vector<256x256xf32>
    %slice3A_512 = vector.extract_strided_slice %div3A_277 {offsets = [0, 9], sizes = [256, 1], strides = [1, 1]} : vector<256x16xf32> to vector<256x1xf32>
    %mul3A_513 = vector.broadcast %slice3A_512 : vector<256x1xf32> to vector<256x256xf32>
    %mul3A_514 = arith.mulf %mul3A_513, %max3A_511 : vector<256x256xf32>
    %add3A_515 = arith.addf %add3A_491, %mul3A_514 : vector<256x256xf32>
    %get3A_516 = arith.constant 0 : index
    %get3A_517 = arith.constant 0 : index
    %get3A_518 = vector.load %arg27[%get3A_516, %get3A_517] : memref<256x128xi32, #tpu.memory_space<vmem>>, vector<256x128xi32>
    %shift_left3A_519 = arith.constant 16 : i32
    %shift_left3A_520 = vector.broadcast %shift_left3A_519 : i32 to vector<256x128xi32>
    %shift_left3A_521 = arith.shli %get3A_518, %shift_left3A_520 : vector<256x128xi32>
    %bitcast_convert_type3A_522 = tpu.bitcast %shift_left3A_521 : vector<256x128xi32> -> vector<256x128xf32>
    %and3A_523 = arith.constant -65536 : i32
    %and3A_524 = vector.broadcast %and3A_523 : i32 to vector<256x128xi32>
    %and3A_525 = arith.andi %get3A_518, %and3A_524 : vector<256x128xi32>
    %bitcast_convert_type3A_526 = tpu.bitcast %and3A_525 : vector<256x128xi32> -> vector<256x128xf32>
    %concatenate3A_527 = tpu.concatenate %bitcast_convert_type3A_522, %bitcast_convert_type3A_526 in 1 : vector<256x128xf32>, vector<256x128xf32> -> vector<256x256xf32>
    %add3A_528 = arith.addf %concatenate3A_527, %get3A_4 : vector<256x256xf32>
    %mul3A_529 = vector.broadcast %get3A_13 : vector<1x256xf32> to vector<256x256xf32>
    %mul3A_530 = arith.mulf %add3A_528, %mul3A_529 : vector<256x256xf32>
    %add3A_531 = vector.broadcast %get3A_16 : vector<1x256xf32> to vector<256x256xf32>
    %add3A_532 = arith.addf %mul3A_530, %add3A_531 : vector<256x256xf32>
    %max3A_533 = arith.constant 0.000000e+00 : f32
    %max3A_534 = vector.broadcast %max3A_533 : f32 to vector<256x256xf32>
    %max3A_535 = arith.maximumf %add3A_532, %max3A_534 : vector<256x256xf32>
    %slice3A_536 = vector.extract_strided_slice %div3A_277 {offsets = [0, 10], sizes = [256, 1], strides = [1, 1]} : vector<256x16xf32> to vector<256x1xf32>
    %mul3A_537 = vector.broadcast %slice3A_536 : vector<256x1xf32> to vector<256x256xf32>
    %mul3A_538 = arith.mulf %mul3A_537, %max3A_535 : vector<256x256xf32>
    %add3A_539 = arith.addf %add3A_515, %mul3A_538 : vector<256x256xf32>
    %get3A_540 = arith.constant 0 : index
    %get3A_541 = arith.constant 0 : index
    %get3A_542 = vector.load %arg28[%get3A_540, %get3A_541] : memref<256x128xi32, #tpu.memory_space<vmem>>, vector<256x128xi32>
    %shift_left3A_543 = arith.constant 16 : i32
    %shift_left3A_544 = vector.broadcast %shift_left3A_543 : i32 to vector<256x128xi32>
    %shift_left3A_545 = arith.shli %get3A_542, %shift_left3A_544 : vector<256x128xi32>
    %bitcast_convert_type3A_546 = tpu.bitcast %shift_left3A_545 : vector<256x128xi32> -> vector<256x128xf32>
    %and3A_547 = arith.constant -65536 : i32
    %and3A_548 = vector.broadcast %and3A_547 : i32 to vector<256x128xi32>
    %and3A_549 = arith.andi %get3A_542, %and3A_548 : vector<256x128xi32>
    %bitcast_convert_type3A_550 = tpu.bitcast %and3A_549 : vector<256x128xi32> -> vector<256x128xf32>
    %concatenate3A_551 = tpu.concatenate %bitcast_convert_type3A_546, %bitcast_convert_type3A_550 in 1 : vector<256x128xf32>, vector<256x128xf32> -> vector<256x256xf32>
    %add3A_552 = arith.addf %concatenate3A_551, %get3A_4 : vector<256x256xf32>
    %mul3A_553 = vector.broadcast %get3A_13 : vector<1x256xf32> to vector<256x256xf32>
    %mul3A_554 = arith.mulf %add3A_552, %mul3A_553 : vector<256x256xf32>
    %add3A_555 = vector.broadcast %get3A_16 : vector<1x256xf32> to vector<256x256xf32>
    %add3A_556 = arith.addf %mul3A_554, %add3A_555 : vector<256x256xf32>
    %max3A_557 = arith.constant 0.000000e+00 : f32
    %max3A_558 = vector.broadcast %max3A_557 : f32 to vector<256x256xf32>
    %max3A_559 = arith.maximumf %add3A_556, %max3A_558 : vector<256x256xf32>
    %slice3A_560 = vector.extract_strided_slice %div3A_277 {offsets = [0, 11], sizes = [256, 1], strides = [1, 1]} : vector<256x16xf32> to vector<256x1xf32>
    %mul3A_561 = vector.broadcast %slice3A_560 : vector<256x1xf32> to vector<256x256xf32>
    %mul3A_562 = arith.mulf %mul3A_561, %max3A_559 : vector<256x256xf32>
    %add3A_563 = arith.addf %add3A_539, %mul3A_562 : vector<256x256xf32>
    %get3A_564 = arith.constant 0 : index
    %get3A_565 = arith.constant 0 : index
    %get3A_566 = vector.load %arg29[%get3A_564, %get3A_565] : memref<256x128xi32, #tpu.memory_space<vmem>>, vector<256x128xi32>
    %shift_left3A_567 = arith.constant 16 : i32
    %shift_left3A_568 = vector.broadcast %shift_left3A_567 : i32 to vector<256x128xi32>
    %shift_left3A_569 = arith.shli %get3A_566, %shift_left3A_568 : vector<256x128xi32>
    %bitcast_convert_type3A_570 = tpu.bitcast %shift_left3A_569 : vector<256x128xi32> -> vector<256x128xf32>
    %and3A_571 = arith.constant -65536 : i32
    %and3A_572 = vector.broadcast %and3A_571 : i32 to vector<256x128xi32>
    %and3A_573 = arith.andi %get3A_566, %and3A_572 : vector<256x128xi32>
    %bitcast_convert_type3A_574 = tpu.bitcast %and3A_573 : vector<256x128xi32> -> vector<256x128xf32>
    %concatenate3A_575 = tpu.concatenate %bitcast_convert_type3A_570, %bitcast_convert_type3A_574 in 1 : vector<256x128xf32>, vector<256x128xf32> -> vector<256x256xf32>
    %add3A_576 = arith.addf %concatenate3A_575, %get3A_4 : vector<256x256xf32>
    %mul3A_577 = vector.broadcast %get3A_13 : vector<1x256xf32> to vector<256x256xf32>
    %mul3A_578 = arith.mulf %add3A_576, %mul3A_577 : vector<256x256xf32>
    %add3A_579 = vector.broadcast %get3A_16 : vector<1x256xf32> to vector<256x256xf32>
    %add3A_580 = arith.addf %mul3A_578, %add3A_579 : vector<256x256xf32>
    %max3A_581 = arith.constant 0.000000e+00 : f32
    %max3A_582 = vector.broadcast %max3A_581 : f32 to vector<256x256xf32>
    %max3A_583 = arith.maximumf %add3A_580, %max3A_582 : vector<256x256xf32>
    %slice3A_584 = vector.extract_strided_slice %div3A_277 {offsets = [0, 12], sizes = [256, 1], strides = [1, 1]} : vector<256x16xf32> to vector<256x1xf32>
    %mul3A_585 = vector.broadcast %slice3A_584 : vector<256x1xf32> to vector<256x256xf32>
    %mul3A_586 = arith.mulf %mul3A_585, %max3A_583 : vector<256x256xf32>
    %add3A_587 = arith.addf %add3A_563, %mul3A_586 : vector<256x256xf32>
    %get3A_588 = arith.constant 0 : index
    %get3A_589 = arith.constant 0 : index
    %get3A_590 = vector.load %arg30[%get3A_588, %get3A_589] : memref<256x128xi32, #tpu.memory_space<vmem>>, vector<256x128xi32>
    %shift_left3A_591 = arith.constant 16 : i32
    %shift_left3A_592 = vector.broadcast %shift_left3A_591 : i32 to vector<256x128xi32>
    %shift_left3A_593 = arith.shli %get3A_590, %shift_left3A_592 : vector<256x128xi32>
    %bitcast_convert_type3A_594 = tpu.bitcast %shift_left3A_593 : vector<256x128xi32> -> vector<256x128xf32>
    %and3A_595 = arith.constant -65536 : i32
    %and3A_596 = vector.broadcast %and3A_595 : i32 to vector<256x128xi32>
    %and3A_597 = arith.andi %get3A_590, %and3A_596 : vector<256x128xi32>
    %bitcast_convert_type3A_598 = tpu.bitcast %and3A_597 : vector<256x128xi32> -> vector<256x128xf32>
    %concatenate3A_599 = tpu.concatenate %bitcast_convert_type3A_594, %bitcast_convert_type3A_598 in 1 : vector<256x128xf32>, vector<256x128xf32> -> vector<256x256xf32>
    %add3A_600 = arith.addf %concatenate3A_599, %get3A_4 : vector<256x256xf32>
    %mul3A_601 = vector.broadcast %get3A_13 : vector<1x256xf32> to vector<256x256xf32>
    %mul3A_602 = arith.mulf %add3A_600, %mul3A_601 : vector<256x256xf32>
    %add3A_603 = vector.broadcast %get3A_16 : vector<1x256xf32> to vector<256x256xf32>
    %add3A_604 = arith.addf %mul3A_602, %add3A_603 : vector<256x256xf32>
    %max3A_605 = arith.constant 0.000000e+00 : f32
    %max3A_606 = vector.broadcast %max3A_605 : f32 to vector<256x256xf32>
    %max3A_607 = arith.maximumf %add3A_604, %max3A_606 : vector<256x256xf32>
    %slice3A_608 = vector.extract_strided_slice %div3A_277 {offsets = [0, 13], sizes = [256, 1], strides = [1, 1]} : vector<256x16xf32> to vector<256x1xf32>
    %mul3A_609 = vector.broadcast %slice3A_608 : vector<256x1xf32> to vector<256x256xf32>
    %mul3A_610 = arith.mulf %mul3A_609, %max3A_607 : vector<256x256xf32>
    %add3A_611 = arith.addf %add3A_587, %mul3A_610 : vector<256x256xf32>
    %get3A_612 = arith.constant 0 : index
    %get3A_613 = arith.constant 0 : index
    %get3A_614 = vector.load %arg31[%get3A_612, %get3A_613] : memref<256x128xi32, #tpu.memory_space<vmem>>, vector<256x128xi32>
    %shift_left3A_615 = arith.constant 16 : i32
    %shift_left3A_616 = vector.broadcast %shift_left3A_615 : i32 to vector<256x128xi32>
    %shift_left3A_617 = arith.shli %get3A_614, %shift_left3A_616 : vector<256x128xi32>
    %bitcast_convert_type3A_618 = tpu.bitcast %shift_left3A_617 : vector<256x128xi32> -> vector<256x128xf32>
    %and3A_619 = arith.constant -65536 : i32
    %and3A_620 = vector.broadcast %and3A_619 : i32 to vector<256x128xi32>
    %and3A_621 = arith.andi %get3A_614, %and3A_620 : vector<256x128xi32>
    %bitcast_convert_type3A_622 = tpu.bitcast %and3A_621 : vector<256x128xi32> -> vector<256x128xf32>
    %concatenate3A_623 = tpu.concatenate %bitcast_convert_type3A_618, %bitcast_convert_type3A_622 in 1 : vector<256x128xf32>, vector<256x128xf32> -> vector<256x256xf32>
    %add3A_624 = arith.addf %concatenate3A_623, %get3A_4 : vector<256x256xf32>
    %mul3A_625 = vector.broadcast %get3A_13 : vector<1x256xf32> to vector<256x256xf32>
    %mul3A_626 = arith.mulf %add3A_624, %mul3A_625 : vector<256x256xf32>
    %add3A_627 = vector.broadcast %get3A_16 : vector<1x256xf32> to vector<256x256xf32>
    %add3A_628 = arith.addf %mul3A_626, %add3A_627 : vector<256x256xf32>
    %max3A_629 = arith.constant 0.000000e+00 : f32
    %max3A_630 = vector.broadcast %max3A_629 : f32 to vector<256x256xf32>
    %max3A_631 = arith.maximumf %add3A_628, %max3A_630 : vector<256x256xf32>
    %slice3A_632 = vector.extract_strided_slice %div3A_277 {offsets = [0, 14], sizes = [256, 1], strides = [1, 1]} : vector<256x16xf32> to vector<256x1xf32>
    %mul3A_633 = vector.broadcast %slice3A_632 : vector<256x1xf32> to vector<256x256xf32>
    %mul3A_634 = arith.mulf %mul3A_633, %max3A_631 : vector<256x256xf32>
    %add3A_635 = arith.addf %add3A_611, %mul3A_634 : vector<256x256xf32>
    %get3A_636 = arith.constant 0 : index
    %get3A_637 = arith.constant 0 : index
    %get3A_638 = vector.load %arg32[%get3A_636, %get3A_637] : memref<256x128xi32, #tpu.memory_space<vmem>>, vector<256x128xi32>
    %shift_left3A_639 = arith.constant 16 : i32
    %shift_left3A_640 = vector.broadcast %shift_left3A_639 : i32 to vector<256x128xi32>
    %shift_left3A_641 = arith.shli %get3A_638, %shift_left3A_640 : vector<256x128xi32>
    %bitcast_convert_type3A_642 = tpu.bitcast %shift_left3A_641 : vector<256x128xi32> -> vector<256x128xf32>
    %and3A_643 = arith.constant -65536 : i32
    %and3A_644 = vector.broadcast %and3A_643 : i32 to vector<256x128xi32>
    %and3A_645 = arith.andi %get3A_638, %and3A_644 : vector<256x128xi32>
    %bitcast_convert_type3A_646 = tpu.bitcast %and3A_645 : vector<256x128xi32> -> vector<256x128xf32>
    %concatenate3A_647 = tpu.concatenate %bitcast_convert_type3A_642, %bitcast_convert_type3A_646 in 1 : vector<256x128xf32>, vector<256x128xf32> -> vector<256x256xf32>
    %add3A_648 = arith.addf %concatenate3A_647, %get3A_4 : vector<256x256xf32>
    %mul3A_649 = vector.broadcast %get3A_13 : vector<1x256xf32> to vector<256x256xf32>
    %mul3A_650 = arith.mulf %add3A_648, %mul3A_649 : vector<256x256xf32>
    %add3A_651 = vector.broadcast %get3A_16 : vector<1x256xf32> to vector<256x256xf32>
    %add3A_652 = arith.addf %mul3A_650, %add3A_651 : vector<256x256xf32>
    %max3A_653 = arith.constant 0.000000e+00 : f32
    %max3A_654 = vector.broadcast %max3A_653 : f32 to vector<256x256xf32>
    %max3A_655 = arith.maximumf %add3A_652, %max3A_654 : vector<256x256xf32>
    %slice3A_656 = vector.extract_strided_slice %div3A_277 {offsets = [0, 15], sizes = [256, 1], strides = [1, 1]} : vector<256x16xf32> to vector<256x1xf32>
    %mul3A_657 = vector.broadcast %slice3A_656 : vector<256x1xf32> to vector<256x256xf32>
    %mul3A_658 = arith.mulf %mul3A_657, %max3A_655 : vector<256x256xf32>
    %add3A_659 = arith.addf %add3A_635, %mul3A_658 : vector<256x256xf32>
    %get3A_660 = arith.constant 0 : index
    %get3A_661 = arith.constant 0 : index
    %get3A_662 = vector.load %arg40[%get3A_660, %get3A_661] : memref<256x256xf32, #tpu.memory_space<vmem>>, vector<256x256xf32>
    %dot_general3A = arith.constant dense<0.000000e+00> : vector<256x256xf32>
    %dot_general3A_663 = tpu.matmul %add3A_659, %get3A_662, %dot_general3A {dimension_numbers = #tpu.dot_dimension_numbers<[1], [0], [0], [1], [0, 0, 1, 1], [], []>, precision = #tpu.contract_precision<fp32>, transpose_lhs_hint = false} : vector<256x256xf32>, vector<256x256xf32>, vector<256x256xf32> -> vector<256x256xf32>
    %get3A_664 = arith.constant 0 : index
    %get3A_665 = arith.constant 0 : index
    %get3A_666 = vector.load %arg41[%get3A_664, %get3A_665] : memref<1x256xf32, #tpu.memory_space<vmem>>, vector<1x256xf32>
    %add3A_667 = vector.broadcast %get3A_666 : vector<1x256xf32> to vector<256x256xf32>
    %add3A_668 = arith.addf %dot_general3A_663, %add3A_667 : vector<256x256xf32>
    %swap3A = arith.constant 0 : index
    %swap3A_669 = arith.constant 0 : index
    %swap3A_670 = vector.load %arg42[%swap3A, %swap3A_669] : memref<256x256xf32, #tpu.memory_space<vmem>>, vector<256x256xf32>
    tpu.vector_store %arg42[%swap3A, %swap3A_669], %add3A_668 {strides = array<i32>} : memref<256x256xf32, #tpu.memory_space<vmem>>, vector<256x256xf32>,
    %eq3A = arith.constant 0 : i32
    %eq3A_671 = arith.cmpi eq, %arg0, %eq3A : i32
    %convert_element_type3A = arith.extui %eq3A_671 : i1 to i32
    %cond3A = arith.constant 0 : i32
    %cond3A_672 = arith.cmpi ne, %convert_element_type3A, %cond3A : i32
    scf.if %cond3A_672 {
      %broadcast_in_dim3A_690 = arith.constant 0.000000e+00 : f32
      %broadcast_in_dim3A_691 = vector.broadcast %broadcast_in_dim3A_690 : f32 to vector<8x256xf32>
      %swap3A_692 = arith.constant 0 : index
      %swap3A_693 = arith.constant 0 : index
      %swap3A_694 = vector.load %arg43[%swap3A_692, %swap3A_693] : memref<8x256xf32, #tpu.memory_space<vmem>>, vector<8x256xf32>
      tpu.vector_store %arg43[%swap3A_692, %swap3A_693], %broadcast_in_dim3A_691 {strides = array<i32>} : memref<8x256xf32, #tpu.memory_space<vmem>>, vector<8x256xf32>,
    } else {
    }
    %get3A_673 = arith.constant 0 : index
    %get3A_674 = arith.constant 0 : index
    %get3A_675 = vector.load %arg43[%get3A_673, %get3A_674] : memref<8x256xf32, #tpu.memory_space<vmem>>, vector<8x256xf32>
    %reduce_sum3A_676 = arith.constant dense<0.000000e+00> : vector<256xf32>
    %reduce_sum3A_677 = vector.multi_reduction <add>, %add3A_668, %reduce_sum3A_676 [0] : vector<256x256xf32> to vector<256xf32>
    %broadcast_in_dim3A_678 = vector.shape_cast %reduce_sum3A_677 : vector<256xf32> to vector<1x256xf32>
    %mul3A_679 = arith.mulf %add3A_668, %add3A_668 : vector<256x256xf32>
    %reduce_sum3A_680 = arith.constant dense<0.000000e+00> : vector<256xf32>
    %reduce_sum3A_681 = vector.multi_reduction <add>, %mul3A_679, %reduce_sum3A_680 [0] : vector<256x256xf32> to vector<256xf32>
    %broadcast_in_dim3A_682 = vector.shape_cast %reduce_sum3A_681 : vector<256xf32> to vector<1x256xf32>
    %broadcast_in_dim3A_683 = arith.constant 0.000000e+00 : f32
    %broadcast_in_dim3A_684 = vector.broadcast %broadcast_in_dim3A_683 : f32 to vector<6x256xf32>
    %concatenate3A_685 = tpu.concatenate %broadcast_in_dim3A_678, %broadcast_in_dim3A_682, %broadcast_in_dim3A_684 in 0 : vector<1x256xf32>, vector<1x256xf32>, vector<6x256xf32> -> vector<8x256xf32>
    %add3A_686 = arith.addf %get3A_675, %concatenate3A_685 : vector<8x256xf32>
    %swap3A_687 = arith.constant 0 : index
    %swap3A_688 = arith.constant 0 : index
    %swap3A_689 = vector.load %arg43[%swap3A_687, %swap3A_688] : memref<8x256xf32, #tpu.memory_space<vmem>>, vector<8x256xf32>
    tpu.vector_store %arg43[%swap3A_687, %swap3A_688], %add3A_686 {strides = array<i32>} : memref<8x256xf32, #tpu.memory_space<vmem>>, vector<8x256xf32>,
    return
  }
  func.func @transform_0(%arg0: i32) -> (i32, i32) {
    %add3A = arith.constant 0 : i32
    %add3A_0 = arith.addi %add3A, %arg0 : i32
    %c0_i32 = arith.constant 0 : i32
    %c0_i32_1 = arith.constant 0 : i32
    return %add3A_0, %c0_i32 : i32, i32
  }
  func.func @transform_1(%arg0: i32) -> (i32, i32) {
    %add3A = arith.constant 16 : i32
    %add3A_0 = arith.addi %add3A, %arg0 : i32
    %c0_i32 = arith.constant 0 : i32
    %c0_i32_1 = arith.constant 0 : i32
    return %add3A_0, %c0_i32 : i32, i32
  }
  func.func @transform_2(%arg0: i32) -> (i32, i32) {
    %add3A = arith.constant 32 : i32
    %add3A_0 = arith.addi %add3A, %arg0 : i32
    %c0_i32 = arith.constant 0 : i32
    %c0_i32_1 = arith.constant 0 : i32
    return %add3A_0, %c0_i32 : i32, i32
  }
  func.func @transform_3(%arg0: i32) -> (i32, i32) {
    %add3A = arith.constant 48 : i32
    %add3A_0 = arith.addi %add3A, %arg0 : i32
    %c0_i32 = arith.constant 0 : i32
    %c0_i32_1 = arith.constant 0 : i32
    return %add3A_0, %c0_i32 : i32, i32
  }
  func.func @transform_4(%arg0: i32) -> (i32, i32) {
    %add3A = arith.constant 64 : i32
    %add3A_0 = arith.addi %add3A, %arg0 : i32
    %c0_i32 = arith.constant 0 : i32
    %c0_i32_1 = arith.constant 0 : i32
    return %add3A_0, %c0_i32 : i32, i32
  }
  func.func @transform_5(%arg0: i32) -> (i32, i32) {
    %add3A = arith.constant 80 : i32
    %add3A_0 = arith.addi %add3A, %arg0 : i32
    %c0_i32 = arith.constant 0 : i32
    %c0_i32_1 = arith.constant 0 : i32
    return %add3A_0, %c0_i32 : i32, i32
  }
  func.func @transform_6(%arg0: i32) -> (i32, i32) {
    %add3A = arith.constant 96 : i32
    %add3A_0 = arith.addi %add3A, %arg0 : i32
    %c0_i32 = arith.constant 0 : i32
    %c0_i32_1 = arith.constant 0 : i32
    return %add3A_0, %c0_i32 : i32, i32
  }
  func.func @transform_7(%arg0: i32) -> (i32, i32) {
    %add3A = arith.constant 112 : i32
    %add3A_0 = arith.addi %add3A, %arg0 : i32
    %c0_i32 = arith.constant 0 : i32
    %c0_i32_1 = arith.constant 0 : i32
    return %add3A_0, %c0_i32 : i32, i32
  }
  func.func @transform_8(%arg0: i32) -> (i32, i32) {
    %add3A = arith.constant 128 : i32
    %add3A_0 = arith.addi %add3A, %arg0 : i32
    %c0_i32 = arith.constant 0 : i32
    %c0_i32_1 = arith.constant 0 : i32
    return %add3A_0, %c0_i32 : i32, i32
  }
  func.func @transform_9(%arg0: i32) -> (i32, i32) {
    %add3A = arith.constant 144 : i32
    %add3A_0 = arith.addi %add3A, %arg0 : i32
    %c0_i32 = arith.constant 0 : i32
    %c0_i32_1 = arith.constant 0 : i32
    return %add3A_0, %c0_i32 : i32, i32
  }
  func.func @transform_10(%arg0: i32) -> (i32, i32) {
    %add3A = arith.constant 160 : i32
    %add3A_0 = arith.addi %add3A, %arg0 : i32
    %c0_i32 = arith.constant 0 : i32
    %c0_i32_1 = arith.constant 0 : i32
    return %add3A_0, %c0_i32 : i32, i32
  }
  func.func @transform_11(%arg0: i32) -> (i32, i32) {
    %add3A = arith.constant 176 : i32
    %add3A_0 = arith.addi %add3A, %arg0 : i32
    %c0_i32 = arith.constant 0 : i32
    %c0_i32_1 = arith.constant 0 : i32
    return %add3A_0, %c0_i32 : i32, i32
  }
  func.func @transform_12(%arg0: i32) -> (i32, i32) {
    %add3A = arith.constant 192 : i32
    %add3A_0 = arith.addi %add3A, %arg0 : i32
    %c0_i32 = arith.constant 0 : i32
    %c0_i32_1 = arith.constant 0 : i32
    return %add3A_0, %c0_i32 : i32, i32
  }
  func.func @transform_13(%arg0: i32) -> (i32, i32) {
    %add3A = arith.constant 208 : i32
    %add3A_0 = arith.addi %add3A, %arg0 : i32
    %c0_i32 = arith.constant 0 : i32
    %c0_i32_1 = arith.constant 0 : i32
    return %add3A_0, %c0_i32 : i32, i32
  }
  func.func @transform_14(%arg0: i32) -> (i32, i32) {
    %add3A = arith.constant 224 : i32
    %add3A_0 = arith.addi %add3A, %arg0 : i32
    %c0_i32 = arith.constant 0 : i32
    %c0_i32_1 = arith.constant 0 : i32
    return %add3A_0, %c0_i32 : i32, i32
  }
  func.func @transform_15(%arg0: i32) -> (i32, i32) {
    %add3A = arith.constant 240 : i32
    %add3A_0 = arith.addi %add3A, %arg0 : i32
    %c0_i32 = arith.constant 0 : i32
    %c0_i32_1 = arith.constant 0 : i32
    return %add3A_0, %c0_i32 : i32, i32
  }
  func.func @transform_16(%arg0: i32) -> (i32, i32) {
    %add3A = arith.constant 0 : i32
    %add3A_0 = arith.addi %add3A, %arg0 : i32
    %c0_i32 = arith.constant 0 : i32
    %c0_i32_1 = arith.constant 0 : i32
    return %add3A_0, %c0_i32 : i32, i32
  }
  func.func @transform_17(%arg0: i32) -> (i32, i32) {
    %add3A = arith.constant 16 : i32
    %add3A_0 = arith.addi %add3A, %arg0 : i32
    %c0_i32 = arith.constant 0 : i32
    %c0_i32_1 = arith.constant 0 : i32
    return %add3A_0, %c0_i32 : i32, i32
  }
  func.func @transform_18(%arg0: i32) -> (i32, i32) {
    %add3A = arith.constant 32 : i32
    %add3A_0 = arith.addi %add3A, %arg0 : i32
    %c0_i32 = arith.constant 0 : i32
    %c0_i32_1 = arith.constant 0 : i32
    return %add3A_0, %c0_i32 : i32, i32
  }
  func.func @transform_19(%arg0: i32) -> (i32, i32) {
    %add3A = arith.constant 48 : i32
    %add3A_0 = arith.addi %add3A, %arg0 : i32
    %c0_i32 = arith.constant 0 : i32
    %c0_i32_1 = arith.constant 0 : i32
    return %add3A_0, %c0_i32 : i32, i32
  }
  func.func @transform_20(%arg0: i32) -> (i32, i32) {
    %add3A = arith.constant 64 : i32
    %add3A_0 = arith.addi %add3A, %arg0 : i32
    %c0_i32 = arith.constant 0 : i32
    %c0_i32_1 = arith.constant 0 : i32
    return %add3A_0, %c0_i32 : i32, i32
  }
  func.func @transform_21(%arg0: i32) -> (i32, i32) {
    %add3A = arith.constant 80 : i32
    %add3A_0 = arith.addi %add3A, %arg0 : i32
    %c0_i32 = arith.constant 0 : i32
    %c0_i32_1 = arith.constant 0 : i32
    return %add3A_0, %c0_i32 : i32, i32
  }
  func.func @transform_22(%arg0: i32) -> (i32, i32) {
    %add3A = arith.constant 96 : i32
    %add3A_0 = arith.addi %add3A, %arg0 : i32
    %c0_i32 = arith.constant 0 : i32
    %c0_i32_1 = arith.constant 0 : i32
    return %add3A_0, %c0_i32 : i32, i32
  }
  func.func @transform_23(%arg0: i32) -> (i32, i32) {
    %add3A = arith.constant 112 : i32
    %add3A_0 = arith.addi %add3A, %arg0 : i32
    %c0_i32 = arith.constant 0 : i32
    %c0_i32_1 = arith.constant 0 : i32
    return %add3A_0, %c0_i32 : i32, i32
  }
  func.func @transform_24(%arg0: i32) -> (i32, i32) {
    %add3A = arith.constant 128 : i32
    %add3A_0 = arith.addi %add3A, %arg0 : i32
    %c0_i32 = arith.constant 0 : i32
    %c0_i32_1 = arith.constant 0 : i32
    return %add3A_0, %c0_i32 : i32, i32
  }
  func.func @transform_25(%arg0: i32) -> (i32, i32) {
    %add3A = arith.constant 144 : i32
    %add3A_0 = arith.addi %add3A, %arg0 : i32
    %c0_i32 = arith.constant 0 : i32
    %c0_i32_1 = arith.constant 0 : i32
    return %add3A_0, %c0_i32 : i32, i32
  }
  func.func @transform_26(%arg0: i32) -> (i32, i32) {
    %add3A = arith.constant 160 : i32
    %add3A_0 = arith.addi %add3A, %arg0 : i32
    %c0_i32 = arith.constant 0 : i32
    %c0_i32_1 = arith.constant 0 : i32
    return %add3A_0, %c0_i32 : i32, i32
  }
  func.func @transform_27(%arg0: i32) -> (i32, i32) {
    %add3A = arith.constant 176 : i32
    %add3A_0 = arith.addi %add3A, %arg0 : i32
    %c0_i32 = arith.constant 0 : i32
    %c0_i32_1 = arith.constant 0 : i32
    return %add3A_0, %c0_i32 : i32, i32
  }
  func.func @transform_28(%arg0: i32) -> (i32, i32) {
    %add3A = arith.constant 192 : i32
    %add3A_0 = arith.addi %add3A, %arg0 : i32
    %c0_i32 = arith.constant 0 : i32
    %c0_i32_1 = arith.constant 0 : i32
    return %add3A_0, %c0_i32 : i32, i32
  }
  func.func @transform_29(%arg0: i32) -> (i32, i32) {
    %add3A = arith.constant 208 : i32
    %add3A_0 = arith.addi %add3A, %arg0 : i32
    %c0_i32 = arith.constant 0 : i32
    %c0_i32_1 = arith.constant 0 : i32
    return %add3A_0, %c0_i32 : i32, i32
  }
  func.func @transform_30(%arg0: i32) -> (i32, i32) {
    %add3A = arith.constant 224 : i32
    %add3A_0 = arith.addi %add3A, %arg0 : i32
    %c0_i32 = arith.constant 0 : i32
    %c0_i32_1 = arith.constant 0 : i32
    return %add3A_0, %c0_i32 : i32, i32
  }
  func.func @transform_31(%arg0: i32) -> (i32, i32) {
    %add3A = arith.constant 240 : i32
    %add3A_0 = arith.addi %add3A, %arg0 : i32
    %c0_i32 = arith.constant 0 : i32
    %c0_i32_1 = arith.constant 0 : i32
    return %add3A_0, %c0_i32 : i32, i32
  }
  func.func @transform_32(%arg0: i32) -> (i32, i32) {
    %add3A = arith.constant 0 : i32
    %add3A_0 = arith.addi %add3A, %arg0 : i32
    %c0_i32 = arith.constant 0 : i32
    %c0_i32_1 = arith.constant 0 : i32
    return %add3A_0, %c0_i32 : i32, i32
  }
  func.func @transform_33(%arg0: i32) -> (i32, i32) {
    %add3A = arith.constant 0 : i32
    %add3A_0 = arith.addi %add3A, %arg0 : i32
    %c0_i32 = arith.constant 0 : i32
    %c0_i32_1 = arith.constant 0 : i32
    return %add3A_0, %c0_i32 : i32, i32
  }
  func.func @transform_34(%arg0: i32) -> (i32, i32) {
    %c0_i32 = arith.constant 0 : i32
    %c0_i32_0 = arith.constant 0 : i32
    %c0_i32_1 = arith.constant 0 : i32
    return %c0_i32, %c0_i32_0 : i32, i32
  }
  func.func @transform_35(%arg0: i32) -> (i32, i32) {
    %c0_i32 = arith.constant 0 : i32
    %c0_i32_0 = arith.constant 0 : i32
    %c0_i32_1 = arith.constant 0 : i32
    return %c0_i32, %c0_i32_0 : i32, i32
  }
  func.func @transform_36(%arg0: i32) -> (i32, i32) {
    %c0_i32 = arith.constant 0 : i32
    %c0_i32_0 = arith.constant 0 : i32
    %c0_i32_1 = arith.constant 0 : i32
    return %c0_i32, %c0_i32_0 : i32, i32
  }
  func.func @transform_37(%arg0: i32) -> (i32, i32) {
    %c0_i32 = arith.constant 0 : i32
    %c0_i32_0 = arith.constant 0 : i32
    %c0_i32_1 = arith.constant 0 : i32
    return %c0_i32, %c0_i32_0 : i32, i32
  }
  func.func @transform_38(%arg0: i32) -> (i32, i32) {
    %c0_i32 = arith.constant 0 : i32
    %c0_i32_0 = arith.constant 0 : i32
    %c0_i32_1 = arith.constant 0 : i32
    return %c0_i32, %c0_i32_0 : i32, i32
  }
  func.func @transform_39(%arg0: i32) -> (i32, i32) {
    %c0_i32 = arith.constant 0 : i32
    %c0_i32_0 = arith.constant 0 : i32
    %c0_i32_1 = arith.constant 0 : i32
    return %c0_i32, %c0_i32_0 : i32, i32
  }
  func.func @transform_40(%arg0: i32) -> (i32, i32) {
    %c0_i32 = arith.constant 0 : i32
    %c0_i32_0 = arith.constant 0 : i32
    %c0_i32_1 = arith.constant 0 : i32
    return %c0_i32, %c0_i32_0 : i32, i32
  }
  func.func @transform_41(%arg0: i32) -> (i32, i32) {
    %c0_i32 = arith.constant 0 : i32
    %c0_i32_0 = arith.constant 0 : i32
    return %arg0, %c0_i32 : i32, i32
  }
  func.func @transform_42(%arg0: i32) -> (i32, i32) {
    %c0_i32 = arith.constant 0 : i32
    %c0_i32_0 = arith.constant 0 : i32
    %c0_i32_1 = arith.constant 0 : i32
    return %c0_i32, %c0_i32_0 : i32, i32
  }
}

module attributes {stable_mosaic.version = 14 : i64} {
  func.func @_epi_body(%arg0: i32, %arg1: memref<512x256xf32, #tpu.memory_space<vmem>>, %arg2: memref<512x256xf32, #tpu.memory_space<vmem>>, %arg3: memref<1x256xf32, #tpu.memory_space<vmem>>, %arg4: memref<1x256xf32, #tpu.memory_space<vmem>>, %arg5: memref<512x256xf32, #tpu.memory_space<vmem>>) attributes {dimension_semantics = [#tpu.dimension_semantics<arbitrary>], iteration_bounds = array<i64: 16>, scalar_prefetch = 0 : i64, scratch_operands = 0 : i64, tpu.core_type = #tpu.core_type<tc>, window_params = [{transform_indices = @transform_0, window_bounds = array<i64: 512, 256>}, {transform_indices = @transform_1, window_bounds = array<i64: 512, 256>}, {pipeline_mode = #tpu.pipeline_mode<synchronous>, transform_indices = @transform_2, window_bounds = array<i64: 1, 256>}, {pipeline_mode = #tpu.pipeline_mode<synchronous>, transform_indices = @transform_3, window_bounds = array<i64: 1, 256>}, {transform_indices = @transform_4, window_bounds = array<i64: 512, 256>}]} {
    %get3A = arith.constant 0 : index
    %get3A_0 = arith.constant 0 : index
    %get3A_1 = vector.load %arg1[%get3A, %get3A_0] : memref<512x256xf32, #tpu.memory_space<vmem>>, vector<512x256xf32>
    %get3A_2 = arith.constant 0 : index
    %get3A_3 = arith.constant 0 : index
    %get3A_4 = vector.load %arg3[%get3A_2, %get3A_3] : memref<1x256xf32, #tpu.memory_space<vmem>>, vector<1x256xf32>
    %mul3A = vector.broadcast %get3A_4 : vector<1x256xf32> to vector<512x256xf32>
    %mul3A_5 = arith.mulf %get3A_1, %mul3A : vector<512x256xf32>
    %get3A_6 = arith.constant 0 : index
    %get3A_7 = arith.constant 0 : index
    %get3A_8 = vector.load %arg4[%get3A_6, %get3A_7] : memref<1x256xf32, #tpu.memory_space<vmem>>, vector<1x256xf32>
    %add3A = vector.broadcast %get3A_8 : vector<1x256xf32> to vector<512x256xf32>
    %add3A_9 = arith.addf %mul3A_5, %add3A : vector<512x256xf32>
    %max3A = arith.constant 0.000000e+00 : f32
    %max3A_10 = vector.broadcast %max3A : f32 to vector<512x256xf32>
    %max3A_11 = arith.maximumf %add3A_9, %max3A_10 : vector<512x256xf32>
    %get3A_12 = arith.constant 0 : index
    %get3A_13 = arith.constant 0 : index
    %get3A_14 = vector.load %arg2[%get3A_12, %get3A_13] : memref<512x256xf32, #tpu.memory_space<vmem>>, vector<512x256xf32>
    %add3A_15 = arith.addf %max3A_11, %get3A_14 : vector<512x256xf32>
    %swap3A = arith.constant 0 : index
    %swap3A_16 = arith.constant 0 : index
    %swap3A_17 = vector.load %arg5[%swap3A, %swap3A_16] : memref<512x256xf32, #tpu.memory_space<vmem>>, vector<512x256xf32>
    tpu.vector_store %arg5[%swap3A, %swap3A_16], %add3A_15 {strides = array<i32>} : memref<512x256xf32, #tpu.memory_space<vmem>>, vector<512x256xf32>,
    return
  }
  func.func @transform_0(%arg0: i32) -> (i32, i32) {
    %c0_i32 = arith.constant 0 : i32
    %c0_i32_0 = arith.constant 0 : i32
    return %arg0, %c0_i32 : i32, i32
  }
  func.func @transform_1(%arg0: i32) -> (i32, i32) {
    %c0_i32 = arith.constant 0 : i32
    %c0_i32_0 = arith.constant 0 : i32
    return %arg0, %c0_i32 : i32, i32
  }
  func.func @transform_2(%arg0: i32) -> (i32, i32) {
    %c0_i32 = arith.constant 0 : i32
    %c0_i32_0 = arith.constant 0 : i32
    %c0_i32_1 = arith.constant 0 : i32
    return %c0_i32, %c0_i32_0 : i32, i32
  }
  func.func @transform_3(%arg0: i32) -> (i32, i32) {
    %c0_i32 = arith.constant 0 : i32
    %c0_i32_0 = arith.constant 0 : i32
    %c0_i32_1 = arith.constant 0 : i32
    return %c0_i32, %c0_i32_0 : i32, i32
  }
  func.func @transform_4(%arg0: i32) -> (i32, i32) {
    %c0_i32 = arith.constant 0 : i32
    %c0_i32_0 = arith.constant 0 : i32
    return %arg0, %c0_i32 : i32, i32
  }
}

</mosaic_0001>

<sc_bundles>
// kernel: kernel.12.cloned.1.call-start
scs
__scs_entry_jumppad:
0x0: {  	(pc) =	sbr.rel $0x88, $3  }
0x1: {  	(tag) =	ssettag $0x0;
	lr =	simm.s32 $0x1  }
0x2: {  	[smem:$0x3F92] =	sst lr;
	_ =	strace $0xD0000000  }
0x3: {  	_ = 	snop  }
0x4: {  	_ = 	snop  }
0x5: {  	_ = 	snop  }
0x6: {  	_ = 	snop  }
0x7: {  	_ = 	snop  }
__scs_overlays_trampoline_lowered:
0x8: {  	[smem:$0x3FA1] =	sst s0  }
0x9: {  	[smem:$0x3FA2] =	sst s1  }
0xa: {  	[smem:$0x3FA3] =	sst s2  }
0xb: {  	[smem:$0x3FA4] =	sst s3  }
0xc: {  	[smem:$0x3FA5] =	sst s4  }
0xd: {  	[smem:$0x3FA6] =	sst s5  }
0xe: {  	[smem:$0x3FA7] =	sst s6  }
0xf: {  	[smem:$0x3FA8] =	sst s7  }
0x10: {  	[smem:$0x3FA9] =	sst s8  }
0x11: {  	[smem:$0x3FAA] =	sst s9;
	s0 =	simm.s32 @!p0 $0x0  }
0x12: {  	s1 =	sld [smem:$0x3F90];
	s0 =	simm.s32 @p0 $0x1  }
0x13: {  	[smem:$0x3FAB] =	sst s0;
	s0 =	simm.s32 @!p1 $0x0  }
0x14: {  	s2 =	sld [smem:$0x3F8F];
	s0 =	simm.s32 @p1 $0x1  }
0x15: {  	[smem:$0x3FAC] =	sst s0;
	s0 =	simm.s32 @!p2 $0x0  }
0x16: {  	s3 =	sld [smem:$0x3FDB];
	s0 =	simm.s32 @p2 $0x1  }
0x17: {  	s4 =	simm.s32 $0x1BF5;
	[smem:$0x3FAE] =	sst s0  }
0x18: {  	s0 =	sld [smem:$0x3F91];
	_ =	swait.ge [sflag:s4], $0x0  }
0x19: {  	s7 =	sld [smem:$0x3F92]  }
0x1a: {  	s8 =	sadd.s32 $0xFFFFE003, lr  }
0x1b: {  	s9 =	sadd.s32 $0xFFFFFEF7, lr;
	s5 =	simm.s32 $0xFFFFFFFF;
	p2 =	slt.u32 s8, $0xFFFFF086  }
0x1c: {  	p1 =	slt.u32 s9, $0xF7A;
	s5 =	simm.s32 @!p2 $0x0  }
0x1d: {  	s5 =	simm.s32 @p1 $0x1;
	p0 =	seq.s32 s7, s2  }
0x1e: {  	s7 =	smul.u32 @!p0 $0xF7A, s2;
	p2 =	seq.s32 @!p0 s5, $0x0  }
0x1f: {  	s9 =	smul.u32 $0xF7A, s1;
	s8 =	simm.s32 @!p0 $0x1BF5;
	p2 =	por !p2, p0  }
0x20: {  	[sflag:s8] =	ssyncset.s32 @!p0 $0xFFFFF086;
	s6 =	sadd.s32 @!p0 s3, s7;
	s7 =	simm.s32 @!p0 $0x108  }
0x21: {  	s3 =	sadd.s32 s3, s9;
	s6 =	sadd.s32 @!p0 $0x88, s6;
	s7 =	simm.s32 @p2 $0x1082  }
0x22: {  	[simem:s7], [sflag:s8] =	dma.local @!p0 [hbm:s6], $0xF7A  }
0x23: {  	s9 =	sor.u32 $0xD0000000, s2;
	s6 =	simm.s32 $0x108;
	_ =	swait.ge @!p0 [sflag:s8], $0x0  }
0x24: {  	s3 =	sadd.s32 $0x88, s3;
	s6 =	simm.s32 @!p1 $0x1082;
	[sflag:s4] =	ssyncset.s32 $0xFFFFF086  }
0x25: {  	[simem:s6], [sflag:s4] =	dma.local [hbm:s3], $0xF7A  }
0x26: {  	[smem:$0x3F92] =	sst s1;
	(tag) =	ssettag s2;
	_ =	strace s9  }
0x27: {  	s1 =	sld [smem:$0x3FA2]  }
0x28: {  	s2 =	sld [smem:$0x3FA3]  }
0x29: {  	s4 =	sld [smem:$0x3FA5]  }
0x2a: {  	p0 =	seq.s32 s5, $0x0;
	s5 =	sld [smem:$0x3FA6]  }
0x2b: {  	s6 =	sld [smem:$0x3FA7]  }
0x2c: {  	s7 =	sld [smem:$0x3FA8]  }
0x2d: {  	s3 =	simm.s32 $0x108;
	s8 =	sld [smem:$0x3FA9]  }
0x2e: {  	s3 =	simm.s32 @!p0 $0x1082;
	s9 =	sld [smem:$0x3FAA]  }
0x2f: {  	lr =	sadd.s32 s0, s3;
	s0 =	sld [smem:$0x3FA1]  }
0x30: {  	s3 =	sld [smem:$0x3FA4]  }
0x31: {  	[smem:$0x3FAD] =	sst s10  }
0x32: {  	s10 =	sld [smem:$0x3FAB];
	_ =	sdelay $0x3  }
0x33: {  	p0 =	seq.s32 s10, $0x1;
	s10 =	sld [smem:$0x3FAD];
	_ =	sdelay $0x3  }
0x34: {  	[smem:$0x3FAD] =	sst s10  }
0x35: {  	s10 =	sld [smem:$0x3FAC];
	_ =	sdelay $0x3  }
0x36: {  	p1 =	seq.s32 s10, $0x1;
	s10 =	sld [smem:$0x3FAD];
	_ =	sdelay $0x3  }
0x37: {  	[smem:$0x3FAD] =	sst s10  }
0x38: {  	s10 =	sld [smem:$0x3FAE]  }
0x39: {  	_ = 	snop;
	(pc) =	sbr.ind lr, $3  }
0x3a: {  	_ = 	snop  }
0x3b: {  	_ = 	snop  }
0x3c: {  	p2 =	seq.s32 s10, $0x1;
	s10 =	sld [smem:$0x3FAD]  }
0x3d: {  	_ =	shalt  }
0x3e: {  	_ =	shalt  }
0x3f: {  	_ =	shalt  }
0x40: {  	_ =	shalt  }
0x41: {  	_ =	shalt  }
0x42: {  	_ =	shalt  }
0x43: {  	_ =	shalt  }
0x44: {  	_ =	shalt  }
0x45: {  	_ =	shalt  }
0x46: {  	_ =	shalt  }
0x47: {  	_ =	shalt  }
0x48: {  	_ =	shalt  }
0x49: {  	_ =	shalt  }
0x4a: {  	_ =	shalt  }
0x4b: {  	_ =	shalt  }
0x4c: {  	_ =	shalt  }
0x4d: {  	_ =	shalt  }
0x4e: {  	_ =	shalt  }
0x4f: {  	_ =	shalt  }
0x50: {  	_ =	shalt  }
0x51: {  	_ =	shalt  }
0x52: {  	_ =	shalt  }
0x53: {  	_ =	shalt  }
0x54: {  	_ =	shalt  }
0x55: {  	_ =	shalt  }
0x56: {  	_ =	shalt  }
0x57: {  	_ =	shalt  }
0x58: {  	_ =	shalt  }
0x59: {  	_ =	shalt  }
0x5a: {  	_ =	shalt  }
0x5b: {  	_ =	shalt  }
0x5c: {  	_ =	shalt  }
0x5d: {  	_ =	shalt  }
0x5e: {  	_ =	shalt  }
0x5f: {  	_ =	shalt  }
0x60: {  	_ =	shalt  }
0x61: {  	_ =	shalt  }
0x62: {  	_ =	shalt  }
0x63: {  	_ =	shalt  }
0x64: {  	_ =	shalt  }
0x65: {  	_ =	shalt  }
0x66: {  	_ =	shalt  }
0x67: {  	_ =	shalt  }
0x68: {  	_ =	shalt  }
0x69: {  	_ =	shalt  }
0x6a: {  	_ =	shalt  }
0x6b: {  	_ =	shalt  }
0x6c: {  	_ =	shalt  }
0x6d: {  	_ =	shalt  }
0x6e: {  	_ =	shalt  }
0x6f: {  	_ =	shalt  }
0x70: {  	_ =	shalt  }
0x71: {  	_ =	shalt  }
0x72: {  	_ =	shalt  }
0x73: {  	_ =	shalt  }
0x74: {  	_ =	shalt  }
0x75: {  	_ =	shalt  }
0x76: {  	_ =	shalt  }
0x77: {  	_ =	shalt  }
0x78: {  	_ =	shalt  }
0x79: {  	_ =	shalt  }
0x7a: {  	_ =	shalt  }
0x7b: {  	_ =	shalt  }
0x7c: {  	_ =	shalt  }
0x7d: {  	_ =	shalt  }
0x7e: {  	_ =	shalt  }
0x7f: {  	_ =	shalt  }
0x80: {  	_ =	shalt  }
0x81: {  	_ =	shalt  }
0x82: {  	_ =	shalt  }
0x83: {  	_ =	shalt  }
0x84: {  	_ =	shalt  }
0x85: {  	_ =	shalt  }
0x86: {  	_ =	shalt  }
0x87: {  	_ =	shalt  }
.Lfunc_end0:
.L_simem_size_0:
called_computation_lowered:
.L_overlay_start_0:
0x88: {  	s2 =	sld [smem:$0x3FD9]  }
0x89: {  	s3 =	sld [smem:$0x3FFE];
	_ =	sdelay $0x1  }
0x8a: {  	s1 =	srdreg.scid  }
0x8b: {  	s0 =	sand.u32 $0x1, s1  }
0x8c: {  	s16 =	sshll.u32 s0, $0xA;
	s2 =	sadd.s32 s3, s2  }
0x8d: {  	s2 =	sadd.s32 s2, s16  }
0x8e: {  	[smem:$0x3FB9] =	sst s2  }
0x8f: {  	_ = 	snop  }
0x90: {  	(tm) =	ssettm $0x1  }
0x91: {  	s17 =	sld [smem:$0x3FFB];
	_ =	sdelay $0x3  }
0x92: {  	_ =	strace s17  }
0x93: {  	s2 =	sld [smem:$0x3FFC];
	_ =	sdelay $0x3  }
0x94: {  	_ =	strace s2  }
0x95: {  	s2 =	sld [smem:$0x3FFD];
	_ =	sdelay $0x3  }
0x96: {  	_ =	strace s2  }
0x97: {  	_ =	strace $0x8FFFFFFF  }
0x98: {  	s18 =	sld [smem:$0x3FDB];
	_ =	sdelay $0x1  }
0x99: {  	s19 =	simm.s32 $_scs_section_size  }
0x9a: {  	s4 =	simm.s32 $_size__tile_overlayer_lowered;
	s5 =	simm.s32 $_tile_overlayer_lowered  }
0x9b: {  	s22 =	simm.s32 $0x1BFF;
	s21 =	sshll.u32 s5, $0x1;
	s2 =	sadd.s32 s19, s18  }
0x9c: {  	s6 =	simm.s32 $0x0;
	s20 =	sshll.u32 s4, $0x1;
	s4 =	sadd.s32 s21, s2  }
0x9d: {  	[timem:s6], [sflag:s22] =	dma.local [hbm:s4], s20  }
0x9e: {  	_ =	swait.ge [sflag:s22], s20  }
0x9f: {  	s3 =	ssub.s32 $0x0, s20;
	[sflag:s22] =	ssyncset.done $0x0  }
0xa0: {  	[sflag:s22] =	ssyncadd.s32 s3;
	_ =	sdelay $0x1  }
0xa1: {  	s23 =	simm.s32 $0x1B8B  }
0xa2: {  	_ =	swait.ge [sflag:s23], $0x1  }
0xa3: {  	[sflag:s23] =	ssyncset.done $0x0  }
0xa4: {  	s25 =	simm.s32 $0x1B8E;
	s24 =	sld [smem:$0x3FFE];
	[sflag:s23] =	ssyncadd.s32 $0xFFFFFFFF  }
0xa5: {  	s26 =	simm.s32 $execute0_lowered;
	[smem:$0x3FD2] =	sst s25  }
0xa6: {  	s4 =	sshll.u32 s26, $0x1;
	_ =	strace $0x80000046;
	[dreg:$0x1] =	wrdreg $0xFFFFFFFF  }
0xa7: {  	s28 =	simm.s32 $_size_execute0_lowered;
	s2 =	sadd.s32 s2, s4;
	[dreg:$0x0] =	wrdreg $0x0  }
0xa8: {  	s4 =	sshll.u32 s28, $0x1;
	[dreg:$0x2] =	wrdreg s2  }
0xa9: {  	[dreg:$0x3] =	wrdreg s4  }
0xaa: {  	[dreg:$0x4] =	wrdreg $0xC0  }
0xab: {  	_ =	task [dreg:s6], $0x5FFFF  }
0xac: {  	[dreg:$0x1] =	wrdreg $0xFFFFFFFF  }
0xad: {  	[dreg:$0x0] =	wrdreg $0x60  }
0xae: {  	[dreg:$0x2] =	wrdreg s24  }
0xaf: {  	[dreg:$0x3] =	wrdreg $0x9  }
0xb0: {  	_ =	task.clear_ibuf [dreg:s6], $0x4FFFF;
	_ =	strace $0x90000046  }
0xb1: {  	s29 =	simm.s32 $0x9;
	_ =	strace $0x80000048  }
0xb2: {  	_ =	swait.ge [sflag:s29], $0x1  }
0xb3: {  	[sflag:s29] =	ssyncadd.s32 $0xFFFFFFFF  }
0xb4: {  	_ =	strace $0x90000048  }
0xb5: {  	_ =	sfence  }
0xb6: {  	s30 =	sld [smem:$0x0];
	_ =	sdelay $0x2  }
0xb7: {  	s31 =	sshll.u32 s1, $0xD;
	s1 =	sshrl.u32 s1, $0x2  }
0xb8: {  	s3 =	sand.u32 $0x4000, s31;
	s1 =	sadd.s32 s1, s30  }
0xb9: {  	s0 =	sor.u32 s3, s0;
	s1 =	sshll.u32 s1, $0x11  }
0xba: {  	s0 =	sor.u32 s1, s0  }
0xbb: {  	s0 =	sadd.s32 $0x8F2B, s0  }
0xbc: {  	[sflag:s0] =	ssyncadd.remote.s32 $0x1  }
0xbd: {  	_ =	sfence.sel $0xFFFF  }
0xbe: {  	[dreg:$0x0] =	wrdreg $0xFFFFFFFF;
	(pc) =	sbr.abs _section_cstart, $3  }
0xbf: {  	[dreg:$0x1] =	wrdreg $0xFFFFFFFF  }
0xc0: {  	_ =	task.clear_ibuf [dreg:s6], $0x2FFFF;
	_ =	strace $0x9FFFFFFF  }
0xc1: {  	(tm) =	ssettm $0x7FFFFFFF  }
tec
execute0_lowered:
.L_overlay_start_1:
0x0: {  	(tag) =	ssettag $0x1  }
0x1: {  	s5 =	rddreg [dreg:$0x0]  }
0x2: {  	s0 =	rddreg [dreg:$0x1]  }
0x3: {  	s3 =	srdreg.scid;
	s1 =	stileid.u32;
	s2 =	simm.s32 $0x0  }
0x4: {  	s16 =	simm.s32 $0x8800;
	s17 =	simm.s32 $0x1;
	s18 =	simm.s32 $0x4800  }
0x5: {  	s19 =	simm.s32 $0xC800;
	s20 =	simm.s32 $0x2;
	s21 =	simm.s32 $0x3  }
0x6: {  	s22 =	simm.s32 $0x4;
	s23 =	simm.s32 $0x0;
	s10 =	sand.u32 $0x1, s3  }
0x7: {  	s29 =	sshll.u32 s1, $0x1;
	[smem:$0x7FF] =	sst s2;
	s4 =	sadd.s32 $0x67800, s5  }
0x8: {  	s12 =	sadd.s32 $0x87800, s5;
	s11 =	sadd.s32 $0x187800, s5;
	s14 =	sshll.u32 s1, $0x10  }
0x9: {  	s6 =	sor.u32 s10, s29;
	_ =	strace $0x80000047;
	s8 =	ssub.s32 $0x2, s10  }
0xa: {  	s15 =	sshll.u32 s10, $0xF;
	s3 =	sshll.u32 s6, $0x8;
	s9 =	sshrl.u32 s8, $0x1  }
0xb: {  	s30 =	sshll.u32 s6, $0xF;
	s7 =	sadd.s32 s3, s5;
	s3 =	sadd.s32 $0x47800, s5  }
0xc: {  	s13 =	ssub.s32 s8, s9;
	s6 =	sadd.s32 s12, s30;
	s31 =	sor.u32 $0x7800, s30  }
0xd: {  	s5 =	sadd.s32 $0x5800, s7;
	s7 =	sadd.s32 s11, s30;
	s8 =	sadd.s32 s12, s31  }
0xe: {  	s9 =	sadd.s32 s11, s31;
	s11 =	sadd.s32 s14, s11;
	s10 =	smax.u32 s13, $0x1  }
0xf: {  	s12 =	sadd.s32 s14, s12;
	s13 =	simm.s32 $0x5;
	s14 =	simm.s32 $0x80  }
0x10: {  	s11 =	sadd.s32 s15, s11;
	s12 =	sadd.s32 s15, s12;
	s15 =	simm.s32 $0x800  }
.LBB2_1:
0x11: {  	[tilespmem:s2], [sflag:$0x5] =	stream.linear.gather [hbm4b:s5+s2], $0x800, $0x38;
	[tilespmem:$0x10800] =	vst v63  }
0x12: {  	_ =	swait.ge [sflag:s13], $0x800  }
0x13: {  	[sflag:s13] =	ssyncset.done $0x0  }
0x14: {  	[sflag:s13] =	ssyncadd.s32 $0xFFFFF800  }
0x15: {  	[tilespmem:s15], [sflag:$0x1] =	stream.indirect.gather [hbm4b:s3+s14], $0x80, s2, s14, $0xb8;
	[tilespmem:$0x10800] =	vst v63  }
0x16: {  	_ = 	snop  }
0x17: {  	[tilespmem:s16], [sflag:$0x1] =	stream.indirect.gather [hbm4b:s4+s14], $0x80, s2, s14, $0xb8;
	[tilespmem:$0x10800] =	vst v63  }
0x18: {  	_ =	swait.ge [sflag:s17], $0x4000  }
0x19: {  	[sflag:s17] =	ssyncset.done $0x0  }
0x1a: {  	[sflag:s17] =	ssyncadd.s32 $0xFFFFC000  }
0x1b: {  	_ =	swait.ge [sflag:s17], $0x4000  }
0x1c: {  	[sflag:s17] =	ssyncset.done $0x0  }
0x1d: {  	[sflag:s17] =	ssyncadd.s32 $0xFFFFC000  }
0x1e: {  	[hbm4b:s6+s2] =	stream.linear.scatter [tilespmem:s15], [sflag:$0x3], $0x4000, $0x38;
	[tilespmem:$0x10800] =	vst v63  }
0x1f: {  	_ = 	snop  }
0x20: {  	[hbm4b:s7+s2] =	stream.linear.scatter [tilespmem:s16], [sflag:$0x3], $0x4000, $0x38;
	[tilespmem:$0x10800] =	vst v63  }
0x21: {  	_ = 	snop  }
0x22: {  	[tilespmem:s18], [sflag:$0x2] =	stream.indirect.gather [hbm4b:s3+s14], $0x80, s14, s14, $0xb8;
	[tilespmem:$0x10800] =	vst v63  }
0x23: {  	_ = 	snop  }
0x24: {  	[tilespmem:s19], [sflag:$0x2] =	stream.indirect.gather [hbm4b:s4+s14], $0x80, s14, s14, $0xb8;
	[tilespmem:$0x10800] =	vst v63  }
0x25: {  	_ =	swait.ge [sflag:s20], $0x4000  }
0x26: {  	[sflag:s20] =	ssyncset.done $0x0  }
0x27: {  	[sflag:s20] =	ssyncadd.s32 $0xFFFFC000  }
0x28: {  	_ =	swait.ge [sflag:s20], $0x4000  }
0x29: {  	s24 =	sadd.s32 $0x0, s12;
	[sflag:s20] =	ssyncset.done $0x0  }
0x2a: {  	s26 =	sadd.s32 $0x0, s11;
	s25 =	sadd.s32 $0x800, s24;
	[sflag:s20] =	ssyncadd.s32 $0xFFFFC000  }
0x2b: {  	[hbm4b:s25+s2] =	stream.linear.scatter [tilespmem:s18], [sflag:$0x4], $0x4000, $0x38;
	[tilespmem:$0x10800] =	vst v63  }
0x2c: {  	s29 =	sadd.s32 $0x800, s26  }
0x2d: {  	[hbm4b:s29+s2] =	stream.linear.scatter [tilespmem:s19], [sflag:$0x4], $0x4000, $0x38;
	[tilespmem:$0x10800] =	vst v63  }
0x2e: {  	_ =	swait.ge [sflag:s21], $0x4000  }
0x2f: {  	[sflag:s21] =	ssyncset.done $0x0  }
0x30: {  	[sflag:s21] =	ssyncadd.s32 $0xFFFFC000  }
0x31: {  	_ =	swait.ge [sflag:s21], $0x4000  }
0x32: {  	[sflag:s21] =	ssyncset.done $0x0  }
0x33: {  	s30 =	simm.s32 $0x100;
	[sflag:s21] =	ssyncadd.s32 $0xFFFFC000  }
0x34: {  	[tilespmem:s15], [sflag:$0x1] =	stream.indirect.gather [hbm4b:s3+s14], $0x80, s30, s14, $0xb8;
	[tilespmem:$0x10800] =	vst v63  }
0x35: {  	_ = 	snop  }
0x36: {  	[tilespmem:s16], [sflag:$0x1] =	stream.indirect.gather [hbm4b:s4+s14], $0x80, s30, s14, $0xb8;
	[tilespmem:$0x10800] =	vst v63  }
0x37: {  	_ =	swait.ge [sflag:s17], $0x4000  }
0x38: {  	[sflag:s17] =	ssyncset.done $0x0  }
0x39: {  	[sflag:s17] =	ssyncadd.s32 $0xFFFFC000  }
0x3a: {  	_ =	swait.ge [sflag:s17], $0x4000  }
0x3b: {  	[sflag:s17] =	ssyncset.done $0x0  }
0x3c: {  	s24 =	sadd.s32 $0x1000, s24;
	[sflag:s17] =	ssyncadd.s32 $0xFFFFC000  }
0x3d: {  	[hbm4b:s24+s2] =	stream.linear.scatter [tilespmem:s15], [sflag:$0x3], $0x4000, $0x38;
	[tilespmem:$0x10800] =	vst v63  }
0x3e: {  	s31 =	sadd.s32 $0x1000, s26  }
0x3f: {  	[hbm4b:s31+s2] =	stream.linear.scatter [tilespmem:s16], [sflag:$0x3], $0x4000, $0x38;
	[tilespmem:$0x10800] =	vst v63  }
0x40: {  	_ =	swait.ge [sflag:s22], $0x4000  }
0x41: {  	[sflag:s22] =	ssyncset.done $0x0  }
0x42: {  	[sflag:s22] =	ssyncadd.s32 $0xFFFFC000  }
0x43: {  	_ =	swait.ge [sflag:s22], $0x4000  }
0x44: {  	s26 =	simm.s32 $0x280;
	[sflag:s22] =	ssyncset.done $0x0  }
0x45: {  	s25 =	simm.s32 $0x1000;
	s24 =	simm.s32 $0x180;
	[sflag:s22] =	ssyncadd.s32 $0xFFFFC000  }
0x46: {  	[tilespmem:s18], [sflag:$0x2] =	stream.indirect.gather [hbm4b:s3+s14], $0x80, s24, s14, $0xb8;
	[tilespmem:$0x10800] =	vst v63  }
.LBB2_2:
0x47: {  	[tilespmem:s19], [sflag:$0x2] =	stream.indirect.gather [hbm4b:s4+s14], $0x80, s24, s14, $0xb8;
	[tilespmem:$0x10800] =	vst v63  }
0x48: {  	s28 =	smov.u32 s25;
	s24 =	smov.u32 s26  }
0x49: {  	p0 =	sne.s32 s25, $0x6000;
	s25 =	sadd.s32 $0x1000, s25;
	_ =	swait.ge [sflag:s20], $0x4000  }
0x4a: {  	[sflag:s20] =	ssyncset.done $0x0  }
0x4b: {  	[sflag:s20] =	ssyncadd.s32 $0xFFFFC000  }
0x4c: {  	_ =	swait.ge [sflag:s20], $0x4000  }
0x4d: {  	s29 =	sadd.s32 s28, s12;
	[sflag:s20] =	ssyncset.done $0x0  }
0x4e: {  	s28 =	sadd.s32 s28, s11;
	s30 =	sadd.s32 $0x800, s29;
	[sflag:s20] =	ssyncadd.s32 $0xFFFFC000  }
0x4f: {  	[hbm4b:s30+s2] =	stream.linear.scatter [tilespmem:s18], [sflag:$0x4], $0x4000, $0x38;
	[tilespmem:$0x10800] =	vst v63  }
0x50: {  	s30 =	sadd.s32 $0x800, s28  }
0x51: {  	[hbm4b:s30+s2] =	stream.linear.scatter [tilespmem:s19], [sflag:$0x4], $0x4000, $0x38;
	[tilespmem:$0x10800] =	vst v63  }
0x52: {  	_ =	swait.ge [sflag:s21], $0x4000  }
0x53: {  	[sflag:s21] =	ssyncset.done $0x0  }
0x54: {  	[sflag:s21] =	ssyncadd.s32 $0xFFFFC000  }
0x55: {  	_ =	swait.ge [sflag:s21], $0x4000  }
0x56: {  	[sflag:s21] =	ssyncset.done $0x0  }
0x57: {  	s30 =	sadd.s32 $0xFFFFFF80, s26;
	[sflag:s21] =	ssyncadd.s32 $0xFFFFC000  }
0x58: {  	[tilespmem:s15], [sflag:$0x1] =	stream.indirect.gather [hbm4b:s3+s14], $0x80, s30, s14, $0xb8;
	[tilespmem:$0x10800] =	vst v63  }
0x59: {  	_ = 	snop  }
0x5a: {  	[tilespmem:s16], [sflag:$0x1] =	stream.indirect.gather [hbm4b:s4+s14], $0x80, s30, s14, $0xb8;
	[tilespmem:$0x10800] =	vst v63  }
0x5b: {  	_ =	swait.ge [sflag:s17], $0x4000  }
0x5c: {  	[sflag:s17] =	ssyncset.done $0x0  }
0x5d: {  	[sflag:s17] =	ssyncadd.s32 $0xFFFFC000  }
0x5e: {  	_ =	swait.ge [sflag:s17], $0x4000  }
0x5f: {  	[sflag:s17] =	ssyncset.done $0x0  }
0x60: {  	s29 =	sadd.s32 $0x1000, s29;
	[sflag:s17] =	ssyncadd.s32 $0xFFFFC000  }
0x61: {  	[hbm4b:s29+s2] =	stream.linear.scatter [tilespmem:s15], [sflag:$0x3], $0x4000, $0x38;
	[tilespmem:$0x10800] =	vst v63  }
0x62: {  	s28 =	sadd.s32 $0x1000, s28  }
0x63: {  	[hbm4b:s28+s2] =	stream.linear.scatter [tilespmem:s16], [sflag:$0x3], $0x4000, $0x38;
	[tilespmem:$0x10800] =	vst v63  }
0x64: {  	_ =	swait.ge [sflag:s22], $0x4000  }
0x65: {  	[sflag:s22] =	ssyncset.done $0x0  }
0x66: {  	[sflag:s22] =	ssyncadd.s32 $0xFFFFC000  }
.Ltmp0:
0x67: {  	_ =	swait.ge [sflag:s22], $0x4000;
	(pc) =	sbr.rel @p0 .LBB2_2-.Ltmp0, $4  }
0x68: {  	[sflag:s22] =	ssyncset.done $0x0  }
0x69: {  	[sflag:s22] =	ssyncadd.s32 $0xFFFFC000  }
0x6a: {  	[tilespmem:s18], [sflag:$0x2] =	stream.indirect.gather [hbm4b:s3+s14], $0x80, s26, s14, $0xb8;
	[tilespmem:$0x10800] =	vst v63  }
0x6b: {  	s26 =	sadd.s32 $0x100, s26  }
0x6c: {  	[tilespmem:s19], [sflag:$0x2] =	stream.indirect.gather [hbm4b:s4+s14], $0x80, s24, s14, $0xb8;
	[tilespmem:$0x10800] =	vst v63  }
0x6d: {  	_ =	swait.ge [sflag:s20], $0x4000  }
0x6e: {  	[sflag:s20] =	ssyncset.done $0x0  }
0x6f: {  	[sflag:s20] =	ssyncadd.s32 $0xFFFFC000  }
0x70: {  	_ =	swait.ge [sflag:s20], $0x4000  }
0x71: {  	[sflag:s20] =	ssyncset.done $0x0  }
0x72: {  	[sflag:s20] =	ssyncadd.s32 $0xFFFFC000  }
0x73: {  	[hbm4b:s8+s2] =	stream.linear.scatter [tilespmem:s18], [sflag:$0x4], $0x4000, $0x38;
	[tilespmem:$0x10800] =	vst v63  }
0x74: {  	_ = 	snop  }
0x75: {  	[hbm4b:s9+s2] =	stream.linear.scatter [tilespmem:s19], [sflag:$0x4], $0x4000, $0x38;
	[tilespmem:$0x10800] =	vst v63  }
0x76: {  	_ =	swait.ge [sflag:s21], $0x4000  }
0x77: {  	[sflag:s21] =	ssyncset.done $0x0  }
0x78: {  	[sflag:s21] =	ssyncadd.s32 $0xFFFFC000  }
0x79: {  	_ =	swait.ge [sflag:s21], $0x4000  }
0x7a: {  	[sflag:s21] =	ssyncset.done $0x0  }
0x7b: {  	s23 =	sadd.s32 $0x1, s23;
	[sflag:s21] =	ssyncadd.s32 $0xFFFFC000  }
0x7c: {  	p0 =	sne.s32 s23, s10;
	_ =	swait.ge [sflag:s22], $0x4000  }
.Ltmp1:
0x7d: {  	[sflag:s22] =	ssyncset.done $0x0;
	(pc) =	sbr.rel @p0 .LBB2_1-.Ltmp1, $4  }
0x7e: {  	[sflag:s22] =	ssyncadd.s32 $0xFFFFC000  }
0x7f: {  	_ =	swait.ge [sflag:s22], $0x4000  }
0x80: {  	[sflag:s22] =	ssyncset.done $0x0  }
0x81: {  	[sflag:s22] =	ssyncadd.s32 $0xFFFFC000  }
0x82: {  	_ =	sfence.sel $0x180000  }
0x83: {  	[bflag:$0x0] =	sbarrier.arrive $0xFFFF  }
0x84: {  	p0 =	sne.s32 s1, $0x0;
	_ =	strace $0x90000047  }
0x85: {  	s0 =	sadd.s32 @!p0 $0x100000, s0;
	[bflag:$0x2] =	sbarrier.arrive $0xFFFF  }
0x86: {  	[sflag:s0] =	ssyncadd.tile.s32 @!p0 $0x1;
	_ =	shalt  }
.Lfunc_end2:
_tile_overlayer_lowered:
.L_overlay_start_2:
0x87: {  	(tag) =	ssettag $0x2  }
0x88: {  	s0 =	rddreg [dreg:$0x0];
	s2 =	stileid.u32  }
0x89: {  	s1 =	rddreg [dreg:$0x1];
	p0 =	sne.s32 s2, $0x0  }
0x8a: {  	s3 =	rddreg [dreg:$0x2];
	[bflag:$0x3] =	sbarrier.arrive $0xFFFF;
	s2 =	simm.s32 @!p0 $0x1C05  }
0x8b: {  	[timem:s3], [sflag:s2] =	dma.local @!p0 [hbm:s0], s1  }
0x8c: {  	s0 =	simm.s32 @!p0 $0x5  }
0x8d: {  	_ =	swait.ge @!p0 [sflag:s0], s1  }
0x8e: {  	s1 =	ssub.s32 @!p0 $0x0, s1;
	[sflag:s0] =	ssyncset.done @!p0 $0x0  }
0x8f: {  	[sflag:s0] =	ssyncadd.s32 @!p0 s1  }
0x90: {  	[bflag:$0x3] =	sbarrier.arrive $0xFFFF  }
0x91: {  	_ =	shalt  }

// kernel: kernel.15.cloned.1.call-start
scs
__scs_entry_jumppad:
0x0: {  	(pc) =	sbr.rel $0x88, $3  }
0x1: {  	(tag) =	ssettag $0x0;
	lr =	simm.s32 $0x1  }
0x2: {  	[smem:$0x3F92] =	sst lr;
	_ =	strace $0xD0000000  }
0x3: {  	_ = 	snop  }
0x4: {  	_ = 	snop  }
0x5: {  	_ = 	snop  }
0x6: {  	_ = 	snop  }
0x7: {  	_ = 	snop  }
__scs_overlays_trampoline_lowered:
0x8: {  	[smem:$0x3FA1] =	sst s0  }
0x9: {  	[smem:$0x3FA2] =	sst s1  }
0xa: {  	[smem:$0x3FA3] =	sst s2  }
0xb: {  	[smem:$0x3FA4] =	sst s3  }
0xc: {  	[smem:$0x3FA5] =	sst s4  }
0xd: {  	[smem:$0x3FA6] =	sst s5  }
0xe: {  	[smem:$0x3FA7] =	sst s6  }
0xf: {  	[smem:$0x3FA8] =	sst s7  }
0x10: {  	[smem:$0x3FA9] =	sst s8  }
0x11: {  	[smem:$0x3FAA] =	sst s9;
	s0 =	simm.s32 @!p0 $0x0  }
0x12: {  	s1 =	sld [smem:$0x3F90];
	s0 =	simm.s32 @p0 $0x1  }
0x13: {  	[smem:$0x3FAB] =	sst s0;
	s0 =	simm.s32 @!p1 $0x0  }
0x14: {  	s2 =	sld [smem:$0x3F8F];
	s0 =	simm.s32 @p1 $0x1  }
0x15: {  	[smem:$0x3FAC] =	sst s0;
	s0 =	simm.s32 @!p2 $0x0  }
0x16: {  	s3 =	sld [smem:$0x3FDB];
	s0 =	simm.s32 @p2 $0x1  }
0x17: {  	s4 =	simm.s32 $0x1BF5;
	[smem:$0x3FAE] =	sst s0  }
0x18: {  	s0 =	sld [smem:$0x3F91];
	_ =	swait.ge [sflag:s4], $0x0  }
0x19: {  	s7 =	sld [smem:$0x3F92]  }
0x1a: {  	s8 =	sadd.s32 $0xFFFFE003, lr  }
0x1b: {  	s9 =	sadd.s32 $0xFFFFFEF7, lr;
	s5 =	simm.s32 $0xFFFFFFFF;
	p2 =	slt.u32 s8, $0xFFFFF086  }
0x1c: {  	p1 =	slt.u32 s9, $0xF7A;
	s5 =	simm.s32 @!p2 $0x0  }
0x1d: {  	s5 =	simm.s32 @p1 $0x1;
	p0 =	seq.s32 s7, s2  }
0x1e: {  	s7 =	smul.u32 @!p0 $0xF7A, s2;
	p2 =	seq.s32 @!p0 s5, $0x0  }
0x1f: {  	s9 =	smul.u32 $0xF7A, s1;
	s8 =	simm.s32 @!p0 $0x1BF5;
	p2 =	por !p2, p0  }
0x20: {  	[sflag:s8] =	ssyncset.s32 @!p0 $0xFFFFF086;
	s6 =	sadd.s32 @!p0 s3, s7;
	s7 =	simm.s32 @!p0 $0x108  }
0x21: {  	s3 =	sadd.s32 s3, s9;
	s6 =	sadd.s32 @!p0 $0x88, s6;
	s7 =	simm.s32 @p2 $0x1082  }
0x22: {  	[simem:s7], [sflag:s8] =	dma.local @!p0 [hbm:s6], $0xF7A  }
0x23: {  	s9 =	sor.u32 $0xD0000000, s2;
	s6 =	simm.s32 $0x108;
	_ =	swait.ge @!p0 [sflag:s8], $0x0  }
0x24: {  	s3 =	sadd.s32 $0x88, s3;
	s6 =	simm.s32 @!p1 $0x1082;
	[sflag:s4] =	ssyncset.s32 $0xFFFFF086  }
0x25: {  	[simem:s6], [sflag:s4] =	dma.local [hbm:s3], $0xF7A  }
0x26: {  	[smem:$0x3F92] =	sst s1;
	(tag) =	ssettag s2;
	_ =	strace s9  }
0x27: {  	s1 =	sld [smem:$0x3FA2]  }
0x28: {  	s2 =	sld [smem:$0x3FA3]  }
0x29: {  	s4 =	sld [smem:$0x3FA5]  }
0x2a: {  	p0 =	seq.s32 s5, $0x0;
	s5 =	sld [smem:$0x3FA6]  }
0x2b: {  	s6 =	sld [smem:$0x3FA7]  }
0x2c: {  	s7 =	sld [smem:$0x3FA8]  }
0x2d: {  	s3 =	simm.s32 $0x108;
	s8 =	sld [smem:$0x3FA9]  }
0x2e: {  	s3 =	simm.s32 @!p0 $0x1082;
	s9 =	sld [smem:$0x3FAA]  }
0x2f: {  	lr =	sadd.s32 s0, s3;
	s0 =	sld [smem:$0x3FA1]  }
0x30: {  	s3 =	sld [smem:$0x3FA4]  }
0x31: {  	[smem:$0x3FAD] =	sst s10  }
0x32: {  	s10 =	sld [smem:$0x3FAB];
	_ =	sdelay $0x3  }
0x33: {  	p0 =	seq.s32 s10, $0x1;
	s10 =	sld [smem:$0x3FAD];
	_ =	sdelay $0x3  }
0x34: {  	[smem:$0x3FAD] =	sst s10  }
0x35: {  	s10 =	sld [smem:$0x3FAC];
	_ =	sdelay $0x3  }
0x36: {  	p1 =	seq.s32 s10, $0x1;
	s10 =	sld [smem:$0x3FAD];
	_ =	sdelay $0x3  }
0x37: {  	[smem:$0x3FAD] =	sst s10  }
0x38: {  	s10 =	sld [smem:$0x3FAE]  }
0x39: {  	_ = 	snop;
	(pc) =	sbr.ind lr, $3  }
0x3a: {  	_ = 	snop  }
0x3b: {  	_ = 	snop  }
0x3c: {  	p2 =	seq.s32 s10, $0x1;
	s10 =	sld [smem:$0x3FAD]  }
0x3d: {  	_ =	shalt  }
0x3e: {  	_ =	shalt  }
0x3f: {  	_ =	shalt  }
0x40: {  	_ =	shalt  }
0x41: {  	_ =	shalt  }
0x42: {  	_ =	shalt  }
0x43: {  	_ =	shalt  }
0x44: {  	_ =	shalt  }
0x45: {  	_ =	shalt  }
0x46: {  	_ =	shalt  }
0x47: {  	_ =	shalt  }
0x48: {  	_ =	shalt  }
0x49: {  	_ =	shalt  }
0x4a: {  	_ =	shalt  }
0x4b: {  	_ =	shalt  }
0x4c: {  	_ =	shalt  }
0x4d: {  	_ =	shalt  }
0x4e: {  	_ =	shalt  }
0x4f: {  	_ =	shalt  }
0x50: {  	_ =	shalt  }
0x51: {  	_ =	shalt  }
0x52: {  	_ =	shalt  }
0x53: {  	_ =	shalt  }
0x54: {  	_ =	shalt  }
0x55: {  	_ =	shalt  }
0x56: {  	_ =	shalt  }
0x57: {  	_ =	shalt  }
0x58: {  	_ =	shalt  }
0x59: {  	_ =	shalt  }
0x5a: {  	_ =	shalt  }
0x5b: {  	_ =	shalt  }
0x5c: {  	_ =	shalt  }
0x5d: {  	_ =	shalt  }
0x5e: {  	_ =	shalt  }
0x5f: {  	_ =	shalt  }
0x60: {  	_ =	shalt  }
0x61: {  	_ =	shalt  }
0x62: {  	_ =	shalt  }
0x63: {  	_ =	shalt  }
0x64: {  	_ =	shalt  }
0x65: {  	_ =	shalt  }
0x66: {  	_ =	shalt  }
0x67: {  	_ =	shalt  }
0x68: {  	_ =	shalt  }
0x69: {  	_ =	shalt  }
0x6a: {  	_ =	shalt  }
0x6b: {  	_ =	shalt  }
0x6c: {  	_ =	shalt  }
0x6d: {  	_ =	shalt  }
0x6e: {  	_ =	shalt  }
0x6f: {  	_ =	shalt  }
0x70: {  	_ =	shalt  }
0x71: {  	_ =	shalt  }
0x72: {  	_ =	shalt  }
0x73: {  	_ =	shalt  }
0x74: {  	_ =	shalt  }
0x75: {  	_ =	shalt  }
0x76: {  	_ =	shalt  }
0x77: {  	_ =	shalt  }
0x78: {  	_ =	shalt  }
0x79: {  	_ =	shalt  }
0x7a: {  	_ =	shalt  }
0x7b: {  	_ =	shalt  }
0x7c: {  	_ =	shalt  }
0x7d: {  	_ =	shalt  }
0x7e: {  	_ =	shalt  }
0x7f: {  	_ =	shalt  }
0x80: {  	_ =	shalt  }
0x81: {  	_ =	shalt  }
0x82: {  	_ =	shalt  }
0x83: {  	_ =	shalt  }
0x84: {  	_ =	shalt  }
0x85: {  	_ =	shalt  }
0x86: {  	_ =	shalt  }
0x87: {  	_ =	shalt  }
.Lfunc_end0:
.L_simem_size_0:
called_computation.1_lowered:
.L_overlay_start_0:
0x88: {  	s2 =	sld [smem:$0x3FD9]  }
0x89: {  	s3 =	sld [smem:$0x3FFE];
	_ =	sdelay $0x1  }
0x8a: {  	s1 =	srdreg.scid  }
0x8b: {  	s0 =	sand.u32 $0x1, s1  }
0x8c: {  	s17 =	sshll.u32 s0, $0xA;
	s2 =	sadd.s32 s3, s2  }
0x8d: {  	s2 =	sadd.s32 s2, s17  }
0x8e: {  	[smem:$0x3FB9] =	sst s2  }
0x8f: {  	_ = 	snop  }
0x90: {  	(tm) =	ssettm $0x1  }
0x91: {  	s18 =	sld [smem:$0x3FFB];
	_ =	sdelay $0x3  }
0x92: {  	_ =	strace s18  }
0x93: {  	s2 =	sld [smem:$0x3FFC];
	_ =	sdelay $0x3  }
0x94: {  	_ =	strace s2  }
0x95: {  	s2 =	sld [smem:$0x3FFD];
	_ =	sdelay $0x3  }
0x96: {  	_ =	strace s2  }
0x97: {  	_ =	strace $0x8FFFFFFF  }
0x98: {  	s19 =	sld [smem:$0x3FDB];
	_ =	sdelay $0x1  }
0x99: {  	s20 =	simm.s32 $_scs_section_size  }
0x9a: {  	s4 =	simm.s32 $_size__tile_overlayer_lowered;
	s5 =	simm.s32 $_tile_overlayer_lowered  }
0x9b: {  	s6 =	simm.s32 $0x1BFF;
	s21 =	sshll.u32 s5, $0x1;
	s3 =	sadd.s32 s20, s19  }
0x9c: {  	s22 =	simm.s32 $0x0;
	s4 =	sshll.u32 s4, $0x1;
	s5 =	sadd.s32 s21, s3  }
0x9d: {  	[timem:s22], [sflag:s6] =	dma.local [hbm:s5], s4  }
0x9e: {  	_ =	swait.ge [sflag:s6], s4  }
0x9f: {  	s4 =	ssub.s32 $0x0, s4;
	[sflag:s6] =	ssyncset.done $0x0  }
0xa0: {  	[sflag:s6] =	ssyncadd.s32 s4;
	_ =	sdelay $0x1  }
0xa1: {  	s23 =	simm.s32 $0x1B8B  }
0xa2: {  	_ =	swait.ge [sflag:s23], $0x1  }
0xa3: {  	[sflag:s23] =	ssyncset.done $0x0  }
0xa4: {  	[sflag:s23] =	ssyncadd.s32 $0xFFFFFFFF  }
0xa5: {  	s4 =	sld [smem:$0x0]  }
0xa6: {  	s5 =	sand.u32 $0xFFFFFFFE, s1  }
0xa7: {  	p0 =	sne.s32 s1, s5  }
0xa8: {  	s5 =	sshll.u32 @p0 s5, $0xE  }
0xa9: {  	s5 =	sadd.s32 @p0 $0x11B8D, s5;
	s6 =	sshll.u32 @p0 s4, $0x11  }
0xaa: {  	s5 =	sor.u32 @p0 s6, s5  }
0xab: {  	[sflag:s5] =	ssyncadd.remote.s32 @p0 $0x1;
	_ =	sdelay $0x1  }
0xac: {  	s5 =	simm.s32 @p0 $0x1B8D  }
0xad: {  	_ =	swait.eq @p0 [sflag:s5], $0x1  }
0xae: {  	[sflag:s5] =	ssyncadd.s32 @p0 $0xFFFFFFFF  }
0xaf: {  	s6 =	sshll.u32 @!p0 s1, $0xE  }
0xb0: {  	s6 =	sor.u32 @!p0 $0x4000, s6;
	s5 =	simm.s32 @!p0 $0x1B8D  }
0xb1: {  	s4 =	sshll.u32 @!p0 s4, $0x11;
	s6 =	sadd.s32 @!p0 $0x11B8D, s6;
	_ =	swait.eq @!p0 [sflag:s5], $0x1  }
0xb2: {  	s4 =	sor.u32 @!p0 s4, s6;
	[sflag:s5] =	ssyncadd.s32 @!p0 $0xFFFFFFFF  }
0xb3: {  	s25 =	simm.s32 $0x1B8E;
	s24 =	sld [smem:$0x3FFE];
	[sflag:s4] =	ssyncadd.remote.s32 @!p0 $0x1  }
0xb4: {  	s26 =	simm.s32 $execute0_lowered;
	[smem:$0x3FD2] =	sst s25  }
0xb5: {  	s5 =	sshll.u32 s26, $0x1;
	_ =	strace $0x80000049;
	[dreg:$0x1] =	wrdreg $0xFFFFFFFF  }
0xb6: {  	s28 =	simm.s32 $_size_execute0_lowered;
	s3 =	sadd.s32 s3, s5;
	[dreg:$0x0] =	wrdreg $0x0  }
0xb7: {  	s5 =	sshll.u32 s28, $0x1;
	[dreg:$0x2] =	wrdreg s3  }
0xb8: {  	[dreg:$0x3] =	wrdreg s5  }
0xb9: {  	[dreg:$0x4] =	wrdreg $0xC0  }
0xba: {  	_ =	task [dreg:s22], $0x5FFFF  }
0xbb: {  	[dreg:$0x1] =	wrdreg $0xFFFFFFFF  }
0xbc: {  	[dreg:$0x0] =	wrdreg $0x60  }
0xbd: {  	[dreg:$0x2] =	wrdreg s24  }
0xbe: {  	[dreg:$0x3] =	wrdreg $0xA  }
0xbf: {  	_ =	task.clear_ibuf [dreg:s22], $0x4FFFF;
	_ =	strace $0x90000049  }
0xc0: {  	s29 =	simm.s32 $0xA;
	_ =	strace $0x8000004B  }
0xc1: {  	_ =	swait.ge [sflag:s29], $0x1  }
0xc2: {  	[sflag:s29] =	ssyncadd.s32 $0xFFFFFFFF  }
0xc3: {  	_ =	strace $0x9000004B  }
0xc4: {  	_ =	sfence  }
0xc5: {  	s30 =	sld [smem:$0x0];
	_ =	sdelay $0x2  }
0xc6: {  	s31 =	sshll.u32 s1, $0xD;
	s1 =	sshrl.u32 s1, $0x2  }
0xc7: {  	s4 =	sand.u32 $0x4000, s31;
	s1 =	sadd.s32 s1, s30  }
0xc8: {  	s0 =	sor.u32 s4, s0;
	s1 =	sshll.u32 s1, $0x11  }
0xc9: {  	s0 =	sor.u32 s1, s0  }
0xca: {  	s0 =	sadd.s32 $0x8F2B, s0  }
0xcb: {  	[sflag:s0] =	ssyncadd.remote.s32 $0x1  }
0xcc: {  	_ =	sfence.sel $0xFFFF  }
0xcd: {  	[dreg:$0x0] =	wrdreg $0xFFFFFFFF;
	(pc) =	sbr.abs _section_cstart, $3  }
0xce: {  	[dreg:$0x1] =	wrdreg $0xFFFFFFFF  }
0xcf: {  	_ =	task.clear_ibuf [dreg:s22], $0x2FFFF;
	_ =	strace $0x9FFFFFFF  }
0xd0: {  	(tm) =	ssettm $0x7FFFFFFF  }
0xd1: {  	_ =	shalt  }
tec
execute0_lowered:
.L_overlay_start_1:
0x0: {  	(tag) =	ssettag $0x1  }
0x1: {  	s5 =	rddreg [dreg:$0x0]  }
0x2: {  	s0 =	rddreg [dreg:$0x1]  }
0x3: {  	s3 =	srdreg.scid;
	s1 =	stileid.u32;
	s2 =	simm.s32 $0x0  }
0x4: {  	s16 =	simm.s32 $0x8800;
	s17 =	simm.s32 $0x1;
	s18 =	simm.s32 $0x4800  }
0x5: {  	s19 =	simm.s32 $0xC800;
	s20 =	simm.s32 $0x2;
	s21 =	simm.s32 $0x3  }
0x6: {  	s22 =	simm.s32 $0x4;
	s23 =	simm.s32 $0x0;
	s10 =	sand.u32 $0x1, s3  }
0x7: {  	s29 =	sshll.u32 s1, $0x1;
	[smem:$0x7FF] =	sst s2;
	s4 =	sadd.s32 $0x67800, s5  }
0x8: {  	s12 =	sadd.s32 $0x289800, s5;
	s11 =	sadd.s32 $0x389800, s5;
	s14 =	sshll.u32 s1, $0x10  }
0x9: {  	s6 =	sor.u32 s10, s29;
	_ =	strace $0x8000004A;
	s8 =	ssub.s32 $0x2, s10  }
0xa: {  	s15 =	sshll.u32 s10, $0xF;
	s3 =	sshll.u32 s6, $0x8;
	s9 =	sshrl.u32 s8, $0x1  }
0xb: {  	s30 =	sshll.u32 s6, $0xF;
	s7 =	sadd.s32 s3, s5;
	s3 =	sadd.s32 $0x47800, s5  }
0xc: {  	s13 =	ssub.s32 s8, s9;
	s6 =	sadd.s32 s12, s30;
	s31 =	sor.u32 $0x7800, s30  }
0xd: {  	s5 =	sadd.s32 $0x287800, s7;
	s7 =	sadd.s32 s11, s30;
	s8 =	sadd.s32 s12, s31  }
0xe: {  	s9 =	sadd.s32 s11, s31;
	s11 =	sadd.s32 s14, s11;
	s10 =	smax.u32 s13, $0x1  }
0xf: {  	s12 =	sadd.s32 s14, s12;
	s13 =	simm.s32 $0x5;
	s14 =	simm.s32 $0x80  }
0x10: {  	s11 =	sadd.s32 s15, s11;
	s12 =	sadd.s32 s15, s12;
	s15 =	simm.s32 $0x800  }
.LBB2_1:
0x11: {  	[tilespmem:s2], [sflag:$0x5] =	stream.linear.gather [hbm4b:s5+s2], $0x800, $0x38;
	[tilespmem:$0x10800] =	vst v63  }
0x12: {  	_ =	swait.ge [sflag:s13], $0x800  }
0x13: {  	[sflag:s13] =	ssyncset.done $0x0  }
0x14: {  	[sflag:s13] =	ssyncadd.s32 $0xFFFFF800  }
0x15: {  	[tilespmem:s15], [sflag:$0x1] =	stream.indirect.gather [hbm4b:s3+s14], $0x80, s2, s14, $0xb8;
	[tilespmem:$0x10800] =	vst v63  }
0x16: {  	_ = 	snop  }
0x17: {  	[tilespmem:s16], [sflag:$0x1] =	stream.indirect.gather [hbm4b:s4+s14], $0x80, s2, s14, $0xb8;
	[tilespmem:$0x10800] =	vst v63  }
0x18: {  	_ =	swait.ge [sflag:s17], $0x4000  }
0x19: {  	[sflag:s17] =	ssyncset.done $0x0  }
0x1a: {  	[sflag:s17] =	ssyncadd.s32 $0xFFFFC000  }
0x1b: {  	_ =	swait.ge [sflag:s17], $0x4000  }
0x1c: {  	[sflag:s17] =	ssyncset.done $0x0  }
0x1d: {  	[sflag:s17] =	ssyncadd.s32 $0xFFFFC000  }
0x1e: {  	[hbm4b:s6+s2] =	stream.linear.scatter [tilespmem:s15], [sflag:$0x3], $0x4000, $0x38;
	[tilespmem:$0x10800] =	vst v63  }
0x1f: {  	_ = 	snop  }
0x20: {  	[hbm4b:s7+s2] =	stream.linear.scatter [tilespmem:s16], [sflag:$0x3], $0x4000, $0x38;
	[tilespmem:$0x10800] =	vst v63  }
0x21: {  	_ = 	snop  }
0x22: {  	[tilespmem:s18], [sflag:$0x2] =	stream.indirect.gather [hbm4b:s3+s14], $0x80, s14, s14, $0xb8;
	[tilespmem:$0x10800] =	vst v63  }
0x23: {  	_ = 	snop  }
0x24: {  	[tilespmem:s19], [sflag:$0x2] =	stream.indirect.gather [hbm4b:s4+s14], $0x80, s14, s14, $0xb8;
	[tilespmem:$0x10800] =	vst v63  }
0x25: {  	_ =	swait.ge [sflag:s20], $0x4000  }
0x26: {  	[sflag:s20] =	ssyncset.done $0x0  }
0x27: {  	[sflag:s20] =	ssyncadd.s32 $0xFFFFC000  }
0x28: {  	_ =	swait.ge [sflag:s20], $0x4000  }
0x29: {  	s24 =	sadd.s32 $0x0, s12;
	[sflag:s20] =	ssyncset.done $0x0  }
0x2a: {  	s26 =	sadd.s32 $0x0, s11;
	s25 =	sadd.s32 $0x800, s24;
	[sflag:s20] =	ssyncadd.s32 $0xFFFFC000  }
0x2b: {  	[hbm4b:s25+s2] =	stream.linear.scatter [tilespmem:s18], [sflag:$0x4], $0x4000, $0x38;
	[tilespmem:$0x10800] =	vst v63  }
0x2c: {  	s29 =	sadd.s32 $0x800, s26  }
0x2d: {  	[hbm4b:s29+s2] =	stream.linear.scatter [tilespmem:s19], [sflag:$0x4], $0x4000, $0x38;
	[tilespmem:$0x10800] =	vst v63  }
0x2e: {  	_ =	swait.ge [sflag:s21], $0x4000  }
0x2f: {  	[sflag:s21] =	ssyncset.done $0x0  }
0x30: {  	[sflag:s21] =	ssyncadd.s32 $0xFFFFC000  }
0x31: {  	_ =	swait.ge [sflag:s21], $0x4000  }
0x32: {  	[sflag:s21] =	ssyncset.done $0x0  }
0x33: {  	s30 =	simm.s32 $0x100;
	[sflag:s21] =	ssyncadd.s32 $0xFFFFC000  }
0x34: {  	[tilespmem:s15], [sflag:$0x1] =	stream.indirect.gather [hbm4b:s3+s14], $0x80, s30, s14, $0xb8;
	[tilespmem:$0x10800] =	vst v63  }
0x35: {  	_ = 	snop  }
0x36: {  	[tilespmem:s16], [sflag:$0x1] =	stream.indirect.gather [hbm4b:s4+s14], $0x80, s30, s14, $0xb8;
	[tilespmem:$0x10800] =	vst v63  }
0x37: {  	_ =	swait.ge [sflag:s17], $0x4000  }
0x38: {  	[sflag:s17] =	ssyncset.done $0x0  }
0x39: {  	[sflag:s17] =	ssyncadd.s32 $0xFFFFC000  }
0x3a: {  	_ =	swait.ge [sflag:s17], $0x4000  }
0x3b: {  	[sflag:s17] =	ssyncset.done $0x0  }
0x3c: {  	s24 =	sadd.s32 $0x1000, s24;
	[sflag:s17] =	ssyncadd.s32 $0xFFFFC000  }
0x3d: {  	[hbm4b:s24+s2] =	stream.linear.scatter [tilespmem:s15], [sflag:$0x3], $0x4000, $0x38;
	[tilespmem:$0x10800] =	vst v63  }
0x3e: {  	s31 =	sadd.s32 $0x1000, s26  }
0x3f: {  	[hbm4b:s31+s2] =	stream.linear.scatter [tilespmem:s16], [sflag:$0x3], $0x4000, $0x38;
	[tilespmem:$0x10800] =	vst v63  }
0x40: {  	_ =	swait.ge [sflag:s22], $0x4000  }
0x41: {  	[sflag:s22] =	ssyncset.done $0x0  }
0x42: {  	[sflag:s22] =	ssyncadd.s32 $0xFFFFC000  }
0x43: {  	_ =	swait.ge [sflag:s22], $0x4000  }
0x44: {  	s26 =	simm.s32 $0x280;
	[sflag:s22] =	ssyncset.done $0x0  }
0x45: {  	s25 =	simm.s32 $0x1000;
	s24 =	simm.s32 $0x180;
	[sflag:s22] =	ssyncadd.s32 $0xFFFFC000  }
0x46: {  	[tilespmem:s18], [sflag:$0x2] =	stream.indirect.gather [hbm4b:s3+s14], $0x80, s24, s14, $0xb8;
	[tilespmem:$0x10800] =	vst v63  }
.LBB2_2:
0x47: {  	[tilespmem:s19], [sflag:$0x2] =	stream.indirect.gather [hbm4b:s4+s14], $0x80, s24, s14, $0xb8;
	[tilespmem:$0x10800] =	vst v63  }
0x48: {  	s28 =	smov.u32 s25;
	s24 =	smov.u32 s26  }
0x49: {  	p0 =	sne.s32 s25, $0x6000;
	s25 =	sadd.s32 $0x1000, s25;
	_ =	swait.ge [sflag:s20], $0x4000  }
0x4a: {  	[sflag:s20] =	ssyncset.done $0x0  }
0x4b: {  	[sflag:s20] =	ssyncadd.s32 $0xFFFFC000  }
0x4c: {  	_ =	swait.ge [sflag:s20], $0x4000  }
0x4d: {  	s29 =	sadd.s32 s28, s12;
	[sflag:s20] =	ssyncset.done $0x0  }
0x4e: {  	s28 =	sadd.s32 s28, s11;
	s30 =	sadd.s32 $0x800, s29;
	[sflag:s20] =	ssyncadd.s32 $0xFFFFC000  }
0x4f: {  	[hbm4b:s30+s2] =	stream.linear.scatter [tilespmem:s18], [sflag:$0x4], $0x4000, $0x38;
	[tilespmem:$0x10800] =	vst v63  }
0x50: {  	s30 =	sadd.s32 $0x800, s28  }
0x51: {  	[hbm4b:s30+s2] =	stream.linear.scatter [tilespmem:s19], [sflag:$0x4], $0x4000, $0x38;
	[tilespmem:$0x10800] =	vst v63  }
0x52: {  	_ =	swait.ge [sflag:s21], $0x4000  }
0x53: {  	[sflag:s21] =	ssyncset.done $0x0  }
0x54: {  	[sflag:s21] =	ssyncadd.s32 $0xFFFFC000  }
0x55: {  	_ =	swait.ge [sflag:s21], $0x4000  }
0x56: {  	[sflag:s21] =	ssyncset.done $0x0  }
0x57: {  	s30 =	sadd.s32 $0xFFFFFF80, s26;
	[sflag:s21] =	ssyncadd.s32 $0xFFFFC000  }
0x58: {  	[tilespmem:s15], [sflag:$0x1] =	stream.indirect.gather [hbm4b:s3+s14], $0x80, s30, s14, $0xb8;
	[tilespmem:$0x10800] =	vst v63  }
0x59: {  	_ = 	snop  }
0x5a: {  	[tilespmem:s16], [sflag:$0x1] =	stream.indirect.gather [hbm4b:s4+s14], $0x80, s30, s14, $0xb8;
	[tilespmem:$0x10800] =	vst v63  }
0x5b: {  	_ =	swait.ge [sflag:s17], $0x4000  }
0x5c: {  	[sflag:s17] =	ssyncset.done $0x0  }
0x5d: {  	[sflag:s17] =	ssyncadd.s32 $0xFFFFC000  }
0x5e: {  	_ =	swait.ge [sflag:s17], $0x4000  }
0x5f: {  	[sflag:s17] =	ssyncset.done $0x0  }
0x60: {  	s29 =	sadd.s32 $0x1000, s29;
	[sflag:s17] =	ssyncadd.s32 $0xFFFFC000  }
0x61: {  	[hbm4b:s29+s2] =	stream.linear.scatter [tilespmem:s15], [sflag:$0x3], $0x4000, $0x38;
	[tilespmem:$0x10800] =	vst v63  }
0x62: {  	s28 =	sadd.s32 $0x1000, s28  }
0x63: {  	[hbm4b:s28+s2] =	stream.linear.scatter [tilespmem:s16], [sflag:$0x3], $0x4000, $0x38;
	[tilespmem:$0x10800] =	vst v63  }
0x64: {  	_ =	swait.ge [sflag:s22], $0x4000  }
0x65: {  	[sflag:s22] =	ssyncset.done $0x0  }
0x66: {  	[sflag:s22] =	ssyncadd.s32 $0xFFFFC000  }
.Ltmp0:
0x67: {  	_ =	swait.ge [sflag:s22], $0x4000;
	(pc) =	sbr.rel @p0 .LBB2_2-.Ltmp0, $4  }
0x68: {  	[sflag:s22] =	ssyncset.done $0x0  }
0x69: {  	[sflag:s22] =	ssyncadd.s32 $0xFFFFC000  }
0x6a: {  	[tilespmem:s18], [sflag:$0x2] =	stream.indirect.gather [hbm4b:s3+s14], $0x80, s26, s14, $0xb8;
	[tilespmem:$0x10800] =	vst v63  }
0x6b: {  	s26 =	sadd.s32 $0x100, s26  }
0x6c: {  	[tilespmem:s19], [sflag:$0x2] =	stream.indirect.gather [hbm4b:s4+s14], $0x80, s24, s14, $0xb8;
	[tilespmem:$0x10800] =	vst v63  }
0x6d: {  	_ =	swait.ge [sflag:s20], $0x4000  }
0x6e: {  	[sflag:s20] =	ssyncset.done $0x0  }
0x6f: {  	[sflag:s20] =	ssyncadd.s32 $0xFFFFC000  }
0x70: {  	_ =	swait.ge [sflag:s20], $0x4000  }
0x71: {  	[sflag:s20] =	ssyncset.done $0x0  }
0x72: {  	[sflag:s20] =	ssyncadd.s32 $0xFFFFC000  }
0x73: {  	[hbm4b:s8+s2] =	stream.linear.scatter [tilespmem:s18], [sflag:$0x4], $0x4000, $0x38;
	[tilespmem:$0x10800] =	vst v63  }
0x74: {  	_ = 	snop  }
0x75: {  	[hbm4b:s9+s2] =	stream.linear.scatter [tilespmem:s19], [sflag:$0x4], $0x4000, $0x38;
	[tilespmem:$0x10800] =	vst v63  }
0x76: {  	_ =	swait.ge [sflag:s21], $0x4000  }
0x77: {  	[sflag:s21] =	ssyncset.done $0x0  }
0x78: {  	[sflag:s21] =	ssyncadd.s32 $0xFFFFC000  }
0x79: {  	_ =	swait.ge [sflag:s21], $0x4000  }
0x7a: {  	[sflag:s21] =	ssyncset.done $0x0  }
0x7b: {  	s23 =	sadd.s32 $0x1, s23;
	[sflag:s21] =	ssyncadd.s32 $0xFFFFC000  }
0x7c: {  	p0 =	sne.s32 s23, s10;
	_ =	swait.ge [sflag:s22], $0x4000  }
.Ltmp1:
0x7d: {  	[sflag:s22] =	ssyncset.done $0x0;
	(pc) =	sbr.rel @p0 .LBB2_1-.Ltmp1, $4  }
0x7e: {  	[sflag:s22] =	ssyncadd.s32 $0xFFFFC000  }
0x7f: {  	_ =	swait.ge [sflag:s22], $0x4000  }
0x80: {  	[sflag:s22] =	ssyncset.done $0x0  }
0x81: {  	[sflag:s22] =	ssyncadd.s32 $0xFFFFC000  }
0x82: {  	_ =	sfence.sel $0x180000  }
0x83: {  	[bflag:$0x0] =	sbarrier.arrive $0xFFFF  }
0x84: {  	p0 =	sne.s32 s1, $0x0;
	_ =	strace $0x9000004A  }
0x85: {  	s0 =	sadd.s32 @!p0 $0x100000, s0;
	[bflag:$0x2] =	sbarrier.arrive $0xFFFF  }
0x86: {  	[sflag:s0] =	ssyncadd.tile.s32 @!p0 $0x1;
	_ =	shalt  }
.Lfunc_end2:
_tile_overlayer_lowered:
.L_overlay_start_2:
0x87: {  	(tag) =	ssettag $0x2  }
0x88: {  	s0 =	rddreg [dreg:$0x0];
	s2 =	stileid.u32  }
0x89: {  	s1 =	rddreg [dreg:$0x1];
	p0 =	sne.s32 s2, $0x0  }
0x8a: {  	s3 =	rddreg [dreg:$0x2];
	[bflag:$0x3] =	sbarrier.arrive $0xFFFF;
	s2 =	simm.s32 @!p0 $0x1C05  }
0x8b: {  	[timem:s3], [sflag:s2] =	dma.local @!p0 [hbm:s0], s1  }
0x8c: {  	s0 =	simm.s32 @!p0 $0x5  }
0x8d: {  	_ =	swait.ge @!p0 [sflag:s0], s1  }
0x8e: {  	s1 =	ssub.s32 @!p0 $0x0, s1;
	[sflag:s0] =	ssyncset.done @!p0 $0x0  }
0x8f: {  	[sflag:s0] =	ssyncadd.s32 @!p0 s1  }
0x90: {  	[bflag:$0x3] =	sbarrier.arrive $0xFFFF  }
0x91: {  	_ =	shalt  }

</sc_bundles>
